<compile_context>
chip_gen: v7x
topology: tpu7x:2x2x1
jax: 0.10.2.dev20260603
libtpu: 0.0.44.dev20260713+nightly
codegen_flags: <defaults>
</compile_context>

<pallas_src>
import functools

import jax
import jax.numpy as jnp
from jax import lax
from jax.experimental import pallas as pl
from jax.experimental.pallas import tpu as pltpu
from jax.experimental.pallas import tpu_sc as plsc

BT = 256
_NC, _NS = 2, 16
_NW = _NC * _NS


def _sc_gather(table, idx):
    v, d = table.shape
    b = idx.shape[0]
    b_per_w = b // _NW
    chunk = 32
    n = b_per_w // chunk
    mesh = plsc.VectorSubcoreMesh(core_axis_name="c", subcore_axis_name="s")

    @functools.partial(
        pl.kernel,
        out_type=jax.ShapeDtypeStruct((b, d), table.dtype),
        mesh=mesh,
        scratch_types=[
            pltpu.VMEM((b_per_w,), jnp.int32),
            pltpu.VMEM((2, chunk, d), table.dtype),
            pltpu.SemaphoreType.DMA,
            pltpu.SemaphoreType.DMA,
        ],
    )
    def k(table_hbm, idx_hbm, out_hbm, idx_v, rows_v, sem0, sem1):
        wid = lax.axis_index("s") * _NC + lax.axis_index("c")
        base = wid * b_per_w
        pltpu.sync_copy(idx_hbm.at[pl.ds(base, b_per_w)], idx_v)
        sems = (sem0, sem1)

        def start(c, buf):
            pltpu.async_copy(
                table_hbm.at[idx_v.at[pl.ds(c * chunk, chunk)]],
                rows_v.at[buf], sems[buf])

        start(0, 0)
        for c in range(n):
            buf = c % 2
            if c + 1 < n:
                start(c + 1, 1 - buf)
            pltpu.make_async_copy(
                table_hbm.at[idx_v.at[pl.ds(c * chunk, chunk)]],
                rows_v.at[buf], sems[buf]).wait()
            pltpu.sync_copy(rows_v.at[buf],
                            out_hbm.at[pl.ds(base + c * chunk, chunk)])

    return k(table, idx)


def _routing(y, num_experts, num_blocks):
    m = y.shape[0]
    y32 = y.astype(jnp.int32)
    onehot = (y32[:, None] == jnp.arange(num_experts, dtype=jnp.int32)[None, :])
    counts = jnp.sum(onehot.astype(jnp.int32), axis=0)
    padded = ((counts + BT - 1) // BT) * BT
    ends = jnp.cumsum(padded)
    off = ends - padded
    rank = jnp.cumsum(onehot.astype(jnp.int32), axis=0) - 1
    r = jnp.take_along_axis(rank, y32[:, None], axis=1)[:, 0]
    pos = off[y32] + r
    total = num_blocks * BT
    perm = jnp.zeros((total,), jnp.int32).at[pos].set(
        jnp.arange(m, dtype=jnp.int32))
    block_starts = jnp.arange(num_blocks, dtype=jnp.int32) * BT
    block_expert = jnp.sum(
        (block_starts[:, None] >= ends[None, :]).astype(jnp.int32), axis=1)
    block_expert = jnp.minimum(block_expert, num_experts - 1)
    return perm, pos, block_expert


def _gmm_body(nbk, act, e_ref, x_ref, w_ref, b_ref, o_ref, acc_ref):
    kk = pl.program_id(2)

    @pl.when(kk == 0)
    def _():
        acc_ref[...] = jnp.zeros_like(acc_ref)

    acc_ref[...] += jnp.dot(x_ref[...], w_ref[0],
                            preferred_element_type=jnp.float32)

    @pl.when(kk == nbk - 1)
    def _():
        v = acc_ref[...] + b_ref[0, 0]
        o_ref[...] = act(v)


def _gmm(xs, w, b, block_expert, bj, bk, act):
    p, din = xs.shape
    ne, _, dout = w.shape
    b3 = b.reshape(ne, 1, dout)
    nbt, nbj, nbk = p // BT, dout // bj, din // bk
    grid_spec = pltpu.PrefetchScalarGridSpec(
        num_scalar_prefetch=1,
        grid=(nbt, nbj, nbk),
        in_specs=[
            pl.BlockSpec((BT, bk), lambda i, j, k, e: (i, k)),
            pl.BlockSpec((1, bk, bj), lambda i, j, k, e: (e[i], k, j)),
            pl.BlockSpec((1, 1, bj), lambda i, j, k, e: (e[i], 0, j)),
        ],
        out_specs=pl.BlockSpec((BT, bj), lambda i, j, k, e: (i, j)),
        scratch_shapes=[pltpu.VMEM((BT, bj), jnp.float32)],
    )
    return pl.pallas_call(
        functools.partial(_gmm_body, nbk, act),
        grid_spec=grid_spec,
        out_shape=jax.ShapeDtypeStruct((p, dout), jnp.float32),
    )(block_expert, xs, w, b3)


def _gmm_final_body(nbk, nbj_half, e_ref, x_ref, w_ref, b_ref,
                    mu_ref, sig_ref, acc_ref):
    kk = pl.program_id(2)
    jj = pl.program_id(1)

    @pl.when(kk == 0)
    def _():
        acc_ref[...] = jnp.zeros_like(acc_ref)

    acc_ref[...] += jnp.dot(x_ref[...], w_ref[0],
                            preferred_element_type=jnp.float32)

    @pl.when((kk == nbk - 1) & (jj < nbj_half))
    def _():
        mu_ref[...] = acc_ref[...] + b_ref[0, 0]

    @pl.when((kk == nbk - 1) & (jj >= nbj_half))
    def _():
        v = acc_ref[...] + b_ref[0, 0]
        sig_ref[...] = jnp.maximum(v, 0.0) + jnp.log1p(jnp.exp(-jnp.abs(v)))


def _gmm_final(xs, w, b, block_expert, bj, bk):
    p, din = xs.shape
    ne, _, dout = w.shape
    b3 = b.reshape(ne, 1, dout)
    half = dout // 2
    nbt, nbj, nbk = p // BT, dout // bj, din // bk
    nbj_half = nbj // 2
    grid_spec = pltpu.PrefetchScalarGridSpec(
        num_scalar_prefetch=1,
        grid=(nbt, nbj, nbk),
        in_specs=[
            pl.BlockSpec((BT, bk), lambda i, j, k, e: (i, k)),
            pl.BlockSpec((1, bk, bj), lambda i, j, k, e: (e[i], k, j)),
            pl.BlockSpec((1, 1, bj), lambda i, j, k, e: (e[i], 0, j)),
        ],
        out_specs=[
            pl.BlockSpec((BT, bj),
                         lambda i, j, k, e: (i, jnp.minimum(j, nbj // 2 - 1))),
            pl.BlockSpec((BT, bj),
                         lambda i, j, k, e: (i, jnp.maximum(j - nbj // 2, 0))),
        ],
        scratch_shapes=[pltpu.VMEM((BT, bj), jnp.float32)],
    )
    return pl.pallas_call(
        functools.partial(_gmm_final_body, nbk, nbj_half),
        grid_spec=grid_spec,
        out_shape=[
            jax.ShapeDtypeStruct((p, half), jnp.float32),
            jax.ShapeDtypeStruct((p, half), jnp.float32),
        ],
    )(block_expert, xs, w, b3)


def kernel(x, W0, b0, W1, b1, W2, b2, y):
    m, din = x.shape
    num_experts = W0.shape[0]
    num_blocks = (m + num_experts * BT) // BT
    p = num_blocks * BT

    perm, pos, block_expert = _routing(y, num_experts, num_blocks)

    xs = _sc_gather(x, perm)

    h0 = _gmm(xs, W0, b0, block_expert, bj=512, bk=512,
              act=lambda v: jnp.maximum(v, 0.0))
    h1 = _gmm(h0, W1, b1, block_expert, bj=512, bk=512,
              act=lambda v: jnp.maximum(v, 0.0))
    mu_s, sig_s = _gmm_final(h1, W2, b2, block_expert, bj=512, bk=512)

    mu = _sc_gather(mu_s, pos)
    sigma = _sc_gather(sig_s, pos)
    return (mu, sigma)

# --- scband reference (transcript-rebuilt; emitter-appended) ---
"""Pipeline reference for scband-linear-gaussian-indexed-22849226015349 (READ-ONLY COPY).

The authoritative reference and input builder live on the scoring server;
editing this copy changes nothing except your own understanding.
"""

import jax, jax.numpy as jnp
import numpy as np

K = 8
IN_DIM = 1024
OUT_DIM = 1024
H = (2048, 2048)
MIN_SIGMA = 0.0
M = 8192


def setup_inputs(seed: int = 0) -> dict:
    key = jax.random.key(seed)
    ks = jax.random.split(key, 6)
    x = jax.random.normal(ks[0], (M, IN_DIM), dtype=jnp.float32)
    y = jax.random.randint(ks[1], (M,), 0, K, dtype=jnp.int64) if jax.config.jax_enable_x64 else jax.random.randint(ks[1], (M,), 0, K, dtype=jnp.int32)
    def xav(k, fan_in, fan_out, shape):
        return jax.random.normal(k, shape, dtype=jnp.float32) * jnp.sqrt(2.0 / (fan_in + fan_out))
    W0 = xav(ks[2], IN_DIM, H[0], (K, IN_DIM, H[0]))
    b0 = jnp.zeros((K, H[0]), jnp.float32)
    W1 = xav(ks[3], H[0], H[1], (K, H[0], H[1]))
    b1 = jnp.zeros((K, H[1]), jnp.float32)
    W2 = xav(ks[4], H[1], 2 * OUT_DIM, (K, H[1], 2 * OUT_DIM))
    b2 = jnp.zeros((K, 2 * OUT_DIM), jnp.float32)
    return {"x": x, "W0": W0, "b0": b0, "W1": W1, "b1": b1, "W2": W2, "b2": b2, "y": y}


def _mlp(x, W0, b0, W1, b1, W2, b2):
    h = jax.nn.relu(x @ W0 + b0)
    h = jax.nn.relu(h @ W1 + b1)
    return h @ W2 + b2


def reference(x, W0, b0, W1, b1, W2, b2, y):
    out = jnp.zeros((x.shape[0], 2 * OUT_DIM), jnp.float32)
    for kk in range(K):
        mask = (y == kk)
        ok = _mlp(x, W0[kk], b0[kk], W1[kk], b1[kk], W2[kk], b2[kk])
        out = jnp.where(mask[:, None], ok, out)
    mu = out[:, :OUT_DIM]
    sigma = MIN_SIGMA + jax.nn.softplus(out[:, OUT_DIM:])
    return (mu, sigma)

if __name__ == "__main__":
    import jax
    _d = setup_inputs()
    print(jax.jit(kernel)(*tuple(_d.values())))

</pallas_src>

<mosaic_0001>
#map = affine_map<(d0, d1) -> (0, 0)>
#map1 = affine_map<(d0, d1) -> (0)>
module attributes {stable_mosaic.version = 14 : i64} {
  func.func @k(%arg0: i32, %arg1: i32, %arg2: memref<10240x1024xf32, #tpu.memory_space<hbm>>, %arg3: memref<8192xi32, #tpu.memory_space<hbm>>, %arg4: memref<8192x1024xf32, #tpu.memory_space<hbm>>, %arg5: memref<256xi32, #tpu.memory_space<vmem>>, %arg6: memref<2x32x1024xf32, #tpu.memory_space<vmem>>, %arg7: memref<!tpu.dma_semaphore, #tpu.memory_space<semaphore_mem>>, %arg8: memref<!tpu.dma_semaphore, #tpu.memory_space<semaphore_mem>>) attributes {dimension_semantics = [#tpu.dimension_semantics<core_parallel>, #tpu.dimension_semantics<subcore_parallel>], iteration_bounds = array<i64: 2, 16>, scalar_prefetch = 0 : i64, scratch_operands = 4 : i64, tpu.core_type = #tpu.core_type<sc_vector_subcore>, window_params = [{transform_indices = #map}, {transform_indices = #map1}, {transform_indices = #map}]} {
    %mul3A = arith.constant 2 : i32
    %mul3A_0 = arith.muli %arg1, %mul3A : i32
    %add3A = arith.addi %mul3A_0, %arg0 : i32
    %mul3A_1 = arith.constant 256 : i32
    %mul3A_2 = arith.muli %add3A, %mul3A_1 : i32
    "tpu.region"() ({
      %run_scoped3A_184 = tpu.sem_alloc : memref<!tpu.dma_semaphore, #tpu.memory_space<semaphore_mem>>
      %dma_start3A_185 = tpu.memref_slice %arg3[%mul3A_2] : memref<8192xi32, #tpu.memory_space<hbm>> -> memref<256xi32, #tpu.memory_space<hbm>>
      %dma_start3A_186 = tpu.memref_slice %arg3[%mul3A_2] : memref<8192xi32, #tpu.memory_space<hbm>> -> memref<256xi32, #tpu.memory_space<hbm>>
      tpu.enqueue_dma source(%dma_start3A_186 : memref<256xi32, #tpu.memory_space<hbm>>) target(%arg5 : memref<256xi32, #tpu.memory_space<vmem>>) target_semaphore(%run_scoped3A_184 : memref<!tpu.dma_semaphore, #tpu.memory_space<semaphore_mem>>)
      %dma_wait3A_187 = tpu.memref_slice %arg3[%mul3A_2] : memref<8192xi32, #tpu.memory_space<hbm>> -> memref<256xi32, #tpu.memory_space<hbm>>
      %dma_wait3A_188 = tpu.memref_slice %arg3[%mul3A_2] : memref<8192xi32, #tpu.memory_space<hbm>> -> memref<256xi32, #tpu.memory_space<hbm>>
      tpu.wait_dma2 semaphore(%run_scoped3A_184 : memref<!tpu.dma_semaphore, #tpu.memory_space<semaphore_mem>>) src(%dma_wait3A_188 : memref<256xi32, #tpu.memory_space<hbm>>) dst(%arg5 : memref<256xi32, #tpu.memory_space<vmem>>)
      tpu.yield
    }) : () -> ()
    %dma_start3A = arith.constant 0 : i32
    %dma_start3A_3 = arith.constant 0 : i32
    %dma_start3A_4 = arith.constant 0 : i32
    %dma_start3A_5 = tpu.memref_slice %arg6[%dma_start3A, %dma_start3A_3, %dma_start3A_4] : memref<2x32x1024xf32, #tpu.memory_space<vmem>> -> memref<1x32x1024xf32, #tpu.memory_space<vmem>>
    %dma_start3A_6 = tpu.memref_squeeze %dma_start3A_5 : memref<1x32x1024xf32, #tpu.memory_space<vmem>> -> memref<32x1024xf32, #tpu.memory_space<vmem>>
    %dma_start3A_7 = arith.constant 0 : i32
    %dma_start3A_8 = tpu.memref_slice %arg5[%dma_start3A_7] : memref<256xi32, #tpu.memory_space<vmem>> -> memref<32xi32, #tpu.memory_space<vmem>>
    %dma_start3A_9 = arith.constant 0 : i32
    %dma_start3A_10 = arith.constant 0 : i32
    %dma_start3A_11 = tpu.memref_slice %arg2[%dma_start3A_9, %dma_start3A_10] : memref<10240x1024xf32, #tpu.memory_space<hbm>> -> memref<10240x1024xf32, #tpu.memory_space<hbm>>
    tpu.enqueue_indirect_dma source(%dma_start3A_11 : memref<10240x1024xf32, #tpu.memory_space<hbm>>) target(%dma_start3A_6 : memref<32x1024xf32, #tpu.memory_space<vmem>>) offsets(%dma_start3A_8 : memref<32xi32, #tpu.memory_space<vmem>>) semaphore(%arg7 : memref<!tpu.dma_semaphore, #tpu.memory_space<semaphore_mem>>)
    %dma_start3A_12 = arith.constant 1 : i32
    %dma_start3A_13 = arith.constant 0 : i32
    %dma_start3A_14 = arith.constant 0 : i32
    %dma_start3A_15 = tpu.memref_slice %arg6[%dma_start3A_12, %dma_start3A_13, %dma_start3A_14] : memref<2x32x1024xf32, #tpu.memory_space<vmem>> -> memref<1x32x1024xf32, #tpu.memory_space<vmem>>
    %dma_start3A_16 = tpu.memref_squeeze %dma_start3A_15 : memref<1x32x1024xf32, #tpu.memory_space<vmem>> -> memref<32x1024xf32, #tpu.memory_space<vmem>>
    %dma_start3A_17 = arith.constant 32 : i32
    %dma_start3A_18 = tpu.memref_slice %arg5[%dma_start3A_17] : memref<256xi32, #tpu.memory_space<vmem>> -> memref<32xi32, #tpu.memory_space<vmem>>
    %dma_start3A_19 = arith.constant 0 : i32
    %dma_start3A_20 = arith.constant 0 : i32
    %dma_start3A_21 = tpu.memref_slice %arg2[%dma_start3A_19, %dma_start3A_20] : memref<10240x1024xf32, #tpu.memory_space<hbm>> -> memref<10240x1024xf32, #tpu.memory_space<hbm>>
    tpu.enqueue_indirect_dma source(%dma_start3A_21 : memref<10240x1024xf32, #tpu.memory_space<hbm>>) target(%dma_start3A_16 : memref<32x1024xf32, #tpu.memory_space<vmem>>) offsets(%dma_start3A_18 : memref<32xi32, #tpu.memory_space<vmem>>) semaphore(%arg8 : memref<!tpu.dma_semaphore, #tpu.memory_space<semaphore_mem>>)
    %dma_wait3A = arith.constant 0 : i32
    %dma_wait3A_22 = arith.constant 0 : i32
    %dma_wait3A_23 = arith.constant 0 : i32
    %dma_wait3A_24 = tpu.memref_slice %arg6[%dma_wait3A, %dma_wait3A_22, %dma_wait3A_23] : memref<2x32x1024xf32, #tpu.memory_space<vmem>> -> memref<1x32x1024xf32, #tpu.memory_space<vmem>>
    %dma_wait3A_25 = tpu.memref_squeeze %dma_wait3A_24 : memref<1x32x1024xf32, #tpu.memory_space<vmem>> -> memref<32x1024xf32, #tpu.memory_space<vmem>>
    %dma_wait3A_26 = arith.constant 0 : i32
    %dma_wait3A_27 = tpu.memref_slice %arg5[%dma_wait3A_26] : memref<256xi32, #tpu.memory_space<vmem>> -> memref<32xi32, #tpu.memory_space<vmem>>
    %dma_wait3A_28 = arith.constant 0 : i32
    %dma_wait3A_29 = arith.constant 0 : i32
    %dma_wait3A_30 = tpu.memref_slice %arg2[%dma_wait3A_28, %dma_wait3A_29] : memref<10240x1024xf32, #tpu.memory_space<hbm>> -> memref<10240x1024xf32, #tpu.memory_space<hbm>>
    tpu.wait_indirect_dma semaphore(%arg7 : memref<!tpu.dma_semaphore, #tpu.memory_space<semaphore_mem>>) src(%dma_wait3A_30 : memref<10240x1024xf32, #tpu.memory_space<hbm>>) dst(%dma_wait3A_25 : memref<32x1024xf32, #tpu.memory_space<vmem>>)
    %add3A_31 = arith.constant 0 : i32
    %add3A_32 = arith.addi %mul3A_2, %add3A_31 : i32
    %run_scoped3A = arith.constant 0 : i32
    "tpu.region"() ({
      %run_scoped3A_184 = tpu.sem_alloc : memref<!tpu.dma_semaphore, #tpu.memory_space<semaphore_mem>>
      %dma_start3A_185 = arith.constant 0 : i32
      %dma_start3A_186 = arith.constant 0 : i32
      %dma_start3A_187 = tpu.memref_slice %arg6[%run_scoped3A, %dma_start3A_185, %dma_start3A_186] : memref<2x32x1024xf32, #tpu.memory_space<vmem>> -> memref<1x32x1024xf32, #tpu.memory_space<vmem>>
      %dma_start3A_188 = tpu.memref_squeeze %dma_start3A_187 : memref<1x32x1024xf32, #tpu.memory_space<vmem>> -> memref<32x1024xf32, #tpu.memory_space<vmem>>
      %dma_start3A_189 = arith.constant 0 : i32
      %dma_start3A_190 = tpu.memref_slice %arg4[%add3A_32, %dma_start3A_189] : memref<8192x1024xf32, #tpu.memory_space<hbm>> -> memref<32x1024xf32, #tpu.memory_space<hbm>>
      %dma_start3A_191 = arith.constant 0 : i32
      %dma_start3A_192 = tpu.memref_slice %arg4[%add3A_32, %dma_start3A_191] : memref<8192x1024xf32, #tpu.memory_space<hbm>> -> memref<32x1024xf32, #tpu.memory_space<hbm>>
      %dma_start3A_193 = arith.constant 0 : i32
      %dma_start3A_194 = arith.constant 0 : i32
      %dma_start3A_195 = tpu.memref_slice %arg6[%run_scoped3A, %dma_start3A_193, %dma_start3A_194] : memref<2x32x1024xf32, #tpu.memory_space<vmem>> -> memref<1x32x1024xf32, #tpu.memory_space<vmem>>
      %dma_start3A_196 = tpu.memref_squeeze %dma_start3A_195 : memref<1x32x1024xf32, #tpu.memory_space<vmem>> -> memref<32x1024xf32, #tpu.memory_space<vmem>>
      tpu.enqueue_dma source(%dma_start3A_196 : memref<32x1024xf32, #tpu.memory_space<vmem>>) target(%dma_start3A_192 : memref<32x1024xf32, #tpu.memory_space<hbm>>) target_semaphore(%run_scoped3A_184 : memref<!tpu.dma_semaphore, #tpu.memory_space<semaphore_mem>>)
      %dma_wait3A_197 = arith.constant 0 : i32
      %dma_wait3A_198 = arith.constant 0 : i32
      %dma_wait3A_199 = tpu.memref_slice %arg6[%run_scoped3A, %dma_wait3A_197, %dma_wait3A_198] : memref<2x32x1024xf32, #tpu.memory_space<vmem>> -> memref<1x32x1024xf32, #tpu.memory_space<vmem>>
      %dma_wait3A_200 = tpu.memref_squeeze %dma_wait3A_199 : memref<1x32x1024xf32, #tpu.memory_space<vmem>> -> memref<32x1024xf32, #tpu.memory_space<vmem>>
      %dma_wait3A_201 = arith.constant 0 : i32
      %dma_wait3A_202 = tpu.memref_slice %arg4[%add3A_32, %dma_wait3A_201] : memref<8192x1024xf32, #tpu.memory_space<hbm>> -> memref<32x1024xf32, #tpu.memory_space<hbm>>
      %dma_wait3A_203 = arith.constant 0 : i32
      %dma_wait3A_204 = tpu.memref_slice %arg4[%add3A_32, %dma_wait3A_203] : memref<8192x1024xf32, #tpu.memory_space<hbm>> -> memref<32x1024xf32, #tpu.memory_space<hbm>>
      %dma_wait3A_205 = arith.constant 0 : i32
      %dma_wait3A_206 = arith.constant 0 : i32
      %dma_wait3A_207 = tpu.memref_slice %arg6[%run_scoped3A, %dma_wait3A_205, %dma_wait3A_206] : memref<2x32x1024xf32, #tpu.memory_space<vmem>> -> memref<1x32x1024xf32, #tpu.memory_space<vmem>>
      %dma_wait3A_208 = tpu.memref_squeeze %dma_wait3A_207 : memref<1x32x1024xf32, #tpu.memory_space<vmem>> -> memref<32x1024xf32, #tpu.memory_space<vmem>>
      tpu.wait_dma2 semaphore(%run_scoped3A_184 : memref<!tpu.dma_semaphore, #tpu.memory_space<semaphore_mem>>) src(%dma_wait3A_208 : memref<32x1024xf32, #tpu.memory_space<vmem>>) dst(%dma_wait3A_204 : memref<32x1024xf32, #tpu.memory_space<hbm>>)
      tpu.yield
    }) : () -> ()
    %dma_start3A_33 = arith.constant 0 : i32
    %dma_start3A_34 = arith.constant 0 : i32
    %dma_start3A_35 = arith.constant 0 : i32
    %dma_start3A_36 = tpu.memref_slice %arg6[%dma_start3A_33, %dma_start3A_34, %dma_start3A_35] : memref<2x32x1024xf32, #tpu.memory_space<vmem>> -> memref<1x32x1024xf32, #tpu.memory_space<vmem>>
    %dma_start3A_37 = tpu.memref_squeeze %dma_start3A_36 : memref<1x32x1024xf32, #tpu.memory_space<vmem>> -> memref<32x1024xf32, #tpu.memory_space<vmem>>
    %dma_start3A_38 = arith.constant 64 : i32
    %dma_start3A_39 = tpu.memref_slice %arg5[%dma_start3A_38] : memref<256xi32, #tpu.memory_space<vmem>> -> memref<32xi32, #tpu.memory_space<vmem>>
    %dma_start3A_40 = arith.constant 0 : i32
    %dma_start3A_41 = arith.constant 0 : i32
    %dma_start3A_42 = tpu.memref_slice %arg2[%dma_start3A_40, %dma_start3A_41] : memref<10240x1024xf32, #tpu.memory_space<hbm>> -> memref<10240x1024xf32, #tpu.memory_space<hbm>>
    tpu.enqueue_indirect_dma source(%dma_start3A_42 : memref<10240x1024xf32, #tpu.memory_space<hbm>>) target(%dma_start3A_37 : memref<32x1024xf32, #tpu.memory_space<vmem>>) offsets(%dma_start3A_39 : memref<32xi32, #tpu.memory_space<vmem>>) semaphore(%arg7 : memref<!tpu.dma_semaphore, #tpu.memory_space<semaphore_mem>>)
    %dma_wait3A_43 = arith.constant 1 : i32
    %dma_wait3A_44 = arith.constant 0 : i32
    %dma_wait3A_45 = arith.constant 0 : i32
    %dma_wait3A_46 = tpu.memref_slice %arg6[%dma_wait3A_43, %dma_wait3A_44, %dma_wait3A_45] : memref<2x32x1024xf32, #tpu.memory_space<vmem>> -> memref<1x32x1024xf32, #tpu.memory_space<vmem>>
    %dma_wait3A_47 = tpu.memref_squeeze %dma_wait3A_46 : memref<1x32x1024xf32, #tpu.memory_space<vmem>> -> memref<32x1024xf32, #tpu.memory_space<vmem>>
    %dma_wait3A_48 = arith.constant 32 : i32
    %dma_wait3A_49 = tpu.memref_slice %arg5[%dma_wait3A_48] : memref<256xi32, #tpu.memory_space<vmem>> -> memref<32xi32, #tpu.memory_space<vmem>>
    %dma_wait3A_50 = arith.constant 0 : i32
    %dma_wait3A_51 = arith.constant 0 : i32
    %dma_wait3A_52 = tpu.memref_slice %arg2[%dma_wait3A_50, %dma_wait3A_51] : memref<10240x1024xf32, #tpu.memory_space<hbm>> -> memref<10240x1024xf32, #tpu.memory_space<hbm>>
    tpu.wait_indirect_dma semaphore(%arg8 : memref<!tpu.dma_semaphore, #tpu.memory_space<semaphore_mem>>) src(%dma_wait3A_52 : memref<10240x1024xf32, #tpu.memory_space<hbm>>) dst(%dma_wait3A_47 : memref<32x1024xf32, #tpu.memory_space<vmem>>)
    %add3A_53 = arith.constant 32 : i32
    %add3A_54 = arith.addi %mul3A_2, %add3A_53 : i32
    %run_scoped3A_55 = arith.constant 1 : i32
    "tpu.region"() ({
      %run_scoped3A_184 = tpu.sem_alloc : memref<!tpu.dma_semaphore, #tpu.memory_space<semaphore_mem>>
      %dma_start3A_185 = arith.constant 0 : i32
      %dma_start3A_186 = arith.constant 0 : i32
      %dma_start3A_187 = tpu.memref_slice %arg6[%run_scoped3A_55, %dma_start3A_185, %dma_start3A_186] : memref<2x32x1024xf32, #tpu.memory_space<vmem>> -> memref<1x32x1024xf32, #tpu.memory_space<vmem>>
      %dma_start3A_188 = tpu.memref_squeeze %dma_start3A_187 : memref<1x32x1024xf32, #tpu.memory_space<vmem>> -> memref<32x1024xf32, #tpu.memory_space<vmem>>
      %dma_start3A_189 = arith.constant 0 : i32
      %dma_start3A_190 = tpu.memref_slice %arg4[%add3A_54, %dma_start3A_189] : memref<8192x1024xf32, #tpu.memory_space<hbm>> -> memref<32x1024xf32, #tpu.memory_space<hbm>>
      %dma_start3A_191 = arith.constant 0 : i32
      %dma_start3A_192 = tpu.memref_slice %arg4[%add3A_54, %dma_start3A_191] : memref<8192x1024xf32, #tpu.memory_space<hbm>> -> memref<32x1024xf32, #tpu.memory_space<hbm>>
      %dma_start3A_193 = arith.constant 0 : i32
      %dma_start3A_194 = arith.constant 0 : i32
      %dma_start3A_195 = tpu.memref_slice %arg6[%run_scoped3A_55, %dma_start3A_193, %dma_start3A_194] : memref<2x32x1024xf32, #tpu.memory_space<vmem>> -> memref<1x32x1024xf32, #tpu.memory_space<vmem>>
      %dma_start3A_196 = tpu.memref_squeeze %dma_start3A_195 : memref<1x32x1024xf32, #tpu.memory_space<vmem>> -> memref<32x1024xf32, #tpu.memory_space<vmem>>
      tpu.enqueue_dma source(%dma_start3A_196 : memref<32x1024xf32, #tpu.memory_space<vmem>>) target(%dma_start3A_192 : memref<32x1024xf32, #tpu.memory_space<hbm>>) target_semaphore(%run_scoped3A_184 : memref<!tpu.dma_semaphore, #tpu.memory_space<semaphore_mem>>)
      %dma_wait3A_197 = arith.constant 0 : i32
      %dma_wait3A_198 = arith.constant 0 : i32
      %dma_wait3A_199 = tpu.memref_slice %arg6[%run_scoped3A_55, %dma_wait3A_197, %dma_wait3A_198] : memref<2x32x1024xf32, #tpu.memory_space<vmem>> -> memref<1x32x1024xf32, #tpu.memory_space<vmem>>
      %dma_wait3A_200 = tpu.memref_squeeze %dma_wait3A_199 : memref<1x32x1024xf32, #tpu.memory_space<vmem>> -> memref<32x1024xf32, #tpu.memory_space<vmem>>
      %dma_wait3A_201 = arith.constant 0 : i32
      %dma_wait3A_202 = tpu.memref_slice %arg4[%add3A_54, %dma_wait3A_201] : memref<8192x1024xf32, #tpu.memory_space<hbm>> -> memref<32x1024xf32, #tpu.memory_space<hbm>>
      %dma_wait3A_203 = arith.constant 0 : i32
      %dma_wait3A_204 = tpu.memref_slice %arg4[%add3A_54, %dma_wait3A_203] : memref<8192x1024xf32, #tpu.memory_space<hbm>> -> memref<32x1024xf32, #tpu.memory_space<hbm>>
      %dma_wait3A_205 = arith.constant 0 : i32
      %dma_wait3A_206 = arith.constant 0 : i32
      %dma_wait3A_207 = tpu.memref_slice %arg6[%run_scoped3A_55, %dma_wait3A_205, %dma_wait3A_206] : memref<2x32x1024xf32, #tpu.memory_space<vmem>> -> memref<1x32x1024xf32, #tpu.memory_space<vmem>>
      %dma_wait3A_208 = tpu.memref_squeeze %dma_wait3A_207 : memref<1x32x1024xf32, #tpu.memory_space<vmem>> -> memref<32x1024xf32, #tpu.memory_space<vmem>>
      tpu.wait_dma2 semaphore(%run_scoped3A_184 : memref<!tpu.dma_semaphore, #tpu.memory_space<semaphore_mem>>) src(%dma_wait3A_208 : memref<32x1024xf32, #tpu.memory_space<vmem>>) dst(%dma_wait3A_204 : memref<32x1024xf32, #tpu.memory_space<hbm>>)
      tpu.yield
    }) : () -> ()
    %dma_start3A_56 = arith.constant 1 : i32
    %dma_start3A_57 = arith.constant 0 : i32
    %dma_start3A_58 = arith.constant 0 : i32
    %dma_start3A_59 = tpu.memref_slice %arg6[%dma_start3A_56, %dma_start3A_57, %dma_start3A_58] : memref<2x32x1024xf32, #tpu.memory_space<vmem>> -> memref<1x32x1024xf32, #tpu.memory_space<vmem>>
    %dma_start3A_60 = tpu.memref_squeeze %dma_start3A_59 : memref<1x32x1024xf32, #tpu.memory_space<vmem>> -> memref<32x1024xf32, #tpu.memory_space<vmem>>
    %dma_start3A_61 = arith.constant 96 : i32
    %dma_start3A_62 = tpu.memref_slice %arg5[%dma_start3A_61] : memref<256xi32, #tpu.memory_space<vmem>> -> memref<32xi32, #tpu.memory_space<vmem>>
    %dma_start3A_63 = arith.constant 0 : i32
    %dma_start3A_64 = arith.constant 0 : i32
    %dma_start3A_65 = tpu.memref_slice %arg2[%dma_start3A_63, %dma_start3A_64] : memref<10240x1024xf32, #tpu.memory_space<hbm>> -> memref<10240x1024xf32, #tpu.memory_space<hbm>>
    tpu.enqueue_indirect_dma source(%dma_start3A_65 : memref<10240x1024xf32, #tpu.memory_space<hbm>>) target(%dma_start3A_60 : memref<32x1024xf32, #tpu.memory_space<vmem>>) offsets(%dma_start3A_62 : memref<32xi32, #tpu.memory_space<vmem>>) semaphore(%arg8 : memref<!tpu.dma_semaphore, #tpu.memory_space<semaphore_mem>>)
    %dma_wait3A_66 = arith.constant 0 : i32
    %dma_wait3A_67 = arith.constant 0 : i32
    %dma_wait3A_68 = arith.constant 0 : i32
    %dma_wait3A_69 = tpu.memref_slice %arg6[%dma_wait3A_66, %dma_wait3A_67, %dma_wait3A_68] : memref<2x32x1024xf32, #tpu.memory_space<vmem>> -> memref<1x32x1024xf32, #tpu.memory_space<vmem>>
    %dma_wait3A_70 = tpu.memref_squeeze %dma_wait3A_69 : memref<1x32x1024xf32, #tpu.memory_space<vmem>> -> memref<32x1024xf32, #tpu.memory_space<vmem>>
    %dma_wait3A_71 = arith.constant 64 : i32
    %dma_wait3A_72 = tpu.memref_slice %arg5[%dma_wait3A_71] : memref<256xi32, #tpu.memory_space<vmem>> -> memref<32xi32, #tpu.memory_space<vmem>>
    %dma_wait3A_73 = arith.constant 0 : i32
    %dma_wait3A_74 = arith.constant 0 : i32
    %dma_wait3A_75 = tpu.memref_slice %arg2[%dma_wait3A_73, %dma_wait3A_74] : memref<10240x1024xf32, #tpu.memory_space<hbm>> -> memref<10240x1024xf32, #tpu.memory_space<hbm>>
    tpu.wait_indirect_dma semaphore(%arg7 : memref<!tpu.dma_semaphore, #tpu.memory_space<semaphore_mem>>) src(%dma_wait3A_75 : memref<10240x1024xf32, #tpu.memory_space<hbm>>) dst(%dma_wait3A_70 : memref<32x1024xf32, #tpu.memory_space<vmem>>)
    %add3A_76 = arith.constant 64 : i32
    %add3A_77 = arith.addi %mul3A_2, %add3A_76 : i32
    %run_scoped3A_78 = arith.constant 0 : i32
    "tpu.region"() ({
      %run_scoped3A_184 = tpu.sem_alloc : memref<!tpu.dma_semaphore, #tpu.memory_space<semaphore_mem>>
      %dma_start3A_185 = arith.constant 0 : i32
      %dma_start3A_186 = arith.constant 0 : i32
      %dma_start3A_187 = tpu.memref_slice %arg6[%run_scoped3A_78, %dma_start3A_185, %dma_start3A_186] : memref<2x32x1024xf32, #tpu.memory_space<vmem>> -> memref<1x32x1024xf32, #tpu.memory_space<vmem>>
      %dma_start3A_188 = tpu.memref_squeeze %dma_start3A_187 : memref<1x32x1024xf32, #tpu.memory_space<vmem>> -> memref<32x1024xf32, #tpu.memory_space<vmem>>
      %dma_start3A_189 = arith.constant 0 : i32
      %dma_start3A_190 = tpu.memref_slice %arg4[%add3A_77, %dma_start3A_189] : memref<8192x1024xf32, #tpu.memory_space<hbm>> -> memref<32x1024xf32, #tpu.memory_space<hbm>>
      %dma_start3A_191 = arith.constant 0 : i32
      %dma_start3A_192 = tpu.memref_slice %arg4[%add3A_77, %dma_start3A_191] : memref<8192x1024xf32, #tpu.memory_space<hbm>> -> memref<32x1024xf32, #tpu.memory_space<hbm>>
      %dma_start3A_193 = arith.constant 0 : i32
      %dma_start3A_194 = arith.constant 0 : i32
      %dma_start3A_195 = tpu.memref_slice %arg6[%run_scoped3A_78, %dma_start3A_193, %dma_start3A_194] : memref<2x32x1024xf32, #tpu.memory_space<vmem>> -> memref<1x32x1024xf32, #tpu.memory_space<vmem>>
      %dma_start3A_196 = tpu.memref_squeeze %dma_start3A_195 : memref<1x32x1024xf32, #tpu.memory_space<vmem>> -> memref<32x1024xf32, #tpu.memory_space<vmem>>
      tpu.enqueue_dma source(%dma_start3A_196 : memref<32x1024xf32, #tpu.memory_space<vmem>>) target(%dma_start3A_192 : memref<32x1024xf32, #tpu.memory_space<hbm>>) target_semaphore(%run_scoped3A_184 : memref<!tpu.dma_semaphore, #tpu.memory_space<semaphore_mem>>)
      %dma_wait3A_197 = arith.constant 0 : i32
      %dma_wait3A_198 = arith.constant 0 : i32
      %dma_wait3A_199 = tpu.memref_slice %arg6[%run_scoped3A_78, %dma_wait3A_197, %dma_wait3A_198] : memref<2x32x1024xf32, #tpu.memory_space<vmem>> -> memref<1x32x1024xf32, #tpu.memory_space<vmem>>
      %dma_wait3A_200 = tpu.memref_squeeze %dma_wait3A_199 : memref<1x32x1024xf32, #tpu.memory_space<vmem>> -> memref<32x1024xf32, #tpu.memory_space<vmem>>
      %dma_wait3A_201 = arith.constant 0 : i32
      %dma_wait3A_202 = tpu.memref_slice %arg4[%add3A_77, %dma_wait3A_201] : memref<8192x1024xf32, #tpu.memory_space<hbm>> -> memref<32x1024xf32, #tpu.memory_space<hbm>>
      %dma_wait3A_203 = arith.constant 0 : i32
      %dma_wait3A_204 = tpu.memref_slice %arg4[%add3A_77, %dma_wait3A_203] : memref<8192x1024xf32, #tpu.memory_space<hbm>> -> memref<32x1024xf32, #tpu.memory_space<hbm>>
      %dma_wait3A_205 = arith.constant 0 : i32
      %dma_wait3A_206 = arith.constant 0 : i32
      %dma_wait3A_207 = tpu.memref_slice %arg6[%run_scoped3A_78, %dma_wait3A_205, %dma_wait3A_206] : memref<2x32x1024xf32, #tpu.memory_space<vmem>> -> memref<1x32x1024xf32, #tpu.memory_space<vmem>>
      %dma_wait3A_208 = tpu.memref_squeeze %dma_wait3A_207 : memref<1x32x1024xf32, #tpu.memory_space<vmem>> -> memref<32x1024xf32, #tpu.memory_space<vmem>>
      tpu.wait_dma2 semaphore(%run_scoped3A_184 : memref<!tpu.dma_semaphore, #tpu.memory_space<semaphore_mem>>) src(%dma_wait3A_208 : memref<32x1024xf32, #tpu.memory_space<vmem>>) dst(%dma_wait3A_204 : memref<32x1024xf32, #tpu.memory_space<hbm>>)
      tpu.yield
    }) : () -> ()
    %dma_start3A_79 = arith.constant 0 : i32
    %dma_start3A_80 = arith.constant 0 : i32
    %dma_start3A_81 = arith.constant 0 : i32
    %dma_start3A_82 = tpu.memref_slice %arg6[%dma_start3A_79, %dma_start3A_80, %dma_start3A_81] : memref<2x32x1024xf32, #tpu.memory_space<vmem>> -> memref<1x32x1024xf32, #tpu.memory_space<vmem>>
    %dma_start3A_83 = tpu.memref_squeeze %dma_start3A_82 : memref<1x32x1024xf32, #tpu.memory_space<vmem>> -> memref<32x1024xf32, #tpu.memory_space<vmem>>
    %dma_start3A_84 = arith.constant 128 : i32
    %dma_start3A_85 = tpu.memref_slice %arg5[%dma_start3A_84] : memref<256xi32, #tpu.memory_space<vmem>> -> memref<32xi32, #tpu.memory_space<vmem>>
    %dma_start3A_86 = arith.constant 0 : i32
    %dma_start3A_87 = arith.constant 0 : i32
    %dma_start3A_88 = tpu.memref_slice %arg2[%dma_start3A_86, %dma_start3A_87] : memref<10240x1024xf32, #tpu.memory_space<hbm>> -> memref<10240x1024xf32, #tpu.memory_space<hbm>>
    tpu.enqueue_indirect_dma source(%dma_start3A_88 : memref<10240x1024xf32, #tpu.memory_space<hbm>>) target(%dma_start3A_83 : memref<32x1024xf32, #tpu.memory_space<vmem>>) offsets(%dma_start3A_85 : memref<32xi32, #tpu.memory_space<vmem>>) semaphore(%arg7 : memref<!tpu.dma_semaphore, #tpu.memory_space<semaphore_mem>>)
    %dma_wait3A_89 = arith.constant 1 : i32
    %dma_wait3A_90 = arith.constant 0 : i32
    %dma_wait3A_91 = arith.constant 0 : i32
    %dma_wait3A_92 = tpu.memref_slice %arg6[%dma_wait3A_89, %dma_wait3A_90, %dma_wait3A_91] : memref<2x32x1024xf32, #tpu.memory_space<vmem>> -> memref<1x32x1024xf32, #tpu.memory_space<vmem>>
    %dma_wait3A_93 = tpu.memref_squeeze %dma_wait3A_92 : memref<1x32x1024xf32, #tpu.memory_space<vmem>> -> memref<32x1024xf32, #tpu.memory_space<vmem>>
    %dma_wait3A_94 = arith.constant 96 : i32
    %dma_wait3A_95 = tpu.memref_slice %arg5[%dma_wait3A_94] : memref<256xi32, #tpu.memory_space<vmem>> -> memref<32xi32, #tpu.memory_space<vmem>>
    %dma_wait3A_96 = arith.constant 0 : i32
    %dma_wait3A_97 = arith.constant 0 : i32
    %dma_wait3A_98 = tpu.memref_slice %arg2[%dma_wait3A_96, %dma_wait3A_97] : memref<10240x1024xf32, #tpu.memory_space<hbm>> -> memref<10240x1024xf32, #tpu.memory_space<hbm>>
    tpu.wait_indirect_dma semaphore(%arg8 : memref<!tpu.dma_semaphore, #tpu.memory_space<semaphore_mem>>) src(%dma_wait3A_98 : memref<10240x1024xf32, #tpu.memory_space<hbm>>) dst(%dma_wait3A_93 : memref<32x1024xf32, #tpu.memory_space<vmem>>)
    %add3A_99 = arith.constant 96 : i32
    %add3A_100 = arith.addi %mul3A_2, %add3A_99 : i32
    %run_scoped3A_101 = arith.constant 1 : i32
    "tpu.region"() ({
      %run_scoped3A_184 = tpu.sem_alloc : memref<!tpu.dma_semaphore, #tpu.memory_space<semaphore_mem>>
      %dma_start3A_185 = arith.constant 0 : i32
      %dma_start3A_186 = arith.constant 0 : i32
      %dma_start3A_187 = tpu.memref_slice %arg6[%run_scoped3A_101, %dma_start3A_185, %dma_start3A_186] : memref<2x32x1024xf32, #tpu.memory_space<vmem>> -> memref<1x32x1024xf32, #tpu.memory_space<vmem>>
      %dma_start3A_188 = tpu.memref_squeeze %dma_start3A_187 : memref<1x32x1024xf32, #tpu.memory_space<vmem>> -> memref<32x1024xf32, #tpu.memory_space<vmem>>
      %dma_start3A_189 = arith.constant 0 : i32
      %dma_start3A_190 = tpu.memref_slice %arg4[%add3A_100, %dma_start3A_189] : memref<8192x1024xf32, #tpu.memory_space<hbm>> -> memref<32x1024xf32, #tpu.memory_space<hbm>>
      %dma_start3A_191 = arith.constant 0 : i32
      %dma_start3A_192 = tpu.memref_slice %arg4[%add3A_100, %dma_start3A_191] : memref<8192x1024xf32, #tpu.memory_space<hbm>> -> memref<32x1024xf32, #tpu.memory_space<hbm>>
      %dma_start3A_193 = arith.constant 0 : i32
      %dma_start3A_194 = arith.constant 0 : i32
      %dma_start3A_195 = tpu.memref_slice %arg6[%run_scoped3A_101, %dma_start3A_193, %dma_start3A_194] : memref<2x32x1024xf32, #tpu.memory_space<vmem>> -> memref<1x32x1024xf32, #tpu.memory_space<vmem>>
      %dma_start3A_196 = tpu.memref_squeeze %dma_start3A_195 : memref<1x32x1024xf32, #tpu.memory_space<vmem>> -> memref<32x1024xf32, #tpu.memory_space<vmem>>
      tpu.enqueue_dma source(%dma_start3A_196 : memref<32x1024xf32, #tpu.memory_space<vmem>>) target(%dma_start3A_192 : memref<32x1024xf32, #tpu.memory_space<hbm>>) target_semaphore(%run_scoped3A_184 : memref<!tpu.dma_semaphore, #tpu.memory_space<semaphore_mem>>)
      %dma_wait3A_197 = arith.constant 0 : i32
      %dma_wait3A_198 = arith.constant 0 : i32
      %dma_wait3A_199 = tpu.memref_slice %arg6[%run_scoped3A_101, %dma_wait3A_197, %dma_wait3A_198] : memref<2x32x1024xf32, #tpu.memory_space<vmem>> -> memref<1x32x1024xf32, #tpu.memory_space<vmem>>
      %dma_wait3A_200 = tpu.memref_squeeze %dma_wait3A_199 : memref<1x32x1024xf32, #tpu.memory_space<vmem>> -> memref<32x1024xf32, #tpu.memory_space<vmem>>
      %dma_wait3A_201 = arith.constant 0 : i32
      %dma_wait3A_202 = tpu.memref_slice %arg4[%add3A_100, %dma_wait3A_201] : memref<8192x1024xf32, #tpu.memory_space<hbm>> -> memref<32x1024xf32, #tpu.memory_space<hbm>>
      %dma_wait3A_203 = arith.constant 0 : i32
      %dma_wait3A_204 = tpu.memref_slice %arg4[%add3A_100, %dma_wait3A_203] : memref<8192x1024xf32, #tpu.memory_space<hbm>> -> memref<32x1024xf32, #tpu.memory_space<hbm>>
      %dma_wait3A_205 = arith.constant 0 : i32
      %dma_wait3A_206 = arith.constant 0 : i32
      %dma_wait3A_207 = tpu.memref_slice %arg6[%run_scoped3A_101, %dma_wait3A_205, %dma_wait3A_206] : memref<2x32x1024xf32, #tpu.memory_space<vmem>> -> memref<1x32x1024xf32, #tpu.memory_space<vmem>>
      %dma_wait3A_208 = tpu.memref_squeeze %dma_wait3A_207 : memref<1x32x1024xf32, #tpu.memory_space<vmem>> -> memref<32x1024xf32, #tpu.memory_space<vmem>>
      tpu.wait_dma2 semaphore(%run_scoped3A_184 : memref<!tpu.dma_semaphore, #tpu.memory_space<semaphore_mem>>) src(%dma_wait3A_208 : memref<32x1024xf32, #tpu.memory_space<vmem>>) dst(%dma_wait3A_204 : memref<32x1024xf32, #tpu.memory_space<hbm>>)
      tpu.yield
    }) : () -> ()
    %dma_start3A_102 = arith.constant 1 : i32
    %dma_start3A_103 = arith.constant 0 : i32
    %dma_start3A_104 = arith.constant 0 : i32
    %dma_start3A_105 = tpu.memref_slice %arg6[%dma_start3A_102, %dma_start3A_103, %dma_start3A_104] : memref<2x32x1024xf32, #tpu.memory_space<vmem>> -> memref<1x32x1024xf32, #tpu.memory_space<vmem>>
    %dma_start3A_106 = tpu.memref_squeeze %dma_start3A_105 : memref<1x32x1024xf32, #tpu.memory_space<vmem>> -> memref<32x1024xf32, #tpu.memory_space<vmem>>
    %dma_start3A_107 = arith.constant 160 : i32
    %dma_start3A_108 = tpu.memref_slice %arg5[%dma_start3A_107] : memref<256xi32, #tpu.memory_space<vmem>> -> memref<32xi32, #tpu.memory_space<vmem>>
    %dma_start3A_109 = arith.constant 0 : i32
    %dma_start3A_110 = arith.constant 0 : i32
    %dma_start3A_111 = tpu.memref_slice %arg2[%dma_start3A_109, %dma_start3A_110] : memref<10240x1024xf32, #tpu.memory_space<hbm>> -> memref<10240x1024xf32, #tpu.memory_space<hbm>>
    tpu.enqueue_indirect_dma source(%dma_start3A_111 : memref<10240x1024xf32, #tpu.memory_space<hbm>>) target(%dma_start3A_106 : memref<32x1024xf32, #tpu.memory_space<vmem>>) offsets(%dma_start3A_108 : memref<32xi32, #tpu.memory_space<vmem>>) semaphore(%arg8 : memref<!tpu.dma_semaphore, #tpu.memory_space<semaphore_mem>>)
    %dma_wait3A_112 = arith.constant 0 : i32
    %dma_wait3A_113 = arith.constant 0 : i32
    %dma_wait3A_114 = arith.constant 0 : i32
    %dma_wait3A_115 = tpu.memref_slice %arg6[%dma_wait3A_112, %dma_wait3A_113, %dma_wait3A_114] : memref<2x32x1024xf32, #tpu.memory_space<vmem>> -> memref<1x32x1024xf32, #tpu.memory_space<vmem>>
    %dma_wait3A_116 = tpu.memref_squeeze %dma_wait3A_115 : memref<1x32x1024xf32, #tpu.memory_space<vmem>> -> memref<32x1024xf32, #tpu.memory_space<vmem>>
    %dma_wait3A_117 = arith.constant 128 : i32
    %dma_wait3A_118 = tpu.memref_slice %arg5[%dma_wait3A_117] : memref<256xi32, #tpu.memory_space<vmem>> -> memref<32xi32, #tpu.memory_space<vmem>>
    %dma_wait3A_119 = arith.constant 0 : i32
    %dma_wait3A_120 = arith.constant 0 : i32
    %dma_wait3A_121 = tpu.memref_slice %arg2[%dma_wait3A_119, %dma_wait3A_120] : memref<10240x1024xf32, #tpu.memory_space<hbm>> -> memref<10240x1024xf32, #tpu.memory_space<hbm>>
    tpu.wait_indirect_dma semaphore(%arg7 : memref<!tpu.dma_semaphore, #tpu.memory_space<semaphore_mem>>) src(%dma_wait3A_121 : memref<10240x1024xf32, #tpu.memory_space<hbm>>) dst(%dma_wait3A_116 : memref<32x1024xf32, #tpu.memory_space<vmem>>)
    %add3A_122 = arith.constant 128 : i32
    %add3A_123 = arith.addi %mul3A_2, %add3A_122 : i32
    %run_scoped3A_124 = arith.constant 0 : i32
    "tpu.region"() ({
      %run_scoped3A_184 = tpu.sem_alloc : memref<!tpu.dma_semaphore, #tpu.memory_space<semaphore_mem>>
      %dma_start3A_185 = arith.constant 0 : i32
      %dma_start3A_186 = arith.constant 0 : i32
      %dma_start3A_187 = tpu.memref_slice %arg6[%run_scoped3A_124, %dma_start3A_185, %dma_start3A_186] : memref<2x32x1024xf32, #tpu.memory_space<vmem>> -> memref<1x32x1024xf32, #tpu.memory_space<vmem>>
      %dma_start3A_188 = tpu.memref_squeeze %dma_start3A_187 : memref<1x32x1024xf32, #tpu.memory_space<vmem>> -> memref<32x1024xf32, #tpu.memory_space<vmem>>
      %dma_start3A_189 = arith.constant 0 : i32
      %dma_start3A_190 = tpu.memref_slice %arg4[%add3A_123, %dma_start3A_189] : memref<8192x1024xf32, #tpu.memory_space<hbm>> -> memref<32x1024xf32, #tpu.memory_space<hbm>>
      %dma_start3A_191 = arith.constant 0 : i32
      %dma_start3A_192 = tpu.memref_slice %arg4[%add3A_123, %dma_start3A_191] : memref<8192x1024xf32, #tpu.memory_space<hbm>> -> memref<32x1024xf32, #tpu.memory_space<hbm>>
      %dma_start3A_193 = arith.constant 0 : i32
      %dma_start3A_194 = arith.constant 0 : i32
      %dma_start3A_195 = tpu.memref_slice %arg6[%run_scoped3A_124, %dma_start3A_193, %dma_start3A_194] : memref<2x32x1024xf32, #tpu.memory_space<vmem>> -> memref<1x32x1024xf32, #tpu.memory_space<vmem>>
      %dma_start3A_196 = tpu.memref_squeeze %dma_start3A_195 : memref<1x32x1024xf32, #tpu.memory_space<vmem>> -> memref<32x1024xf32, #tpu.memory_space<vmem>>
      tpu.enqueue_dma source(%dma_start3A_196 : memref<32x1024xf32, #tpu.memory_space<vmem>>) target(%dma_start3A_192 : memref<32x1024xf32, #tpu.memory_space<hbm>>) target_semaphore(%run_scoped3A_184 : memref<!tpu.dma_semaphore, #tpu.memory_space<semaphore_mem>>)
      %dma_wait3A_197 = arith.constant 0 : i32
      %dma_wait3A_198 = arith.constant 0 : i32
      %dma_wait3A_199 = tpu.memref_slice %arg6[%run_scoped3A_124, %dma_wait3A_197, %dma_wait3A_198] : memref<2x32x1024xf32, #tpu.memory_space<vmem>> -> memref<1x32x1024xf32, #tpu.memory_space<vmem>>
      %dma_wait3A_200 = tpu.memref_squeeze %dma_wait3A_199 : memref<1x32x1024xf32, #tpu.memory_space<vmem>> -> memref<32x1024xf32, #tpu.memory_space<vmem>>
      %dma_wait3A_201 = arith.constant 0 : i32
      %dma_wait3A_202 = tpu.memref_slice %arg4[%add3A_123, %dma_wait3A_201] : memref<8192x1024xf32, #tpu.memory_space<hbm>> -> memref<32x1024xf32, #tpu.memory_space<hbm>>
      %dma_wait3A_203 = arith.constant 0 : i32
      %dma_wait3A_204 = tpu.memref_slice %arg4[%add3A_123, %dma_wait3A_203] : memref<8192x1024xf32, #tpu.memory_space<hbm>> -> memref<32x1024xf32, #tpu.memory_space<hbm>>
      %dma_wait3A_205 = arith.constant 0 : i32
      %dma_wait3A_206 = arith.constant 0 : i32
      %dma_wait3A_207 = tpu.memref_slice %arg6[%run_scoped3A_124, %dma_wait3A_205, %dma_wait3A_206] : memref<2x32x1024xf32, #tpu.memory_space<vmem>> -> memref<1x32x1024xf32, #tpu.memory_space<vmem>>
      %dma_wait3A_208 = tpu.memref_squeeze %dma_wait3A_207 : memref<1x32x1024xf32, #tpu.memory_space<vmem>> -> memref<32x1024xf32, #tpu.memory_space<vmem>>
      tpu.wait_dma2 semaphore(%run_scoped3A_184 : memref<!tpu.dma_semaphore, #tpu.memory_space<semaphore_mem>>) src(%dma_wait3A_208 : memref<32x1024xf32, #tpu.memory_space<vmem>>) dst(%dma_wait3A_204 : memref<32x1024xf32, #tpu.memory_space<hbm>>)
      tpu.yield
    }) : () -> ()
    %dma_start3A_125 = arith.constant 0 : i32
    %dma_start3A_126 = arith.constant 0 : i32
    %dma_start3A_127 = arith.constant 0 : i32
    %dma_start3A_128 = tpu.memref_slice %arg6[%dma_start3A_125, %dma_start3A_126, %dma_start3A_127] : memref<2x32x1024xf32, #tpu.memory_space<vmem>> -> memref<1x32x1024xf32, #tpu.memory_space<vmem>>
    %dma_start3A_129 = tpu.memref_squeeze %dma_start3A_128 : memref<1x32x1024xf32, #tpu.memory_space<vmem>> -> memref<32x1024xf32, #tpu.memory_space<vmem>>
    %dma_start3A_130 = arith.constant 192 : i32
    %dma_start3A_131 = tpu.memref_slice %arg5[%dma_start3A_130] : memref<256xi32, #tpu.memory_space<vmem>> -> memref<32xi32, #tpu.memory_space<vmem>>
    %dma_start3A_132 = arith.constant 0 : i32
    %dma_start3A_133 = arith.constant 0 : i32
    %dma_start3A_134 = tpu.memref_slice %arg2[%dma_start3A_132, %dma_start3A_133] : memref<10240x1024xf32, #tpu.memory_space<hbm>> -> memref<10240x1024xf32, #tpu.memory_space<hbm>>
    tpu.enqueue_indirect_dma source(%dma_start3A_134 : memref<10240x1024xf32, #tpu.memory_space<hbm>>) target(%dma_start3A_129 : memref<32x1024xf32, #tpu.memory_space<vmem>>) offsets(%dma_start3A_131 : memref<32xi32, #tpu.memory_space<vmem>>) semaphore(%arg7 : memref<!tpu.dma_semaphore, #tpu.memory_space<semaphore_mem>>)
    %dma_wait3A_135 = arith.constant 1 : i32
    %dma_wait3A_136 = arith.constant 0 : i32
    %dma_wait3A_137 = arith.constant 0 : i32
    %dma_wait3A_138 = tpu.memref_slice %arg6[%dma_wait3A_135, %dma_wait3A_136, %dma_wait3A_137] : memref<2x32x1024xf32, #tpu.memory_space<vmem>> -> memref<1x32x1024xf32, #tpu.memory_space<vmem>>
    %dma_wait3A_139 = tpu.memref_squeeze %dma_wait3A_138 : memref<1x32x1024xf32, #tpu.memory_space<vmem>> -> memref<32x1024xf32, #tpu.memory_space<vmem>>
    %dma_wait3A_140 = arith.constant 160 : i32
    %dma_wait3A_141 = tpu.memref_slice %arg5[%dma_wait3A_140] : memref<256xi32, #tpu.memory_space<vmem>> -> memref<32xi32, #tpu.memory_space<vmem>>
    %dma_wait3A_142 = arith.constant 0 : i32
    %dma_wait3A_143 = arith.constant 0 : i32
    %dma_wait3A_144 = tpu.memref_slice %arg2[%dma_wait3A_142, %dma_wait3A_143] : memref<10240x1024xf32, #tpu.memory_space<hbm>> -> memref<10240x1024xf32, #tpu.memory_space<hbm>>
    tpu.wait_indirect_dma semaphore(%arg8 : memref<!tpu.dma_semaphore, #tpu.memory_space<semaphore_mem>>) src(%dma_wait3A_144 : memref<10240x1024xf32, #tpu.memory_space<hbm>>) dst(%dma_wait3A_139 : memref<32x1024xf32, #tpu.memory_space<vmem>>)
    %add3A_145 = arith.constant 160 : i32
    %add3A_146 = arith.addi %mul3A_2, %add3A_145 : i32
    %run_scoped3A_147 = arith.constant 1 : i32
    "tpu.region"() ({
      %run_scoped3A_184 = tpu.sem_alloc : memref<!tpu.dma_semaphore, #tpu.memory_space<semaphore_mem>>
      %dma_start3A_185 = arith.constant 0 : i32
      %dma_start3A_186 = arith.constant 0 : i32
      %dma_start3A_187 = tpu.memref_slice %arg6[%run_scoped3A_147, %dma_start3A_185, %dma_start3A_186] : memref<2x32x1024xf32, #tpu.memory_space<vmem>> -> memref<1x32x1024xf32, #tpu.memory_space<vmem>>
      %dma_start3A_188 = tpu.memref_squeeze %dma_start3A_187 : memref<1x32x1024xf32, #tpu.memory_space<vmem>> -> memref<32x1024xf32, #tpu.memory_space<vmem>>
      %dma_start3A_189 = arith.constant 0 : i32
      %dma_start3A_190 = tpu.memref_slice %arg4[%add3A_146, %dma_start3A_189] : memref<8192x1024xf32, #tpu.memory_space<hbm>> -> memref<32x1024xf32, #tpu.memory_space<hbm>>
      %dma_start3A_191 = arith.constant 0 : i32
      %dma_start3A_192 = tpu.memref_slice %arg4[%add3A_146, %dma_start3A_191] : memref<8192x1024xf32, #tpu.memory_space<hbm>> -> memref<32x1024xf32, #tpu.memory_space<hbm>>
      %dma_start3A_193 = arith.constant 0 : i32
      %dma_start3A_194 = arith.constant 0 : i32
      %dma_start3A_195 = tpu.memref_slice %arg6[%run_scoped3A_147, %dma_start3A_193, %dma_start3A_194] : memref<2x32x1024xf32, #tpu.memory_space<vmem>> -> memref<1x32x1024xf32, #tpu.memory_space<vmem>>
      %dma_start3A_196 = tpu.memref_squeeze %dma_start3A_195 : memref<1x32x1024xf32, #tpu.memory_space<vmem>> -> memref<32x1024xf32, #tpu.memory_space<vmem>>
      tpu.enqueue_dma source(%dma_start3A_196 : memref<32x1024xf32, #tpu.memory_space<vmem>>) target(%dma_start3A_192 : memref<32x1024xf32, #tpu.memory_space<hbm>>) target_semaphore(%run_scoped3A_184 : memref<!tpu.dma_semaphore, #tpu.memory_space<semaphore_mem>>)
      %dma_wait3A_197 = arith.constant 0 : i32
      %dma_wait3A_198 = arith.constant 0 : i32
      %dma_wait3A_199 = tpu.memref_slice %arg6[%run_scoped3A_147, %dma_wait3A_197, %dma_wait3A_198] : memref<2x32x1024xf32, #tpu.memory_space<vmem>> -> memref<1x32x1024xf32, #tpu.memory_space<vmem>>
      %dma_wait3A_200 = tpu.memref_squeeze %dma_wait3A_199 : memref<1x32x1024xf32, #tpu.memory_space<vmem>> -> memref<32x1024xf32, #tpu.memory_space<vmem>>
      %dma_wait3A_201 = arith.constant 0 : i32
      %dma_wait3A_202 = tpu.memref_slice %arg4[%add3A_146, %dma_wait3A_201] : memref<8192x1024xf32, #tpu.memory_space<hbm>> -> memref<32x1024xf32, #tpu.memory_space<hbm>>
      %dma_wait3A_203 = arith.constant 0 : i32
      %dma_wait3A_204 = tpu.memref_slice %arg4[%add3A_146, %dma_wait3A_203] : memref<8192x1024xf32, #tpu.memory_space<hbm>> -> memref<32x1024xf32, #tpu.memory_space<hbm>>
      %dma_wait3A_205 = arith.constant 0 : i32
      %dma_wait3A_206 = arith.constant 0 : i32
      %dma_wait3A_207 = tpu.memref_slice %arg6[%run_scoped3A_147, %dma_wait3A_205, %dma_wait3A_206] : memref<2x32x1024xf32, #tpu.memory_space<vmem>> -> memref<1x32x1024xf32, #tpu.memory_space<vmem>>
      %dma_wait3A_208 = tpu.memref_squeeze %dma_wait3A_207 : memref<1x32x1024xf32, #tpu.memory_space<vmem>> -> memref<32x1024xf32, #tpu.memory_space<vmem>>
      tpu.wait_dma2 semaphore(%run_scoped3A_184 : memref<!tpu.dma_semaphore, #tpu.memory_space<semaphore_mem>>) src(%dma_wait3A_208 : memref<32x1024xf32, #tpu.memory_space<vmem>>) dst(%dma_wait3A_204 : memref<32x1024xf32, #tpu.memory_space<hbm>>)
      tpu.yield
    }) : () -> ()
    %dma_start3A_148 = arith.constant 1 : i32
    %dma_start3A_149 = arith.constant 0 : i32
    %dma_start3A_150 = arith.constant 0 : i32
    %dma_start3A_151 = tpu.memref_slice %arg6[%dma_start3A_148, %dma_start3A_149, %dma_start3A_150] : memref<2x32x1024xf32, #tpu.memory_space<vmem>> -> memref<1x32x1024xf32, #tpu.memory_space<vmem>>
    %dma_start3A_152 = tpu.memref_squeeze %dma_start3A_151 : memref<1x32x1024xf32, #tpu.memory_space<vmem>> -> memref<32x1024xf32, #tpu.memory_space<vmem>>
    %dma_start3A_153 = arith.constant 224 : i32
    %dma_start3A_154 = tpu.memref_slice %arg5[%dma_start3A_153] : memref<256xi32, #tpu.memory_space<vmem>> -> memref<32xi32, #tpu.memory_space<vmem>>
    %dma_start3A_155 = arith.constant 0 : i32
    %dma_start3A_156 = arith.constant 0 : i32
    %dma_start3A_157 = tpu.memref_slice %arg2[%dma_start3A_155, %dma_start3A_156] : memref<10240x1024xf32, #tpu.memory_space<hbm>> -> memref<10240x1024xf32, #tpu.memory_space<hbm>>
    tpu.enqueue_indirect_dma source(%dma_start3A_157 : memref<10240x1024xf32, #tpu.memory_space<hbm>>) target(%dma_start3A_152 : memref<32x1024xf32, #tpu.memory_space<vmem>>) offsets(%dma_start3A_154 : memref<32xi32, #tpu.memory_space<vmem>>) semaphore(%arg8 : memref<!tpu.dma_semaphore, #tpu.memory_space<semaphore_mem>>)
    %dma_wait3A_158 = arith.constant 0 : i32
    %dma_wait3A_159 = arith.constant 0 : i32
    %dma_wait3A_160 = arith.constant 0 : i32
    %dma_wait3A_161 = tpu.memref_slice %arg6[%dma_wait3A_158, %dma_wait3A_159, %dma_wait3A_160] : memref<2x32x1024xf32, #tpu.memory_space<vmem>> -> memref<1x32x1024xf32, #tpu.memory_space<vmem>>
    %dma_wait3A_162 = tpu.memref_squeeze %dma_wait3A_161 : memref<1x32x1024xf32, #tpu.memory_space<vmem>> -> memref<32x1024xf32, #tpu.memory_space<vmem>>
    %dma_wait3A_163 = arith.constant 192 : i32
    %dma_wait3A_164 = tpu.memref_slice %arg5[%dma_wait3A_163] : memref<256xi32, #tpu.memory_space<vmem>> -> memref<32xi32, #tpu.memory_space<vmem>>
    %dma_wait3A_165 = arith.constant 0 : i32
    %dma_wait3A_166 = arith.constant 0 : i32
    %dma_wait3A_167 = tpu.memref_slice %arg2[%dma_wait3A_165, %dma_wait3A_166] : memref<10240x1024xf32, #tpu.memory_space<hbm>> -> memref<10240x1024xf32, #tpu.memory_space<hbm>>
    tpu.wait_indirect_dma semaphore(%arg7 : memref<!tpu.dma_semaphore, #tpu.memory_space<semaphore_mem>>) src(%dma_wait3A_167 : memref<10240x1024xf32, #tpu.memory_space<hbm>>) dst(%dma_wait3A_162 : memref<32x1024xf32, #tpu.memory_space<vmem>>)
    %add3A_168 = arith.constant 192 : i32
    %add3A_169 = arith.addi %mul3A_2, %add3A_168 : i32
    %run_scoped3A_170 = arith.constant 0 : i32
    "tpu.region"() ({
      %run_scoped3A_184 = tpu.sem_alloc : memref<!tpu.dma_semaphore, #tpu.memory_space<semaphore_mem>>
      %dma_start3A_185 = arith.constant 0 : i32
      %dma_start3A_186 = arith.constant 0 : i32
      %dma_start3A_187 = tpu.memref_slice %arg6[%run_scoped3A_170, %dma_start3A_185, %dma_start3A_186] : memref<2x32x1024xf32, #tpu.memory_space<vmem>> -> memref<1x32x1024xf32, #tpu.memory_space<vmem>>
      %dma_start3A_188 = tpu.memref_squeeze %dma_start3A_187 : memref<1x32x1024xf32, #tpu.memory_space<vmem>> -> memref<32x1024xf32, #tpu.memory_space<vmem>>
      %dma_start3A_189 = arith.constant 0 : i32
      %dma_start3A_190 = tpu.memref_slice %arg4[%add3A_169, %dma_start3A_189] : memref<8192x1024xf32, #tpu.memory_space<hbm>> -> memref<32x1024xf32, #tpu.memory_space<hbm>>
      %dma_start3A_191 = arith.constant 0 : i32
      %dma_start3A_192 = tpu.memref_slice %arg4[%add3A_169, %dma_start3A_191] : memref<8192x1024xf32, #tpu.memory_space<hbm>> -> memref<32x1024xf32, #tpu.memory_space<hbm>>
      %dma_start3A_193 = arith.constant 0 : i32
      %dma_start3A_194 = arith.constant 0 : i32
      %dma_start3A_195 = tpu.memref_slice %arg6[%run_scoped3A_170, %dma_start3A_193, %dma_start3A_194] : memref<2x32x1024xf32, #tpu.memory_space<vmem>> -> memref<1x32x1024xf32, #tpu.memory_space<vmem>>
      %dma_start3A_196 = tpu.memref_squeeze %dma_start3A_195 : memref<1x32x1024xf32, #tpu.memory_space<vmem>> -> memref<32x1024xf32, #tpu.memory_space<vmem>>
      tpu.enqueue_dma source(%dma_start3A_196 : memref<32x1024xf32, #tpu.memory_space<vmem>>) target(%dma_start3A_192 : memref<32x1024xf32, #tpu.memory_space<hbm>>) target_semaphore(%run_scoped3A_184 : memref<!tpu.dma_semaphore, #tpu.memory_space<semaphore_mem>>)
      %dma_wait3A_197 = arith.constant 0 : i32
      %dma_wait3A_198 = arith.constant 0 : i32
      %dma_wait3A_199 = tpu.memref_slice %arg6[%run_scoped3A_170, %dma_wait3A_197, %dma_wait3A_198] : memref<2x32x1024xf32, #tpu.memory_space<vmem>> -> memref<1x32x1024xf32, #tpu.memory_space<vmem>>
      %dma_wait3A_200 = tpu.memref_squeeze %dma_wait3A_199 : memref<1x32x1024xf32, #tpu.memory_space<vmem>> -> memref<32x1024xf32, #tpu.memory_space<vmem>>
      %dma_wait3A_201 = arith.constant 0 : i32
      %dma_wait3A_202 = tpu.memref_slice %arg4[%add3A_169, %dma_wait3A_201] : memref<8192x1024xf32, #tpu.memory_space<hbm>> -> memref<32x1024xf32, #tpu.memory_space<hbm>>
      %dma_wait3A_203 = arith.constant 0 : i32
      %dma_wait3A_204 = tpu.memref_slice %arg4[%add3A_169, %dma_wait3A_203] : memref<8192x1024xf32, #tpu.memory_space<hbm>> -> memref<32x1024xf32, #tpu.memory_space<hbm>>
      %dma_wait3A_205 = arith.constant 0 : i32
      %dma_wait3A_206 = arith.constant 0 : i32
      %dma_wait3A_207 = tpu.memref_slice %arg6[%run_scoped3A_170, %dma_wait3A_205, %dma_wait3A_206] : memref<2x32x1024xf32, #tpu.memory_space<vmem>> -> memref<1x32x1024xf32, #tpu.memory_space<vmem>>
      %dma_wait3A_208 = tpu.memref_squeeze %dma_wait3A_207 : memref<1x32x1024xf32, #tpu.memory_space<vmem>> -> memref<32x1024xf32, #tpu.memory_space<vmem>>
      tpu.wait_dma2 semaphore(%run_scoped3A_184 : memref<!tpu.dma_semaphore, #tpu.memory_space<semaphore_mem>>) src(%dma_wait3A_208 : memref<32x1024xf32, #tpu.memory_space<vmem>>) dst(%dma_wait3A_204 : memref<32x1024xf32, #tpu.memory_space<hbm>>)
      tpu.yield
    }) : () -> ()
    %dma_wait3A_171 = arith.constant 1 : i32
    %dma_wait3A_172 = arith.constant 0 : i32
    %dma_wait3A_173 = arith.constant 0 : i32
    %dma_wait3A_174 = tpu.memref_slice %arg6[%dma_wait3A_171, %dma_wait3A_172, %dma_wait3A_173] : memref<2x32x1024xf32, #tpu.memory_space<vmem>> -> memref<1x32x1024xf32, #tpu.memory_space<vmem>>
    %dma_wait3A_175 = tpu.memref_squeeze %dma_wait3A_174 : memref<1x32x1024xf32, #tpu.memory_space<vmem>> -> memref<32x1024xf32, #tpu.memory_space<vmem>>
    %dma_wait3A_176 = arith.constant 224 : i32
    %dma_wait3A_177 = tpu.memref_slice %arg5[%dma_wait3A_176] : memref<256xi32, #tpu.memory_space<vmem>> -> memref<32xi32, #tpu.memory_space<vmem>>
    %dma_wait3A_178 = arith.constant 0 : i32
    %dma_wait3A_179 = arith.constant 0 : i32
    %dma_wait3A_180 = tpu.memref_slice %arg2[%dma_wait3A_178, %dma_wait3A_179] : memref<10240x1024xf32, #tpu.memory_space<hbm>> -> memref<10240x1024xf32, #tpu.memory_space<hbm>>
    tpu.wait_indirect_dma semaphore(%arg8 : memref<!tpu.dma_semaphore, #tpu.memory_space<semaphore_mem>>) src(%dma_wait3A_180 : memref<10240x1024xf32, #tpu.memory_space<hbm>>) dst(%dma_wait3A_175 : memref<32x1024xf32, #tpu.memory_space<vmem>>)
    %add3A_181 = arith.constant 224 : i32
    %add3A_182 = arith.addi %mul3A_2, %add3A_181 : i32
    %run_scoped3A_183 = arith.constant 1 : i32
    "tpu.region"() ({
      %run_scoped3A_184 = tpu.sem_alloc : memref<!tpu.dma_semaphore, #tpu.memory_space<semaphore_mem>>
      %dma_start3A_185 = arith.constant 0 : i32
      %dma_start3A_186 = arith.constant 0 : i32
      %dma_start3A_187 = tpu.memref_slice %arg6[%run_scoped3A_183, %dma_start3A_185, %dma_start3A_186] : memref<2x32x1024xf32, #tpu.memory_space<vmem>> -> memref<1x32x1024xf32, #tpu.memory_space<vmem>>
      %dma_start3A_188 = tpu.memref_squeeze %dma_start3A_187 : memref<1x32x1024xf32, #tpu.memory_space<vmem>> -> memref<32x1024xf32, #tpu.memory_space<vmem>>
      %dma_start3A_189 = arith.constant 0 : i32
      %dma_start3A_190 = tpu.memref_slice %arg4[%add3A_182, %dma_start3A_189] : memref<8192x1024xf32, #tpu.memory_space<hbm>> -> memref<32x1024xf32, #tpu.memory_space<hbm>>
      %dma_start3A_191 = arith.constant 0 : i32
      %dma_start3A_192 = tpu.memref_slice %arg4[%add3A_182, %dma_start3A_191] : memref<8192x1024xf32, #tpu.memory_space<hbm>> -> memref<32x1024xf32, #tpu.memory_space<hbm>>
      %dma_start3A_193 = arith.constant 0 : i32
      %dma_start3A_194 = arith.constant 0 : i32
      %dma_start3A_195 = tpu.memref_slice %arg6[%run_scoped3A_183, %dma_start3A_193, %dma_start3A_194] : memref<2x32x1024xf32, #tpu.memory_space<vmem>> -> memref<1x32x1024xf32, #tpu.memory_space<vmem>>
      %dma_start3A_196 = tpu.memref_squeeze %dma_start3A_195 : memref<1x32x1024xf32, #tpu.memory_space<vmem>> -> memref<32x1024xf32, #tpu.memory_space<vmem>>
      tpu.enqueue_dma source(%dma_start3A_196 : memref<32x1024xf32, #tpu.memory_space<vmem>>) target(%dma_start3A_192 : memref<32x1024xf32, #tpu.memory_space<hbm>>) target_semaphore(%run_scoped3A_184 : memref<!tpu.dma_semaphore, #tpu.memory_space<semaphore_mem>>)
      %dma_wait3A_197 = arith.constant 0 : i32
      %dma_wait3A_198 = arith.constant 0 : i32
      %dma_wait3A_199 = tpu.memref_slice %arg6[%run_scoped3A_183, %dma_wait3A_197, %dma_wait3A_198] : memref<2x32x1024xf32, #tpu.memory_space<vmem>> -> memref<1x32x1024xf32, #tpu.memory_space<vmem>>
      %dma_wait3A_200 = tpu.memref_squeeze %dma_wait3A_199 : memref<1x32x1024xf32, #tpu.memory_space<vmem>> -> memref<32x1024xf32, #tpu.memory_space<vmem>>
      %dma_wait3A_201 = arith.constant 0 : i32
      %dma_wait3A_202 = tpu.memref_slice %arg4[%add3A_182, %dma_wait3A_201] : memref<8192x1024xf32, #tpu.memory_space<hbm>> -> memref<32x1024xf32, #tpu.memory_space<hbm>>
      %dma_wait3A_203 = arith.constant 0 : i32
      %dma_wait3A_204 = tpu.memref_slice %arg4[%add3A_182, %dma_wait3A_203] : memref<8192x1024xf32, #tpu.memory_space<hbm>> -> memref<32x1024xf32, #tpu.memory_space<hbm>>
      %dma_wait3A_205 = arith.constant 0 : i32
      %dma_wait3A_206 = arith.constant 0 : i32
      %dma_wait3A_207 = tpu.memref_slice %arg6[%run_scoped3A_183, %dma_wait3A_205, %dma_wait3A_206] : memref<2x32x1024xf32, #tpu.memory_space<vmem>> -> memref<1x32x1024xf32, #tpu.memory_space<vmem>>
      %dma_wait3A_208 = tpu.memref_squeeze %dma_wait3A_207 : memref<1x32x1024xf32, #tpu.memory_space<vmem>> -> memref<32x1024xf32, #tpu.memory_space<vmem>>
      tpu.wait_dma2 semaphore(%run_scoped3A_184 : memref<!tpu.dma_semaphore, #tpu.memory_space<semaphore_mem>>) src(%dma_wait3A_208 : memref<32x1024xf32, #tpu.memory_space<vmem>>) dst(%dma_wait3A_204 : memref<32x1024xf32, #tpu.memory_space<hbm>>)
      tpu.yield
    }) : () -> ()
    return
  }
}

#map = affine_map<(d0, d1) -> (0, 0)>
#map1 = affine_map<(d0, d1) -> (0)>
module attributes {stable_mosaic.version = 14 : i64} {
  func.func @k(%arg0: i32, %arg1: i32, %arg2: memref<10240x1024xf32, #tpu.memory_space<hbm>>, %arg3: memref<8192xi32, #tpu.memory_space<hbm>>, %arg4: memref<8192x1024xf32, #tpu.memory_space<hbm>>, %arg5: memref<256xi32, #tpu.memory_space<vmem>>, %arg6: memref<2x32x1024xf32, #tpu.memory_space<vmem>>, %arg7: memref<!tpu.dma_semaphore, #tpu.memory_space<semaphore_mem>>, %arg8: memref<!tpu.dma_semaphore, #tpu.memory_space<semaphore_mem>>) attributes {dimension_semantics = [#tpu.dimension_semantics<core_parallel>, #tpu.dimension_semantics<subcore_parallel>], iteration_bounds = array<i64: 2, 16>, scalar_prefetch = 0 : i64, scratch_operands = 4 : i64, tpu.core_type = #tpu.core_type<sc_vector_subcore>, window_params = [{transform_indices = #map}, {transform_indices = #map1}, {transform_indices = #map}]} {
    %mul3A = arith.constant 2 : i32
    %mul3A_0 = arith.muli %arg1, %mul3A : i32
    %add3A = arith.addi %mul3A_0, %arg0 : i32
    %mul3A_1 = arith.constant 256 : i32
    %mul3A_2 = arith.muli %add3A, %mul3A_1 : i32
    "tpu.region"() ({
      %run_scoped3A_184 = tpu.sem_alloc : memref<!tpu.dma_semaphore, #tpu.memory_space<semaphore_mem>>
      %dma_start3A_185 = tpu.memref_slice %arg3[%mul3A_2] : memref<8192xi32, #tpu.memory_space<hbm>> -> memref<256xi32, #tpu.memory_space<hbm>>
      %dma_start3A_186 = tpu.memref_slice %arg3[%mul3A_2] : memref<8192xi32, #tpu.memory_space<hbm>> -> memref<256xi32, #tpu.memory_space<hbm>>
      tpu.enqueue_dma source(%dma_start3A_186 : memref<256xi32, #tpu.memory_space<hbm>>) target(%arg5 : memref<256xi32, #tpu.memory_space<vmem>>) target_semaphore(%run_scoped3A_184 : memref<!tpu.dma_semaphore, #tpu.memory_space<semaphore_mem>>)
      %dma_wait3A_187 = tpu.memref_slice %arg3[%mul3A_2] : memref<8192xi32, #tpu.memory_space<hbm>> -> memref<256xi32, #tpu.memory_space<hbm>>
      %dma_wait3A_188 = tpu.memref_slice %arg3[%mul3A_2] : memref<8192xi32, #tpu.memory_space<hbm>> -> memref<256xi32, #tpu.memory_space<hbm>>
      tpu.wait_dma2 semaphore(%run_scoped3A_184 : memref<!tpu.dma_semaphore, #tpu.memory_space<semaphore_mem>>) src(%dma_wait3A_188 : memref<256xi32, #tpu.memory_space<hbm>>) dst(%arg5 : memref<256xi32, #tpu.memory_space<vmem>>)
      tpu.yield
    }) : () -> ()
    %dma_start3A = arith.constant 0 : i32
    %dma_start3A_3 = arith.constant 0 : i32
    %dma_start3A_4 = arith.constant 0 : i32
    %dma_start3A_5 = tpu.memref_slice %arg6[%dma_start3A, %dma_start3A_3, %dma_start3A_4] : memref<2x32x1024xf32, #tpu.memory_space<vmem>> -> memref<1x32x1024xf32, #tpu.memory_space<vmem>>
    %dma_start3A_6 = tpu.memref_squeeze %dma_start3A_5 : memref<1x32x1024xf32, #tpu.memory_space<vmem>> -> memref<32x1024xf32, #tpu.memory_space<vmem>>
    %dma_start3A_7 = arith.constant 0 : i32
    %dma_start3A_8 = tpu.memref_slice %arg5[%dma_start3A_7] : memref<256xi32, #tpu.memory_space<vmem>> -> memref<32xi32, #tpu.memory_space<vmem>>
    %dma_start3A_9 = arith.constant 0 : i32
    %dma_start3A_10 = arith.constant 0 : i32
    %dma_start3A_11 = tpu.memref_slice %arg2[%dma_start3A_9, %dma_start3A_10] : memref<10240x1024xf32, #tpu.memory_space<hbm>> -> memref<10240x1024xf32, #tpu.memory_space<hbm>>
    tpu.enqueue_indirect_dma source(%dma_start3A_11 : memref<10240x1024xf32, #tpu.memory_space<hbm>>) target(%dma_start3A_6 : memref<32x1024xf32, #tpu.memory_space<vmem>>) offsets(%dma_start3A_8 : memref<32xi32, #tpu.memory_space<vmem>>) semaphore(%arg7 : memref<!tpu.dma_semaphore, #tpu.memory_space<semaphore_mem>>)
    %dma_start3A_12 = arith.constant 1 : i32
    %dma_start3A_13 = arith.constant 0 : i32
    %dma_start3A_14 = arith.constant 0 : i32
    %dma_start3A_15 = tpu.memref_slice %arg6[%dma_start3A_12, %dma_start3A_13, %dma_start3A_14] : memref<2x32x1024xf32, #tpu.memory_space<vmem>> -> memref<1x32x1024xf32, #tpu.memory_space<vmem>>
    %dma_start3A_16 = tpu.memref_squeeze %dma_start3A_15 : memref<1x32x1024xf32, #tpu.memory_space<vmem>> -> memref<32x1024xf32, #tpu.memory_space<vmem>>
    %dma_start3A_17 = arith.constant 32 : i32
    %dma_start3A_18 = tpu.memref_slice %arg5[%dma_start3A_17] : memref<256xi32, #tpu.memory_space<vmem>> -> memref<32xi32, #tpu.memory_space<vmem>>
    %dma_start3A_19 = arith.constant 0 : i32
    %dma_start3A_20 = arith.constant 0 : i32
    %dma_start3A_21 = tpu.memref_slice %arg2[%dma_start3A_19, %dma_start3A_20] : memref<10240x1024xf32, #tpu.memory_space<hbm>> -> memref<10240x1024xf32, #tpu.memory_space<hbm>>
    tpu.enqueue_indirect_dma source(%dma_start3A_21 : memref<10240x1024xf32, #tpu.memory_space<hbm>>) target(%dma_start3A_16 : memref<32x1024xf32, #tpu.memory_space<vmem>>) offsets(%dma_start3A_18 : memref<32xi32, #tpu.memory_space<vmem>>) semaphore(%arg8 : memref<!tpu.dma_semaphore, #tpu.memory_space<semaphore_mem>>)
    %dma_wait3A = arith.constant 0 : i32
    %dma_wait3A_22 = arith.constant 0 : i32
    %dma_wait3A_23 = arith.constant 0 : i32
    %dma_wait3A_24 = tpu.memref_slice %arg6[%dma_wait3A, %dma_wait3A_22, %dma_wait3A_23] : memref<2x32x1024xf32, #tpu.memory_space<vmem>> -> memref<1x32x1024xf32, #tpu.memory_space<vmem>>
    %dma_wait3A_25 = tpu.memref_squeeze %dma_wait3A_24 : memref<1x32x1024xf32, #tpu.memory_space<vmem>> -> memref<32x1024xf32, #tpu.memory_space<vmem>>
    %dma_wait3A_26 = arith.constant 0 : i32
    %dma_wait3A_27 = tpu.memref_slice %arg5[%dma_wait3A_26] : memref<256xi32, #tpu.memory_space<vmem>> -> memref<32xi32, #tpu.memory_space<vmem>>
    %dma_wait3A_28 = arith.constant 0 : i32
    %dma_wait3A_29 = arith.constant 0 : i32
    %dma_wait3A_30 = tpu.memref_slice %arg2[%dma_wait3A_28, %dma_wait3A_29] : memref<10240x1024xf32, #tpu.memory_space<hbm>> -> memref<10240x1024xf32, #tpu.memory_space<hbm>>
    tpu.wait_indirect_dma semaphore(%arg7 : memref<!tpu.dma_semaphore, #tpu.memory_space<semaphore_mem>>) src(%dma_wait3A_30 : memref<10240x1024xf32, #tpu.memory_space<hbm>>) dst(%dma_wait3A_25 : memref<32x1024xf32, #tpu.memory_space<vmem>>)
    %add3A_31 = arith.constant 0 : i32
    %add3A_32 = arith.addi %mul3A_2, %add3A_31 : i32
    %run_scoped3A = arith.constant 0 : i32
    "tpu.region"() ({
      %run_scoped3A_184 = tpu.sem_alloc : memref<!tpu.dma_semaphore, #tpu.memory_space<semaphore_mem>>
      %dma_start3A_185 = arith.constant 0 : i32
      %dma_start3A_186 = arith.constant 0 : i32
      %dma_start3A_187 = tpu.memref_slice %arg6[%run_scoped3A, %dma_start3A_185, %dma_start3A_186] : memref<2x32x1024xf32, #tpu.memory_space<vmem>> -> memref<1x32x1024xf32, #tpu.memory_space<vmem>>
      %dma_start3A_188 = tpu.memref_squeeze %dma_start3A_187 : memref<1x32x1024xf32, #tpu.memory_space<vmem>> -> memref<32x1024xf32, #tpu.memory_space<vmem>>
      %dma_start3A_189 = arith.constant 0 : i32
      %dma_start3A_190 = tpu.memref_slice %arg4[%add3A_32, %dma_start3A_189] : memref<8192x1024xf32, #tpu.memory_space<hbm>> -> memref<32x1024xf32, #tpu.memory_space<hbm>>
      %dma_start3A_191 = arith.constant 0 : i32
      %dma_start3A_192 = tpu.memref_slice %arg4[%add3A_32, %dma_start3A_191] : memref<8192x1024xf32, #tpu.memory_space<hbm>> -> memref<32x1024xf32, #tpu.memory_space<hbm>>
      %dma_start3A_193 = arith.constant 0 : i32
      %dma_start3A_194 = arith.constant 0 : i32
      %dma_start3A_195 = tpu.memref_slice %arg6[%run_scoped3A, %dma_start3A_193, %dma_start3A_194] : memref<2x32x1024xf32, #tpu.memory_space<vmem>> -> memref<1x32x1024xf32, #tpu.memory_space<vmem>>
      %dma_start3A_196 = tpu.memref_squeeze %dma_start3A_195 : memref<1x32x1024xf32, #tpu.memory_space<vmem>> -> memref<32x1024xf32, #tpu.memory_space<vmem>>
      tpu.enqueue_dma source(%dma_start3A_196 : memref<32x1024xf32, #tpu.memory_space<vmem>>) target(%dma_start3A_192 : memref<32x1024xf32, #tpu.memory_space<hbm>>) target_semaphore(%run_scoped3A_184 : memref<!tpu.dma_semaphore, #tpu.memory_space<semaphore_mem>>)
      %dma_wait3A_197 = arith.constant 0 : i32
      %dma_wait3A_198 = arith.constant 0 : i32
      %dma_wait3A_199 = tpu.memref_slice %arg6[%run_scoped3A, %dma_wait3A_197, %dma_wait3A_198] : memref<2x32x1024xf32, #tpu.memory_space<vmem>> -> memref<1x32x1024xf32, #tpu.memory_space<vmem>>
      %dma_wait3A_200 = tpu.memref_squeeze %dma_wait3A_199 : memref<1x32x1024xf32, #tpu.memory_space<vmem>> -> memref<32x1024xf32, #tpu.memory_space<vmem>>
      %dma_wait3A_201 = arith.constant 0 : i32
      %dma_wait3A_202 = tpu.memref_slice %arg4[%add3A_32, %dma_wait3A_201] : memref<8192x1024xf32, #tpu.memory_space<hbm>> -> memref<32x1024xf32, #tpu.memory_space<hbm>>
      %dma_wait3A_203 = arith.constant 0 : i32
      %dma_wait3A_204 = tpu.memref_slice %arg4[%add3A_32, %dma_wait3A_203] : memref<8192x1024xf32, #tpu.memory_space<hbm>> -> memref<32x1024xf32, #tpu.memory_space<hbm>>
      %dma_wait3A_205 = arith.constant 0 : i32
      %dma_wait3A_206 = arith.constant 0 : i32
      %dma_wait3A_207 = tpu.memref_slice %arg6[%run_scoped3A, %dma_wait3A_205, %dma_wait3A_206] : memref<2x32x1024xf32, #tpu.memory_space<vmem>> -> memref<1x32x1024xf32, #tpu.memory_space<vmem>>
      %dma_wait3A_208 = tpu.memref_squeeze %dma_wait3A_207 : memref<1x32x1024xf32, #tpu.memory_space<vmem>> -> memref<32x1024xf32, #tpu.memory_space<vmem>>
      tpu.wait_dma2 semaphore(%run_scoped3A_184 : memref<!tpu.dma_semaphore, #tpu.memory_space<semaphore_mem>>) src(%dma_wait3A_208 : memref<32x1024xf32, #tpu.memory_space<vmem>>) dst(%dma_wait3A_204 : memref<32x1024xf32, #tpu.memory_space<hbm>>)
      tpu.yield
    }) : () -> ()
    %dma_start3A_33 = arith.constant 0 : i32
    %dma_start3A_34 = arith.constant 0 : i32
    %dma_start3A_35 = arith.constant 0 : i32
    %dma_start3A_36 = tpu.memref_slice %arg6[%dma_start3A_33, %dma_start3A_34, %dma_start3A_35] : memref<2x32x1024xf32, #tpu.memory_space<vmem>> -> memref<1x32x1024xf32, #tpu.memory_space<vmem>>
    %dma_start3A_37 = tpu.memref_squeeze %dma_start3A_36 : memref<1x32x1024xf32, #tpu.memory_space<vmem>> -> memref<32x1024xf32, #tpu.memory_space<vmem>>
    %dma_start3A_38 = arith.constant 64 : i32
    %dma_start3A_39 = tpu.memref_slice %arg5[%dma_start3A_38] : memref<256xi32, #tpu.memory_space<vmem>> -> memref<32xi32, #tpu.memory_space<vmem>>
    %dma_start3A_40 = arith.constant 0 : i32
    %dma_start3A_41 = arith.constant 0 : i32
    %dma_start3A_42 = tpu.memref_slice %arg2[%dma_start3A_40, %dma_start3A_41] : memref<10240x1024xf32, #tpu.memory_space<hbm>> -> memref<10240x1024xf32, #tpu.memory_space<hbm>>
    tpu.enqueue_indirect_dma source(%dma_start3A_42 : memref<10240x1024xf32, #tpu.memory_space<hbm>>) target(%dma_start3A_37 : memref<32x1024xf32, #tpu.memory_space<vmem>>) offsets(%dma_start3A_39 : memref<32xi32, #tpu.memory_space<vmem>>) semaphore(%arg7 : memref<!tpu.dma_semaphore, #tpu.memory_space<semaphore_mem>>)
    %dma_wait3A_43 = arith.constant 1 : i32
    %dma_wait3A_44 = arith.constant 0 : i32
    %dma_wait3A_45 = arith.constant 0 : i32
    %dma_wait3A_46 = tpu.memref_slice %arg6[%dma_wait3A_43, %dma_wait3A_44, %dma_wait3A_45] : memref<2x32x1024xf32, #tpu.memory_space<vmem>> -> memref<1x32x1024xf32, #tpu.memory_space<vmem>>
    %dma_wait3A_47 = tpu.memref_squeeze %dma_wait3A_46 : memref<1x32x1024xf32, #tpu.memory_space<vmem>> -> memref<32x1024xf32, #tpu.memory_space<vmem>>
    %dma_wait3A_48 = arith.constant 32 : i32
    %dma_wait3A_49 = tpu.memref_slice %arg5[%dma_wait3A_48] : memref<256xi32, #tpu.memory_space<vmem>> -> memref<32xi32, #tpu.memory_space<vmem>>
    %dma_wait3A_50 = arith.constant 0 : i32
    %dma_wait3A_51 = arith.constant 0 : i32
    %dma_wait3A_52 = tpu.memref_slice %arg2[%dma_wait3A_50, %dma_wait3A_51] : memref<10240x1024xf32, #tpu.memory_space<hbm>> -> memref<10240x1024xf32, #tpu.memory_space<hbm>>
    tpu.wait_indirect_dma semaphore(%arg8 : memref<!tpu.dma_semaphore, #tpu.memory_space<semaphore_mem>>) src(%dma_wait3A_52 : memref<10240x1024xf32, #tpu.memory_space<hbm>>) dst(%dma_wait3A_47 : memref<32x1024xf32, #tpu.memory_space<vmem>>)
    %add3A_53 = arith.constant 32 : i32
    %add3A_54 = arith.addi %mul3A_2, %add3A_53 : i32
    %run_scoped3A_55 = arith.constant 1 : i32
    "tpu.region"() ({
      %run_scoped3A_184 = tpu.sem_alloc : memref<!tpu.dma_semaphore, #tpu.memory_space<semaphore_mem>>
      %dma_start3A_185 = arith.constant 0 : i32
      %dma_start3A_186 = arith.constant 0 : i32
      %dma_start3A_187 = tpu.memref_slice %arg6[%run_scoped3A_55, %dma_start3A_185, %dma_start3A_186] : memref<2x32x1024xf32, #tpu.memory_space<vmem>> -> memref<1x32x1024xf32, #tpu.memory_space<vmem>>
      %dma_start3A_188 = tpu.memref_squeeze %dma_start3A_187 : memref<1x32x1024xf32, #tpu.memory_space<vmem>> -> memref<32x1024xf32, #tpu.memory_space<vmem>>
      %dma_start3A_189 = arith.constant 0 : i32
      %dma_start3A_190 = tpu.memref_slice %arg4[%add3A_54, %dma_start3A_189] : memref<8192x1024xf32, #tpu.memory_space<hbm>> -> memref<32x1024xf32, #tpu.memory_space<hbm>>
      %dma_start3A_191 = arith.constant 0 : i32
      %dma_start3A_192 = tpu.memref_slice %arg4[%add3A_54, %dma_start3A_191] : memref<8192x1024xf32, #tpu.memory_space<hbm>> -> memref<32x1024xf32, #tpu.memory_space<hbm>>
      %dma_start3A_193 = arith.constant 0 : i32
      %dma_start3A_194 = arith.constant 0 : i32
      %dma_start3A_195 = tpu.memref_slice %arg6[%run_scoped3A_55, %dma_start3A_193, %dma_start3A_194] : memref<2x32x1024xf32, #tpu.memory_space<vmem>> -> memref<1x32x1024xf32, #tpu.memory_space<vmem>>
      %dma_start3A_196 = tpu.memref_squeeze %dma_start3A_195 : memref<1x32x1024xf32, #tpu.memory_space<vmem>> -> memref<32x1024xf32, #tpu.memory_space<vmem>>
      tpu.enqueue_dma source(%dma_start3A_196 : memref<32x1024xf32, #tpu.memory_space<vmem>>) target(%dma_start3A_192 : memref<32x1024xf32, #tpu.memory_space<hbm>>) target_semaphore(%run_scoped3A_184 : memref<!tpu.dma_semaphore, #tpu.memory_space<semaphore_mem>>)
      %dma_wait3A_197 = arith.constant 0 : i32
      %dma_wait3A_198 = arith.constant 0 : i32
      %dma_wait3A_199 = tpu.memref_slice %arg6[%run_scoped3A_55, %dma_wait3A_197, %dma_wait3A_198] : memref<2x32x1024xf32, #tpu.memory_space<vmem>> -> memref<1x32x1024xf32, #tpu.memory_space<vmem>>
      %dma_wait3A_200 = tpu.memref_squeeze %dma_wait3A_199 : memref<1x32x1024xf32, #tpu.memory_space<vmem>> -> memref<32x1024xf32, #tpu.memory_space<vmem>>
      %dma_wait3A_201 = arith.constant 0 : i32
      %dma_wait3A_202 = tpu.memref_slice %arg4[%add3A_54, %dma_wait3A_201] : memref<8192x1024xf32, #tpu.memory_space<hbm>> -> memref<32x1024xf32, #tpu.memory_space<hbm>>
      %dma_wait3A_203 = arith.constant 0 : i32
      %dma_wait3A_204 = tpu.memref_slice %arg4[%add3A_54, %dma_wait3A_203] : memref<8192x1024xf32, #tpu.memory_space<hbm>> -> memref<32x1024xf32, #tpu.memory_space<hbm>>
      %dma_wait3A_205 = arith.constant 0 : i32
      %dma_wait3A_206 = arith.constant 0 : i32
      %dma_wait3A_207 = tpu.memref_slice %arg6[%run_scoped3A_55, %dma_wait3A_205, %dma_wait3A_206] : memref<2x32x1024xf32, #tpu.memory_space<vmem>> -> memref<1x32x1024xf32, #tpu.memory_space<vmem>>
      %dma_wait3A_208 = tpu.memref_squeeze %dma_wait3A_207 : memref<1x32x1024xf32, #tpu.memory_space<vmem>> -> memref<32x1024xf32, #tpu.memory_space<vmem>>
      tpu.wait_dma2 semaphore(%run_scoped3A_184 : memref<!tpu.dma_semaphore, #tpu.memory_space<semaphore_mem>>) src(%dma_wait3A_208 : memref<32x1024xf32, #tpu.memory_space<vmem>>) dst(%dma_wait3A_204 : memref<32x1024xf32, #tpu.memory_space<hbm>>)
      tpu.yield
    }) : () -> ()
    %dma_start3A_56 = arith.constant 1 : i32
    %dma_start3A_57 = arith.constant 0 : i32
    %dma_start3A_58 = arith.constant 0 : i32
    %dma_start3A_59 = tpu.memref_slice %arg6[%dma_start3A_56, %dma_start3A_57, %dma_start3A_58] : memref<2x32x1024xf32, #tpu.memory_space<vmem>> -> memref<1x32x1024xf32, #tpu.memory_space<vmem>>
    %dma_start3A_60 = tpu.memref_squeeze %dma_start3A_59 : memref<1x32x1024xf32, #tpu.memory_space<vmem>> -> memref<32x1024xf32, #tpu.memory_space<vmem>>
    %dma_start3A_61 = arith.constant 96 : i32
    %dma_start3A_62 = tpu.memref_slice %arg5[%dma_start3A_61] : memref<256xi32, #tpu.memory_space<vmem>> -> memref<32xi32, #tpu.memory_space<vmem>>
    %dma_start3A_63 = arith.constant 0 : i32
    %dma_start3A_64 = arith.constant 0 : i32
    %dma_start3A_65 = tpu.memref_slice %arg2[%dma_start3A_63, %dma_start3A_64] : memref<10240x1024xf32, #tpu.memory_space<hbm>> -> memref<10240x1024xf32, #tpu.memory_space<hbm>>
    tpu.enqueue_indirect_dma source(%dma_start3A_65 : memref<10240x1024xf32, #tpu.memory_space<hbm>>) target(%dma_start3A_60 : memref<32x1024xf32, #tpu.memory_space<vmem>>) offsets(%dma_start3A_62 : memref<32xi32, #tpu.memory_space<vmem>>) semaphore(%arg8 : memref<!tpu.dma_semaphore, #tpu.memory_space<semaphore_mem>>)
    %dma_wait3A_66 = arith.constant 0 : i32
    %dma_wait3A_67 = arith.constant 0 : i32
    %dma_wait3A_68 = arith.constant 0 : i32
    %dma_wait3A_69 = tpu.memref_slice %arg6[%dma_wait3A_66, %dma_wait3A_67, %dma_wait3A_68] : memref<2x32x1024xf32, #tpu.memory_space<vmem>> -> memref<1x32x1024xf32, #tpu.memory_space<vmem>>
    %dma_wait3A_70 = tpu.memref_squeeze %dma_wait3A_69 : memref<1x32x1024xf32, #tpu.memory_space<vmem>> -> memref<32x1024xf32, #tpu.memory_space<vmem>>
    %dma_wait3A_71 = arith.constant 64 : i32
    %dma_wait3A_72 = tpu.memref_slice %arg5[%dma_wait3A_71] : memref<256xi32, #tpu.memory_space<vmem>> -> memref<32xi32, #tpu.memory_space<vmem>>
    %dma_wait3A_73 = arith.constant 0 : i32
    %dma_wait3A_74 = arith.constant 0 : i32
    %dma_wait3A_75 = tpu.memref_slice %arg2[%dma_wait3A_73, %dma_wait3A_74] : memref<10240x1024xf32, #tpu.memory_space<hbm>> -> memref<10240x1024xf32, #tpu.memory_space<hbm>>
    tpu.wait_indirect_dma semaphore(%arg7 : memref<!tpu.dma_semaphore, #tpu.memory_space<semaphore_mem>>) src(%dma_wait3A_75 : memref<10240x1024xf32, #tpu.memory_space<hbm>>) dst(%dma_wait3A_70 : memref<32x1024xf32, #tpu.memory_space<vmem>>)
    %add3A_76 = arith.constant 64 : i32
    %add3A_77 = arith.addi %mul3A_2, %add3A_76 : i32
    %run_scoped3A_78 = arith.constant 0 : i32
    "tpu.region"() ({
      %run_scoped3A_184 = tpu.sem_alloc : memref<!tpu.dma_semaphore, #tpu.memory_space<semaphore_mem>>
      %dma_start3A_185 = arith.constant 0 : i32
      %dma_start3A_186 = arith.constant 0 : i32
      %dma_start3A_187 = tpu.memref_slice %arg6[%run_scoped3A_78, %dma_start3A_185, %dma_start3A_186] : memref<2x32x1024xf32, #tpu.memory_space<vmem>> -> memref<1x32x1024xf32, #tpu.memory_space<vmem>>
      %dma_start3A_188 = tpu.memref_squeeze %dma_start3A_187 : memref<1x32x1024xf32, #tpu.memory_space<vmem>> -> memref<32x1024xf32, #tpu.memory_space<vmem>>
      %dma_start3A_189 = arith.constant 0 : i32
      %dma_start3A_190 = tpu.memref_slice %arg4[%add3A_77, %dma_start3A_189] : memref<8192x1024xf32, #tpu.memory_space<hbm>> -> memref<32x1024xf32, #tpu.memory_space<hbm>>
      %dma_start3A_191 = arith.constant 0 : i32
      %dma_start3A_192 = tpu.memref_slice %arg4[%add3A_77, %dma_start3A_191] : memref<8192x1024xf32, #tpu.memory_space<hbm>> -> memref<32x1024xf32, #tpu.memory_space<hbm>>
      %dma_start3A_193 = arith.constant 0 : i32
      %dma_start3A_194 = arith.constant 0 : i32
      %dma_start3A_195 = tpu.memref_slice %arg6[%run_scoped3A_78, %dma_start3A_193, %dma_start3A_194] : memref<2x32x1024xf32, #tpu.memory_space<vmem>> -> memref<1x32x1024xf32, #tpu.memory_space<vmem>>
      %dma_start3A_196 = tpu.memref_squeeze %dma_start3A_195 : memref<1x32x1024xf32, #tpu.memory_space<vmem>> -> memref<32x1024xf32, #tpu.memory_space<vmem>>
      tpu.enqueue_dma source(%dma_start3A_196 : memref<32x1024xf32, #tpu.memory_space<vmem>>) target(%dma_start3A_192 : memref<32x1024xf32, #tpu.memory_space<hbm>>) target_semaphore(%run_scoped3A_184 : memref<!tpu.dma_semaphore, #tpu.memory_space<semaphore_mem>>)
      %dma_wait3A_197 = arith.constant 0 : i32
      %dma_wait3A_198 = arith.constant 0 : i32
      %dma_wait3A_199 = tpu.memref_slice %arg6[%run_scoped3A_78, %dma_wait3A_197, %dma_wait3A_198] : memref<2x32x1024xf32, #tpu.memory_space<vmem>> -> memref<1x32x1024xf32, #tpu.memory_space<vmem>>
      %dma_wait3A_200 = tpu.memref_squeeze %dma_wait3A_199 : memref<1x32x1024xf32, #tpu.memory_space<vmem>> -> memref<32x1024xf32, #tpu.memory_space<vmem>>
      %dma_wait3A_201 = arith.constant 0 : i32
      %dma_wait3A_202 = tpu.memref_slice %arg4[%add3A_77, %dma_wait3A_201] : memref<8192x1024xf32, #tpu.memory_space<hbm>> -> memref<32x1024xf32, #tpu.memory_space<hbm>>
      %dma_wait3A_203 = arith.constant 0 : i32
      %dma_wait3A_204 = tpu.memref_slice %arg4[%add3A_77, %dma_wait3A_203] : memref<8192x1024xf32, #tpu.memory_space<hbm>> -> memref<32x1024xf32, #tpu.memory_space<hbm>>
      %dma_wait3A_205 = arith.constant 0 : i32
      %dma_wait3A_206 = arith.constant 0 : i32
      %dma_wait3A_207 = tpu.memref_slice %arg6[%run_scoped3A_78, %dma_wait3A_205, %dma_wait3A_206] : memref<2x32x1024xf32, #tpu.memory_space<vmem>> -> memref<1x32x1024xf32, #tpu.memory_space<vmem>>
      %dma_wait3A_208 = tpu.memref_squeeze %dma_wait3A_207 : memref<1x32x1024xf32, #tpu.memory_space<vmem>> -> memref<32x1024xf32, #tpu.memory_space<vmem>>
      tpu.wait_dma2 semaphore(%run_scoped3A_184 : memref<!tpu.dma_semaphore, #tpu.memory_space<semaphore_mem>>) src(%dma_wait3A_208 : memref<32x1024xf32, #tpu.memory_space<vmem>>) dst(%dma_wait3A_204 : memref<32x1024xf32, #tpu.memory_space<hbm>>)
      tpu.yield
    }) : () -> ()
    %dma_start3A_79 = arith.constant 0 : i32
    %dma_start3A_80 = arith.constant 0 : i32
    %dma_start3A_81 = arith.constant 0 : i32
    %dma_start3A_82 = tpu.memref_slice %arg6[%dma_start3A_79, %dma_start3A_80, %dma_start3A_81] : memref<2x32x1024xf32, #tpu.memory_space<vmem>> -> memref<1x32x1024xf32, #tpu.memory_space<vmem>>
    %dma_start3A_83 = tpu.memref_squeeze %dma_start3A_82 : memref<1x32x1024xf32, #tpu.memory_space<vmem>> -> memref<32x1024xf32, #tpu.memory_space<vmem>>
    %dma_start3A_84 = arith.constant 128 : i32
    %dma_start3A_85 = tpu.memref_slice %arg5[%dma_start3A_84] : memref<256xi32, #tpu.memory_space<vmem>> -> memref<32xi32, #tpu.memory_space<vmem>>
    %dma_start3A_86 = arith.constant 0 : i32
    %dma_start3A_87 = arith.constant 0 : i32
    %dma_start3A_88 = tpu.memref_slice %arg2[%dma_start3A_86, %dma_start3A_87] : memref<10240x1024xf32, #tpu.memory_space<hbm>> -> memref<10240x1024xf32, #tpu.memory_space<hbm>>
    tpu.enqueue_indirect_dma source(%dma_start3A_88 : memref<10240x1024xf32, #tpu.memory_space<hbm>>) target(%dma_start3A_83 : memref<32x1024xf32, #tpu.memory_space<vmem>>) offsets(%dma_start3A_85 : memref<32xi32, #tpu.memory_space<vmem>>) semaphore(%arg7 : memref<!tpu.dma_semaphore, #tpu.memory_space<semaphore_mem>>)
    %dma_wait3A_89 = arith.constant 1 : i32
    %dma_wait3A_90 = arith.constant 0 : i32
    %dma_wait3A_91 = arith.constant 0 : i32
    %dma_wait3A_92 = tpu.memref_slice %arg6[%dma_wait3A_89, %dma_wait3A_90, %dma_wait3A_91] : memref<2x32x1024xf32, #tpu.memory_space<vmem>> -> memref<1x32x1024xf32, #tpu.memory_space<vmem>>
    %dma_wait3A_93 = tpu.memref_squeeze %dma_wait3A_92 : memref<1x32x1024xf32, #tpu.memory_space<vmem>> -> memref<32x1024xf32, #tpu.memory_space<vmem>>
    %dma_wait3A_94 = arith.constant 96 : i32
    %dma_wait3A_95 = tpu.memref_slice %arg5[%dma_wait3A_94] : memref<256xi32, #tpu.memory_space<vmem>> -> memref<32xi32, #tpu.memory_space<vmem>>
    %dma_wait3A_96 = arith.constant 0 : i32
    %dma_wait3A_97 = arith.constant 0 : i32
    %dma_wait3A_98 = tpu.memref_slice %arg2[%dma_wait3A_96, %dma_wait3A_97] : memref<10240x1024xf32, #tpu.memory_space<hbm>> -> memref<10240x1024xf32, #tpu.memory_space<hbm>>
    tpu.wait_indirect_dma semaphore(%arg8 : memref<!tpu.dma_semaphore, #tpu.memory_space<semaphore_mem>>) src(%dma_wait3A_98 : memref<10240x1024xf32, #tpu.memory_space<hbm>>) dst(%dma_wait3A_93 : memref<32x1024xf32, #tpu.memory_space<vmem>>)
    %add3A_99 = arith.constant 96 : i32
    %add3A_100 = arith.addi %mul3A_2, %add3A_99 : i32
    %run_scoped3A_101 = arith.constant 1 : i32
    "tpu.region"() ({
      %run_scoped3A_184 = tpu.sem_alloc : memref<!tpu.dma_semaphore, #tpu.memory_space<semaphore_mem>>
      %dma_start3A_185 = arith.constant 0 : i32
      %dma_start3A_186 = arith.constant 0 : i32
      %dma_start3A_187 = tpu.memref_slice %arg6[%run_scoped3A_101, %dma_start3A_185, %dma_start3A_186] : memref<2x32x1024xf32, #tpu.memory_space<vmem>> -> memref<1x32x1024xf32, #tpu.memory_space<vmem>>
      %dma_start3A_188 = tpu.memref_squeeze %dma_start3A_187 : memref<1x32x1024xf32, #tpu.memory_space<vmem>> -> memref<32x1024xf32, #tpu.memory_space<vmem>>
      %dma_start3A_189 = arith.constant 0 : i32
      %dma_start3A_190 = tpu.memref_slice %arg4[%add3A_100, %dma_start3A_189] : memref<8192x1024xf32, #tpu.memory_space<hbm>> -> memref<32x1024xf32, #tpu.memory_space<hbm>>
      %dma_start3A_191 = arith.constant 0 : i32
      %dma_start3A_192 = tpu.memref_slice %arg4[%add3A_100, %dma_start3A_191] : memref<8192x1024xf32, #tpu.memory_space<hbm>> -> memref<32x1024xf32, #tpu.memory_space<hbm>>
      %dma_start3A_193 = arith.constant 0 : i32
      %dma_start3A_194 = arith.constant 0 : i32
      %dma_start3A_195 = tpu.memref_slice %arg6[%run_scoped3A_101, %dma_start3A_193, %dma_start3A_194] : memref<2x32x1024xf32, #tpu.memory_space<vmem>> -> memref<1x32x1024xf32, #tpu.memory_space<vmem>>
      %dma_start3A_196 = tpu.memref_squeeze %dma_start3A_195 : memref<1x32x1024xf32, #tpu.memory_space<vmem>> -> memref<32x1024xf32, #tpu.memory_space<vmem>>
      tpu.enqueue_dma source(%dma_start3A_196 : memref<32x1024xf32, #tpu.memory_space<vmem>>) target(%dma_start3A_192 : memref<32x1024xf32, #tpu.memory_space<hbm>>) target_semaphore(%run_scoped3A_184 : memref<!tpu.dma_semaphore, #tpu.memory_space<semaphore_mem>>)
      %dma_wait3A_197 = arith.constant 0 : i32
      %dma_wait3A_198 = arith.constant 0 : i32
      %dma_wait3A_199 = tpu.memref_slice %arg6[%run_scoped3A_101, %dma_wait3A_197, %dma_wait3A_198] : memref<2x32x1024xf32, #tpu.memory_space<vmem>> -> memref<1x32x1024xf32, #tpu.memory_space<vmem>>
      %dma_wait3A_200 = tpu.memref_squeeze %dma_wait3A_199 : memref<1x32x1024xf32, #tpu.memory_space<vmem>> -> memref<32x1024xf32, #tpu.memory_space<vmem>>
      %dma_wait3A_201 = arith.constant 0 : i32
      %dma_wait3A_202 = tpu.memref_slice %arg4[%add3A_100, %dma_wait3A_201] : memref<8192x1024xf32, #tpu.memory_space<hbm>> -> memref<32x1024xf32, #tpu.memory_space<hbm>>
      %dma_wait3A_203 = arith.constant 0 : i32
      %dma_wait3A_204 = tpu.memref_slice %arg4[%add3A_100, %dma_wait3A_203] : memref<8192x1024xf32, #tpu.memory_space<hbm>> -> memref<32x1024xf32, #tpu.memory_space<hbm>>
      %dma_wait3A_205 = arith.constant 0 : i32
      %dma_wait3A_206 = arith.constant 0 : i32
      %dma_wait3A_207 = tpu.memref_slice %arg6[%run_scoped3A_101, %dma_wait3A_205, %dma_wait3A_206] : memref<2x32x1024xf32, #tpu.memory_space<vmem>> -> memref<1x32x1024xf32, #tpu.memory_space<vmem>>
      %dma_wait3A_208 = tpu.memref_squeeze %dma_wait3A_207 : memref<1x32x1024xf32, #tpu.memory_space<vmem>> -> memref<32x1024xf32, #tpu.memory_space<vmem>>
      tpu.wait_dma2 semaphore(%run_scoped3A_184 : memref<!tpu.dma_semaphore, #tpu.memory_space<semaphore_mem>>) src(%dma_wait3A_208 : memref<32x1024xf32, #tpu.memory_space<vmem>>) dst(%dma_wait3A_204 : memref<32x1024xf32, #tpu.memory_space<hbm>>)
      tpu.yield
    }) : () -> ()
    %dma_start3A_102 = arith.constant 1 : i32
    %dma_start3A_103 = arith.constant 0 : i32
    %dma_start3A_104 = arith.constant 0 : i32
    %dma_start3A_105 = tpu.memref_slice %arg6[%dma_start3A_102, %dma_start3A_103, %dma_start3A_104] : memref<2x32x1024xf32, #tpu.memory_space<vmem>> -> memref<1x32x1024xf32, #tpu.memory_space<vmem>>
    %dma_start3A_106 = tpu.memref_squeeze %dma_start3A_105 : memref<1x32x1024xf32, #tpu.memory_space<vmem>> -> memref<32x1024xf32, #tpu.memory_space<vmem>>
    %dma_start3A_107 = arith.constant 160 : i32
    %dma_start3A_108 = tpu.memref_slice %arg5[%dma_start3A_107] : memref<256xi32, #tpu.memory_space<vmem>> -> memref<32xi32, #tpu.memory_space<vmem>>
    %dma_start3A_109 = arith.constant 0 : i32
    %dma_start3A_110 = arith.constant 0 : i32
    %dma_start3A_111 = tpu.memref_slice %arg2[%dma_start3A_109, %dma_start3A_110] : memref<10240x1024xf32, #tpu.memory_space<hbm>> -> memref<10240x1024xf32, #tpu.memory_space<hbm>>
    tpu.enqueue_indirect_dma source(%dma_start3A_111 : memref<10240x1024xf32, #tpu.memory_space<hbm>>) target(%dma_start3A_106 : memref<32x1024xf32, #tpu.memory_space<vmem>>) offsets(%dma_start3A_108 : memref<32xi32, #tpu.memory_space<vmem>>) semaphore(%arg8 : memref<!tpu.dma_semaphore, #tpu.memory_space<semaphore_mem>>)
    %dma_wait3A_112 = arith.constant 0 : i32
    %dma_wait3A_113 = arith.constant 0 : i32
    %dma_wait3A_114 = arith.constant 0 : i32
    %dma_wait3A_115 = tpu.memref_slice %arg6[%dma_wait3A_112, %dma_wait3A_113, %dma_wait3A_114] : memref<2x32x1024xf32, #tpu.memory_space<vmem>> -> memref<1x32x1024xf32, #tpu.memory_space<vmem>>
    %dma_wait3A_116 = tpu.memref_squeeze %dma_wait3A_115 : memref<1x32x1024xf32, #tpu.memory_space<vmem>> -> memref<32x1024xf32, #tpu.memory_space<vmem>>
    %dma_wait3A_117 = arith.constant 128 : i32
    %dma_wait3A_118 = tpu.memref_slice %arg5[%dma_wait3A_117] : memref<256xi32, #tpu.memory_space<vmem>> -> memref<32xi32, #tpu.memory_space<vmem>>
    %dma_wait3A_119 = arith.constant 0 : i32
    %dma_wait3A_120 = arith.constant 0 : i32
    %dma_wait3A_121 = tpu.memref_slice %arg2[%dma_wait3A_119, %dma_wait3A_120] : memref<10240x1024xf32, #tpu.memory_space<hbm>> -> memref<10240x1024xf32, #tpu.memory_space<hbm>>
    tpu.wait_indirect_dma semaphore(%arg7 : memref<!tpu.dma_semaphore, #tpu.memory_space<semaphore_mem>>) src(%dma_wait3A_121 : memref<10240x1024xf32, #tpu.memory_space<hbm>>) dst(%dma_wait3A_116 : memref<32x1024xf32, #tpu.memory_space<vmem>>)
    %add3A_122 = arith.constant 128 : i32
    %add3A_123 = arith.addi %mul3A_2, %add3A_122 : i32
    %run_scoped3A_124 = arith.constant 0 : i32
    "tpu.region"() ({
      %run_scoped3A_184 = tpu.sem_alloc : memref<!tpu.dma_semaphore, #tpu.memory_space<semaphore_mem>>
      %dma_start3A_185 = arith.constant 0 : i32
      %dma_start3A_186 = arith.constant 0 : i32
      %dma_start3A_187 = tpu.memref_slice %arg6[%run_scoped3A_124, %dma_start3A_185, %dma_start3A_186] : memref<2x32x1024xf32, #tpu.memory_space<vmem>> -> memref<1x32x1024xf32, #tpu.memory_space<vmem>>
      %dma_start3A_188 = tpu.memref_squeeze %dma_start3A_187 : memref<1x32x1024xf32, #tpu.memory_space<vmem>> -> memref<32x1024xf32, #tpu.memory_space<vmem>>
      %dma_start3A_189 = arith.constant 0 : i32
      %dma_start3A_190 = tpu.memref_slice %arg4[%add3A_123, %dma_start3A_189] : memref<8192x1024xf32, #tpu.memory_space<hbm>> -> memref<32x1024xf32, #tpu.memory_space<hbm>>
      %dma_start3A_191 = arith.constant 0 : i32
      %dma_start3A_192 = tpu.memref_slice %arg4[%add3A_123, %dma_start3A_191] : memref<8192x1024xf32, #tpu.memory_space<hbm>> -> memref<32x1024xf32, #tpu.memory_space<hbm>>
      %dma_start3A_193 = arith.constant 0 : i32
      %dma_start3A_194 = arith.constant 0 : i32
      %dma_start3A_195 = tpu.memref_slice %arg6[%run_scoped3A_124, %dma_start3A_193, %dma_start3A_194] : memref<2x32x1024xf32, #tpu.memory_space<vmem>> -> memref<1x32x1024xf32, #tpu.memory_space<vmem>>
      %dma_start3A_196 = tpu.memref_squeeze %dma_start3A_195 : memref<1x32x1024xf32, #tpu.memory_space<vmem>> -> memref<32x1024xf32, #tpu.memory_space<vmem>>
      tpu.enqueue_dma source(%dma_start3A_196 : memref<32x1024xf32, #tpu.memory_space<vmem>>) target(%dma_start3A_192 : memref<32x1024xf32, #tpu.memory_space<hbm>>) target_semaphore(%run_scoped3A_184 : memref<!tpu.dma_semaphore, #tpu.memory_space<semaphore_mem>>)
      %dma_wait3A_197 = arith.constant 0 : i32
      %dma_wait3A_198 = arith.constant 0 : i32
      %dma_wait3A_199 = tpu.memref_slice %arg6[%run_scoped3A_124, %dma_wait3A_197, %dma_wait3A_198] : memref<2x32x1024xf32, #tpu.memory_space<vmem>> -> memref<1x32x1024xf32, #tpu.memory_space<vmem>>
      %dma_wait3A_200 = tpu.memref_squeeze %dma_wait3A_199 : memref<1x32x1024xf32, #tpu.memory_space<vmem>> -> memref<32x1024xf32, #tpu.memory_space<vmem>>
      %dma_wait3A_201 = arith.constant 0 : i32
      %dma_wait3A_202 = tpu.memref_slice %arg4[%add3A_123, %dma_wait3A_201] : memref<8192x1024xf32, #tpu.memory_space<hbm>> -> memref<32x1024xf32, #tpu.memory_space<hbm>>
      %dma_wait3A_203 = arith.constant 0 : i32
      %dma_wait3A_204 = tpu.memref_slice %arg4[%add3A_123, %dma_wait3A_203] : memref<8192x1024xf32, #tpu.memory_space<hbm>> -> memref<32x1024xf32, #tpu.memory_space<hbm>>
      %dma_wait3A_205 = arith.constant 0 : i32
      %dma_wait3A_206 = arith.constant 0 : i32
      %dma_wait3A_207 = tpu.memref_slice %arg6[%run_scoped3A_124, %dma_wait3A_205, %dma_wait3A_206] : memref<2x32x1024xf32, #tpu.memory_space<vmem>> -> memref<1x32x1024xf32, #tpu.memory_space<vmem>>
      %dma_wait3A_208 = tpu.memref_squeeze %dma_wait3A_207 : memref<1x32x1024xf32, #tpu.memory_space<vmem>> -> memref<32x1024xf32, #tpu.memory_space<vmem>>
      tpu.wait_dma2 semaphore(%run_scoped3A_184 : memref<!tpu.dma_semaphore, #tpu.memory_space<semaphore_mem>>) src(%dma_wait3A_208 : memref<32x1024xf32, #tpu.memory_space<vmem>>) dst(%dma_wait3A_204 : memref<32x1024xf32, #tpu.memory_space<hbm>>)
      tpu.yield
    }) : () -> ()
    %dma_start3A_125 = arith.constant 0 : i32
    %dma_start3A_126 = arith.constant 0 : i32
    %dma_start3A_127 = arith.constant 0 : i32
    %dma_start3A_128 = tpu.memref_slice %arg6[%dma_start3A_125, %dma_start3A_126, %dma_start3A_127] : memref<2x32x1024xf32, #tpu.memory_space<vmem>> -> memref<1x32x1024xf32, #tpu.memory_space<vmem>>
    %dma_start3A_129 = tpu.memref_squeeze %dma_start3A_128 : memref<1x32x1024xf32, #tpu.memory_space<vmem>> -> memref<32x1024xf32, #tpu.memory_space<vmem>>
    %dma_start3A_130 = arith.constant 192 : i32
    %dma_start3A_131 = tpu.memref_slice %arg5[%dma_start3A_130] : memref<256xi32, #tpu.memory_space<vmem>> -> memref<32xi32, #tpu.memory_space<vmem>>
    %dma_start3A_132 = arith.constant 0 : i32
    %dma_start3A_133 = arith.constant 0 : i32
    %dma_start3A_134 = tpu.memref_slice %arg2[%dma_start3A_132, %dma_start3A_133] : memref<10240x1024xf32, #tpu.memory_space<hbm>> -> memref<10240x1024xf32, #tpu.memory_space<hbm>>
    tpu.enqueue_indirect_dma source(%dma_start3A_134 : memref<10240x1024xf32, #tpu.memory_space<hbm>>) target(%dma_start3A_129 : memref<32x1024xf32, #tpu.memory_space<vmem>>) offsets(%dma_start3A_131 : memref<32xi32, #tpu.memory_space<vmem>>) semaphore(%arg7 : memref<!tpu.dma_semaphore, #tpu.memory_space<semaphore_mem>>)
    %dma_wait3A_135 = arith.constant 1 : i32
    %dma_wait3A_136 = arith.constant 0 : i32
    %dma_wait3A_137 = arith.constant 0 : i32
    %dma_wait3A_138 = tpu.memref_slice %arg6[%dma_wait3A_135, %dma_wait3A_136, %dma_wait3A_137] : memref<2x32x1024xf32, #tpu.memory_space<vmem>> -> memref<1x32x1024xf32, #tpu.memory_space<vmem>>
    %dma_wait3A_139 = tpu.memref_squeeze %dma_wait3A_138 : memref<1x32x1024xf32, #tpu.memory_space<vmem>> -> memref<32x1024xf32, #tpu.memory_space<vmem>>
    %dma_wait3A_140 = arith.constant 160 : i32
    %dma_wait3A_141 = tpu.memref_slice %arg5[%dma_wait3A_140] : memref<256xi32, #tpu.memory_space<vmem>> -> memref<32xi32, #tpu.memory_space<vmem>>
    %dma_wait3A_142 = arith.constant 0 : i32
    %dma_wait3A_143 = arith.constant 0 : i32
    %dma_wait3A_144 = tpu.memref_slice %arg2[%dma_wait3A_142, %dma_wait3A_143] : memref<10240x1024xf32, #tpu.memory_space<hbm>> -> memref<10240x1024xf32, #tpu.memory_space<hbm>>
    tpu.wait_indirect_dma semaphore(%arg8 : memref<!tpu.dma_semaphore, #tpu.memory_space<semaphore_mem>>) src(%dma_wait3A_144 : memref<10240x1024xf32, #tpu.memory_space<hbm>>) dst(%dma_wait3A_139 : memref<32x1024xf32, #tpu.memory_space<vmem>>)
    %add3A_145 = arith.constant 160 : i32
    %add3A_146 = arith.addi %mul3A_2, %add3A_145 : i32
    %run_scoped3A_147 = arith.constant 1 : i32
    "tpu.region"() ({
      %run_scoped3A_184 = tpu.sem_alloc : memref<!tpu.dma_semaphore, #tpu.memory_space<semaphore_mem>>
      %dma_start3A_185 = arith.constant 0 : i32
      %dma_start3A_186 = arith.constant 0 : i32
      %dma_start3A_187 = tpu.memref_slice %arg6[%run_scoped3A_147, %dma_start3A_185, %dma_start3A_186] : memref<2x32x1024xf32, #tpu.memory_space<vmem>> -> memref<1x32x1024xf32, #tpu.memory_space<vmem>>
      %dma_start3A_188 = tpu.memref_squeeze %dma_start3A_187 : memref<1x32x1024xf32, #tpu.memory_space<vmem>> -> memref<32x1024xf32, #tpu.memory_space<vmem>>
      %dma_start3A_189 = arith.constant 0 : i32
      %dma_start3A_190 = tpu.memref_slice %arg4[%add3A_146, %dma_start3A_189] : memref<8192x1024xf32, #tpu.memory_space<hbm>> -> memref<32x1024xf32, #tpu.memory_space<hbm>>
      %dma_start3A_191 = arith.constant 0 : i32
      %dma_start3A_192 = tpu.memref_slice %arg4[%add3A_146, %dma_start3A_191] : memref<8192x1024xf32, #tpu.memory_space<hbm>> -> memref<32x1024xf32, #tpu.memory_space<hbm>>
      %dma_start3A_193 = arith.constant 0 : i32
      %dma_start3A_194 = arith.constant 0 : i32
      %dma_start3A_195 = tpu.memref_slice %arg6[%run_scoped3A_147, %dma_start3A_193, %dma_start3A_194] : memref<2x32x1024xf32, #tpu.memory_space<vmem>> -> memref<1x32x1024xf32, #tpu.memory_space<vmem>>
      %dma_start3A_196 = tpu.memref_squeeze %dma_start3A_195 : memref<1x32x1024xf32, #tpu.memory_space<vmem>> -> memref<32x1024xf32, #tpu.memory_space<vmem>>
      tpu.enqueue_dma source(%dma_start3A_196 : memref<32x1024xf32, #tpu.memory_space<vmem>>) target(%dma_start3A_192 : memref<32x1024xf32, #tpu.memory_space<hbm>>) target_semaphore(%run_scoped3A_184 : memref<!tpu.dma_semaphore, #tpu.memory_space<semaphore_mem>>)
      %dma_wait3A_197 = arith.constant 0 : i32
      %dma_wait3A_198 = arith.constant 0 : i32
      %dma_wait3A_199 = tpu.memref_slice %arg6[%run_scoped3A_147, %dma_wait3A_197, %dma_wait3A_198] : memref<2x32x1024xf32, #tpu.memory_space<vmem>> -> memref<1x32x1024xf32, #tpu.memory_space<vmem>>
      %dma_wait3A_200 = tpu.memref_squeeze %dma_wait3A_199 : memref<1x32x1024xf32, #tpu.memory_space<vmem>> -> memref<32x1024xf32, #tpu.memory_space<vmem>>
      %dma_wait3A_201 = arith.constant 0 : i32
      %dma_wait3A_202 = tpu.memref_slice %arg4[%add3A_146, %dma_wait3A_201] : memref<8192x1024xf32, #tpu.memory_space<hbm>> -> memref<32x1024xf32, #tpu.memory_space<hbm>>
      %dma_wait3A_203 = arith.constant 0 : i32
      %dma_wait3A_204 = tpu.memref_slice %arg4[%add3A_146, %dma_wait3A_203] : memref<8192x1024xf32, #tpu.memory_space<hbm>> -> memref<32x1024xf32, #tpu.memory_space<hbm>>
      %dma_wait3A_205 = arith.constant 0 : i32
      %dma_wait3A_206 = arith.constant 0 : i32
      %dma_wait3A_207 = tpu.memref_slice %arg6[%run_scoped3A_147, %dma_wait3A_205, %dma_wait3A_206] : memref<2x32x1024xf32, #tpu.memory_space<vmem>> -> memref<1x32x1024xf32, #tpu.memory_space<vmem>>
      %dma_wait3A_208 = tpu.memref_squeeze %dma_wait3A_207 : memref<1x32x1024xf32, #tpu.memory_space<vmem>> -> memref<32x1024xf32, #tpu.memory_space<vmem>>
      tpu.wait_dma2 semaphore(%run_scoped3A_184 : memref<!tpu.dma_semaphore, #tpu.memory_space<semaphore_mem>>) src(%dma_wait3A_208 : memref<32x1024xf32, #tpu.memory_space<vmem>>) dst(%dma_wait3A_204 : memref<32x1024xf32, #tpu.memory_space<hbm>>)
      tpu.yield
    }) : () -> ()
    %dma_start3A_148 = arith.constant 1 : i32
    %dma_start3A_149 = arith.constant 0 : i32
    %dma_start3A_150 = arith.constant 0 : i32
    %dma_start3A_151 = tpu.memref_slice %arg6[%dma_start3A_148, %dma_start3A_149, %dma_start3A_150] : memref<2x32x1024xf32, #tpu.memory_space<vmem>> -> memref<1x32x1024xf32, #tpu.memory_space<vmem>>
    %dma_start3A_152 = tpu.memref_squeeze %dma_start3A_151 : memref<1x32x1024xf32, #tpu.memory_space<vmem>> -> memref<32x1024xf32, #tpu.memory_space<vmem>>
    %dma_start3A_153 = arith.constant 224 : i32
    %dma_start3A_154 = tpu.memref_slice %arg5[%dma_start3A_153] : memref<256xi32, #tpu.memory_space<vmem>> -> memref<32xi32, #tpu.memory_space<vmem>>
    %dma_start3A_155 = arith.constant 0 : i32
    %dma_start3A_156 = arith.constant 0 : i32
    %dma_start3A_157 = tpu.memref_slice %arg2[%dma_start3A_155, %dma_start3A_156] : memref<10240x1024xf32, #tpu.memory_space<hbm>> -> memref<10240x1024xf32, #tpu.memory_space<hbm>>
    tpu.enqueue_indirect_dma source(%dma_start3A_157 : memref<10240x1024xf32, #tpu.memory_space<hbm>>) target(%dma_start3A_152 : memref<32x1024xf32, #tpu.memory_space<vmem>>) offsets(%dma_start3A_154 : memref<32xi32, #tpu.memory_space<vmem>>) semaphore(%arg8 : memref<!tpu.dma_semaphore, #tpu.memory_space<semaphore_mem>>)
    %dma_wait3A_158 = arith.constant 0 : i32
    %dma_wait3A_159 = arith.constant 0 : i32
    %dma_wait3A_160 = arith.constant 0 : i32
    %dma_wait3A_161 = tpu.memref_slice %arg6[%dma_wait3A_158, %dma_wait3A_159, %dma_wait3A_160] : memref<2x32x1024xf32, #tpu.memory_space<vmem>> -> memref<1x32x1024xf32, #tpu.memory_space<vmem>>
    %dma_wait3A_162 = tpu.memref_squeeze %dma_wait3A_161 : memref<1x32x1024xf32, #tpu.memory_space<vmem>> -> memref<32x1024xf32, #tpu.memory_space<vmem>>
    %dma_wait3A_163 = arith.constant 192 : i32
    %dma_wait3A_164 = tpu.memref_slice %arg5[%dma_wait3A_163] : memref<256xi32, #tpu.memory_space<vmem>> -> memref<32xi32, #tpu.memory_space<vmem>>
    %dma_wait3A_165 = arith.constant 0 : i32
    %dma_wait3A_166 = arith.constant 0 : i32
    %dma_wait3A_167 = tpu.memref_slice %arg2[%dma_wait3A_165, %dma_wait3A_166] : memref<10240x1024xf32, #tpu.memory_space<hbm>> -> memref<10240x1024xf32, #tpu.memory_space<hbm>>
    tpu.wait_indirect_dma semaphore(%arg7 : memref<!tpu.dma_semaphore, #tpu.memory_space<semaphore_mem>>) src(%dma_wait3A_167 : memref<10240x1024xf32, #tpu.memory_space<hbm>>) dst(%dma_wait3A_162 : memref<32x1024xf32, #tpu.memory_space<vmem>>)
    %add3A_168 = arith.constant 192 : i32
    %add3A_169 = arith.addi %mul3A_2, %add3A_168 : i32
    %run_scoped3A_170 = arith.constant 0 : i32
    "tpu.region"() ({
      %run_scoped3A_184 = tpu.sem_alloc : memref<!tpu.dma_semaphore, #tpu.memory_space<semaphore_mem>>
      %dma_start3A_185 = arith.constant 0 : i32
      %dma_start3A_186 = arith.constant 0 : i32
      %dma_start3A_187 = tpu.memref_slice %arg6[%run_scoped3A_170, %dma_start3A_185, %dma_start3A_186] : memref<2x32x1024xf32, #tpu.memory_space<vmem>> -> memref<1x32x1024xf32, #tpu.memory_space<vmem>>
      %dma_start3A_188 = tpu.memref_squeeze %dma_start3A_187 : memref<1x32x1024xf32, #tpu.memory_space<vmem>> -> memref<32x1024xf32, #tpu.memory_space<vmem>>
      %dma_start3A_189 = arith.constant 0 : i32
      %dma_start3A_190 = tpu.memref_slice %arg4[%add3A_169, %dma_start3A_189] : memref<8192x1024xf32, #tpu.memory_space<hbm>> -> memref<32x1024xf32, #tpu.memory_space<hbm>>
      %dma_start3A_191 = arith.constant 0 : i32
      %dma_start3A_192 = tpu.memref_slice %arg4[%add3A_169, %dma_start3A_191] : memref<8192x1024xf32, #tpu.memory_space<hbm>> -> memref<32x1024xf32, #tpu.memory_space<hbm>>
      %dma_start3A_193 = arith.constant 0 : i32
      %dma_start3A_194 = arith.constant 0 : i32
      %dma_start3A_195 = tpu.memref_slice %arg6[%run_scoped3A_170, %dma_start3A_193, %dma_start3A_194] : memref<2x32x1024xf32, #tpu.memory_space<vmem>> -> memref<1x32x1024xf32, #tpu.memory_space<vmem>>
      %dma_start3A_196 = tpu.memref_squeeze %dma_start3A_195 : memref<1x32x1024xf32, #tpu.memory_space<vmem>> -> memref<32x1024xf32, #tpu.memory_space<vmem>>
      tpu.enqueue_dma source(%dma_start3A_196 : memref<32x1024xf32, #tpu.memory_space<vmem>>) target(%dma_start3A_192 : memref<32x1024xf32, #tpu.memory_space<hbm>>) target_semaphore(%run_scoped3A_184 : memref<!tpu.dma_semaphore, #tpu.memory_space<semaphore_mem>>)
      %dma_wait3A_197 = arith.constant 0 : i32
      %dma_wait3A_198 = arith.constant 0 : i32
      %dma_wait3A_199 = tpu.memref_slice %arg6[%run_scoped3A_170, %dma_wait3A_197, %dma_wait3A_198] : memref<2x32x1024xf32, #tpu.memory_space<vmem>> -> memref<1x32x1024xf32, #tpu.memory_space<vmem>>
      %dma_wait3A_200 = tpu.memref_squeeze %dma_wait3A_199 : memref<1x32x1024xf32, #tpu.memory_space<vmem>> -> memref<32x1024xf32, #tpu.memory_space<vmem>>
      %dma_wait3A_201 = arith.constant 0 : i32
      %dma_wait3A_202 = tpu.memref_slice %arg4[%add3A_169, %dma_wait3A_201] : memref<8192x1024xf32, #tpu.memory_space<hbm>> -> memref<32x1024xf32, #tpu.memory_space<hbm>>
      %dma_wait3A_203 = arith.constant 0 : i32
      %dma_wait3A_204 = tpu.memref_slice %arg4[%add3A_169, %dma_wait3A_203] : memref<8192x1024xf32, #tpu.memory_space<hbm>> -> memref<32x1024xf32, #tpu.memory_space<hbm>>
      %dma_wait3A_205 = arith.constant 0 : i32
      %dma_wait3A_206 = arith.constant 0 : i32
      %dma_wait3A_207 = tpu.memref_slice %arg6[%run_scoped3A_170, %dma_wait3A_205, %dma_wait3A_206] : memref<2x32x1024xf32, #tpu.memory_space<vmem>> -> memref<1x32x1024xf32, #tpu.memory_space<vmem>>
      %dma_wait3A_208 = tpu.memref_squeeze %dma_wait3A_207 : memref<1x32x1024xf32, #tpu.memory_space<vmem>> -> memref<32x1024xf32, #tpu.memory_space<vmem>>
      tpu.wait_dma2 semaphore(%run_scoped3A_184 : memref<!tpu.dma_semaphore, #tpu.memory_space<semaphore_mem>>) src(%dma_wait3A_208 : memref<32x1024xf32, #tpu.memory_space<vmem>>) dst(%dma_wait3A_204 : memref<32x1024xf32, #tpu.memory_space<hbm>>)
      tpu.yield
    }) : () -> ()
    %dma_wait3A_171 = arith.constant 1 : i32
    %dma_wait3A_172 = arith.constant 0 : i32
    %dma_wait3A_173 = arith.constant 0 : i32
    %dma_wait3A_174 = tpu.memref_slice %arg6[%dma_wait3A_171, %dma_wait3A_172, %dma_wait3A_173] : memref<2x32x1024xf32, #tpu.memory_space<vmem>> -> memref<1x32x1024xf32, #tpu.memory_space<vmem>>
    %dma_wait3A_175 = tpu.memref_squeeze %dma_wait3A_174 : memref<1x32x1024xf32, #tpu.memory_space<vmem>> -> memref<32x1024xf32, #tpu.memory_space<vmem>>
    %dma_wait3A_176 = arith.constant 224 : i32
    %dma_wait3A_177 = tpu.memref_slice %arg5[%dma_wait3A_176] : memref<256xi32, #tpu.memory_space<vmem>> -> memref<32xi32, #tpu.memory_space<vmem>>
    %dma_wait3A_178 = arith.constant 0 : i32
    %dma_wait3A_179 = arith.constant 0 : i32
    %dma_wait3A_180 = tpu.memref_slice %arg2[%dma_wait3A_178, %dma_wait3A_179] : memref<10240x1024xf32, #tpu.memory_space<hbm>> -> memref<10240x1024xf32, #tpu.memory_space<hbm>>
    tpu.wait_indirect_dma semaphore(%arg8 : memref<!tpu.dma_semaphore, #tpu.memory_space<semaphore_mem>>) src(%dma_wait3A_180 : memref<10240x1024xf32, #tpu.memory_space<hbm>>) dst(%dma_wait3A_175 : memref<32x1024xf32, #tpu.memory_space<vmem>>)
    %add3A_181 = arith.constant 224 : i32
    %add3A_182 = arith.addi %mul3A_2, %add3A_181 : i32
    %run_scoped3A_183 = arith.constant 1 : i32
    "tpu.region"() ({
      %run_scoped3A_184 = tpu.sem_alloc : memref<!tpu.dma_semaphore, #tpu.memory_space<semaphore_mem>>
      %dma_start3A_185 = arith.constant 0 : i32
      %dma_start3A_186 = arith.constant 0 : i32
      %dma_start3A_187 = tpu.memref_slice %arg6[%run_scoped3A_183, %dma_start3A_185, %dma_start3A_186] : memref<2x32x1024xf32, #tpu.memory_space<vmem>> -> memref<1x32x1024xf32, #tpu.memory_space<vmem>>
      %dma_start3A_188 = tpu.memref_squeeze %dma_start3A_187 : memref<1x32x1024xf32, #tpu.memory_space<vmem>> -> memref<32x1024xf32, #tpu.memory_space<vmem>>
      %dma_start3A_189 = arith.constant 0 : i32
      %dma_start3A_190 = tpu.memref_slice %arg4[%add3A_182, %dma_start3A_189] : memref<8192x1024xf32, #tpu.memory_space<hbm>> -> memref<32x1024xf32, #tpu.memory_space<hbm>>
      %dma_start3A_191 = arith.constant 0 : i32
      %dma_start3A_192 = tpu.memref_slice %arg4[%add3A_182, %dma_start3A_191] : memref<8192x1024xf32, #tpu.memory_space<hbm>> -> memref<32x1024xf32, #tpu.memory_space<hbm>>
      %dma_start3A_193 = arith.constant 0 : i32
      %dma_start3A_194 = arith.constant 0 : i32
      %dma_start3A_195 = tpu.memref_slice %arg6[%run_scoped3A_183, %dma_start3A_193, %dma_start3A_194] : memref<2x32x1024xf32, #tpu.memory_space<vmem>> -> memref<1x32x1024xf32, #tpu.memory_space<vmem>>
      %dma_start3A_196 = tpu.memref_squeeze %dma_start3A_195 : memref<1x32x1024xf32, #tpu.memory_space<vmem>> -> memref<32x1024xf32, #tpu.memory_space<vmem>>
      tpu.enqueue_dma source(%dma_start3A_196 : memref<32x1024xf32, #tpu.memory_space<vmem>>) target(%dma_start3A_192 : memref<32x1024xf32, #tpu.memory_space<hbm>>) target_semaphore(%run_scoped3A_184 : memref<!tpu.dma_semaphore, #tpu.memory_space<semaphore_mem>>)
      %dma_wait3A_197 = arith.constant 0 : i32
      %dma_wait3A_198 = arith.constant 0 : i32
      %dma_wait3A_199 = tpu.memref_slice %arg6[%run_scoped3A_183, %dma_wait3A_197, %dma_wait3A_198] : memref<2x32x1024xf32, #tpu.memory_space<vmem>> -> memref<1x32x1024xf32, #tpu.memory_space<vmem>>
      %dma_wait3A_200 = tpu.memref_squeeze %dma_wait3A_199 : memref<1x32x1024xf32, #tpu.memory_space<vmem>> -> memref<32x1024xf32, #tpu.memory_space<vmem>>
      %dma_wait3A_201 = arith.constant 0 : i32
      %dma_wait3A_202 = tpu.memref_slice %arg4[%add3A_182, %dma_wait3A_201] : memref<8192x1024xf32, #tpu.memory_space<hbm>> -> memref<32x1024xf32, #tpu.memory_space<hbm>>
      %dma_wait3A_203 = arith.constant 0 : i32
      %dma_wait3A_204 = tpu.memref_slice %arg4[%add3A_182, %dma_wait3A_203] : memref<8192x1024xf32, #tpu.memory_space<hbm>> -> memref<32x1024xf32, #tpu.memory_space<hbm>>
      %dma_wait3A_205 = arith.constant 0 : i32
      %dma_wait3A_206 = arith.constant 0 : i32
      %dma_wait3A_207 = tpu.memref_slice %arg6[%run_scoped3A_183, %dma_wait3A_205, %dma_wait3A_206] : memref<2x32x1024xf32, #tpu.memory_space<vmem>> -> memref<1x32x1024xf32, #tpu.memory_space<vmem>>
      %dma_wait3A_208 = tpu.memref_squeeze %dma_wait3A_207 : memref<1x32x1024xf32, #tpu.memory_space<vmem>> -> memref<32x1024xf32, #tpu.memory_space<vmem>>
      tpu.wait_dma2 semaphore(%run_scoped3A_184 : memref<!tpu.dma_semaphore, #tpu.memory_space<semaphore_mem>>) src(%dma_wait3A_208 : memref<32x1024xf32, #tpu.memory_space<vmem>>) dst(%dma_wait3A_204 : memref<32x1024xf32, #tpu.memory_space<hbm>>)
      tpu.yield
    }) : () -> ()
    return
  }
}

#map = affine_map<(d0, d1) -> (0, 0)>
#map1 = affine_map<(d0, d1) -> (0)>
module attributes {stable_mosaic.version = 14 : i64} {
  func.func @k(%arg0: i32, %arg1: i32, %arg2: memref<8192x1024xf32, #tpu.memory_space<hbm>>, %arg3: memref<10240xi32, #tpu.memory_space<hbm>>, %arg4: memref<10240x1024xf32, #tpu.memory_space<hbm>>, %arg5: memref<320xi32, #tpu.memory_space<vmem>>, %arg6: memref<2x32x1024xf32, #tpu.memory_space<vmem>>, %arg7: memref<!tpu.dma_semaphore, #tpu.memory_space<semaphore_mem>>, %arg8: memref<!tpu.dma_semaphore, #tpu.memory_space<semaphore_mem>>) attributes {dimension_semantics = [#tpu.dimension_semantics<core_parallel>, #tpu.dimension_semantics<subcore_parallel>], iteration_bounds = array<i64: 2, 16>, scalar_prefetch = 0 : i64, scratch_operands = 4 : i64, tpu.core_type = #tpu.core_type<sc_vector_subcore>, window_params = [{transform_indices = #map}, {transform_indices = #map1}, {transform_indices = #map}]} {
    %mul3A = arith.constant 2 : i32
    %mul3A_0 = arith.muli %arg1, %mul3A : i32
    %add3A = arith.addi %mul3A_0, %arg0 : i32
    %mul3A_1 = arith.constant 320 : i32
    %mul3A_2 = arith.muli %add3A, %mul3A_1 : i32
    "tpu.region"() ({
      %run_scoped3A_230 = tpu.sem_alloc : memref<!tpu.dma_semaphore, #tpu.memory_space<semaphore_mem>>
      %dma_start3A_231 = tpu.memref_slice %arg3[%mul3A_2] : memref<10240xi32, #tpu.memory_space<hbm>> -> memref<320xi32, #tpu.memory_space<hbm>>
      %dma_start3A_232 = tpu.memref_slice %arg3[%mul3A_2] : memref<10240xi32, #tpu.memory_space<hbm>> -> memref<320xi32, #tpu.memory_space<hbm>>
      tpu.enqueue_dma source(%dma_start3A_232 : memref<320xi32, #tpu.memory_space<hbm>>) target(%arg5 : memref<320xi32, #tpu.memory_space<vmem>>) target_semaphore(%run_scoped3A_230 : memref<!tpu.dma_semaphore, #tpu.memory_space<semaphore_mem>>)
      %dma_wait3A_233 = tpu.memref_slice %arg3[%mul3A_2] : memref<10240xi32, #tpu.memory_space<hbm>> -> memref<320xi32, #tpu.memory_space<hbm>>
      %dma_wait3A_234 = tpu.memref_slice %arg3[%mul3A_2] : memref<10240xi32, #tpu.memory_space<hbm>> -> memref<320xi32, #tpu.memory_space<hbm>>
      tpu.wait_dma2 semaphore(%run_scoped3A_230 : memref<!tpu.dma_semaphore, #tpu.memory_space<semaphore_mem>>) src(%dma_wait3A_234 : memref<320xi32, #tpu.memory_space<hbm>>) dst(%arg5 : memref<320xi32, #tpu.memory_space<vmem>>)
      tpu.yield
    }) : () -> ()
    %dma_start3A = arith.constant 0 : i32
    %dma_start3A_3 = arith.constant 0 : i32
    %dma_start3A_4 = arith.constant 0 : i32
    %dma_start3A_5 = tpu.memref_slice %arg6[%dma_start3A, %dma_start3A_3, %dma_start3A_4] : memref<2x32x1024xf32, #tpu.memory_space<vmem>> -> memref<1x32x1024xf32, #tpu.memory_space<vmem>>
    %dma_start3A_6 = tpu.memref_squeeze %dma_start3A_5 : memref<1x32x1024xf32, #tpu.memory_space<vmem>> -> memref<32x1024xf32, #tpu.memory_space<vmem>>
    %dma_start3A_7 = arith.constant 0 : i32
    %dma_start3A_8 = tpu.memref_slice %arg5[%dma_start3A_7] : memref<320xi32, #tpu.memory_space<vmem>> -> memref<32xi32, #tpu.memory_space<vmem>>
    %dma_start3A_9 = arith.constant 0 : i32
    %dma_start3A_10 = arith.constant 0 : i32
    %dma_start3A_11 = tpu.memref_slice %arg2[%dma_start3A_9, %dma_start3A_10] : memref<8192x1024xf32, #tpu.memory_space<hbm>> -> memref<8192x1024xf32, #tpu.memory_space<hbm>>
    tpu.enqueue_indirect_dma source(%dma_start3A_11 : memref<8192x1024xf32, #tpu.memory_space<hbm>>) target(%dma_start3A_6 : memref<32x1024xf32, #tpu.memory_space<vmem>>) offsets(%dma_start3A_8 : memref<32xi32, #tpu.memory_space<vmem>>) semaphore(%arg7 : memref<!tpu.dma_semaphore, #tpu.memory_space<semaphore_mem>>)
    %dma_start3A_12 = arith.constant 1 : i32
    %dma_start3A_13 = arith.constant 0 : i32
    %dma_start3A_14 = arith.constant 0 : i32
    %dma_start3A_15 = tpu.memref_slice %arg6[%dma_start3A_12, %dma_start3A_13, %dma_start3A_14] : memref<2x32x1024xf32, #tpu.memory_space<vmem>> -> memref<1x32x1024xf32, #tpu.memory_space<vmem>>
    %dma_start3A_16 = tpu.memref_squeeze %dma_start3A_15 : memref<1x32x1024xf32, #tpu.memory_space<vmem>> -> memref<32x1024xf32, #tpu.memory_space<vmem>>
    %dma_start3A_17 = arith.constant 32 : i32
    %dma_start3A_18 = tpu.memref_slice %arg5[%dma_start3A_17] : memref<320xi32, #tpu.memory_space<vmem>> -> memref<32xi32, #tpu.memory_space<vmem>>
    %dma_start3A_19 = arith.constant 0 : i32
    %dma_start3A_20 = arith.constant 0 : i32
    %dma_start3A_21 = tpu.memref_slice %arg2[%dma_start3A_19, %dma_start3A_20] : memref<8192x1024xf32, #tpu.memory_space<hbm>> -> memref<8192x1024xf32, #tpu.memory_space<hbm>>
    tpu.enqueue_indirect_dma source(%dma_start3A_21 : memref<8192x1024xf32, #tpu.memory_space<hbm>>) target(%dma_start3A_16 : memref<32x1024xf32, #tpu.memory_space<vmem>>) offsets(%dma_start3A_18 : memref<32xi32, #tpu.memory_space<vmem>>) semaphore(%arg8 : memref<!tpu.dma_semaphore, #tpu.memory_space<semaphore_mem>>)
    %dma_wait3A = arith.constant 0 : i32
    %dma_wait3A_22 = arith.constant 0 : i32
    %dma_wait3A_23 = arith.constant 0 : i32
    %dma_wait3A_24 = tpu.memref_slice %arg6[%dma_wait3A, %dma_wait3A_22, %dma_wait3A_23] : memref<2x32x1024xf32, #tpu.memory_space<vmem>> -> memref<1x32x1024xf32, #tpu.memory_space<vmem>>
    %dma_wait3A_25 = tpu.memref_squeeze %dma_wait3A_24 : memref<1x32x1024xf32, #tpu.memory_space<vmem>> -> memref<32x1024xf32, #tpu.memory_space<vmem>>
    %dma_wait3A_26 = arith.constant 0 : i32
    %dma_wait3A_27 = tpu.memref_slice %arg5[%dma_wait3A_26] : memref<320xi32, #tpu.memory_space<vmem>> -> memref<32xi32, #tpu.memory_space<vmem>>
    %dma_wait3A_28 = arith.constant 0 : i32
    %dma_wait3A_29 = arith.constant 0 : i32
    %dma_wait3A_30 = tpu.memref_slice %arg2[%dma_wait3A_28, %dma_wait3A_29] : memref<8192x1024xf32, #tpu.memory_space<hbm>> -> memref<8192x1024xf32, #tpu.memory_space<hbm>>
    tpu.wait_indirect_dma semaphore(%arg7 : memref<!tpu.dma_semaphore, #tpu.memory_space<semaphore_mem>>) src(%dma_wait3A_30 : memref<8192x1024xf32, #tpu.memory_space<hbm>>) dst(%dma_wait3A_25 : memref<32x1024xf32, #tpu.memory_space<vmem>>)
    %add3A_31 = arith.constant 0 : i32
    %add3A_32 = arith.addi %mul3A_2, %add3A_31 : i32
    %run_scoped3A = arith.constant 0 : i32
    "tpu.region"() ({
      %run_scoped3A_230 = tpu.sem_alloc : memref<!tpu.dma_semaphore, #tpu.memory_space<semaphore_mem>>
      %dma_start3A_231 = arith.constant 0 : i32
      %dma_start3A_232 = arith.constant 0 : i32
      %dma_start3A_233 = tpu.memref_slice %arg6[%run_scoped3A, %dma_start3A_231, %dma_start3A_232] : memref<2x32x1024xf32, #tpu.memory_space<vmem>> -> memref<1x32x1024xf32, #tpu.memory_space<vmem>>
      %dma_start3A_234 = tpu.memref_squeeze %dma_start3A_233 : memref<1x32x1024xf32, #tpu.memory_space<vmem>> -> memref<32x1024xf32, #tpu.memory_space<vmem>>
      %dma_start3A_235 = arith.constant 0 : i32
      %dma_start3A_236 = tpu.memref_slice %arg4[%add3A_32, %dma_start3A_235] : memref<10240x1024xf32, #tpu.memory_space<hbm>> -> memref<32x1024xf32, #tpu.memory_space<hbm>>
      %dma_start3A_237 = arith.constant 0 : i32
      %dma_start3A_238 = tpu.memref_slice %arg4[%add3A_32, %dma_start3A_237] : memref<10240x1024xf32, #tpu.memory_space<hbm>> -> memref<32x1024xf32, #tpu.memory_space<hbm>>
      %dma_start3A_239 = arith.constant 0 : i32
      %dma_start3A_240 = arith.constant 0 : i32
      %dma_start3A_241 = tpu.memref_slice %arg6[%run_scoped3A, %dma_start3A_239, %dma_start3A_240] : memref<2x32x1024xf32, #tpu.memory_space<vmem>> -> memref<1x32x1024xf32, #tpu.memory_space<vmem>>
      %dma_start3A_242 = tpu.memref_squeeze %dma_start3A_241 : memref<1x32x1024xf32, #tpu.memory_space<vmem>> -> memref<32x1024xf32, #tpu.memory_space<vmem>>
      tpu.enqueue_dma source(%dma_start3A_242 : memref<32x1024xf32, #tpu.memory_space<vmem>>) target(%dma_start3A_238 : memref<32x1024xf32, #tpu.memory_space<hbm>>) target_semaphore(%run_scoped3A_230 : memref<!tpu.dma_semaphore, #tpu.memory_space<semaphore_mem>>)
      %dma_wait3A_243 = arith.constant 0 : i32
      %dma_wait3A_244 = arith.constant 0 : i32
      %dma_wait3A_245 = tpu.memref_slice %arg6[%run_scoped3A, %dma_wait3A_243, %dma_wait3A_244] : memref<2x32x1024xf32, #tpu.memory_space<vmem>> -> memref<1x32x1024xf32, #tpu.memory_space<vmem>>
      %dma_wait3A_246 = tpu.memref_squeeze %dma_wait3A_245 : memref<1x32x1024xf32, #tpu.memory_space<vmem>> -> memref<32x1024xf32, #tpu.memory_space<vmem>>
      %dma_wait3A_247 = arith.constant 0 : i32
      %dma_wait3A_248 = tpu.memref_slice %arg4[%add3A_32, %dma_wait3A_247] : memref<10240x1024xf32, #tpu.memory_space<hbm>> -> memref<32x1024xf32, #tpu.memory_space<hbm>>
      %dma_wait3A_249 = arith.constant 0 : i32
      %dma_wait3A_250 = tpu.memref_slice %arg4[%add3A_32, %dma_wait3A_249] : memref<10240x1024xf32, #tpu.memory_space<hbm>> -> memref<32x1024xf32, #tpu.memory_space<hbm>>
      %dma_wait3A_251 = arith.constant 0 : i32
      %dma_wait3A_252 = arith.constant 0 : i32
      %dma_wait3A_253 = tpu.memref_slice %arg6[%run_scoped3A, %dma_wait3A_251, %dma_wait3A_252] : memref<2x32x1024xf32, #tpu.memory_space<vmem>> -> memref<1x32x1024xf32, #tpu.memory_space<vmem>>
      %dma_wait3A_254 = tpu.memref_squeeze %dma_wait3A_253 : memref<1x32x1024xf32, #tpu.memory_space<vmem>> -> memref<32x1024xf32, #tpu.memory_space<vmem>>
      tpu.wait_dma2 semaphore(%run_scoped3A_230 : memref<!tpu.dma_semaphore, #tpu.memory_space<semaphore_mem>>) src(%dma_wait3A_254 : memref<32x1024xf32, #tpu.memory_space<vmem>>) dst(%dma_wait3A_250 : memref<32x1024xf32, #tpu.memory_space<hbm>>)
      tpu.yield
    }) : () -> ()
    %dma_start3A_33 = arith.constant 0 : i32
    %dma_start3A_34 = arith.constant 0 : i32
    %dma_start3A_35 = arith.constant 0 : i32
    %dma_start3A_36 = tpu.memref_slice %arg6[%dma_start3A_33, %dma_start3A_34, %dma_start3A_35] : memref<2x32x1024xf32, #tpu.memory_space<vmem>> -> memref<1x32x1024xf32, #tpu.memory_space<vmem>>
    %dma_start3A_37 = tpu.memref_squeeze %dma_start3A_36 : memref<1x32x1024xf32, #tpu.memory_space<vmem>> -> memref<32x1024xf32, #tpu.memory_space<vmem>>
    %dma_start3A_38 = arith.constant 64 : i32
    %dma_start3A_39 = tpu.memref_slice %arg5[%dma_start3A_38] : memref<320xi32, #tpu.memory_space<vmem>> -> memref<32xi32, #tpu.memory_space<vmem>>
    %dma_start3A_40 = arith.constant 0 : i32
    %dma_start3A_41 = arith.constant 0 : i32
    %dma_start3A_42 = tpu.memref_slice %arg2[%dma_start3A_40, %dma_start3A_41] : memref<8192x1024xf32, #tpu.memory_space<hbm>> -> memref<8192x1024xf32, #tpu.memory_space<hbm>>
    tpu.enqueue_indirect_dma source(%dma_start3A_42 : memref<8192x1024xf32, #tpu.memory_space<hbm>>) target(%dma_start3A_37 : memref<32x1024xf32, #tpu.memory_space<vmem>>) offsets(%dma_start3A_39 : memref<32xi32, #tpu.memory_space<vmem>>) semaphore(%arg7 : memref<!tpu.dma_semaphore, #tpu.memory_space<semaphore_mem>>)
    %dma_wait3A_43 = arith.constant 1 : i32
    %dma_wait3A_44 = arith.constant 0 : i32
    %dma_wait3A_45 = arith.constant 0 : i32
    %dma_wait3A_46 = tpu.memref_slice %arg6[%dma_wait3A_43, %dma_wait3A_44, %dma_wait3A_45] : memref<2x32x1024xf32, #tpu.memory_space<vmem>> -> memref<1x32x1024xf32, #tpu.memory_space<vmem>>
    %dma_wait3A_47 = tpu.memref_squeeze %dma_wait3A_46 : memref<1x32x1024xf32, #tpu.memory_space<vmem>> -> memref<32x1024xf32, #tpu.memory_space<vmem>>
    %dma_wait3A_48 = arith.constant 32 : i32
    %dma_wait3A_49 = tpu.memref_slice %arg5[%dma_wait3A_48] : memref<320xi32, #tpu.memory_space<vmem>> -> memref<32xi32, #tpu.memory_space<vmem>>
    %dma_wait3A_50 = arith.constant 0 : i32
    %dma_wait3A_51 = arith.constant 0 : i32
    %dma_wait3A_52 = tpu.memref_slice %arg2[%dma_wait3A_50, %dma_wait3A_51] : memref<8192x1024xf32, #tpu.memory_space<hbm>> -> memref<8192x1024xf32, #tpu.memory_space<hbm>>
    tpu.wait_indirect_dma semaphore(%arg8 : memref<!tpu.dma_semaphore, #tpu.memory_space<semaphore_mem>>) src(%dma_wait3A_52 : memref<8192x1024xf32, #tpu.memory_space<hbm>>) dst(%dma_wait3A_47 : memref<32x1024xf32, #tpu.memory_space<vmem>>)
    %add3A_53 = arith.constant 32 : i32
    %add3A_54 = arith.addi %mul3A_2, %add3A_53 : i32
    %run_scoped3A_55 = arith.constant 1 : i32
    "tpu.region"() ({
      %run_scoped3A_230 = tpu.sem_alloc : memref<!tpu.dma_semaphore, #tpu.memory_space<semaphore_mem>>
      %dma_start3A_231 = arith.constant 0 : i32
      %dma_start3A_232 = arith.constant 0 : i32
      %dma_start3A_233 = tpu.memref_slice %arg6[%run_scoped3A_55, %dma_start3A_231, %dma_start3A_232] : memref<2x32x1024xf32, #tpu.memory_space<vmem>> -> memref<1x32x1024xf32, #tpu.memory_space<vmem>>
      %dma_start3A_234 = tpu.memref_squeeze %dma_start3A_233 : memref<1x32x1024xf32, #tpu.memory_space<vmem>> -> memref<32x1024xf32, #tpu.memory_space<vmem>>
      %dma_start3A_235 = arith.constant 0 : i32
      %dma_start3A_236 = tpu.memref_slice %arg4[%add3A_54, %dma_start3A_235] : memref<10240x1024xf32, #tpu.memory_space<hbm>> -> memref<32x1024xf32, #tpu.memory_space<hbm>>
      %dma_start3A_237 = arith.constant 0 : i32
      %dma_start3A_238 = tpu.memref_slice %arg4[%add3A_54, %dma_start3A_237] : memref<10240x1024xf32, #tpu.memory_space<hbm>> -> memref<32x1024xf32, #tpu.memory_space<hbm>>
      %dma_start3A_239 = arith.constant 0 : i32
      %dma_start3A_240 = arith.constant 0 : i32
      %dma_start3A_241 = tpu.memref_slice %arg6[%run_scoped3A_55, %dma_start3A_239, %dma_start3A_240] : memref<2x32x1024xf32, #tpu.memory_space<vmem>> -> memref<1x32x1024xf32, #tpu.memory_space<vmem>>
      %dma_start3A_242 = tpu.memref_squeeze %dma_start3A_241 : memref<1x32x1024xf32, #tpu.memory_space<vmem>> -> memref<32x1024xf32, #tpu.memory_space<vmem>>
      tpu.enqueue_dma source(%dma_start3A_242 : memref<32x1024xf32, #tpu.memory_space<vmem>>) target(%dma_start3A_238 : memref<32x1024xf32, #tpu.memory_space<hbm>>) target_semaphore(%run_scoped3A_230 : memref<!tpu.dma_semaphore, #tpu.memory_space<semaphore_mem>>)
      %dma_wait3A_243 = arith.constant 0 : i32
      %dma_wait3A_244 = arith.constant 0 : i32
      %dma_wait3A_245 = tpu.memref_slice %arg6[%run_scoped3A_55, %dma_wait3A_243, %dma_wait3A_244] : memref<2x32x1024xf32, #tpu.memory_space<vmem>> -> memref<1x32x1024xf32, #tpu.memory_space<vmem>>
      %dma_wait3A_246 = tpu.memref_squeeze %dma_wait3A_245 : memref<1x32x1024xf32, #tpu.memory_space<vmem>> -> memref<32x1024xf32, #tpu.memory_space<vmem>>
      %dma_wait3A_247 = arith.constant 0 : i32
      %dma_wait3A_248 = tpu.memref_slice %arg4[%add3A_54, %dma_wait3A_247] : memref<10240x1024xf32, #tpu.memory_space<hbm>> -> memref<32x1024xf32, #tpu.memory_space<hbm>>
      %dma_wait3A_249 = arith.constant 0 : i32
      %dma_wait3A_250 = tpu.memref_slice %arg4[%add3A_54, %dma_wait3A_249] : memref<10240x1024xf32, #tpu.memory_space<hbm>> -> memref<32x1024xf32, #tpu.memory_space<hbm>>
      %dma_wait3A_251 = arith.constant 0 : i32
      %dma_wait3A_252 = arith.constant 0 : i32
      %dma_wait3A_253 = tpu.memref_slice %arg6[%run_scoped3A_55, %dma_wait3A_251, %dma_wait3A_252] : memref<2x32x1024xf32, #tpu.memory_space<vmem>> -> memref<1x32x1024xf32, #tpu.memory_space<vmem>>
      %dma_wait3A_254 = tpu.memref_squeeze %dma_wait3A_253 : memref<1x32x1024xf32, #tpu.memory_space<vmem>> -> memref<32x1024xf32, #tpu.memory_space<vmem>>
      tpu.wait_dma2 semaphore(%run_scoped3A_230 : memref<!tpu.dma_semaphore, #tpu.memory_space<semaphore_mem>>) src(%dma_wait3A_254 : memref<32x1024xf32, #tpu.memory_space<vmem>>) dst(%dma_wait3A_250 : memref<32x1024xf32, #tpu.memory_space<hbm>>)
      tpu.yield
    }) : () -> ()
    %dma_start3A_56 = arith.constant 1 : i32
    %dma_start3A_57 = arith.constant 0 : i32
    %dma_start3A_58 = arith.constant 0 : i32
    %dma_start3A_59 = tpu.memref_slice %arg6[%dma_start3A_56, %dma_start3A_57, %dma_start3A_58] : memref<2x32x1024xf32, #tpu.memory_space<vmem>> -> memref<1x32x1024xf32, #tpu.memory_space<vmem>>
    %dma_start3A_60 = tpu.memref_squeeze %dma_start3A_59 : memref<1x32x1024xf32, #tpu.memory_space<vmem>> -> memref<32x1024xf32, #tpu.memory_space<vmem>>
    %dma_start3A_61 = arith.constant 96 : i32
    %dma_start3A_62 = tpu.memref_slice %arg5[%dma_start3A_61] : memref<320xi32, #tpu.memory_space<vmem>> -> memref<32xi32, #tpu.memory_space<vmem>>
    %dma_start3A_63 = arith.constant 0 : i32
    %dma_start3A_64 = arith.constant 0 : i32
    %dma_start3A_65 = tpu.memref_slice %arg2[%dma_start3A_63, %dma_start3A_64] : memref<8192x1024xf32, #tpu.memory_space<hbm>> -> memref<8192x1024xf32, #tpu.memory_space<hbm>>
    tpu.enqueue_indirect_dma source(%dma_start3A_65 : memref<8192x1024xf32, #tpu.memory_space<hbm>>) target(%dma_start3A_60 : memref<32x1024xf32, #tpu.memory_space<vmem>>) offsets(%dma_start3A_62 : memref<32xi32, #tpu.memory_space<vmem>>) semaphore(%arg8 : memref<!tpu.dma_semaphore, #tpu.memory_space<semaphore_mem>>)
    %dma_wait3A_66 = arith.constant 0 : i32
    %dma_wait3A_67 = arith.constant 0 : i32
    %dma_wait3A_68 = arith.constant 0 : i32
    %dma_wait3A_69 = tpu.memref_slice %arg6[%dma_wait3A_66, %dma_wait3A_67, %dma_wait3A_68] : memref<2x32x1024xf32, #tpu.memory_space<vmem>> -> memref<1x32x1024xf32, #tpu.memory_space<vmem>>
    %dma_wait3A_70 = tpu.memref_squeeze %dma_wait3A_69 : memref<1x32x1024xf32, #tpu.memory_space<vmem>> -> memref<32x1024xf32, #tpu.memory_space<vmem>>
    %dma_wait3A_71 = arith.constant 64 : i32
    %dma_wait3A_72 = tpu.memref_slice %arg5[%dma_wait3A_71] : memref<320xi32, #tpu.memory_space<vmem>> -> memref<32xi32, #tpu.memory_space<vmem>>
    %dma_wait3A_73 = arith.constant 0 : i32
    %dma_wait3A_74 = arith.constant 0 : i32
    %dma_wait3A_75 = tpu.memref_slice %arg2[%dma_wait3A_73, %dma_wait3A_74] : memref<8192x1024xf32, #tpu.memory_space<hbm>> -> memref<8192x1024xf32, #tpu.memory_space<hbm>>
    tpu.wait_indirect_dma semaphore(%arg7 : memref<!tpu.dma_semaphore, #tpu.memory_space<semaphore_mem>>) src(%dma_wait3A_75 : memref<8192x1024xf32, #tpu.memory_space<hbm>>) dst(%dma_wait3A_70 : memref<32x1024xf32, #tpu.memory_space<vmem>>)
    %add3A_76 = arith.constant 64 : i32
    %add3A_77 = arith.addi %mul3A_2, %add3A_76 : i32
    %run_scoped3A_78 = arith.constant 0 : i32
    "tpu.region"() ({
      %run_scoped3A_230 = tpu.sem_alloc : memref<!tpu.dma_semaphore, #tpu.memory_space<semaphore_mem>>
      %dma_start3A_231 = arith.constant 0 : i32
      %dma_start3A_232 = arith.constant 0 : i32
      %dma_start3A_233 = tpu.memref_slice %arg6[%run_scoped3A_78, %dma_start3A_231, %dma_start3A_232] : memref<2x32x1024xf32, #tpu.memory_space<vmem>> -> memref<1x32x1024xf32, #tpu.memory_space<vmem>>
      %dma_start3A_234 = tpu.memref_squeeze %dma_start3A_233 : memref<1x32x1024xf32, #tpu.memory_space<vmem>> -> memref<32x1024xf32, #tpu.memory_space<vmem>>
      %dma_start3A_235 = arith.constant 0 : i32
      %dma_start3A_236 = tpu.memref_slice %arg4[%add3A_77, %dma_start3A_235] : memref<10240x1024xf32, #tpu.memory_space<hbm>> -> memref<32x1024xf32, #tpu.memory_space<hbm>>
      %dma_start3A_237 = arith.constant 0 : i32
      %dma_start3A_238 = tpu.memref_slice %arg4[%add3A_77, %dma_start3A_237] : memref<10240x1024xf32, #tpu.memory_space<hbm>> -> memref<32x1024xf32, #tpu.memory_space<hbm>>
      %dma_start3A_239 = arith.constant 0 : i32
      %dma_start3A_240 = arith.constant 0 : i32
      %dma_start3A_241 = tpu.memref_slice %arg6[%run_scoped3A_78, %dma_start3A_239, %dma_start3A_240] : memref<2x32x1024xf32, #tpu.memory_space<vmem>> -> memref<1x32x1024xf32, #tpu.memory_space<vmem>>
      %dma_start3A_242 = tpu.memref_squeeze %dma_start3A_241 : memref<1x32x1024xf32, #tpu.memory_space<vmem>> -> memref<32x1024xf32, #tpu.memory_space<vmem>>
      tpu.enqueue_dma source(%dma_start3A_242 : memref<32x1024xf32, #tpu.memory_space<vmem>>) target(%dma_start3A_238 : memref<32x1024xf32, #tpu.memory_space<hbm>>) target_semaphore(%run_scoped3A_230 : memref<!tpu.dma_semaphore, #tpu.memory_space<semaphore_mem>>)
      %dma_wait3A_243 = arith.constant 0 : i32
      %dma_wait3A_244 = arith.constant 0 : i32
      %dma_wait3A_245 = tpu.memref_slice %arg6[%run_scoped3A_78, %dma_wait3A_243, %dma_wait3A_244] : memref<2x32x1024xf32, #tpu.memory_space<vmem>> -> memref<1x32x1024xf32, #tpu.memory_space<vmem>>
      %dma_wait3A_246 = tpu.memref_squeeze %dma_wait3A_245 : memref<1x32x1024xf32, #tpu.memory_space<vmem>> -> memref<32x1024xf32, #tpu.memory_space<vmem>>
      %dma_wait3A_247 = arith.constant 0 : i32
      %dma_wait3A_248 = tpu.memref_slice %arg4[%add3A_77, %dma_wait3A_247] : memref<10240x1024xf32, #tpu.memory_space<hbm>> -> memref<32x1024xf32, #tpu.memory_space<hbm>>
      %dma_wait3A_249 = arith.constant 0 : i32
      %dma_wait3A_250 = tpu.memref_slice %arg4[%add3A_77, %dma_wait3A_249] : memref<10240x1024xf32, #tpu.memory_space<hbm>> -> memref<32x1024xf32, #tpu.memory_space<hbm>>
      %dma_wait3A_251 = arith.constant 0 : i32
      %dma_wait3A_252 = arith.constant 0 : i32
      %dma_wait3A_253 = tpu.memref_slice %arg6[%run_scoped3A_78, %dma_wait3A_251, %dma_wait3A_252] : memref<2x32x1024xf32, #tpu.memory_space<vmem>> -> memref<1x32x1024xf32, #tpu.memory_space<vmem>>
      %dma_wait3A_254 = tpu.memref_squeeze %dma_wait3A_253 : memref<1x32x1024xf32, #tpu.memory_space<vmem>> -> memref<32x1024xf32, #tpu.memory_space<vmem>>
      tpu.wait_dma2 semaphore(%run_scoped3A_230 : memref<!tpu.dma_semaphore, #tpu.memory_space<semaphore_mem>>) src(%dma_wait3A_254 : memref<32x1024xf32, #tpu.memory_space<vmem>>) dst(%dma_wait3A_250 : memref<32x1024xf32, #tpu.memory_space<hbm>>)
      tpu.yield
    }) : () -> ()
    %dma_start3A_79 = arith.constant 0 : i32
    %dma_start3A_80 = arith.constant 0 : i32
    %dma_start3A_81 = arith.constant 0 : i32
    %dma_start3A_82 = tpu.memref_slice %arg6[%dma_start3A_79, %dma_start3A_80, %dma_start3A_81] : memref<2x32x1024xf32, #tpu.memory_space<vmem>> -> memref<1x32x1024xf32, #tpu.memory_space<vmem>>
    %dma_start3A_83 = tpu.memref_squeeze %dma_start3A_82 : memref<1x32x1024xf32, #tpu.memory_space<vmem>> -> memref<32x1024xf32, #tpu.memory_space<vmem>>
    %dma_start3A_84 = arith.constant 128 : i32
    %dma_start3A_85 = tpu.memref_slice %arg5[%dma_start3A_84] : memref<320xi32, #tpu.memory_space<vmem>> -> memref<32xi32, #tpu.memory_space<vmem>>
    %dma_start3A_86 = arith.constant 0 : i32
    %dma_start3A_87 = arith.constant 0 : i32
    %dma_start3A_88 = tpu.memref_slice %arg2[%dma_start3A_86, %dma_start3A_87] : memref<8192x1024xf32, #tpu.memory_space<hbm>> -> memref<8192x1024xf32, #tpu.memory_space<hbm>>
    tpu.enqueue_indirect_dma source(%dma_start3A_88 : memref<8192x1024xf32, #tpu.memory_space<hbm>>) target(%dma_start3A_83 : memref<32x1024xf32, #tpu.memory_space<vmem>>) offsets(%dma_start3A_85 : memref<32xi32, #tpu.memory_space<vmem>>) semaphore(%arg7 : memref<!tpu.dma_semaphore, #tpu.memory_space<semaphore_mem>>)
    %dma_wait3A_89 = arith.constant 1 : i32
    %dma_wait3A_90 = arith.constant 0 : i32
    %dma_wait3A_91 = arith.constant 0 : i32
    %dma_wait3A_92 = tpu.memref_slice %arg6[%dma_wait3A_89, %dma_wait3A_90, %dma_wait3A_91] : memref<2x32x1024xf32, #tpu.memory_space<vmem>> -> memref<1x32x1024xf32, #tpu.memory_space<vmem>>
    %dma_wait3A_93 = tpu.memref_squeeze %dma_wait3A_92 : memref<1x32x1024xf32, #tpu.memory_space<vmem>> -> memref<32x1024xf32, #tpu.memory_space<vmem>>
    %dma_wait3A_94 = arith.constant 96 : i32
    %dma_wait3A_95 = tpu.memref_slice %arg5[%dma_wait3A_94] : memref<320xi32, #tpu.memory_space<vmem>> -> memref<32xi32, #tpu.memory_space<vmem>>
    %dma_wait3A_96 = arith.constant 0 : i32
    %dma_wait3A_97 = arith.constant 0 : i32
    %dma_wait3A_98 = tpu.memref_slice %arg2[%dma_wait3A_96, %dma_wait3A_97] : memref<8192x1024xf32, #tpu.memory_space<hbm>> -> memref<8192x1024xf32, #tpu.memory_space<hbm>>
    tpu.wait_indirect_dma semaphore(%arg8 : memref<!tpu.dma_semaphore, #tpu.memory_space<semaphore_mem>>) src(%dma_wait3A_98 : memref<8192x1024xf32, #tpu.memory_space<hbm>>) dst(%dma_wait3A_93 : memref<32x1024xf32, #tpu.memory_space<vmem>>)
    %add3A_99 = arith.constant 96 : i32
    %add3A_100 = arith.addi %mul3A_2, %add3A_99 : i32
    %run_scoped3A_101 = arith.constant 1 : i32
    "tpu.region"() ({
      %run_scoped3A_230 = tpu.sem_alloc : memref<!tpu.dma_semaphore, #tpu.memory_space<semaphore_mem>>
      %dma_start3A_231 = arith.constant 0 : i32
      %dma_start3A_232 = arith.constant 0 : i32
      %dma_start3A_233 = tpu.memref_slice %arg6[%run_scoped3A_101, %dma_start3A_231, %dma_start3A_232] : memref<2x32x1024xf32, #tpu.memory_space<vmem>> -> memref<1x32x1024xf32, #tpu.memory_space<vmem>>
      %dma_start3A_234 = tpu.memref_squeeze %dma_start3A_233 : memref<1x32x1024xf32, #tpu.memory_space<vmem>> -> memref<32x1024xf32, #tpu.memory_space<vmem>>
      %dma_start3A_235 = arith.constant 0 : i32
      %dma_start3A_236 = tpu.memref_slice %arg4[%add3A_100, %dma_start3A_235] : memref<10240x1024xf32, #tpu.memory_space<hbm>> -> memref<32x1024xf32, #tpu.memory_space<hbm>>
      %dma_start3A_237 = arith.constant 0 : i32
      %dma_start3A_238 = tpu.memref_slice %arg4[%add3A_100, %dma_start3A_237] : memref<10240x1024xf32, #tpu.memory_space<hbm>> -> memref<32x1024xf32, #tpu.memory_space<hbm>>
      %dma_start3A_239 = arith.constant 0 : i32
      %dma_start3A_240 = arith.constant 0 : i32
      %dma_start3A_241 = tpu.memref_slice %arg6[%run_scoped3A_101, %dma_start3A_239, %dma_start3A_240] : memref<2x32x1024xf32, #tpu.memory_space<vmem>> -> memref<1x32x1024xf32, #tpu.memory_space<vmem>>
      %dma_start3A_242 = tpu.memref_squeeze %dma_start3A_241 : memref<1x32x1024xf32, #tpu.memory_space<vmem>> -> memref<32x1024xf32, #tpu.memory_space<vmem>>
      tpu.enqueue_dma source(%dma_start3A_242 : memref<32x1024xf32, #tpu.memory_space<vmem>>) target(%dma_start3A_238 : memref<32x1024xf32, #tpu.memory_space<hbm>>) target_semaphore(%run_scoped3A_230 : memref<!tpu.dma_semaphore, #tpu.memory_space<semaphore_mem>>)
      %dma_wait3A_243 = arith.constant 0 : i32
      %dma_wait3A_244 = arith.constant 0 : i32
      %dma_wait3A_245 = tpu.memref_slice %arg6[%run_scoped3A_101, %dma_wait3A_243, %dma_wait3A_244] : memref<2x32x1024xf32, #tpu.memory_space<vmem>> -> memref<1x32x1024xf32, #tpu.memory_space<vmem>>
      %dma_wait3A_246 = tpu.memref_squeeze %dma_wait3A_245 : memref<1x32x1024xf32, #tpu.memory_space<vmem>> -> memref<32x1024xf32, #tpu.memory_space<vmem>>
      %dma_wait3A_247 = arith.constant 0 : i32
      %dma_wait3A_248 = tpu.memref_slice %arg4[%add3A_100, %dma_wait3A_247] : memref<10240x1024xf32, #tpu.memory_space<hbm>> -> memref<32x1024xf32, #tpu.memory_space<hbm>>
      %dma_wait3A_249 = arith.constant 0 : i32
      %dma_wait3A_250 = tpu.memref_slice %arg4[%add3A_100, %dma_wait3A_249] : memref<10240x1024xf32, #tpu.memory_space<hbm>> -> memref<32x1024xf32, #tpu.memory_space<hbm>>
      %dma_wait3A_251 = arith.constant 0 : i32
      %dma_wait3A_252 = arith.constant 0 : i32
      %dma_wait3A_253 = tpu.memref_slice %arg6[%run_scoped3A_101, %dma_wait3A_251, %dma_wait3A_252] : memref<2x32x1024xf32, #tpu.memory_space<vmem>> -> memref<1x32x1024xf32, #tpu.memory_space<vmem>>
      %dma_wait3A_254 = tpu.memref_squeeze %dma_wait3A_253 : memref<1x32x1024xf32, #tpu.memory_space<vmem>> -> memref<32x1024xf32, #tpu.memory_space<vmem>>
      tpu.wait_dma2 semaphore(%run_scoped3A_230 : memref<!tpu.dma_semaphore, #tpu.memory_space<semaphore_mem>>) src(%dma_wait3A_254 : memref<32x1024xf32, #tpu.memory_space<vmem>>) dst(%dma_wait3A_250 : memref<32x1024xf32, #tpu.memory_space<hbm>>)
      tpu.yield
    }) : () -> ()
    %dma_start3A_102 = arith.constant 1 : i32
    %dma_start3A_103 = arith.constant 0 : i32
    %dma_start3A_104 = arith.constant 0 : i32
    %dma_start3A_105 = tpu.memref_slice %arg6[%dma_start3A_102, %dma_start3A_103, %dma_start3A_104] : memref<2x32x1024xf32, #tpu.memory_space<vmem>> -> memref<1x32x1024xf32, #tpu.memory_space<vmem>>
    %dma_start3A_106 = tpu.memref_squeeze %dma_start3A_105 : memref<1x32x1024xf32, #tpu.memory_space<vmem>> -> memref<32x1024xf32, #tpu.memory_space<vmem>>
    %dma_start3A_107 = arith.constant 160 : i32
    %dma_start3A_108 = tpu.memref_slice %arg5[%dma_start3A_107] : memref<320xi32, #tpu.memory_space<vmem>> -> memref<32xi32, #tpu.memory_space<vmem>>
    %dma_start3A_109 = arith.constant 0 : i32
    %dma_start3A_110 = arith.constant 0 : i32
    %dma_start3A_111 = tpu.memref_slice %arg2[%dma_start3A_109, %dma_start3A_110] : memref<8192x1024xf32, #tpu.memory_space<hbm>> -> memref<8192x1024xf32, #tpu.memory_space<hbm>>
    tpu.enqueue_indirect_dma source(%dma_start3A_111 : memref<8192x1024xf32, #tpu.memory_space<hbm>>) target(%dma_start3A_106 : memref<32x1024xf32, #tpu.memory_space<vmem>>) offsets(%dma_start3A_108 : memref<32xi32, #tpu.memory_space<vmem>>) semaphore(%arg8 : memref<!tpu.dma_semaphore, #tpu.memory_space<semaphore_mem>>)
    %dma_wait3A_112 = arith.constant 0 : i32
    %dma_wait3A_113 = arith.constant 0 : i32
    %dma_wait3A_114 = arith.constant 0 : i32
    %dma_wait3A_115 = tpu.memref_slice %arg6[%dma_wait3A_112, %dma_wait3A_113, %dma_wait3A_114] : memref<2x32x1024xf32, #tpu.memory_space<vmem>> -> memref<1x32x1024xf32, #tpu.memory_space<vmem>>
    %dma_wait3A_116 = tpu.memref_squeeze %dma_wait3A_115 : memref<1x32x1024xf32, #tpu.memory_space<vmem>> -> memref<32x1024xf32, #tpu.memory_space<vmem>>
    %dma_wait3A_117 = arith.constant 128 : i32
    %dma_wait3A_118 = tpu.memref_slice %arg5[%dma_wait3A_117] : memref<320xi32, #tpu.memory_space<vmem>> -> memref<32xi32, #tpu.memory_space<vmem>>
    %dma_wait3A_119 = arith.constant 0 : i32
    %dma_wait3A_120 = arith.constant 0 : i32
    %dma_wait3A_121 = tpu.memref_slice %arg2[%dma_wait3A_119, %dma_wait3A_120] : memref<8192x1024xf32, #tpu.memory_space<hbm>> -> memref<8192x1024xf32, #tpu.memory_space<hbm>>
    tpu.wait_indirect_dma semaphore(%arg7 : memref<!tpu.dma_semaphore, #tpu.memory_space<semaphore_mem>>) src(%dma_wait3A_121 : memref<8192x1024xf32, #tpu.memory_space<hbm>>) dst(%dma_wait3A_116 : memref<32x1024xf32, #tpu.memory_space<vmem>>)
    %add3A_122 = arith.constant 128 : i32
    %add3A_123 = arith.addi %mul3A_2, %add3A_122 : i32
    %run_scoped3A_124 = arith.constant 0 : i32
    "tpu.region"() ({
      %run_scoped3A_230 = tpu.sem_alloc : memref<!tpu.dma_semaphore, #tpu.memory_space<semaphore_mem>>
      %dma_start3A_231 = arith.constant 0 : i32
      %dma_start3A_232 = arith.constant 0 : i32
      %dma_start3A_233 = tpu.memref_slice %arg6[%run_scoped3A_124, %dma_start3A_231, %dma_start3A_232] : memref<2x32x1024xf32, #tpu.memory_space<vmem>> -> memref<1x32x1024xf32, #tpu.memory_space<vmem>>
      %dma_start3A_234 = tpu.memref_squeeze %dma_start3A_233 : memref<1x32x1024xf32, #tpu.memory_space<vmem>> -> memref<32x1024xf32, #tpu.memory_space<vmem>>
      %dma_start3A_235 = arith.constant 0 : i32
      %dma_start3A_236 = tpu.memref_slice %arg4[%add3A_123, %dma_start3A_235] : memref<10240x1024xf32, #tpu.memory_space<hbm>> -> memref<32x1024xf32, #tpu.memory_space<hbm>>
      %dma_start3A_237 = arith.constant 0 : i32
      %dma_start3A_238 = tpu.memref_slice %arg4[%add3A_123, %dma_start3A_237] : memref<10240x1024xf32, #tpu.memory_space<hbm>> -> memref<32x1024xf32, #tpu.memory_space<hbm>>
      %dma_start3A_239 = arith.constant 0 : i32
      %dma_start3A_240 = arith.constant 0 : i32
      %dma_start3A_241 = tpu.memref_slice %arg6[%run_scoped3A_124, %dma_start3A_239, %dma_start3A_240] : memref<2x32x1024xf32, #tpu.memory_space<vmem>> -> memref<1x32x1024xf32, #tpu.memory_space<vmem>>
      %dma_start3A_242 = tpu.memref_squeeze %dma_start3A_241 : memref<1x32x1024xf32, #tpu.memory_space<vmem>> -> memref<32x1024xf32, #tpu.memory_space<vmem>>
      tpu.enqueue_dma source(%dma_start3A_242 : memref<32x1024xf32, #tpu.memory_space<vmem>>) target(%dma_start3A_238 : memref<32x1024xf32, #tpu.memory_space<hbm>>) target_semaphore(%run_scoped3A_230 : memref<!tpu.dma_semaphore, #tpu.memory_space<semaphore_mem>>)
      %dma_wait3A_243 = arith.constant 0 : i32
      %dma_wait3A_244 = arith.constant 0 : i32
      %dma_wait3A_245 = tpu.memref_slice %arg6[%run_scoped3A_124, %dma_wait3A_243, %dma_wait3A_244] : memref<2x32x1024xf32, #tpu.memory_space<vmem>> -> memref<1x32x1024xf32, #tpu.memory_space<vmem>>
      %dma_wait3A_246 = tpu.memref_squeeze %dma_wait3A_245 : memref<1x32x1024xf32, #tpu.memory_space<vmem>> -> memref<32x1024xf32, #tpu.memory_space<vmem>>
      %dma_wait3A_247 = arith.constant 0 : i32
      %dma_wait3A_248 = tpu.memref_slice %arg4[%add3A_123, %dma_wait3A_247] : memref<10240x1024xf32, #tpu.memory_space<hbm>> -> memref<32x1024xf32, #tpu.memory_space<hbm>>
      %dma_wait3A_249 = arith.constant 0 : i32
      %dma_wait3A_250 = tpu.memref_slice %arg4[%add3A_123, %dma_wait3A_249] : memref<10240x1024xf32, #tpu.memory_space<hbm>> -> memref<32x1024xf32, #tpu.memory_space<hbm>>
      %dma_wait3A_251 = arith.constant 0 : i32
      %dma_wait3A_252 = arith.constant 0 : i32
      %dma_wait3A_253 = tpu.memref_slice %arg6[%run_scoped3A_124, %dma_wait3A_251, %dma_wait3A_252] : memref<2x32x1024xf32, #tpu.memory_space<vmem>> -> memref<1x32x1024xf32, #tpu.memory_space<vmem>>
      %dma_wait3A_254 = tpu.memref_squeeze %dma_wait3A_253 : memref<1x32x1024xf32, #tpu.memory_space<vmem>> -> memref<32x1024xf32, #tpu.memory_space<vmem>>
      tpu.wait_dma2 semaphore(%run_scoped3A_230 : memref<!tpu.dma_semaphore, #tpu.memory_space<semaphore_mem>>) src(%dma_wait3A_254 : memref<32x1024xf32, #tpu.memory_space<vmem>>) dst(%dma_wait3A_250 : memref<32x1024xf32, #tpu.memory_space<hbm>>)
      tpu.yield
    }) : () -> ()
    %dma_start3A_125 = arith.constant 0 : i32
    %dma_start3A_126 = arith.constant 0 : i32
    %dma_start3A_127 = arith.constant 0 : i32
    %dma_start3A_128 = tpu.memref_slice %arg6[%dma_start3A_125, %dma_start3A_126, %dma_start3A_127] : memref<2x32x1024xf32, #tpu.memory_space<vmem>> -> memref<1x32x1024xf32, #tpu.memory_space<vmem>>
    %dma_start3A_129 = tpu.memref_squeeze %dma_start3A_128 : memref<1x32x1024xf32, #tpu.memory_space<vmem>> -> memref<32x1024xf32, #tpu.memory_space<vmem>>
    %dma_start3A_130 = arith.constant 192 : i32
    %dma_start3A_131 = tpu.memref_slice %arg5[%dma_start3A_130] : memref<320xi32, #tpu.memory_space<vmem>> -> memref<32xi32, #tpu.memory_space<vmem>>
    %dma_start3A_132 = arith.constant 0 : i32
    %dma_start3A_133 = arith.constant 0 : i32
    %dma_start3A_134 = tpu.memref_slice %arg2[%dma_start3A_132, %dma_start3A_133] : memref<8192x1024xf32, #tpu.memory_space<hbm>> -> memref<8192x1024xf32, #tpu.memory_space<hbm>>
    tpu.enqueue_indirect_dma source(%dma_start3A_134 : memref<8192x1024xf32, #tpu.memory_space<hbm>>) target(%dma_start3A_129 : memref<32x1024xf32, #tpu.memory_space<vmem>>) offsets(%dma_start3A_131 : memref<32xi32, #tpu.memory_space<vmem>>) semaphore(%arg7 : memref<!tpu.dma_semaphore, #tpu.memory_space<semaphore_mem>>)
    %dma_wait3A_135 = arith.constant 1 : i32
    %dma_wait3A_136 = arith.constant 0 : i32
    %dma_wait3A_137 = arith.constant 0 : i32
    %dma_wait3A_138 = tpu.memref_slice %arg6[%dma_wait3A_135, %dma_wait3A_136, %dma_wait3A_137] : memref<2x32x1024xf32, #tpu.memory_space<vmem>> -> memref<1x32x1024xf32, #tpu.memory_space<vmem>>
    %dma_wait3A_139 = tpu.memref_squeeze %dma_wait3A_138 : memref<1x32x1024xf32, #tpu.memory_space<vmem>> -> memref<32x1024xf32, #tpu.memory_space<vmem>>
    %dma_wait3A_140 = arith.constant 160 : i32
    %dma_wait3A_141 = tpu.memref_slice %arg5[%dma_wait3A_140] : memref<320xi32, #tpu.memory_space<vmem>> -> memref<32xi32, #tpu.memory_space<vmem>>
    %dma_wait3A_142 = arith.constant 0 : i32
    %dma_wait3A_143 = arith.constant 0 : i32
    %dma_wait3A_144 = tpu.memref_slice %arg2[%dma_wait3A_142, %dma_wait3A_143] : memref<8192x1024xf32, #tpu.memory_space<hbm>> -> memref<8192x1024xf32, #tpu.memory_space<hbm>>
    tpu.wait_indirect_dma semaphore(%arg8 : memref<!tpu.dma_semaphore, #tpu.memory_space<semaphore_mem>>) src(%dma_wait3A_144 : memref<8192x1024xf32, #tpu.memory_space<hbm>>) dst(%dma_wait3A_139 : memref<32x1024xf32, #tpu.memory_space<vmem>>)
    %add3A_145 = arith.constant 160 : i32
    %add3A_146 = arith.addi %mul3A_2, %add3A_145 : i32
    %run_scoped3A_147 = arith.constant 1 : i32
    "tpu.region"() ({
      %run_scoped3A_230 = tpu.sem_alloc : memref<!tpu.dma_semaphore, #tpu.memory_space<semaphore_mem>>
      %dma_start3A_231 = arith.constant 0 : i32
      %dma_start3A_232 = arith.constant 0 : i32
      %dma_start3A_233 = tpu.memref_slice %arg6[%run_scoped3A_147, %dma_start3A_231, %dma_start3A_232] : memref<2x32x1024xf32, #tpu.memory_space<vmem>> -> memref<1x32x1024xf32, #tpu.memory_space<vmem>>
      %dma_start3A_234 = tpu.memref_squeeze %dma_start3A_233 : memref<1x32x1024xf32, #tpu.memory_space<vmem>> -> memref<32x1024xf32, #tpu.memory_space<vmem>>
      %dma_start3A_235 = arith.constant 0 : i32
      %dma_start3A_236 = tpu.memref_slice %arg4[%add3A_146, %dma_start3A_235] : memref<10240x1024xf32, #tpu.memory_space<hbm>> -> memref<32x1024xf32, #tpu.memory_space<hbm>>
      %dma_start3A_237 = arith.constant 0 : i32
      %dma_start3A_238 = tpu.memref_slice %arg4[%add3A_146, %dma_start3A_237] : memref<10240x1024xf32, #tpu.memory_space<hbm>> -> memref<32x1024xf32, #tpu.memory_space<hbm>>
      %dma_start3A_239 = arith.constant 0 : i32
      %dma_start3A_240 = arith.constant 0 : i32
      %dma_start3A_241 = tpu.memref_slice %arg6[%run_scoped3A_147, %dma_start3A_239, %dma_start3A_240] : memref<2x32x1024xf32, #tpu.memory_space<vmem>> -> memref<1x32x1024xf32, #tpu.memory_space<vmem>>
      %dma_start3A_242 = tpu.memref_squeeze %dma_start3A_241 : memref<1x32x1024xf32, #tpu.memory_space<vmem>> -> memref<32x1024xf32, #tpu.memory_space<vmem>>
      tpu.enqueue_dma source(%dma_start3A_242 : memref<32x1024xf32, #tpu.memory_space<vmem>>) target(%dma_start3A_238 : memref<32x1024xf32, #tpu.memory_space<hbm>>) target_semaphore(%run_scoped3A_230 : memref<!tpu.dma_semaphore, #tpu.memory_space<semaphore_mem>>)
      %dma_wait3A_243 = arith.constant 0 : i32
      %dma_wait3A_244 = arith.constant 0 : i32
      %dma_wait3A_245 = tpu.memref_slice %arg6[%run_scoped3A_147, %dma_wait3A_243, %dma_wait3A_244] : memref<2x32x1024xf32, #tpu.memory_space<vmem>> -> memref<1x32x1024xf32, #tpu.memory_space<vmem>>
      %dma_wait3A_246 = tpu.memref_squeeze %dma_wait3A_245 : memref<1x32x1024xf32, #tpu.memory_space<vmem>> -> memref<32x1024xf32, #tpu.memory_space<vmem>>
      %dma_wait3A_247 = arith.constant 0 : i32
      %dma_wait3A_248 = tpu.memref_slice %arg4[%add3A_146, %dma_wait3A_247] : memref<10240x1024xf32, #tpu.memory_space<hbm>> -> memref<32x1024xf32, #tpu.memory_space<hbm>>
      %dma_wait3A_249 = arith.constant 0 : i32
      %dma_wait3A_250 = tpu.memref_slice %arg4[%add3A_146, %dma_wait3A_249] : memref<10240x1024xf32, #tpu.memory_space<hbm>> -> memref<32x1024xf32, #tpu.memory_space<hbm>>
      %dma_wait3A_251 = arith.constant 0 : i32
      %dma_wait3A_252 = arith.constant 0 : i32
      %dma_wait3A_253 = tpu.memref_slice %arg6[%run_scoped3A_147, %dma_wait3A_251, %dma_wait3A_252] : memref<2x32x1024xf32, #tpu.memory_space<vmem>> -> memref<1x32x1024xf32, #tpu.memory_space<vmem>>
      %dma_wait3A_254 = tpu.memref_squeeze %dma_wait3A_253 : memref<1x32x1024xf32, #tpu.memory_space<vmem>> -> memref<32x1024xf32, #tpu.memory_space<vmem>>
      tpu.wait_dma2 semaphore(%run_scoped3A_230 : memref<!tpu.dma_semaphore, #tpu.memory_space<semaphore_mem>>) src(%dma_wait3A_254 : memref<32x1024xf32, #tpu.memory_space<vmem>>) dst(%dma_wait3A_250 : memref<32x1024xf32, #tpu.memory_space<hbm>>)
      tpu.yield
    }) : () -> ()
    %dma_start3A_148 = arith.constant 1 : i32
    %dma_start3A_149 = arith.constant 0 : i32
    %dma_start3A_150 = arith.constant 0 : i32
    %dma_start3A_151 = tpu.memref_slice %arg6[%dma_start3A_148, %dma_start3A_149, %dma_start3A_150] : memref<2x32x1024xf32, #tpu.memory_space<vmem>> -> memref<1x32x1024xf32, #tpu.memory_space<vmem>>
    %dma_start3A_152 = tpu.memref_squeeze %dma_start3A_151 : memref<1x32x1024xf32, #tpu.memory_space<vmem>> -> memref<32x1024xf32, #tpu.memory_space<vmem>>
    %dma_start3A_153 = arith.constant 224 : i32
    %dma_start3A_154 = tpu.memref_slice %arg5[%dma_start3A_153] : memref<320xi32, #tpu.memory_space<vmem>> -> memref<32xi32, #tpu.memory_space<vmem>>
    %dma_start3A_155 = arith.constant 0 : i32
    %dma_start3A_156 = arith.constant 0 : i32
    %dma_start3A_157 = tpu.memref_slice %arg2[%dma_start3A_155, %dma_start3A_156] : memref<8192x1024xf32, #tpu.memory_space<hbm>> -> memref<8192x1024xf32, #tpu.memory_space<hbm>>
    tpu.enqueue_indirect_dma source(%dma_start3A_157 : memref<8192x1024xf32, #tpu.memory_space<hbm>>) target(%dma_start3A_152 : memref<32x1024xf32, #tpu.memory_space<vmem>>) offsets(%dma_start3A_154 : memref<32xi32, #tpu.memory_space<vmem>>) semaphore(%arg8 : memref<!tpu.dma_semaphore, #tpu.memory_space<semaphore_mem>>)
    %dma_wait3A_158 = arith.constant 0 : i32
    %dma_wait3A_159 = arith.constant 0 : i32
    %dma_wait3A_160 = arith.constant 0 : i32
    %dma_wait3A_161 = tpu.memref_slice %arg6[%dma_wait3A_158, %dma_wait3A_159, %dma_wait3A_160] : memref<2x32x1024xf32, #tpu.memory_space<vmem>> -> memref<1x32x1024xf32, #tpu.memory_space<vmem>>
    %dma_wait3A_162 = tpu.memref_squeeze %dma_wait3A_161 : memref<1x32x1024xf32, #tpu.memory_space<vmem>> -> memref<32x1024xf32, #tpu.memory_space<vmem>>
    %dma_wait3A_163 = arith.constant 192 : i32
    %dma_wait3A_164 = tpu.memref_slice %arg5[%dma_wait3A_163] : memref<320xi32, #tpu.memory_space<vmem>> -> memref<32xi32, #tpu.memory_space<vmem>>
    %dma_wait3A_165 = arith.constant 0 : i32
    %dma_wait3A_166 = arith.constant 0 : i32
    %dma_wait3A_167 = tpu.memref_slice %arg2[%dma_wait3A_165, %dma_wait3A_166] : memref<8192x1024xf32, #tpu.memory_space<hbm>> -> memref<8192x1024xf32, #tpu.memory_space<hbm>>
    tpu.wait_indirect_dma semaphore(%arg7 : memref<!tpu.dma_semaphore, #tpu.memory_space<semaphore_mem>>) src(%dma_wait3A_167 : memref<8192x1024xf32, #tpu.memory_space<hbm>>) dst(%dma_wait3A_162 : memref<32x1024xf32, #tpu.memory_space<vmem>>)
    %add3A_168 = arith.constant 192 : i32
    %add3A_169 = arith.addi %mul3A_2, %add3A_168 : i32
    %run_scoped3A_170 = arith.constant 0 : i32
    "tpu.region"() ({
      %run_scoped3A_230 = tpu.sem_alloc : memref<!tpu.dma_semaphore, #tpu.memory_space<semaphore_mem>>
      %dma_start3A_231 = arith.constant 0 : i32
      %dma_start3A_232 = arith.constant 0 : i32
      %dma_start3A_233 = tpu.memref_slice %arg6[%run_scoped3A_170, %dma_start3A_231, %dma_start3A_232] : memref<2x32x1024xf32, #tpu.memory_space<vmem>> -> memref<1x32x1024xf32, #tpu.memory_space<vmem>>
      %dma_start3A_234 = tpu.memref_squeeze %dma_start3A_233 : memref<1x32x1024xf32, #tpu.memory_space<vmem>> -> memref<32x1024xf32, #tpu.memory_space<vmem>>
      %dma_start3A_235 = arith.constant 0 : i32
      %dma_start3A_236 = tpu.memref_slice %arg4[%add3A_169, %dma_start3A_235] : memref<10240x1024xf32, #tpu.memory_space<hbm>> -> memref<32x1024xf32, #tpu.memory_space<hbm>>
      %dma_start3A_237 = arith.constant 0 : i32
      %dma_start3A_238 = tpu.memref_slice %arg4[%add3A_169, %dma_start3A_237] : memref<10240x1024xf32, #tpu.memory_space<hbm>> -> memref<32x1024xf32, #tpu.memory_space<hbm>>
      %dma_start3A_239 = arith.constant 0 : i32
      %dma_start3A_240 = arith.constant 0 : i32
      %dma_start3A_241 = tpu.memref_slice %arg6[%run_scoped3A_170, %dma_start3A_239, %dma_start3A_240] : memref<2x32x1024xf32, #tpu.memory_space<vmem>> -> memref<1x32x1024xf32, #tpu.memory_space<vmem>>
      %dma_start3A_242 = tpu.memref_squeeze %dma_start3A_241 : memref<1x32x1024xf32, #tpu.memory_space<vmem>> -> memref<32x1024xf32, #tpu.memory_space<vmem>>
      tpu.enqueue_dma source(%dma_start3A_242 : memref<32x1024xf32, #tpu.memory_space<vmem>>) target(%dma_start3A_238 : memref<32x1024xf32, #tpu.memory_space<hbm>>) target_semaphore(%run_scoped3A_230 : memref<!tpu.dma_semaphore, #tpu.memory_space<semaphore_mem>>)
      %dma_wait3A_243 = arith.constant 0 : i32
      %dma_wait3A_244 = arith.constant 0 : i32
      %dma_wait3A_245 = tpu.memref_slice %arg6[%run_scoped3A_170, %dma_wait3A_243, %dma_wait3A_244] : memref<2x32x1024xf32, #tpu.memory_space<vmem>> -> memref<1x32x1024xf32, #tpu.memory_space<vmem>>
      %dma_wait3A_246 = tpu.memref_squeeze %dma_wait3A_245 : memref<1x32x1024xf32, #tpu.memory_space<vmem>> -> memref<32x1024xf32, #tpu.memory_space<vmem>>
      %dma_wait3A_247 = arith.constant 0 : i32
      %dma_wait3A_248 = tpu.memref_slice %arg4[%add3A_169, %dma_wait3A_247] : memref<10240x1024xf32, #tpu.memory_space<hbm>> -> memref<32x1024xf32, #tpu.memory_space<hbm>>
      %dma_wait3A_249 = arith.constant 0 : i32
      %dma_wait3A_250 = tpu.memref_slice %arg4[%add3A_169, %dma_wait3A_249] : memref<10240x1024xf32, #tpu.memory_space<hbm>> -> memref<32x1024xf32, #tpu.memory_space<hbm>>
      %dma_wait3A_251 = arith.constant 0 : i32
      %dma_wait3A_252 = arith.constant 0 : i32
      %dma_wait3A_253 = tpu.memref_slice %arg6[%run_scoped3A_170, %dma_wait3A_251, %dma_wait3A_252] : memref<2x32x1024xf32, #tpu.memory_space<vmem>> -> memref<1x32x1024xf32, #tpu.memory_space<vmem>>
      %dma_wait3A_254 = tpu.memref_squeeze %dma_wait3A_253 : memref<1x32x1024xf32, #tpu.memory_space<vmem>> -> memref<32x1024xf32, #tpu.memory_space<vmem>>
      tpu.wait_dma2 semaphore(%run_scoped3A_230 : memref<!tpu.dma_semaphore, #tpu.memory_space<semaphore_mem>>) src(%dma_wait3A_254 : memref<32x1024xf32, #tpu.memory_space<vmem>>) dst(%dma_wait3A_250 : memref<32x1024xf32, #tpu.memory_space<hbm>>)
      tpu.yield
    }) : () -> ()
    %dma_start3A_171 = arith.constant 0 : i32
    %dma_start3A_172 = arith.constant 0 : i32
    %dma_start3A_173 = arith.constant 0 : i32
    %dma_start3A_174 = tpu.memref_slice %arg6[%dma_start3A_171, %dma_start3A_172, %dma_start3A_173] : memref<2x32x1024xf32, #tpu.memory_space<vmem>> -> memref<1x32x1024xf32, #tpu.memory_space<vmem>>
    %dma_start3A_175 = tpu.memref_squeeze %dma_start3A_174 : memref<1x32x1024xf32, #tpu.memory_space<vmem>> -> memref<32x1024xf32, #tpu.memory_space<vmem>>
    %dma_start3A_176 = arith.constant 256 : i32
    %dma_start3A_177 = tpu.memref_slice %arg5[%dma_start3A_176] : memref<320xi32, #tpu.memory_space<vmem>> -> memref<32xi32, #tpu.memory_space<vmem>>
    %dma_start3A_178 = arith.constant 0 : i32
    %dma_start3A_179 = arith.constant 0 : i32
    %dma_start3A_180 = tpu.memref_slice %arg2[%dma_start3A_178, %dma_start3A_179] : memref<8192x1024xf32, #tpu.memory_space<hbm>> -> memref<8192x1024xf32, #tpu.memory_space<hbm>>
    tpu.enqueue_indirect_dma source(%dma_start3A_180 : memref<8192x1024xf32, #tpu.memory_space<hbm>>) target(%dma_start3A_175 : memref<32x1024xf32, #tpu.memory_space<vmem>>) offsets(%dma_start3A_177 : memref<32xi32, #tpu.memory_space<vmem>>) semaphore(%arg7 : memref<!tpu.dma_semaphore, #tpu.memory_space<semaphore_mem>>)
    %dma_wait3A_181 = arith.constant 1 : i32
    %dma_wait3A_182 = arith.constant 0 : i32
    %dma_wait3A_183 = arith.constant 0 : i32
    %dma_wait3A_184 = tpu.memref_slice %arg6[%dma_wait3A_181, %dma_wait3A_182, %dma_wait3A_183] : memref<2x32x1024xf32, #tpu.memory_space<vmem>> -> memref<1x32x1024xf32, #tpu.memory_space<vmem>>
    %dma_wait3A_185 = tpu.memref_squeeze %dma_wait3A_184 : memref<1x32x1024xf32, #tpu.memory_space<vmem>> -> memref<32x1024xf32, #tpu.memory_space<vmem>>
    %dma_wait3A_186 = arith.constant 224 : i32
    %dma_wait3A_187 = tpu.memref_slice %arg5[%dma_wait3A_186] : memref<320xi32, #tpu.memory_space<vmem>> -> memref<32xi32, #tpu.memory_space<vmem>>
    %dma_wait3A_188 = arith.constant 0 : i32
    %dma_wait3A_189 = arith.constant 0 : i32
    %dma_wait3A_190 = tpu.memref_slice %arg2[%dma_wait3A_188, %dma_wait3A_189] : memref<8192x1024xf32, #tpu.memory_space<hbm>> -> memref<8192x1024xf32, #tpu.memory_space<hbm>>
    tpu.wait_indirect_dma semaphore(%arg8 : memref<!tpu.dma_semaphore, #tpu.memory_space<semaphore_mem>>) src(%dma_wait3A_190 : memref<8192x1024xf32, #tpu.memory_space<hbm>>) dst(%dma_wait3A_185 : memref<32x1024xf32, #tpu.memory_space<vmem>>)
    %add3A_191 = arith.constant 224 : i32
    %add3A_192 = arith.addi %mul3A_2, %add3A_191 : i32
    %run_scoped3A_193 = arith.constant 1 : i32
    "tpu.region"() ({
      %run_scoped3A_230 = tpu.sem_alloc : memref<!tpu.dma_semaphore, #tpu.memory_space<semaphore_mem>>
      %dma_start3A_231 = arith.constant 0 : i32
      %dma_start3A_232 = arith.constant 0 : i32
      %dma_start3A_233 = tpu.memref_slice %arg6[%run_scoped3A_193, %dma_start3A_231, %dma_start3A_232] : memref<2x32x1024xf32, #tpu.memory_space<vmem>> -> memref<1x32x1024xf32, #tpu.memory_space<vmem>>
      %dma_start3A_234 = tpu.memref_squeeze %dma_start3A_233 : memref<1x32x1024xf32, #tpu.memory_space<vmem>> -> memref<32x1024xf32, #tpu.memory_space<vmem>>
      %dma_start3A_235 = arith.constant 0 : i32
      %dma_start3A_236 = tpu.memref_slice %arg4[%add3A_192, %dma_start3A_235] : memref<10240x1024xf32, #tpu.memory_space<hbm>> -> memref<32x1024xf32, #tpu.memory_space<hbm>>
      %dma_start3A_237 = arith.constant 0 : i32
      %dma_start3A_238 = tpu.memref_slice %arg4[%add3A_192, %dma_start3A_237] : memref<10240x1024xf32, #tpu.memory_space<hbm>> -> memref<32x1024xf32, #tpu.memory_space<hbm>>
      %dma_start3A_239 = arith.constant 0 : i32
      %dma_start3A_240 = arith.constant 0 : i32
      %dma_start3A_241 = tpu.memref_slice %arg6[%run_scoped3A_193, %dma_start3A_239, %dma_start3A_240] : memref<2x32x1024xf32, #tpu.memory_space<vmem>> -> memref<1x32x1024xf32, #tpu.memory_space<vmem>>
      %dma_start3A_242 = tpu.memref_squeeze %dma_start3A_241 : memref<1x32x1024xf32, #tpu.memory_space<vmem>> -> memref<32x1024xf32, #tpu.memory_space<vmem>>
      tpu.enqueue_dma source(%dma_start3A_242 : memref<32x1024xf32, #tpu.memory_space<vmem>>) target(%dma_start3A_238 : memref<32x1024xf32, #tpu.memory_space<hbm>>) target_semaphore(%run_scoped3A_230 : memref<!tpu.dma_semaphore, #tpu.memory_space<semaphore_mem>>)
      %dma_wait3A_243 = arith.constant 0 : i32
      %dma_wait3A_244 = arith.constant 0 : i32
      %dma_wait3A_245 = tpu.memref_slice %arg6[%run_scoped3A_193, %dma_wait3A_243, %dma_wait3A_244] : memref<2x32x1024xf32, #tpu.memory_space<vmem>> -> memref<1x32x1024xf32, #tpu.memory_space<vmem>>
      %dma_wait3A_246 = tpu.memref_squeeze %dma_wait3A_245 : memref<1x32x1024xf32, #tpu.memory_space<vmem>> -> memref<32x1024xf32, #tpu.memory_space<vmem>>
      %dma_wait3A_247 = arith.constant 0 : i32
      %dma_wait3A_248 = tpu.memref_slice %arg4[%add3A_192, %dma_wait3A_247] : memref<10240x1024xf32, #tpu.memory_space<hbm>> -> memref<32x1024xf32, #tpu.memory_space<hbm>>
      %dma_wait3A_249 = arith.constant 0 : i32
      %dma_wait3A_250 = tpu.memref_slice %arg4[%add3A_192, %dma_wait3A_249] : memref<10240x1024xf32, #tpu.memory_space<hbm>> -> memref<32x1024xf32, #tpu.memory_space<hbm>>
      %dma_wait3A_251 = arith.constant 0 : i32
      %dma_wait3A_252 = arith.constant 0 : i32
      %dma_wait3A_253 = tpu.memref_slice %arg6[%run_scoped3A_193, %dma_wait3A_251, %dma_wait3A_252] : memref<2x32x1024xf32, #tpu.memory_space<vmem>> -> memref<1x32x1024xf32, #tpu.memory_space<vmem>>
      %dma_wait3A_254 = tpu.memref_squeeze %dma_wait3A_253 : memref<1x32x1024xf32, #tpu.memory_space<vmem>> -> memref<32x1024xf32, #tpu.memory_space<vmem>>
      tpu.wait_dma2 semaphore(%run_scoped3A_230 : memref<!tpu.dma_semaphore, #tpu.memory_space<semaphore_mem>>) src(%dma_wait3A_254 : memref<32x1024xf32, #tpu.memory_space<vmem>>) dst(%dma_wait3A_250 : memref<32x1024xf32, #tpu.memory_space<hbm>>)
      tpu.yield
    }) : () -> ()
    %dma_start3A_194 = arith.constant 1 : i32
    %dma_start3A_195 = arith.constant 0 : i32
    %dma_start3A_196 = arith.constant 0 : i32
    %dma_start3A_197 = tpu.memref_slice %arg6[%dma_start3A_194, %dma_start3A_195, %dma_start3A_196] : memref<2x32x1024xf32, #tpu.memory_space<vmem>> -> memref<1x32x1024xf32, #tpu.memory_space<vmem>>
    %dma_start3A_198 = tpu.memref_squeeze %dma_start3A_197 : memref<1x32x1024xf32, #tpu.memory_space<vmem>> -> memref<32x1024xf32, #tpu.memory_space<vmem>>
    %dma_start3A_199 = arith.constant 288 : i32
    %dma_start3A_200 = tpu.memref_slice %arg5[%dma_start3A_199] : memref<320xi32, #tpu.memory_space<vmem>> -> memref<32xi32, #tpu.memory_space<vmem>>
    %dma_start3A_201 = arith.constant 0 : i32
    %dma_start3A_202 = arith.constant 0 : i32
    %dma_start3A_203 = tpu.memref_slice %arg2[%dma_start3A_201, %dma_start3A_202] : memref<8192x1024xf32, #tpu.memory_space<hbm>> -> memref<8192x1024xf32, #tpu.memory_space<hbm>>
    tpu.enqueue_indirect_dma source(%dma_start3A_203 : memref<8192x1024xf32, #tpu.memory_space<hbm>>) target(%dma_start3A_198 : memref<32x1024xf32, #tpu.memory_space<vmem>>) offsets(%dma_start3A_200 : memref<32xi32, #tpu.memory_space<vmem>>) semaphore(%arg8 : memref<!tpu.dma_semaphore, #tpu.memory_space<semaphore_mem>>)
    %dma_wait3A_204 = arith.constant 0 : i32
    %dma_wait3A_205 = arith.constant 0 : i32
    %dma_wait3A_206 = arith.constant 0 : i32
    %dma_wait3A_207 = tpu.memref_slice %arg6[%dma_wait3A_204, %dma_wait3A_205, %dma_wait3A_206] : memref<2x32x1024xf32, #tpu.memory_space<vmem>> -> memref<1x32x1024xf32, #tpu.memory_space<vmem>>
    %dma_wait3A_208 = tpu.memref_squeeze %dma_wait3A_207 : memref<1x32x1024xf32, #tpu.memory_space<vmem>> -> memref<32x1024xf32, #tpu.memory_space<vmem>>
    %dma_wait3A_209 = arith.constant 256 : i32
    %dma_wait3A_210 = tpu.memref_slice %arg5[%dma_wait3A_209] : memref<320xi32, #tpu.memory_space<vmem>> -> memref<32xi32, #tpu.memory_space<vmem>>
    %dma_wait3A_211 = arith.constant 0 : i32
    %dma_wait3A_212 = arith.constant 0 : i32
    %dma_wait3A_213 = tpu.memref_slice %arg2[%dma_wait3A_211, %dma_wait3A_212] : memref<8192x1024xf32, #tpu.memory_space<hbm>> -> memref<8192x1024xf32, #tpu.memory_space<hbm>>
    tpu.wait_indirect_dma semaphore(%arg7 : memref<!tpu.dma_semaphore, #tpu.memory_space<semaphore_mem>>) src(%dma_wait3A_213 : memref<8192x1024xf32, #tpu.memory_space<hbm>>) dst(%dma_wait3A_208 : memref<32x1024xf32, #tpu.memory_space<vmem>>)
    %add3A_214 = arith.constant 256 : i32
    %add3A_215 = arith.addi %mul3A_2, %add3A_214 : i32
    %run_scoped3A_216 = arith.constant 0 : i32
    "tpu.region"() ({
      %run_scoped3A_230 = tpu.sem_alloc : memref<!tpu.dma_semaphore, #tpu.memory_space<semaphore_mem>>
      %dma_start3A_231 = arith.constant 0 : i32
      %dma_start3A_232 = arith.constant 0 : i32
      %dma_start3A_233 = tpu.memref_slice %arg6[%run_scoped3A_216, %dma_start3A_231, %dma_start3A_232] : memref<2x32x1024xf32, #tpu.memory_space<vmem>> -> memref<1x32x1024xf32, #tpu.memory_space<vmem>>
      %dma_start3A_234 = tpu.memref_squeeze %dma_start3A_233 : memref<1x32x1024xf32, #tpu.memory_space<vmem>> -> memref<32x1024xf32, #tpu.memory_space<vmem>>
      %dma_start3A_235 = arith.constant 0 : i32
      %dma_start3A_236 = tpu.memref_slice %arg4[%add3A_215, %dma_start3A_235] : memref<10240x1024xf32, #tpu.memory_space<hbm>> -> memref<32x1024xf32, #tpu.memory_space<hbm>>
      %dma_start3A_237 = arith.constant 0 : i32
      %dma_start3A_238 = tpu.memref_slice %arg4[%add3A_215, %dma_start3A_237] : memref<10240x1024xf32, #tpu.memory_space<hbm>> -> memref<32x1024xf32, #tpu.memory_space<hbm>>
      %dma_start3A_239 = arith.constant 0 : i32
      %dma_start3A_240 = arith.constant 0 : i32
      %dma_start3A_241 = tpu.memref_slice %arg6[%run_scoped3A_216, %dma_start3A_239, %dma_start3A_240] : memref<2x32x1024xf32, #tpu.memory_space<vmem>> -> memref<1x32x1024xf32, #tpu.memory_space<vmem>>
      %dma_start3A_242 = tpu.memref_squeeze %dma_start3A_241 : memref<1x32x1024xf32, #tpu.memory_space<vmem>> -> memref<32x1024xf32, #tpu.memory_space<vmem>>
      tpu.enqueue_dma source(%dma_start3A_242 : memref<32x1024xf32, #tpu.memory_space<vmem>>) target(%dma_start3A_238 : memref<32x1024xf32, #tpu.memory_space<hbm>>) target_semaphore(%run_scoped3A_230 : memref<!tpu.dma_semaphore, #tpu.memory_space<semaphore_mem>>)
      %dma_wait3A_243 = arith.constant 0 : i32
      %dma_wait3A_244 = arith.constant 0 : i32
      %dma_wait3A_245 = tpu.memref_slice %arg6[%run_scoped3A_216, %dma_wait3A_243, %dma_wait3A_244] : memref<2x32x1024xf32, #tpu.memory_space<vmem>> -> memref<1x32x1024xf32, #tpu.memory_space<vmem>>
      %dma_wait3A_246 = tpu.memref_squeeze %dma_wait3A_245 : memref<1x32x1024xf32, #tpu.memory_space<vmem>> -> memref<32x1024xf32, #tpu.memory_space<vmem>>
      %dma_wait3A_247 = arith.constant 0 : i32
      %dma_wait3A_248 = tpu.memref_slice %arg4[%add3A_215, %dma_wait3A_247] : memref<10240x1024xf32, #tpu.memory_space<hbm>> -> memref<32x1024xf32, #tpu.memory_space<hbm>>
      %dma_wait3A_249 = arith.constant 0 : i32
      %dma_wait3A_250 = tpu.memref_slice %arg4[%add3A_215, %dma_wait3A_249] : memref<10240x1024xf32, #tpu.memory_space<hbm>> -> memref<32x1024xf32, #tpu.memory_space<hbm>>
      %dma_wait3A_251 = arith.constant 0 : i32
      %dma_wait3A_252 = arith.constant 0 : i32
      %dma_wait3A_253 = tpu.memref_slice %arg6[%run_scoped3A_216, %dma_wait3A_251, %dma_wait3A_252] : memref<2x32x1024xf32, #tpu.memory_space<vmem>> -> memref<1x32x1024xf32, #tpu.memory_space<vmem>>
      %dma_wait3A_254 = tpu.memref_squeeze %dma_wait3A_253 : memref<1x32x1024xf32, #tpu.memory_space<vmem>> -> memref<32x1024xf32, #tpu.memory_space<vmem>>
      tpu.wait_dma2 semaphore(%run_scoped3A_230 : memref<!tpu.dma_semaphore, #tpu.memory_space<semaphore_mem>>) src(%dma_wait3A_254 : memref<32x1024xf32, #tpu.memory_space<vmem>>) dst(%dma_wait3A_250 : memref<32x1024xf32, #tpu.memory_space<hbm>>)
      tpu.yield
    }) : () -> ()
    %dma_wait3A_217 = arith.constant 1 : i32
    %dma_wait3A_218 = arith.constant 0 : i32
    %dma_wait3A_219 = arith.constant 0 : i32
    %dma_wait3A_220 = tpu.memref_slice %arg6[%dma_wait3A_217, %dma_wait3A_218, %dma_wait3A_219] : memref<2x32x1024xf32, #tpu.memory_space<vmem>> -> memref<1x32x1024xf32, #tpu.memory_space<vmem>>
    %dma_wait3A_221 = tpu.memref_squeeze %dma_wait3A_220 : memref<1x32x1024xf32, #tpu.memory_space<vmem>> -> memref<32x1024xf32, #tpu.memory_space<vmem>>
    %dma_wait3A_222 = arith.constant 288 : i32
    %dma_wait3A_223 = tpu.memref_slice %arg5[%dma_wait3A_222] : memref<320xi32, #tpu.memory_space<vmem>> -> memref<32xi32, #tpu.memory_space<vmem>>
    %dma_wait3A_224 = arith.constant 0 : i32
    %dma_wait3A_225 = arith.constant 0 : i32
    %dma_wait3A_226 = tpu.memref_slice %arg2[%dma_wait3A_224, %dma_wait3A_225] : memref<8192x1024xf32, #tpu.memory_space<hbm>> -> memref<8192x1024xf32, #tpu.memory_space<hbm>>
    tpu.wait_indirect_dma semaphore(%arg8 : memref<!tpu.dma_semaphore, #tpu.memory_space<semaphore_mem>>) src(%dma_wait3A_226 : memref<8192x1024xf32, #tpu.memory_space<hbm>>) dst(%dma_wait3A_221 : memref<32x1024xf32, #tpu.memory_space<vmem>>)
    %add3A_227 = arith.constant 288 : i32
    %add3A_228 = arith.addi %mul3A_2, %add3A_227 : i32
    %run_scoped3A_229 = arith.constant 1 : i32
    "tpu.region"() ({
      %run_scoped3A_230 = tpu.sem_alloc : memref<!tpu.dma_semaphore, #tpu.memory_space<semaphore_mem>>
      %dma_start3A_231 = arith.constant 0 : i32
      %dma_start3A_232 = arith.constant 0 : i32
      %dma_start3A_233 = tpu.memref_slice %arg6[%run_scoped3A_229, %dma_start3A_231, %dma_start3A_232] : memref<2x32x1024xf32, #tpu.memory_space<vmem>> -> memref<1x32x1024xf32, #tpu.memory_space<vmem>>
      %dma_start3A_234 = tpu.memref_squeeze %dma_start3A_233 : memref<1x32x1024xf32, #tpu.memory_space<vmem>> -> memref<32x1024xf32, #tpu.memory_space<vmem>>
      %dma_start3A_235 = arith.constant 0 : i32
      %dma_start3A_236 = tpu.memref_slice %arg4[%add3A_228, %dma_start3A_235] : memref<10240x1024xf32, #tpu.memory_space<hbm>> -> memref<32x1024xf32, #tpu.memory_space<hbm>>
      %dma_start3A_237 = arith.constant 0 : i32
      %dma_start3A_238 = tpu.memref_slice %arg4[%add3A_228, %dma_start3A_237] : memref<10240x1024xf32, #tpu.memory_space<hbm>> -> memref<32x1024xf32, #tpu.memory_space<hbm>>
      %dma_start3A_239 = arith.constant 0 : i32
      %dma_start3A_240 = arith.constant 0 : i32
      %dma_start3A_241 = tpu.memref_slice %arg6[%run_scoped3A_229, %dma_start3A_239, %dma_start3A_240] : memref<2x32x1024xf32, #tpu.memory_space<vmem>> -> memref<1x32x1024xf32, #tpu.memory_space<vmem>>
      %dma_start3A_242 = tpu.memref_squeeze %dma_start3A_241 : memref<1x32x1024xf32, #tpu.memory_space<vmem>> -> memref<32x1024xf32, #tpu.memory_space<vmem>>
      tpu.enqueue_dma source(%dma_start3A_242 : memref<32x1024xf32, #tpu.memory_space<vmem>>) target(%dma_start3A_238 : memref<32x1024xf32, #tpu.memory_space<hbm>>) target_semaphore(%run_scoped3A_230 : memref<!tpu.dma_semaphore, #tpu.memory_space<semaphore_mem>>)
      %dma_wait3A_243 = arith.constant 0 : i32
      %dma_wait3A_244 = arith.constant 0 : i32
      %dma_wait3A_245 = tpu.memref_slice %arg6[%run_scoped3A_229, %dma_wait3A_243, %dma_wait3A_244] : memref<2x32x1024xf32, #tpu.memory_space<vmem>> -> memref<1x32x1024xf32, #tpu.memory_space<vmem>>
      %dma_wait3A_246 = tpu.memref_squeeze %dma_wait3A_245 : memref<1x32x1024xf32, #tpu.memory_space<vmem>> -> memref<32x1024xf32, #tpu.memory_space<vmem>>
      %dma_wait3A_247 = arith.constant 0 : i32
      %dma_wait3A_248 = tpu.memref_slice %arg4[%add3A_228, %dma_wait3A_247] : memref<10240x1024xf32, #tpu.memory_space<hbm>> -> memref<32x1024xf32, #tpu.memory_space<hbm>>
      %dma_wait3A_249 = arith.constant 0 : i32
      %dma_wait3A_250 = tpu.memref_slice %arg4[%add3A_228, %dma_wait3A_249] : memref<10240x1024xf32, #tpu.memory_space<hbm>> -> memref<32x1024xf32, #tpu.memory_space<hbm>>
      %dma_wait3A_251 = arith.constant 0 : i32
      %dma_wait3A_252 = arith.constant 0 : i32
      %dma_wait3A_253 = tpu.memref_slice %arg6[%run_scoped3A_229, %dma_wait3A_251, %dma_wait3A_252] : memref<2x32x1024xf32, #tpu.memory_space<vmem>> -> memref<1x32x1024xf32, #tpu.memory_space<vmem>>
      %dma_wait3A_254 = tpu.memref_squeeze %dma_wait3A_253 : memref<1x32x1024xf32, #tpu.memory_space<vmem>> -> memref<32x1024xf32, #tpu.memory_space<vmem>>
      tpu.wait_dma2 semaphore(%run_scoped3A_230 : memref<!tpu.dma_semaphore, #tpu.memory_space<semaphore_mem>>) src(%dma_wait3A_254 : memref<32x1024xf32, #tpu.memory_space<vmem>>) dst(%dma_wait3A_250 : memref<32x1024xf32, #tpu.memory_space<hbm>>)
      tpu.yield
    }) : () -> ()
    return
  }
}

module attributes {stable_mosaic.version = 14 : i64} {
  func.func @_gmm_body(%arg0: i32, %arg1: i32, %arg2: i32, %arg3: memref<40xi32, #tpu.memory_space<smem>>, %arg4: memref<256x512xf32, #tpu.memory_space<vmem>>, %arg5: memref<1x512x512xf32, #tpu.memory_space<vmem>>, %arg6: memref<1x1x512xf32, #tpu.memory_space<vmem>>, %arg7: memref<256x512xf32, #tpu.memory_space<vmem>>, %arg8: memref<256x512xf32, #tpu.memory_space<vmem>>) attributes {dimension_semantics = [#tpu.dimension_semantics<arbitrary>, #tpu.dimension_semantics<arbitrary>, #tpu.dimension_semantics<arbitrary>], iteration_bounds = array<i64: 40, 4, 2>, scalar_prefetch = 1 : i64, scratch_operands = 1 : i64, tpu.core_type = #tpu.core_type<tc>, window_params = [{transform_indices = @transform_0, window_bounds = array<i64: 256, 512>}, {transform_indices = @transform_1, window_bounds = array<i64: 1, 512, 512>}, {transform_indices = @transform_2, window_bounds = array<i64: 1, 1, 512>}, {transform_indices = @transform_3, window_bounds = array<i64: 256, 512>}]} {
    %eq3A = arith.constant 0 : i32
    %eq3A_0 = arith.cmpi eq, %arg2, %eq3A : i32
    %convert_element_type3A = arith.extui %eq3A_0 : i1 to i32
    %cond3A = arith.constant 0 : i32
    %cond3A_1 = arith.cmpi ne, %convert_element_type3A, %cond3A : i32
    scf.if %cond3A_1 {
      %broadcast_in_dim3A = arith.constant 0.000000e+00 : f32
      %broadcast_in_dim3A_20 = vector.broadcast %broadcast_in_dim3A : f32 to vector<256x512xf32>
      %swap3A_21 = arith.constant 0 : index
      %swap3A_22 = arith.constant 0 : index
      %swap3A_23 = vector.load %arg8[%swap3A_21, %swap3A_22] : memref<256x512xf32, #tpu.memory_space<vmem>>, vector<256x512xf32>
      tpu.vector_store %arg8[%swap3A_21, %swap3A_22], %broadcast_in_dim3A_20 {strides = array<i32>} : memref<256x512xf32, #tpu.memory_space<vmem>>, vector<256x512xf32>,
    } else {
    }
    %get3A = arith.constant 0 : index
    %get3A_2 = arith.constant 0 : index
    %get3A_3 = vector.load %arg8[%get3A, %get3A_2] : memref<256x512xf32, #tpu.memory_space<vmem>>, vector<256x512xf32>
    %get3A_4 = arith.constant 0 : index
    %get3A_5 = arith.constant 0 : index
    %get3A_6 = vector.load %arg4[%get3A_4, %get3A_5] : memref<256x512xf32, #tpu.memory_space<vmem>>, vector<256x512xf32>
    %get3A_7 = arith.constant 0 : index
    %get3A_8 = arith.constant 0 : index
    %get3A_9 = arith.constant 0 : index
    %get3A_10 = vector.load %arg5[%get3A_7, %get3A_8, %get3A_9] : memref<1x512x512xf32, #tpu.memory_space<vmem>>, vector<1x512x512xf32>
    %get3A_11 = vector.shape_cast %get3A_10 : vector<1x512x512xf32> to vector<512x512xf32>
    %dot_general3A = arith.constant dense<0.000000e+00> : vector<256x512xf32>
    %dot_general3A_12 = tpu.matmul %get3A_6, %get3A_11, %dot_general3A {dimension_numbers = #tpu.dot_dimension_numbers<[1], [0], [0], [1], [0, 0, 1, 1], [], []>, transpose_lhs_hint = false} : vector<256x512xf32>, vector<512x512xf32>, vector<256x512xf32> -> vector<256x512xf32>
    %add3A = arith.addf %get3A_3, %dot_general3A_12 : vector<256x512xf32>
    %swap3A = arith.constant 0 : index
    %swap3A_13 = arith.constant 0 : index
    %swap3A_14 = vector.load %arg8[%swap3A, %swap3A_13] : memref<256x512xf32, #tpu.memory_space<vmem>>, vector<256x512xf32>
    tpu.vector_store %arg8[%swap3A, %swap3A_13], %add3A {strides = array<i32>} : memref<256x512xf32, #tpu.memory_space<vmem>>, vector<256x512xf32>,
    %eq3A_15 = arith.constant 1 : i32
    %eq3A_16 = arith.cmpi eq, %arg2, %eq3A_15 : i32
    %convert_element_type3A_17 = arith.extui %eq3A_16 : i1 to i32
    %cond3A_18 = arith.constant 0 : i32
    %cond3A_19 = arith.cmpi ne, %convert_element_type3A_17, %cond3A_18 : i32
    scf.if %cond3A_19 {
      %get3A_20 = arith.constant 0 : index
      %get3A_21 = arith.constant 0 : index
      %get3A_22 = vector.load %arg8[%get3A_20, %get3A_21] : memref<256x512xf32, #tpu.memory_space<vmem>>, vector<256x512xf32>
      %get3A_23 = arith.constant 0 : index
      %get3A_24 = arith.constant 0 : index
      %get3A_25 = arith.constant 0 : index
      %get3A_26 = vector.load %arg6[%get3A_23, %get3A_24, %get3A_25] : memref<1x1x512xf32, #tpu.memory_space<vmem>>, vector<1x1x512xf32>
      %get3A_27 = vector.shape_cast %get3A_26 : vector<1x1x512xf32> to vector<512xf32>
      %broadcast_in_dim3A = vector.shape_cast %get3A_27 : vector<512xf32> to vector<1x512xf32>
      %add3A_28 = vector.broadcast %broadcast_in_dim3A : vector<1x512xf32> to vector<256x512xf32>
      %add3A_29 = arith.addf %get3A_22, %add3A_28 : vector<256x512xf32>
      %max3A = arith.constant 0.000000e+00 : f32
      %max3A_30 = vector.broadcast %max3A : f32 to vector<256x512xf32>
      %max3A_31 = arith.maximumf %add3A_29, %max3A_30 : vector<256x512xf32>
      %swap3A_32 = arith.constant 0 : index
      %swap3A_33 = arith.constant 0 : index
      %swap3A_34 = vector.load %arg7[%swap3A_32, %swap3A_33] : memref<256x512xf32, #tpu.memory_space<vmem>>, vector<256x512xf32>
      tpu.vector_store %arg7[%swap3A_32, %swap3A_33], %max3A_31 {strides = array<i32>} : memref<256x512xf32, #tpu.memory_space<vmem>>, vector<256x512xf32>,
    } else {
    }
    return
  }
  func.func @transform_0(%arg0: i32, %arg1: i32, %arg2: i32, %arg3: memref<40xi32, #tpu.memory_space<smem>>) -> (i32, i32) {
    %c0_i32 = arith.constant 0 : i32
    return %arg0, %arg2 : i32, i32
  }
  func.func @transform_1(%arg0: i32, %arg1: i32, %arg2: i32, %arg3: memref<40xi32, #tpu.memory_space<smem>>) -> (i32, i32, i32) {
    %get3A = arith.index_cast %arg0 : i32 to index
    %get3A_0 = memref.load %arg3[%get3A] : memref<40xi32, #tpu.memory_space<smem>>
    %c0_i32 = arith.constant 0 : i32
    return %get3A_0, %arg2, %arg1 : i32, i32, i32
  }
  func.func @transform_2(%arg0: i32, %arg1: i32, %arg2: i32, %arg3: memref<40xi32, #tpu.memory_space<smem>>) -> (i32, i32, i32) {
    %get3A = arith.index_cast %arg0 : i32 to index
    %get3A_0 = memref.load %arg3[%get3A] : memref<40xi32, #tpu.memory_space<smem>>
    %c0_i32 = arith.constant 0 : i32
    %c0_i32_1 = arith.constant 0 : i32
    return %get3A_0, %c0_i32, %arg1 : i32, i32, i32
  }
  func.func @transform_3(%arg0: i32, %arg1: i32, %arg2: i32, %arg3: memref<40xi32, #tpu.memory_space<smem>>) -> (i32, i32) {
    %c0_i32 = arith.constant 0 : i32
    return %arg0, %arg1 : i32, i32
  }
}

module attributes {stable_mosaic.version = 14 : i64} {
  func.func @_gmm_body(%arg0: i32, %arg1: i32, %arg2: i32, %arg3: memref<40xi32, #tpu.memory_space<smem>>, %arg4: memref<256x512xf32, #tpu.memory_space<vmem>>, %arg5: memref<1x512x512xf32, #tpu.memory_space<vmem>>, %arg6: memref<1x1x512xf32, #tpu.memory_space<vmem>>, %arg7: memref<256x512xf32, #tpu.memory_space<vmem>>, %arg8: memref<256x512xf32, #tpu.memory_space<vmem>>) attributes {dimension_semantics = [#tpu.dimension_semantics<arbitrary>, #tpu.dimension_semantics<arbitrary>, #tpu.dimension_semantics<arbitrary>], iteration_bounds = array<i64: 40, 4, 4>, scalar_prefetch = 1 : i64, scratch_operands = 1 : i64, tpu.core_type = #tpu.core_type<tc>, window_params = [{transform_indices = @transform_0, window_bounds = array<i64: 256, 512>}, {transform_indices = @transform_1, window_bounds = array<i64: 1, 512, 512>}, {transform_indices = @transform_2, window_bounds = array<i64: 1, 1, 512>}, {transform_indices = @transform_3, window_bounds = array<i64: 256, 512>}]} {
    %eq3A = arith.constant 0 : i32
    %eq3A_0 = arith.cmpi eq, %arg2, %eq3A : i32
    %convert_element_type3A = arith.extui %eq3A_0 : i1 to i32
    %cond3A = arith.constant 0 : i32
    %cond3A_1 = arith.cmpi ne, %convert_element_type3A, %cond3A : i32
    scf.if %cond3A_1 {
      %broadcast_in_dim3A = arith.constant 0.000000e+00 : f32
      %broadcast_in_dim3A_20 = vector.broadcast %broadcast_in_dim3A : f32 to vector<256x512xf32>
      %swap3A_21 = arith.constant 0 : index
      %swap3A_22 = arith.constant 0 : index
      %swap3A_23 = vector.load %arg8[%swap3A_21, %swap3A_22] : memref<256x512xf32, #tpu.memory_space<vmem>>, vector<256x512xf32>
      tpu.vector_store %arg8[%swap3A_21, %swap3A_22], %broadcast_in_dim3A_20 {strides = array<i32>} : memref<256x512xf32, #tpu.memory_space<vmem>>, vector<256x512xf32>,
    } else {
    }
    %get3A = arith.constant 0 : index
    %get3A_2 = arith.constant 0 : index
    %get3A_3 = vector.load %arg8[%get3A, %get3A_2] : memref<256x512xf32, #tpu.memory_space<vmem>>, vector<256x512xf32>
    %get3A_4 = arith.constant 0 : index
    %get3A_5 = arith.constant 0 : index
    %get3A_6 = vector.load %arg4[%get3A_4, %get3A_5] : memref<256x512xf32, #tpu.memory_space<vmem>>, vector<256x512xf32>
    %get3A_7 = arith.constant 0 : index
    %get3A_8 = arith.constant 0 : index
    %get3A_9 = arith.constant 0 : index
    %get3A_10 = vector.load %arg5[%get3A_7, %get3A_8, %get3A_9] : memref<1x512x512xf32, #tpu.memory_space<vmem>>, vector<1x512x512xf32>
    %get3A_11 = vector.shape_cast %get3A_10 : vector<1x512x512xf32> to vector<512x512xf32>
    %dot_general3A = arith.constant dense<0.000000e+00> : vector<256x512xf32>
    %dot_general3A_12 = tpu.matmul %get3A_6, %get3A_11, %dot_general3A {dimension_numbers = #tpu.dot_dimension_numbers<[1], [0], [0], [1], [0, 0, 1, 1], [], []>, transpose_lhs_hint = false} : vector<256x512xf32>, vector<512x512xf32>, vector<256x512xf32> -> vector<256x512xf32>
    %add3A = arith.addf %get3A_3, %dot_general3A_12 : vector<256x512xf32>
    %swap3A = arith.constant 0 : index
    %swap3A_13 = arith.constant 0 : index
    %swap3A_14 = vector.load %arg8[%swap3A, %swap3A_13] : memref<256x512xf32, #tpu.memory_space<vmem>>, vector<256x512xf32>
    tpu.vector_store %arg8[%swap3A, %swap3A_13], %add3A {strides = array<i32>} : memref<256x512xf32, #tpu.memory_space<vmem>>, vector<256x512xf32>,
    %eq3A_15 = arith.constant 3 : i32
    %eq3A_16 = arith.cmpi eq, %arg2, %eq3A_15 : i32
    %convert_element_type3A_17 = arith.extui %eq3A_16 : i1 to i32
    %cond3A_18 = arith.constant 0 : i32
    %cond3A_19 = arith.cmpi ne, %convert_element_type3A_17, %cond3A_18 : i32
    scf.if %cond3A_19 {
      %get3A_20 = arith.constant 0 : index
      %get3A_21 = arith.constant 0 : index
      %get3A_22 = vector.load %arg8[%get3A_20, %get3A_21] : memref<256x512xf32, #tpu.memory_space<vmem>>, vector<256x512xf32>
      %get3A_23 = arith.constant 0 : index
      %get3A_24 = arith.constant 0 : index
      %get3A_25 = arith.constant 0 : index
      %get3A_26 = vector.load %arg6[%get3A_23, %get3A_24, %get3A_25] : memref<1x1x512xf32, #tpu.memory_space<vmem>>, vector<1x1x512xf32>
      %get3A_27 = vector.shape_cast %get3A_26 : vector<1x1x512xf32> to vector<512xf32>
      %broadcast_in_dim3A = vector.shape_cast %get3A_27 : vector<512xf32> to vector<1x512xf32>
      %add3A_28 = vector.broadcast %broadcast_in_dim3A : vector<1x512xf32> to vector<256x512xf32>
      %add3A_29 = arith.addf %get3A_22, %add3A_28 : vector<256x512xf32>
      %max3A = arith.constant 0.000000e+00 : f32
      %max3A_30 = vector.broadcast %max3A : f32 to vector<256x512xf32>
      %max3A_31 = arith.maximumf %add3A_29, %max3A_30 : vector<256x512xf32>
      %swap3A_32 = arith.constant 0 : index
      %swap3A_33 = arith.constant 0 : index
      %swap3A_34 = vector.load %arg7[%swap3A_32, %swap3A_33] : memref<256x512xf32, #tpu.memory_space<vmem>>, vector<256x512xf32>
      tpu.vector_store %arg7[%swap3A_32, %swap3A_33], %max3A_31 {strides = array<i32>} : memref<256x512xf32, #tpu.memory_space<vmem>>, vector<256x512xf32>,
    } else {
    }
    return
  }
  func.func @transform_0(%arg0: i32, %arg1: i32, %arg2: i32, %arg3: memref<40xi32, #tpu.memory_space<smem>>) -> (i32, i32) {
    %c0_i32 = arith.constant 0 : i32
    return %arg0, %arg2 : i32, i32
  }
  func.func @transform_1(%arg0: i32, %arg1: i32, %arg2: i32, %arg3: memref<40xi32, #tpu.memory_space<smem>>) -> (i32, i32, i32) {
    %get3A = arith.index_cast %arg0 : i32 to index
    %get3A_0 = memref.load %arg3[%get3A] : memref<40xi32, #tpu.memory_space<smem>>
    %c0_i32 = arith.constant 0 : i32
    return %get3A_0, %arg2, %arg1 : i32, i32, i32
  }
  func.func @transform_2(%arg0: i32, %arg1: i32, %arg2: i32, %arg3: memref<40xi32, #tpu.memory_space<smem>>) -> (i32, i32, i32) {
    %get3A = arith.index_cast %arg0 : i32 to index
    %get3A_0 = memref.load %arg3[%get3A] : memref<40xi32, #tpu.memory_space<smem>>
    %c0_i32 = arith.constant 0 : i32
    %c0_i32_1 = arith.constant 0 : i32
    return %get3A_0, %c0_i32, %arg1 : i32, i32, i32
  }
  func.func @transform_3(%arg0: i32, %arg1: i32, %arg2: i32, %arg3: memref<40xi32, #tpu.memory_space<smem>>) -> (i32, i32) {
    %c0_i32 = arith.constant 0 : i32
    return %arg0, %arg1 : i32, i32
  }
}

module attributes {stable_mosaic.version = 14 : i64} {
  func.func @_gmm_final_body(%arg0: i32, %arg1: i32, %arg2: i32, %arg3: memref<40xi32, #tpu.memory_space<smem>>, %arg4: memref<256x512xf32, #tpu.memory_space<vmem>>, %arg5: memref<1x512x512xf32, #tpu.memory_space<vmem>>, %arg6: memref<1x1x512xf32, #tpu.memory_space<vmem>>, %arg7: memref<256x512xf32, #tpu.memory_space<vmem>>, %arg8: memref<256x512xf32, #tpu.memory_space<vmem>>, %arg9: memref<256x512xf32, #tpu.memory_space<vmem>>) attributes {dimension_semantics = [#tpu.dimension_semantics<arbitrary>, #tpu.dimension_semantics<arbitrary>, #tpu.dimension_semantics<arbitrary>], iteration_bounds = array<i64: 40, 4, 4>, scalar_prefetch = 1 : i64, scratch_operands = 1 : i64, tpu.core_type = #tpu.core_type<tc>, window_params = [{transform_indices = @transform_0, window_bounds = array<i64: 256, 512>}, {transform_indices = @transform_1, window_bounds = array<i64: 1, 512, 512>}, {transform_indices = @transform_2, window_bounds = array<i64: 1, 1, 512>}, {transform_indices = @transform_3, window_bounds = array<i64: 256, 512>}, {transform_indices = @transform_4, window_bounds = array<i64: 256, 512>}]} {
    %eq3A = arith.constant 0 : i32
    %eq3A_0 = arith.cmpi eq, %arg2, %eq3A : i32
    %convert_element_type3A = arith.extui %eq3A_0 : i1 to i32
    %cond3A = arith.constant 0 : i32
    %cond3A_1 = arith.cmpi ne, %convert_element_type3A, %cond3A : i32
    scf.if %cond3A_1 {
      %broadcast_in_dim3A = arith.constant 0.000000e+00 : f32
      %broadcast_in_dim3A_28 = vector.broadcast %broadcast_in_dim3A : f32 to vector<256x512xf32>
      %swap3A_29 = arith.constant 0 : index
      %swap3A_30 = arith.constant 0 : index
      %swap3A_31 = vector.load %arg9[%swap3A_29, %swap3A_30] : memref<256x512xf32, #tpu.memory_space<vmem>>, vector<256x512xf32>
      tpu.vector_store %arg9[%swap3A_29, %swap3A_30], %broadcast_in_dim3A_28 {strides = array<i32>} : memref<256x512xf32, #tpu.memory_space<vmem>>, vector<256x512xf32>,
    } else {
    }
    %get3A = arith.constant 0 : index
    %get3A_2 = arith.constant 0 : index
    %get3A_3 = vector.load %arg9[%get3A, %get3A_2] : memref<256x512xf32, #tpu.memory_space<vmem>>, vector<256x512xf32>
    %get3A_4 = arith.constant 0 : index
    %get3A_5 = arith.constant 0 : index
    %get3A_6 = vector.load %arg4[%get3A_4, %get3A_5] : memref<256x512xf32, #tpu.memory_space<vmem>>, vector<256x512xf32>
    %get3A_7 = arith.constant 0 : index
    %get3A_8 = arith.constant 0 : index
    %get3A_9 = arith.constant 0 : index
    %get3A_10 = vector.load %arg5[%get3A_7, %get3A_8, %get3A_9] : memref<1x512x512xf32, #tpu.memory_space<vmem>>, vector<1x512x512xf32>
    %get3A_11 = vector.shape_cast %get3A_10 : vector<1x512x512xf32> to vector<512x512xf32>
    %dot_general3A = arith.constant dense<0.000000e+00> : vector<256x512xf32>
    %dot_general3A_12 = tpu.matmul %get3A_6, %get3A_11, %dot_general3A {dimension_numbers = #tpu.dot_dimension_numbers<[1], [0], [0], [1], [0, 0, 1, 1], [], []>, transpose_lhs_hint = false} : vector<256x512xf32>, vector<512x512xf32>, vector<256x512xf32> -> vector<256x512xf32>
    %add3A = arith.addf %get3A_3, %dot_general3A_12 : vector<256x512xf32>
    %swap3A = arith.constant 0 : index
    %swap3A_13 = arith.constant 0 : index
    %swap3A_14 = vector.load %arg9[%swap3A, %swap3A_13] : memref<256x512xf32, #tpu.memory_space<vmem>>, vector<256x512xf32>
    tpu.vector_store %arg9[%swap3A, %swap3A_13], %add3A {strides = array<i32>} : memref<256x512xf32, #tpu.memory_space<vmem>>, vector<256x512xf32>,
    %eq3A_15 = arith.constant 3 : i32
    %eq3A_16 = arith.cmpi eq, %arg2, %eq3A_15 : i32
    %lt3A = arith.constant 2 : i32
    %lt3A_17 = arith.cmpi slt, %arg1, %lt3A : i32
    %and3A = arith.andi %eq3A_16, %lt3A_17 : i1
    %convert_element_type3A_18 = arith.extui %and3A : i1 to i32
    %cond3A_19 = arith.constant 0 : i32
    %cond3A_20 = arith.cmpi ne, %convert_element_type3A_18, %cond3A_19 : i32
    scf.if %cond3A_20 {
      %get3A_28 = arith.constant 0 : index
      %get3A_29 = arith.constant 0 : index
      %get3A_30 = vector.load %arg9[%get3A_28, %get3A_29] : memref<256x512xf32, #tpu.memory_space<vmem>>, vector<256x512xf32>
      %get3A_31 = arith.constant 0 : index
      %get3A_32 = arith.constant 0 : index
      %get3A_33 = arith.constant 0 : index
      %get3A_34 = vector.load %arg6[%get3A_31, %get3A_32, %get3A_33] : memref<1x1x512xf32, #tpu.memory_space<vmem>>, vector<1x1x512xf32>
      %get3A_35 = vector.shape_cast %get3A_34 : vector<1x1x512xf32> to vector<512xf32>
      %broadcast_in_dim3A = vector.shape_cast %get3A_35 : vector<512xf32> to vector<1x512xf32>
      %add3A_36 = vector.broadcast %broadcast_in_dim3A : vector<1x512xf32> to vector<256x512xf32>
      %add3A_37 = arith.addf %get3A_30, %add3A_36 : vector<256x512xf32>
      %swap3A_38 = arith.constant 0 : index
      %swap3A_39 = arith.constant 0 : index
      %swap3A_40 = vector.load %arg7[%swap3A_38, %swap3A_39] : memref<256x512xf32, #tpu.memory_space<vmem>>, vector<256x512xf32>
      tpu.vector_store %arg7[%swap3A_38, %swap3A_39], %add3A_37 {strides = array<i32>} : memref<256x512xf32, #tpu.memory_space<vmem>>, vector<256x512xf32>,
    } else {
    }
    %eq3A_21 = arith.constant 3 : i32
    %eq3A_22 = arith.cmpi eq, %arg2, %eq3A_21 : i32
    %ge3A = arith.constant 2 : i32
    %ge3A_23 = arith.cmpi sge, %arg1, %ge3A : i32
    %and3A_24 = arith.andi %eq3A_22, %ge3A_23 : i1
    %convert_element_type3A_25 = arith.extui %and3A_24 : i1 to i32
    %cond3A_26 = arith.constant 0 : i32
    %cond3A_27 = arith.cmpi ne, %convert_element_type3A_25, %cond3A_26 : i32
    scf.if %cond3A_27 {
      %get3A_28 = arith.constant 0 : index
      %get3A_29 = arith.constant 0 : index
      %get3A_30 = vector.load %arg9[%get3A_28, %get3A_29] : memref<256x512xf32, #tpu.memory_space<vmem>>, vector<256x512xf32>
      %get3A_31 = arith.constant 0 : index
      %get3A_32 = arith.constant 0 : index
      %get3A_33 = arith.constant 0 : index
      %get3A_34 = vector.load %arg6[%get3A_31, %get3A_32, %get3A_33] : memref<1x1x512xf32, #tpu.memory_space<vmem>>, vector<1x1x512xf32>
      %get3A_35 = vector.shape_cast %get3A_34 : vector<1x1x512xf32> to vector<512xf32>
      %broadcast_in_dim3A = vector.shape_cast %get3A_35 : vector<512xf32> to vector<1x512xf32>
      %add3A_36 = vector.broadcast %broadcast_in_dim3A : vector<1x512xf32> to vector<256x512xf32>
      %add3A_37 = arith.addf %get3A_30, %add3A_36 : vector<256x512xf32>
      %max3A = arith.constant 0.000000e+00 : f32
      %max3A_38 = vector.broadcast %max3A : f32 to vector<256x512xf32>
      %max3A_39 = arith.maximumf %add3A_37, %max3A_38 : vector<256x512xf32>
      %abs3A = math.absf %add3A_37 : vector<256x512xf32>
      %neg3A = arith.constant 0.000000e+00 : f32
      %neg3A_40 = vector.broadcast %neg3A : f32 to vector<256x512xf32>
      %neg3A_41 = arith.subf %neg3A_40, %abs3A : vector<256x512xf32>
      %exp3A = math.exp %neg3A_41 : vector<256x512xf32>
      %log1p3A = math.log1p %exp3A : vector<256x512xf32>
      %add3A_42 = arith.addf %max3A_39, %log1p3A : vector<256x512xf32>
      %swap3A_43 = arith.constant 0 : index
      %swap3A_44 = arith.constant 0 : index
      %swap3A_45 = vector.load %arg8[%swap3A_43, %swap3A_44] : memref<256x512xf32, #tpu.memory_space<vmem>>, vector<256x512xf32>
      tpu.vector_store %arg8[%swap3A_43, %swap3A_44], %add3A_42 {strides = array<i32>} : memref<256x512xf32, #tpu.memory_space<vmem>>, vector<256x512xf32>,
    } else {
    }
    return
  }
  func.func @transform_0(%arg0: i32, %arg1: i32, %arg2: i32, %arg3: memref<40xi32, #tpu.memory_space<smem>>) -> (i32, i32) {
    %c0_i32 = arith.constant 0 : i32
    return %arg0, %arg2 : i32, i32
  }
  func.func @transform_1(%arg0: i32, %arg1: i32, %arg2: i32, %arg3: memref<40xi32, #tpu.memory_space<smem>>) -> (i32, i32, i32) {
    %get3A = arith.index_cast %arg0 : i32 to index
    %get3A_0 = memref.load %arg3[%get3A] : memref<40xi32, #tpu.memory_space<smem>>
    %c0_i32 = arith.constant 0 : i32
    return %get3A_0, %arg2, %arg1 : i32, i32, i32
  }
  func.func @transform_2(%arg0: i32, %arg1: i32, %arg2: i32, %arg3: memref<40xi32, #tpu.memory_space<smem>>) -> (i32, i32, i32) {
    %get3A = arith.index_cast %arg0 : i32 to index
    %get3A_0 = memref.load %arg3[%get3A] : memref<40xi32, #tpu.memory_space<smem>>
    %c0_i32 = arith.constant 0 : i32
    %c0_i32_1 = arith.constant 0 : i32
    return %get3A_0, %c0_i32, %arg1 : i32, i32, i32
  }
  func.func @transform_3(%arg0: i32, %arg1: i32, %arg2: i32, %arg3: memref<40xi32, #tpu.memory_space<smem>>) -> (i32, i32) {
    %min3A = arith.constant 1 : i32
    %min3A_0 = arith.minsi %arg1, %min3A : i32
    %c0_i32 = arith.constant 0 : i32
    return %arg0, %min3A_0 : i32, i32
  }
  func.func @transform_4(%arg0: i32, %arg1: i32, %arg2: i32, %arg3: memref<40xi32, #tpu.memory_space<smem>>) -> (i32, i32) {
    %sub3A = arith.constant 2 : i32
    %sub3A_0 = arith.subi %arg1, %sub3A : i32
    %max3A = arith.constant 0 : i32
    %max3A_1 = arith.maxsi %sub3A_0, %max3A : i32
    %c0_i32 = arith.constant 0 : i32
    return %arg0, %max3A_1 : i32, i32
  }
}

</mosaic_0001>

<sc_bundles>
// kernel: gather_offload_async_start
scs
__scs_entry_jumppad:
0x0: {  	(pc) =	sbr.rel $0x88, $3  }
0x1: {  	(tag) =	ssettag $0x0;
	lr =	simm.s32 $0x1  }
0x2: {  	[smem:$0x3F99] =	sst lr;
	_ =	strace $0xD0000000  }
0x3: {  	_ = 	snop  }
0x4: {  	_ = 	snop  }
0x5: {  	_ = 	snop  }
0x6: {  	_ = 	snop  }
0x7: {  	_ = 	snop  }
__scs_overlays_trampoline_lowered:
0x8: {  	[smem:$0x3FA8] =	sst s0  }
0x9: {  	[smem:$0x3FA9] =	sst s1  }
0xa: {  	[smem:$0x3FAA] =	sst s2  }
0xb: {  	[smem:$0x3FAB] =	sst s3  }
0xc: {  	[smem:$0x3FAC] =	sst s4  }
0xd: {  	[smem:$0x3FAD] =	sst s5  }
0xe: {  	[smem:$0x3FAE] =	sst s6  }
0xf: {  	[smem:$0x3FAF] =	sst s7  }
0x10: {  	[smem:$0x3FB0] =	sst s8  }
0x11: {  	[smem:$0x3FB1] =	sst s9;
	s0 =	simm.s32 @!p0 $0x0  }
0x12: {  	s1 =	sld [smem:$0x3F97];
	s0 =	simm.s32 @p0 $0x1  }
0x13: {  	[smem:$0x3FB2] =	sst s0;
	s0 =	simm.s32 @!p1 $0x0  }
0x14: {  	s2 =	sld [smem:$0x3F96];
	s0 =	simm.s32 @p1 $0x1  }
0x15: {  	[smem:$0x3FB3] =	sst s0;
	s0 =	simm.s32 @!p2 $0x0  }
0x16: {  	s3 =	sld [smem:$0x3FDB];
	s0 =	simm.s32 @p2 $0x1  }
0x17: {  	s4 =	simm.s32 $0x1BF5;
	[smem:$0x3FB5] =	sst s0  }
0x18: {  	s0 =	sld [smem:$0x3F98];
	_ =	swait.ge [sflag:s4], $0x0  }
0x19: {  	s7 =	sld [smem:$0x3F99]  }
0x1a: {  	s8 =	sadd.s32 $0xFFFFE003, lr  }
0x1b: {  	s9 =	sadd.s32 $0xFFFFFEF7, lr;
	s5 =	simm.s32 $0xFFFFFFFF;
	p2 =	slt.u32 s8, $0xFFFFF086  }
0x1c: {  	p1 =	slt.u32 s9, $0xF7A;
	s5 =	simm.s32 @!p2 $0x0  }
0x1d: {  	s5 =	simm.s32 @p1 $0x1;
	p0 =	seq.s32 s7, s2  }
0x1e: {  	s7 =	smul.u32 @!p0 $0xF7A, s2;
	p2 =	seq.s32 @!p0 s5, $0x0  }
0x1f: {  	s9 =	smul.u32 $0xF7A, s1;
	s8 =	simm.s32 @!p0 $0x1BF5;
	p2 =	por !p2, p0  }
0x20: {  	[sflag:s8] =	ssyncset.s32 @!p0 $0xFFFFF086;
	s6 =	sadd.s32 @!p0 s3, s7;
	s7 =	simm.s32 @!p0 $0x108  }
0x21: {  	s3 =	sadd.s32 s3, s9;
	s6 =	sadd.s32 @!p0 $0x88, s6;
	s7 =	simm.s32 @p2 $0x1082  }
0x22: {  	[simem:s7], [sflag:s8] =	dma.local @!p0 [hbm:s6], $0xF7A  }
0x23: {  	s9 =	sor.u32 $0xD0000000, s2;
	s6 =	simm.s32 $0x108;
	_ =	swait.ge @!p0 [sflag:s8], $0x0  }
0x24: {  	s3 =	sadd.s32 $0x88, s3;
	s6 =	simm.s32 @!p1 $0x1082;
	[sflag:s4] =	ssyncset.s32 $0xFFFFF086  }
0x25: {  	[simem:s6], [sflag:s4] =	dma.local [hbm:s3], $0xF7A  }
0x26: {  	[smem:$0x3F99] =	sst s1;
	(tag) =	ssettag s2;
	_ =	strace s9  }
0x27: {  	s1 =	sld [smem:$0x3FA9]  }
0x28: {  	s2 =	sld [smem:$0x3FAA]  }
0x29: {  	s4 =	sld [smem:$0x3FAC]  }
0x2a: {  	p0 =	seq.s32 s5, $0x0;
	s5 =	sld [smem:$0x3FAD]  }
0x2b: {  	s6 =	sld [smem:$0x3FAE]  }
0x2c: {  	s7 =	sld [smem:$0x3FAF]  }
0x2d: {  	s3 =	simm.s32 $0x108;
	s8 =	sld [smem:$0x3FB0]  }
0x2e: {  	s3 =	simm.s32 @!p0 $0x1082;
	s9 =	sld [smem:$0x3FB1]  }
0x2f: {  	lr =	sadd.s32 s0, s3;
	s0 =	sld [smem:$0x3FA8]  }
0x30: {  	s3 =	sld [smem:$0x3FAB]  }
0x31: {  	[smem:$0x3FB4] =	sst s10  }
0x32: {  	s10 =	sld [smem:$0x3FB2];
	_ =	sdelay $0x3  }
0x33: {  	p0 =	seq.s32 s10, $0x1;
	s10 =	sld [smem:$0x3FB4];
	_ =	sdelay $0x3  }
0x34: {  	[smem:$0x3FB4] =	sst s10  }
0x35: {  	s10 =	sld [smem:$0x3FB3];
	_ =	sdelay $0x3  }
0x36: {  	p1 =	seq.s32 s10, $0x1;
	s10 =	sld [smem:$0x3FB4];
	_ =	sdelay $0x3  }
0x37: {  	[smem:$0x3FB4] =	sst s10  }
0x38: {  	s10 =	sld [smem:$0x3FB5]  }
0x39: {  	_ = 	snop;
	(pc) =	sbr.ind lr, $3  }
0x3a: {  	_ = 	snop  }
0x3b: {  	_ = 	snop  }
0x3c: {  	p2 =	seq.s32 s10, $0x1;
	s10 =	sld [smem:$0x3FB4]  }
0x3d: {  	_ =	shalt  }
0x3e: {  	_ =	shalt  }
0x3f: {  	_ =	shalt  }
0x40: {  	_ =	shalt  }
0x41: {  	_ =	shalt  }
0x42: {  	_ =	shalt  }
0x43: {  	_ =	shalt  }
0x44: {  	_ =	shalt  }
0x45: {  	_ =	shalt  }
0x46: {  	_ =	shalt  }
0x47: {  	_ =	shalt  }
0x48: {  	_ =	shalt  }
0x49: {  	_ =	shalt  }
0x4a: {  	_ =	shalt  }
0x4b: {  	_ =	shalt  }
0x4c: {  	_ =	shalt  }
0x4d: {  	_ =	shalt  }
0x4e: {  	_ =	shalt  }
0x4f: {  	_ =	shalt  }
0x50: {  	_ =	shalt  }
0x51: {  	_ =	shalt  }
0x52: {  	_ =	shalt  }
0x53: {  	_ =	shalt  }
0x54: {  	_ =	shalt  }
0x55: {  	_ =	shalt  }
0x56: {  	_ =	shalt  }
0x57: {  	_ =	shalt  }
0x58: {  	_ =	shalt  }
0x59: {  	_ =	shalt  }
0x5a: {  	_ =	shalt  }
0x5b: {  	_ =	shalt  }
0x5c: {  	_ =	shalt  }
0x5d: {  	_ =	shalt  }
0x5e: {  	_ =	shalt  }
0x5f: {  	_ =	shalt  }
0x60: {  	_ =	shalt  }
0x61: {  	_ =	shalt  }
0x62: {  	_ =	shalt  }
0x63: {  	_ =	shalt  }
0x64: {  	_ =	shalt  }
0x65: {  	_ =	shalt  }
0x66: {  	_ =	shalt  }
0x67: {  	_ =	shalt  }
0x68: {  	_ =	shalt  }
0x69: {  	_ =	shalt  }
0x6a: {  	_ =	shalt  }
0x6b: {  	_ =	shalt  }
0x6c: {  	_ =	shalt  }
0x6d: {  	_ =	shalt  }
0x6e: {  	_ =	shalt  }
0x6f: {  	_ =	shalt  }
0x70: {  	_ =	shalt  }
0x71: {  	_ =	shalt  }
0x72: {  	_ =	shalt  }
0x73: {  	_ =	shalt  }
0x74: {  	_ =	shalt  }
0x75: {  	_ =	shalt  }
0x76: {  	_ =	shalt  }
0x77: {  	_ =	shalt  }
0x78: {  	_ =	shalt  }
0x79: {  	_ =	shalt  }
0x7a: {  	_ =	shalt  }
0x7b: {  	_ =	shalt  }
0x7c: {  	_ =	shalt  }
0x7d: {  	_ =	shalt  }
0x7e: {  	_ =	shalt  }
0x7f: {  	_ =	shalt  }
0x80: {  	_ =	shalt  }
0x81: {  	_ =	shalt  }
0x82: {  	_ =	shalt  }
0x83: {  	_ =	shalt  }
0x84: {  	_ =	shalt  }
0x85: {  	_ =	shalt  }
0x86: {  	_ =	shalt  }
0x87: {  	_ =	shalt  }
.Lfunc_end0:
.L_simem_size_0:
called_computation_lowered:
.L_overlay_start_0:
0x88: {  	s2 =	sld [smem:$0x3FD9]  }
0x89: {  	s3 =	sld [smem:$0x3FFE];
	_ =	sdelay $0x1  }
0x8a: {  	s1 =	srdreg.scid  }
0x8b: {  	s0 =	sand.u32 $0x1, s1  }
0x8c: {  	s14 =	sshll.u32 s0, $0xA;
	s2 =	sadd.s32 s3, s2  }
0x8d: {  	s2 =	sadd.s32 s2, s14  }
0x8e: {  	[smem:$0x3FC0] =	sst s2  }
0x8f: {  	_ = 	snop  }
0x90: {  	s2 =	sld [smem:$0x3FD0];
	_ =	sdelay $0x2  }
0x91: {  	s15 =	simm.s32 $0xB;
	s4 =	simm.s32 $0x10  }
0x92: {  	[smem:s4], [sflag:s15] =	dma.local [hbm:s2], $0x1  }
0x93: {  	_ =	swait.eq [sflag:s15], $0x1  }
0x94: {  	[sflag:s15] =	ssyncset.done $0x0  }
0x95: {  	s16 =	sld [smem:$0x10];
	[sflag:s15] =	ssyncadd.s32 $0xFFFFFFFF  }
0x96: {  	s17 =	sld [smem:$0x11];
	(tm) =	ssettm $0x1  }
0x97: {  	s18 =	sld [smem:$0x3FFB];
	_ =	sdelay $0x3  }
0x98: {  	_ =	strace s18  }
0x99: {  	s4 =	sld [smem:$0x3FFC];
	_ =	sdelay $0x3  }
0x9a: {  	_ =	strace s4  }
0x9b: {  	s4 =	sld [smem:$0x3FFD];
	_ =	sdelay $0x3  }
0x9c: {  	_ =	strace s4  }
0x9d: {  	_ =	strace $0x8FFFFFFF  }
0x9e: {  	s19 =	sld [smem:$0x3FDB];
	_ =	sdelay $0x1  }
0x9f: {  	s5 =	simm.s32 $_scs_section_size  }
0xa0: {  	s6 =	simm.s32 $_size__tile_overlayer_lowered;
	s7 =	simm.s32 $_tile_overlayer_lowered  }
0xa1: {  	s22 =	simm.s32 $0x1BFF;
	s21 =	sshll.u32 s7, $0x1;
	s4 =	sadd.s32 s5, s19  }
0xa2: {  	s8 =	simm.s32 $0x0;
	s20 =	sshll.u32 s6, $0x1;
	s6 =	sadd.s32 s21, s4  }
0xa3: {  	[timem:s8], [sflag:s22] =	dma.local [hbm:s6], s20  }
0xa4: {  	_ =	swait.ge [sflag:s22], s20  }
0xa5: {  	s5 =	ssub.s32 $0x0, s20;
	[sflag:s22] =	ssyncset.done $0x0  }
0xa6: {  	[sflag:s22] =	ssyncadd.s32 s5;
	_ =	sdelay $0x1  }
0xa7: {  	s23 =	simm.s32 $0x1B8B  }
0xa8: {  	_ =	swait.ge [sflag:s23], $0x1  }
0xa9: {  	[sflag:s23] =	ssyncset.done $0x0  }
0xaa: {  	s25 =	simm.s32 $0x1B8E;
	s24 =	sld [smem:$0x3FFE];
	[sflag:s23] =	ssyncadd.s32 $0xFFFFFFFF  }
0xab: {  	s26 =	simm.s32 $execute0_lowered;
	[smem:$0x3FD2] =	sst s25  }
0xac: {  	s6 =	sshll.u32 s26, $0x1;
	_ =	strace $0x80000046;
	[dreg:$0x1] =	wrdreg $0xFFFFFFFF  }
0xad: {  	s28 =	simm.s32 $_size_execute0_lowered;
	s4 =	sadd.s32 s4, s6;
	[dreg:$0x0] =	wrdreg $0x0  }
0xae: {  	s6 =	sshll.u32 s28, $0x1;
	[dreg:$0x2] =	wrdreg s4  }
0xaf: {  	[dreg:$0x3] =	wrdreg s6  }
0xb0: {  	[dreg:$0x4] =	wrdreg $0xC0  }
0xb1: {  	_ =	task [dreg:s8], $0x5FFFF  }
0xb2: {  	[dreg:$0x1] =	wrdreg $0xFFFFFFFF  }
0xb3: {  	[dreg:$0x0] =	wrdreg $0x60  }
0xb4: {  	[dreg:$0x2] =	wrdreg s17  }
0xb5: {  	[dreg:$0x3] =	wrdreg s16  }
0xb6: {  	[dreg:$0x4] =	wrdreg s24  }
0xb7: {  	[dreg:$0x5] =	wrdreg $0x9  }
0xb8: {  	_ =	task.clear_ibuf [dreg:s8], $0x6FFFF;
	_ =	strace $0x90000046  }
0xb9: {  	s29 =	simm.s32 $0x9;
	_ =	strace $0x80000048  }
0xba: {  	_ =	swait.ge [sflag:s29], $0x1  }
0xbb: {  	[sflag:s29] =	ssyncadd.s32 $0xFFFFFFFF  }
0xbc: {  	_ =	strace $0x90000048  }
0xbd: {  	_ =	sfence  }
0xbe: {  	s30 =	sld [smem:$0x0];
	_ =	sdelay $0x2  }
0xbf: {  	s31 =	sshll.u32 s1, $0xD;
	s1 =	sshrl.u32 s1, $0x2  }
0xc0: {  	s3 =	sand.u32 $0x4000, s31;
	s1 =	sadd.s32 s1, s30  }
0xc1: {  	s0 =	sor.u32 s3, s0;
	s1 =	sshll.u32 s1, $0x11  }
0xc2: {  	s0 =	sor.u32 s1, s0  }
0xc3: {  	s0 =	sadd.s32 $0x8F2B, s0  }
0xc4: {  	[sflag:s0] =	ssyncadd.remote.s32 $0x1  }
0xc5: {  	_ =	sfence.sel $0xFFFF  }
0xc6: {  	[dreg:$0x0] =	wrdreg $0xFFFFFFFF;
	(pc) =	sbr.abs _section_cstart, $3  }
0xc7: {  	[dreg:$0x1] =	wrdreg $0xFFFFFFFF  }
0xc8: {  	_ =	task.clear_ibuf [dreg:s8], $0x2FFFF;
	_ =	strace $0x9FFFFFFF  }
0xc9: {  	(tm) =	ssettm $0x7FFFFFFF  }
tec
execute0_lowered:
.L_overlay_start_1:
0x0: {  	(tag) =	ssettag $0x1  }
0x1: {  	s1 =	srdreg.scid;
	s2 =	rddreg [dreg:$0x0]  }
0x2: {  	s0 =	stileid.u32;
	s3 =	rddreg [dreg:$0x1]  }
0x3: {  	s4 =	rddreg [dreg:$0x2];
	s6 =	simm.s32 $0x1;
	s1 =	sshll.u32 s1, $0x7  }
0x4: {  	s9 =	simm.s32 $0x1;
	s5 =	sshll.u32 s0, $0x8;
	s1 =	sand.u32 $0x80, s1  }
0x5: {  	s10 =	simm.s32 $0x3;
	s13 =	simm.s32 $0x0;
	s5 =	sor.u32 s5, s1  }
0x6: {  	s12 =	simm.s32 $0x0;
	s1 =	rddreg [dreg:$0x3];
	s8 =	ssub.s32 $0x2000, s5  }
.Ltmp0:
0x7: {  	_ =	strace $0x80000047;
	s7 =	sand.u32 $0xF80, s8;
	(pc) =	sbr.rel .LBB2_1-.Ltmp0, $4  }
0x8: {  	[sflag:s6] =	ssyncpa.u1 $0x0;
	s11 =	smov.u32 s5;
	p0 =	sne.s32 s7, $0x0  }
0x9: {  	s8 =	sshrl.u32 s8, $0xC;
	s7 =	simm.s32 $0x2;
	s9 =	simm.s32 @!p0 $0x0  }
0xa: {  	[sflag:s7] =	ssyncpa.u1 $0x0;
	p0 =	por $0x0, $0x0;
	s8 =	sadd.s32 s9, s8  }
0xb: {  	vm0 =	vmmov $0xffff;
	[sflag:s10] =	ssyncpa.u1 $0x0;
	s10 =	simm.s32 $0x0;
	s9 =	sadd.s32 $0x1, s8  }
.LBB2_4:
0xc: {  	v1 =	vsel vm1, $0xFFFFFFFF, v1;
	v2 =	vand.u32 $0x7, v2  }
0xd: {  	v2 =	vsel vm1, $0xFFFFFFFF, v2;
	v3 =	vshll.u32 v1, $0x3  }
0xe: {  	v4 =	vand.u32 $0xFFFF0000, v2;
	v3 =	vand.u32 $0xFFFFFC00, v3;
	v2 =	vshll.u32 v2, $0x7  }
0xf: {  	v3 =	vadd.s32 v3, v4;
	v2 =	vand.u32 $0x380, v2  }
0x10: {  	v1 =	vand.u32 $0x7F, v1;
	v2 =	vor.u32 v2, v3  }
0x11: {  	v1 =	vor.u32 v1, v2;
	_ =	sdelay $0x1  }
0x12: {  	(ifvalue) =	ssetifvalue $0x7FFFFFFF;
	s15 =	sadd.s32 $0x10, s15  }
0x13: {  	[tilespmem:s15], [sflag:$0x1] =	stream.indirect_vreg.gather [hbm4b:s2+s10], $0x1, v0, vm0, $0x4038;
	[tilespmem:$0x200] =	vst v63  }
0x14: {  	(ifvalue) =	ssetifvalue $0x7FFFFFFF;
	s15 =	sadd.s32 $0x10, s15  }
0x15: {  	[tilespmem:s15], [sflag:$0x1] =	stream.indirect_vreg.gather [hbm4b:s2+s10], $0x1, v1, vm0, $0x4038;
	[tilespmem:$0x200] =	vst v63  }
0x16: {  	_ =	swait.ge [sflag:s6], $0x80  }
0x17: {  	s30 =	sshrl.u32 s13, $0x3;
	[sflag:s6] =	ssyncset.done $0x0  }
0x18: {  	s31 =	sand.u32 $0x7, s13;
	s15 =	sadd.s32 s4, s30;
	[sflag:s6] =	ssyncadd.s32 $0xFFFFFF80  }
0x19: {  	[hbm4b:s15+s31] =	stream.linear.scatter [tilespmem:s14], [sflag:$0x3], $0x80, $0x38;
	[tilespmem:$0x200] =	vst v63  }
.LBB2_5:
0x1a: {  	s15 =	sadd.s32 $0x1000, s11  }
0x1b: {  	p2 =	sgt.s32 s15, $0x1FFF  }
0x1c: {  	s15 =	smov.u32 @p2 s5;
	p2 =	sne.s32 s12, s9  }
.Ltmp1:
0x1d: {  	p1 =	slt.u32 s12, $0x2;
	(pc) =	sbr.rel @!p2 .LBB2_6-.Ltmp1, $4  }
0x1e: {  	s14 =	simm.s32 @!p1 $0x3  }
0x1f: {  	s16 =	sadd.s32 $0x1, s12;
	_ =	swait.ge @!p1 [sflag:s14], $0x80  }
0x20: {  	s13 =	smov.u32 s11;
	p0 =	por !p0, !p0;
	[sflag:s14] =	ssyncset.done @!p1 $0x0  }
0x21: {  	s12 =	smov.u32 s16;
	s11 =	smov.u32 s15;
	[sflag:s14] =	ssyncadd.s32 @!p1 $0xFFFFFF80  }
.LBB2_1:
0x22: {  	p1 =	sge.u32 s12, s8  }
0x23: {  	s14 =	sxor.u32 @!p1 $0xFFFFFFFF, s12  }
0x24: {  	s31 =	sadd.s32 $0xFFFFFFFF, s12;
	s15 =	sshrl.u32 @!p1 s11, $0x3;
	s14 =	sshll.u32 @!p1 s14, $0x7  }
0x25: {  	s16 =	sand.u32 @!p1 $0x7, s11;
	s15 =	sadd.s32 @!p1 s3, s15;
	s14 =	sand.u32 @!p1 $0x80, s14  }
0x26: {  	[tilespmem:s14], [sflag:$0x2] =	stream.linear.gather @!p1 [hbm4b:s15+s16], $0x80, $0x38;
	[tilespmem:$0x200] =	vst v63  }
0x27: {  	p1 =	sge.u32 s31, s8  }
.Ltmp2:
0x28: {  	_ = 	snop;
	(pc) =	sbr.rel @p1 .LBB2_5-.Ltmp2, $1  }
0x29: {  	_ =	sdelay $0x3  }
0x2a: {  	s14 =	simm.s32 $0x1  }
0x2b: {  	_ =	swait.ge [sflag:s7], $0x80;
	s14 =	simm.s32 @!p0 $0x0  }
0x2c: {  	[sflag:s7] =	ssyncset.done $0x0;
	s14 =	sshll.u32 s14, $0x7  }
0x2d: {  	[sflag:s7] =	ssyncadd.s32 $0xFFFFFF80;
	(ifvalue) =	ssetifvalue $0x7FFFFFFF;
	v0 =	vld.msk [tilespmem:s14+$0x0 ss:$0x1], $0xffff;
	_ =	sdelay $0x3  }
0x2e: {  	s15 =	sadd.s32 $0x10, s14  }
0x2f: {  	v2 =	vld.msk [tilespmem:s15+$0x0 ss:$0x1], $0xffff;
	vm1 =	veq.s32 v0, $0x80000000;
	v1 =	vand.u32 $0x1FFF, v0;
	v0 =	vshrl.u32 v0, $0xD  }
0x30: {  	v1 =	vsel vm1, $0xFFFFFFFF, v1;
	v0 =	vand.u32 $0x7, v0  }
0x31: {  	v0 =	vsel vm1, $0xFFFFFFFF, v0;
	v3 =	vshll.u32 v1, $0x3  }
0x32: {  	v4 =	vand.u32 $0xFFFF0000, v0;
	v3 =	vand.u32 $0xFFFFFC00, v3;
	v0 =	vshll.u32 v0, $0x7  }
0x33: {  	v3 =	vadd.s32 v3, v4;
	v0 =	vand.u32 $0x380, v0  }
0x34: {  	v1 =	vand.u32 $0x7F, v1;
	vm1 =	veq.s32 v2, $0x80000000;
	v0 =	vor.u32 v0, v3  }
0x35: {  	v0 =	vor.u32 v1, v0;
	v1 =	vand.u32 $0x1FFF, v2;
	v2 =	vshrl.u32 v2, $0xD  }
0x36: {  	s17 =	sadd.s32 $0x10, s15;
	v1 =	vsel vm1, $0xFFFFFFFF, v1;
	v2 =	vand.u32 $0x7, v2  }
0x37: {  	v3 =	vld.msk [tilespmem:s17+$0x0 ss:$0x1], $0xffff;
	v2 =	vsel vm1, $0xFFFFFFFF, v2;
	v63 =	vshll.u32 v1, $0x3  }
0x38: {  	v5 =	vand.u32 $0xFFFF0000, v2;
	v4 =	vand.u32 $0xFFFFFC00, v63;
	v2 =	vshll.u32 v2, $0x7  }
0x39: {  	s31 =	sshll.u32 s12, $0x7;
	s15 =	sor.u32 $0x100, s14;
	(ifvalue) =	ssetifvalue $0x7FFFFFFF;
	v4 =	vadd.s32 v4, v5;
	v2 =	vand.u32 $0x380, v2  }
0x3a: {  	[tilespmem:s15], [sflag:$0x1] =	stream.indirect_vreg.gather [hbm4b:s2+s10], $0x1, v0, vm0, $0x4038;
	v0 =	vand.u32 $0x7F, v1;
	v1 =	vor.u32 v2, v4;
	[tilespmem:$0x200] =	vst v63  }
0x3b: {  	s14 =	sand.u32 $0x80, s31;
	v0 =	vor.u32 v0, v1  }
0x3c: {  	s16 =	simm.s32 $0x20;
	s14 =	sor.u32 $0x100, s14;
	s17 =	sadd.s32 $0x10, s17;
	vm1 =	veq.s32 v3, $0x80000000;
	v2 =	vshrl.u32 v3, $0xD;
	v1 =	vand.u32 $0x1FFF, v3  }
.LBB2_3:
0x3d: {  	v3 =	vld.msk [tilespmem:s17+$0x0 ss:$0x1], $0xffff;
	s16 =	sadd.s32 $0x10, s16;
	v1 =	vsel vm1, $0xFFFFFFFF, v1;
	v2 =	vand.u32 $0x7, v2  }
0x3e: {  	p1 =	slt.u32 s16, $0x70;
	v2 =	vsel vm1, $0xFFFFFFFF, v2;
	v4 =	vshll.u32 v1, $0x3  }
.Ltmp3:
0x3f: {  	s15 =	sadd.s32 $0x10, s15;
	v5 =	vand.u32 $0xFFFF0000, v2;
	v4 =	vand.u32 $0xFFFFFC00, v4;
	v2 =	vshll.u32 v2, $0x7;
	(ifvalue) =	ssetifvalue $0x7FFFFFFF;
	(pc) =	sbr.rel @p1 .LBB2_3-.Ltmp3, $4  }
0x40: {  	v4 =	vadd.s32 v4, v5;
	v2 =	vand.u32 $0x380, v2;
	[tilespmem:s15], [sflag:$0x1] =	stream.indirect_vreg.gather [hbm4b:s2+s10], $0x1, v0, vm0, $0x4038;
	[tilespmem:$0x200] =	vst v63  }
0x41: {  	v0 =	vand.u32 $0x7F, v1;
	v1 =	vor.u32 v2, v4  }
0x42: {  	v0 =	vor.u32 v0, v1  }
0x43: {  	s17 =	sadd.s32 $0x10, s17;
	vm1 =	veq.s32 v3, $0x80000000;
	v1 =	vand.u32 $0x1FFF, v3;
	v2 =	vshrl.u32 v3, $0xD  }
.Ltmp4:
0x44: {  	_ = 	snop;
	(pc) =	sbr.rel .LBB2_4-.Ltmp4, $1  }
0x45: {  	_ =	sdelay $0x3  }
.LBB2_6:
0x46: {  	_ =	sfence.sel $0x180000  }
0x47: {  	s2 =	simm.s32 $0x2;
	[bflag:$0x0] =	sbarrier.arrive $0xFFFF  }
0x48: {  	s30 =	simm.s32 $0x3;
	[sflag:s2] =	ssyncpa.u1 $0x1  }
0x49: {  	s31 =	simm.s32 $0x1;
	[sflag:s30] =	ssyncpa.u1 $0x1  }
0x4a: {  	[sflag:s31] =	ssyncpa.u1 $0x1  }
0x4b: {  	p0 =	sne.s32 s0, $0x0;
	_ =	strace $0x90000047  }
0x4c: {  	s0 =	sadd.s32 @!p0 $0x100000, s1;
	[bflag:$0x2] =	sbarrier.arrive $0xFFFF  }
0x4d: {  	[sflag:s0] =	ssyncadd.tile.s32 @!p0 $0x1;
	_ =	shalt  }
.Lfunc_end2:
_tile_overlayer_lowered:
.L_overlay_start_2:
0x4e: {  	(tag) =	ssettag $0x2  }
0x4f: {  	s0 =	rddreg [dreg:$0x0];
	s2 =	stileid.u32  }
0x50: {  	s1 =	rddreg [dreg:$0x1];
	p0 =	sne.s32 s2, $0x0  }
0x51: {  	s3 =	rddreg [dreg:$0x2];
	[bflag:$0x3] =	sbarrier.arrive $0xFFFF;
	s2 =	simm.s32 @!p0 $0x1C01  }
0x52: {  	[timem:s3], [sflag:s2] =	dma.local @!p0 [hbm:s0], s1  }
0x53: {  	s0 =	simm.s32 @!p0 $0x1  }
0x54: {  	_ =	swait.ge @!p0 [sflag:s0], s1  }
0x55: {  	s1 =	ssub.s32 @!p0 $0x0, s1;
	[sflag:s0] =	ssyncset.done @!p0 $0x0  }
0x56: {  	[sflag:s0] =	ssyncadd.s32 @!p0 s1  }
0x57: {  	[bflag:$0x3] =	sbarrier.arrive $0xFFFF  }
0x58: {  	_ =	shalt  }

// kernel: kernel.11.cloned.1.call-start
scs
__scs_entry_jumppad:
0x0: {  	(pc) =	sbr.rel $0x88, $3  }
0x1: {  	(tag) =	ssettag $0x0;
	lr =	simm.s32 $0x1  }
0x2: {  	[smem:$0x3F99] =	sst lr;
	_ =	strace $0xD0000000  }
0x3: {  	_ = 	snop  }
0x4: {  	_ = 	snop  }
0x5: {  	_ = 	snop  }
0x6: {  	_ = 	snop  }
0x7: {  	_ = 	snop  }
__scs_overlays_trampoline_lowered:
0x8: {  	[smem:$0x3FA8] =	sst s0  }
0x9: {  	[smem:$0x3FA9] =	sst s1  }
0xa: {  	[smem:$0x3FAA] =	sst s2  }
0xb: {  	[smem:$0x3FAB] =	sst s3  }
0xc: {  	[smem:$0x3FAC] =	sst s4  }
0xd: {  	[smem:$0x3FAD] =	sst s5  }
0xe: {  	[smem:$0x3FAE] =	sst s6  }
0xf: {  	[smem:$0x3FAF] =	sst s7  }
0x10: {  	[smem:$0x3FB0] =	sst s8  }
0x11: {  	[smem:$0x3FB1] =	sst s9;
	s0 =	simm.s32 @!p0 $0x0  }
0x12: {  	s1 =	sld [smem:$0x3F97];
	s0 =	simm.s32 @p0 $0x1  }
0x13: {  	[smem:$0x3FB2] =	sst s0;
	s0 =	simm.s32 @!p1 $0x0  }
0x14: {  	s2 =	sld [smem:$0x3F96];
	s0 =	simm.s32 @p1 $0x1  }
0x15: {  	[smem:$0x3FB3] =	sst s0;
	s0 =	simm.s32 @!p2 $0x0  }
0x16: {  	s3 =	sld [smem:$0x3FDB];
	s0 =	simm.s32 @p2 $0x1  }
0x17: {  	s4 =	simm.s32 $0x1BF5;
	[smem:$0x3FB5] =	sst s0  }
0x18: {  	s0 =	sld [smem:$0x3F98];
	_ =	swait.ge [sflag:s4], $0x0  }
0x19: {  	s7 =	sld [smem:$0x3F99]  }
0x1a: {  	s8 =	sadd.s32 $0xFFFFE003, lr  }
0x1b: {  	s9 =	sadd.s32 $0xFFFFFEF7, lr;
	s5 =	simm.s32 $0xFFFFFFFF;
	p2 =	slt.u32 s8, $0xFFFFF086  }
0x1c: {  	p1 =	slt.u32 s9, $0xF7A;
	s5 =	simm.s32 @!p2 $0x0  }
0x1d: {  	s5 =	simm.s32 @p1 $0x1;
	p0 =	seq.s32 s7, s2  }
0x1e: {  	s7 =	smul.u32 @!p0 $0xF7A, s2;
	p2 =	seq.s32 @!p0 s5, $0x0  }
0x1f: {  	s9 =	smul.u32 $0xF7A, s1;
	s8 =	simm.s32 @!p0 $0x1BF5;
	p2 =	por !p2, p0  }
0x20: {  	[sflag:s8] =	ssyncset.s32 @!p0 $0xFFFFF086;
	s6 =	sadd.s32 @!p0 s3, s7;
	s7 =	simm.s32 @!p0 $0x108  }
0x21: {  	s3 =	sadd.s32 s3, s9;
	s6 =	sadd.s32 @!p0 $0x88, s6;
	s7 =	simm.s32 @p2 $0x1082  }
0x22: {  	[simem:s7], [sflag:s8] =	dma.local @!p0 [hbm:s6], $0xF7A  }
0x23: {  	s9 =	sor.u32 $0xD0000000, s2;
	s6 =	simm.s32 $0x108;
	_ =	swait.ge @!p0 [sflag:s8], $0x0  }
0x24: {  	s3 =	sadd.s32 $0x88, s3;
	s6 =	simm.s32 @!p1 $0x1082;
	[sflag:s4] =	ssyncset.s32 $0xFFFFF086  }
0x25: {  	[simem:s6], [sflag:s4] =	dma.local [hbm:s3], $0xF7A  }
0x26: {  	[smem:$0x3F99] =	sst s1;
	(tag) =	ssettag s2;
	_ =	strace s9  }
0x27: {  	s1 =	sld [smem:$0x3FA9]  }
0x28: {  	s2 =	sld [smem:$0x3FAA]  }
0x29: {  	s4 =	sld [smem:$0x3FAC]  }
0x2a: {  	p0 =	seq.s32 s5, $0x0;
	s5 =	sld [smem:$0x3FAD]  }
0x2b: {  	s6 =	sld [smem:$0x3FAE]  }
0x2c: {  	s7 =	sld [smem:$0x3FAF]  }
0x2d: {  	s3 =	simm.s32 $0x108;
	s8 =	sld [smem:$0x3FB0]  }
0x2e: {  	s3 =	simm.s32 @!p0 $0x1082;
	s9 =	sld [smem:$0x3FB1]  }
0x2f: {  	lr =	sadd.s32 s0, s3;
	s0 =	sld [smem:$0x3FA8]  }
0x30: {  	s3 =	sld [smem:$0x3FAB]  }
0x31: {  	[smem:$0x3FB4] =	sst s10  }
0x32: {  	s10 =	sld [smem:$0x3FB2];
	_ =	sdelay $0x3  }
0x33: {  	p0 =	seq.s32 s10, $0x1;
	s10 =	sld [smem:$0x3FB4];
	_ =	sdelay $0x3  }
0x34: {  	[smem:$0x3FB4] =	sst s10  }
0x35: {  	s10 =	sld [smem:$0x3FB3];
	_ =	sdelay $0x3  }
0x36: {  	p1 =	seq.s32 s10, $0x1;
	s10 =	sld [smem:$0x3FB4];
	_ =	sdelay $0x3  }
0x37: {  	[smem:$0x3FB4] =	sst s10  }
0x38: {  	s10 =	sld [smem:$0x3FB5]  }
0x39: {  	_ = 	snop;
	(pc) =	sbr.ind lr, $3  }
0x3a: {  	_ = 	snop  }
0x3b: {  	_ = 	snop  }
0x3c: {  	p2 =	seq.s32 s10, $0x1;
	s10 =	sld [smem:$0x3FB4]  }
0x3d: {  	_ =	shalt  }
0x3e: {  	_ =	shalt  }
0x3f: {  	_ =	shalt  }
0x40: {  	_ =	shalt  }
0x41: {  	_ =	shalt  }
0x42: {  	_ =	shalt  }
0x43: {  	_ =	shalt  }
0x44: {  	_ =	shalt  }
0x45: {  	_ =	shalt  }
0x46: {  	_ =	shalt  }
0x47: {  	_ =	shalt  }
0x48: {  	_ =	shalt  }
0x49: {  	_ =	shalt  }
0x4a: {  	_ =	shalt  }
0x4b: {  	_ =	shalt  }
0x4c: {  	_ =	shalt  }
0x4d: {  	_ =	shalt  }
0x4e: {  	_ =	shalt  }
0x4f: {  	_ =	shalt  }
0x50: {  	_ =	shalt  }
0x51: {  	_ =	shalt  }
0x52: {  	_ =	shalt  }
0x53: {  	_ =	shalt  }
0x54: {  	_ =	shalt  }
0x55: {  	_ =	shalt  }
0x56: {  	_ =	shalt  }
0x57: {  	_ =	shalt  }
0x58: {  	_ =	shalt  }
0x59: {  	_ =	shalt  }
0x5a: {  	_ =	shalt  }
0x5b: {  	_ =	shalt  }
0x5c: {  	_ =	shalt  }
0x5d: {  	_ =	shalt  }
0x5e: {  	_ =	shalt  }
0x5f: {  	_ =	shalt  }
0x60: {  	_ =	shalt  }
0x61: {  	_ =	shalt  }
0x62: {  	_ =	shalt  }
0x63: {  	_ =	shalt  }
0x64: {  	_ =	shalt  }
0x65: {  	_ =	shalt  }
0x66: {  	_ =	shalt  }
0x67: {  	_ =	shalt  }
0x68: {  	_ =	shalt  }
0x69: {  	_ =	shalt  }
0x6a: {  	_ =	shalt  }
0x6b: {  	_ =	shalt  }
0x6c: {  	_ =	shalt  }
0x6d: {  	_ =	shalt  }
0x6e: {  	_ =	shalt  }
0x6f: {  	_ =	shalt  }
0x70: {  	_ =	shalt  }
0x71: {  	_ =	shalt  }
0x72: {  	_ =	shalt  }
0x73: {  	_ =	shalt  }
0x74: {  	_ =	shalt  }
0x75: {  	_ =	shalt  }
0x76: {  	_ =	shalt  }
0x77: {  	_ =	shalt  }
0x78: {  	_ =	shalt  }
0x79: {  	_ =	shalt  }
0x7a: {  	_ =	shalt  }
0x7b: {  	_ =	shalt  }
0x7c: {  	_ =	shalt  }
0x7d: {  	_ =	shalt  }
0x7e: {  	_ =	shalt  }
0x7f: {  	_ =	shalt  }
0x80: {  	_ =	shalt  }
0x81: {  	_ =	shalt  }
0x82: {  	_ =	shalt  }
0x83: {  	_ =	shalt  }
0x84: {  	_ =	shalt  }
0x85: {  	_ =	shalt  }
0x86: {  	_ =	shalt  }
0x87: {  	_ =	shalt  }
.Lfunc_end0:
.L_simem_size_0:
called_computation.2_lowered:
.L_overlay_start_0:
0x88: {  	s2 =	sld [smem:$0x3FD9]  }
0x89: {  	s3 =	sld [smem:$0x3FFE];
	_ =	sdelay $0x1  }
0x8a: {  	s1 =	srdreg.scid  }
0x8b: {  	s0 =	sand.u32 $0x1, s1  }
0x8c: {  	s15 =	sshll.u32 s0, $0xA;
	s2 =	sadd.s32 s3, s2  }
0x8d: {  	s2 =	sadd.s32 s2, s15  }
0x8e: {  	[smem:$0x3FC0] =	sst s2  }
0x8f: {  	_ = 	snop  }
0x90: {  	s2 =	sld [smem:$0x3FD0];
	_ =	sdelay $0x2  }
0x91: {  	s16 =	simm.s32 $0xB;
	s4 =	simm.s32 $0x10  }
0x92: {  	[smem:s4], [sflag:s16] =	dma.local [hbm:s2], $0x1  }
0x93: {  	_ =	swait.eq [sflag:s16], $0x1  }
0x94: {  	[sflag:s16] =	ssyncset.done $0x0  }
0x95: {  	[sflag:s16] =	ssyncadd.s32 $0xFFFFFFFF  }
0x96: {  	s17 =	sld [smem:$0x10];
	(tm) =	ssettm $0x1  }
0x97: {  	s18 =	sld [smem:$0x3FFB];
	_ =	sdelay $0x3  }
0x98: {  	_ =	strace s18  }
0x99: {  	s2 =	sld [smem:$0x3FFC];
	_ =	sdelay $0x3  }
0x9a: {  	_ =	strace s2  }
0x9b: {  	s2 =	sld [smem:$0x3FFD];
	_ =	sdelay $0x3  }
0x9c: {  	_ =	strace s2  }
0x9d: {  	_ =	strace $0x8FFFFFFF  }
0x9e: {  	s19 =	sld [smem:$0x3FDB];
	_ =	sdelay $0x1  }
0x9f: {  	s20 =	simm.s32 $_scs_section_size  }
0xa0: {  	s5 =	simm.s32 $_size__tile_overlayer_lowered;
	s6 =	simm.s32 $_tile_overlayer_lowered  }
0xa1: {  	s7 =	simm.s32 $0x1BFF;
	s21 =	sshll.u32 s6, $0x1;
	s4 =	sadd.s32 s20, s19  }
0xa2: {  	s22 =	simm.s32 $0x0;
	s5 =	sshll.u32 s5, $0x1;
	s6 =	sadd.s32 s21, s4  }
0xa3: {  	[timem:s22], [sflag:s7] =	dma.local [hbm:s6], s5  }
0xa4: {  	_ =	swait.ge [sflag:s7], s5  }
0xa5: {  	s5 =	ssub.s32 $0x0, s5;
	[sflag:s7] =	ssyncset.done $0x0  }
0xa6: {  	[sflag:s7] =	ssyncadd.s32 s5;
	_ =	sdelay $0x1  }
0xa7: {  	s23 =	simm.s32 $0x1B8B  }
0xa8: {  	_ =	swait.ge [sflag:s23], $0x1  }
0xa9: {  	[sflag:s23] =	ssyncset.done $0x0  }
0xaa: {  	[sflag:s23] =	ssyncadd.s32 $0xFFFFFFFF  }
0xab: {  	s5 =	sld [smem:$0x0]  }
0xac: {  	s6 =	sand.u32 $0xFFFFFFFE, s1  }
0xad: {  	p0 =	sne.s32 s1, s6  }
0xae: {  	s6 =	sshll.u32 @p0 s6, $0xE  }
0xaf: {  	s6 =	sadd.s32 @p0 $0x11B8D, s6;
	s7 =	sshll.u32 @p0 s5, $0x11  }
0xb0: {  	s6 =	sor.u32 @p0 s7, s6  }
0xb1: {  	[sflag:s6] =	ssyncadd.remote.s32 @p0 $0x1;
	_ =	sdelay $0x1  }
0xb2: {  	s6 =	simm.s32 @p0 $0x1B8D  }
0xb3: {  	_ =	swait.eq @p0 [sflag:s6], $0x1  }
0xb4: {  	[sflag:s6] =	ssyncadd.s32 @p0 $0xFFFFFFFF  }
0xb5: {  	s7 =	sshll.u32 @!p0 s1, $0xE  }
0xb6: {  	s7 =	sor.u32 @!p0 $0x4000, s7;
	s6 =	simm.s32 @!p0 $0x1B8D  }
0xb7: {  	s5 =	sshll.u32 @!p0 s5, $0x11;
	s7 =	sadd.s32 @!p0 $0x11B8D, s7;
	_ =	swait.eq @!p0 [sflag:s6], $0x1  }
0xb8: {  	s5 =	sor.u32 @!p0 s5, s7;
	[sflag:s6] =	ssyncadd.s32 @!p0 $0xFFFFFFFF  }
0xb9: {  	s25 =	simm.s32 $0x1B8E;
	s24 =	sld [smem:$0x3FFE];
	[sflag:s5] =	ssyncadd.remote.s32 @!p0 $0x1  }
0xba: {  	s26 =	simm.s32 $execute0_lowered;
	[smem:$0x3FD2] =	sst s25  }
0xbb: {  	s6 =	sshll.u32 s26, $0x1;
	_ =	strace $0x8000004F;
	[dreg:$0x1] =	wrdreg $0xFFFFFFFF  }
0xbc: {  	s28 =	simm.s32 $_size_execute0_lowered;
	s4 =	sadd.s32 s4, s6;
	[dreg:$0x0] =	wrdreg $0x0  }
0xbd: {  	s6 =	sshll.u32 s28, $0x1;
	[dreg:$0x2] =	wrdreg s4  }
0xbe: {  	[dreg:$0x3] =	wrdreg s6  }
0xbf: {  	[dreg:$0x4] =	wrdreg $0xC0  }
0xc0: {  	_ =	task [dreg:s22], $0x5FFFF  }
0xc1: {  	[dreg:$0x1] =	wrdreg $0xFFFFFFFF  }
0xc2: {  	[dreg:$0x0] =	wrdreg $0x60  }
0xc3: {  	[dreg:$0x2] =	wrdreg s24  }
0xc4: {  	[dreg:$0x3] =	wrdreg s17  }
0xc5: {  	[dreg:$0x4] =	wrdreg $0x9  }
0xc6: {  	_ =	task.clear_ibuf [dreg:s22], $0x5FFFF;
	_ =	strace $0x9000004F  }
0xc7: {  	s29 =	simm.s32 $0x9;
	_ =	strace $0x80000051  }
0xc8: {  	_ =	swait.ge [sflag:s29], $0x1  }
0xc9: {  	[sflag:s29] =	ssyncadd.s32 $0xFFFFFFFF  }
0xca: {  	_ =	strace $0x90000051  }
0xcb: {  	_ =	sfence  }
0xcc: {  	s30 =	sld [smem:$0x0];
	_ =	sdelay $0x2  }
0xcd: {  	s31 =	sshll.u32 s1, $0xD;
	s1 =	sshrl.u32 s1, $0x2  }
0xce: {  	s4 =	sand.u32 $0x4000, s31;
	s1 =	sadd.s32 s1, s30  }
0xcf: {  	s0 =	sor.u32 s4, s0;
	s1 =	sshll.u32 s1, $0x11  }
0xd0: {  	s0 =	sor.u32 s1, s0  }
0xd1: {  	s0 =	sadd.s32 $0x8F2B, s0  }
0xd2: {  	[sflag:s0] =	ssyncadd.remote.s32 $0x1  }
0xd3: {  	_ =	sfence.sel $0xFFFF  }
0xd4: {  	[dreg:$0x0] =	wrdreg $0xFFFFFFFF;
	(pc) =	sbr.abs _section_cstart, $3  }
0xd5: {  	[dreg:$0x1] =	wrdreg $0xFFFFFFFF  }
0xd6: {  	_ =	task.clear_ibuf [dreg:s22], $0x2FFFF;
	_ =	strace $0x9FFFFFFF  }
0xd7: {  	(tm) =	ssettm $0x7FFFFFFF  }
tec
execute0_lowered:
.L_overlay_start_1:
0x0: {  	(tag) =	ssettag $0x1  }
0x1: {  	s0 =	srdreg.scid;
	s1 =	rddreg [dreg:$0x0]  }
0x2: {  	s2 =	stileid.u32;
	s4 =	rddreg [dreg:$0x1];
	s9 =	simm.s32 $0x3  }
0x3: {  	s10 =	simm.s32 $0x100;
	s19 =	simm.s32 $0x1;
	s28 =	simm.s32 $0x2900  }
0x4: {  	s29 =	simm.s32 $0x3100;
	s30 =	simm.s32 $0x3900;
	s31 =	simm.s32 $0x4100  }
0x5: {  	s17 =	simm.s32 $0x4900;
	s16 =	simm.s32 $0x5100;
	s11 =	simm.s32 $0x6100  }
0x6: {  	s12 =	simm.s32 $0x6900;
	s13 =	simm.s32 $0x7100;
	s0 =	sand.u32 $0x1, s0  }
0x7: {  	s14 =	simm.s32 $0x7900;
	s2 =	sshll.u32 s2, $0x9;
	s3 =	sshll.u32 s0, $0x8  }
0x8: {  	s7 =	sadd.s32 $0x141B00, s1;
	s0 =	ssub.s32 $0x2, s0;
	s3 =	sor.u32 s3, s2  }
0x9: {  	s2 =	simm.s32 $0x0;
	s5 =	sshrl.u32 s3, $0x3;
	s3 =	sshll.u32 s3, $0x7  }
0xa: {  	[smem:$0x7FF] =	sst s2;
	s5 =	sadd.s32 s5, s1;
	s6 =	sadd.s32 s4, s3  }
0xb: {  	_ =	strace $0x80000050;
	s5 =	sadd.s32 $0x1400, s5;
	[dreg:$0xb] =	wrdreg s6  }
0xc: {  	s23 =	sshrl.u32 s0, $0x1;
	s3 =	sadd.s32 $0x1000, s6;
	[dreg:$0x3] =	wrdreg s5  }
0xd: {  	s0 =	ssub.s32 s0, s23;
	s20 =	sadd.s32 $0x2000, s6;
	[dreg:$0x4] =	wrdreg s3  }
0xe: {  	s23 =	simm.s32 $0x1100;
	s21 =	sadd.s32 $0x3000, s6;
	[dreg:$0x5] =	wrdreg s20  }
0xf: {  	s4 =	sadd.s32 $0x141800, s1;
	s22 =	sadd.s32 $0x4000, s6;
	[dreg:$0x6] =	wrdreg s21  }
0x10: {  	s8 =	smax.u32 s0, $0x1;
	s24 =	sadd.s32 $0x5000, s6;
	[dreg:$0x7] =	wrdreg s22  }
0x11: {  	s25 =	sadd.s32 $0x6000, s6;
	s26 =	sadd.s32 $0x7000, s6;
	[dreg:$0x8] =	wrdreg s24  }
0x12: {  	v2 =	vlaneseq.u32;
	s6 =	sadd.s32 $0x141A00, s1;
	s5 =	sadd.s32 $0x141900, s1;
	[dreg:$0x9] =	wrdreg s25  }
0x13: {  	vm0 =	vmmov $0xffff;
	v1 =	vshrl.u32 v2, $0x3;
	[dreg:$0xa] =	wrdreg s26;
	s26 =	simm.s32 $0x8100;
	s20 =	simm.s32 $0x2  }
0x14: {  	v0 =	vand.u32 $0x7, v2;
	v2 =	vor.u32 $0x8, v2;
	v1 =	vmul.u32 $0x8, v1;
	s22 =	simm.s32 $0x900;
	s24 =	simm.s32 $0x1900;
	s25 =	simm.s32 $0x2100  }
.LBB2_1:
0x15: {  	s21 =	rddreg [dreg:$0x3]  }
0x16: {  	[tilespmem:s2], [sflag:$0x3] =	stream.linear.gather [hbm4b:s21+s2], $0x100, $0x38;
	[tilespmem:$0x10100] =	vst v63  }
0x17: {  	_ =	swait.ge [sflag:s9], $0x100  }
0x18: {  	[sflag:s9] =	ssyncset.done $0x0  }
0x19: {  	[sflag:s9] =	ssyncadd.s32 $0xFFFFFF00  }
0x1a: {  	v3 =	vld [tilespmem:$0x0];
	_ =	sdelay $0x4  }
0x1b: {  	v4 =	vshll.u32 v3, $0x3  }
0x1c: {  	v3 =	vand.u32 $0x7, v3;
	v4 =	vand.u32 $0xFFFFFFC0, v4  }
0x1d: {  	v3 =	vor.u32 v3, v4  }
0x1e: {  	v4 =	vperm.xlane v3, v0;
	_ =	sdelay $0x1  }
0x1f: {  	v4 =	vadd.s32 v1, v4;
	_ =	sdelay $0x4  }
0x20: {  	[tilespmem:s10], [sflag:$0x1] =	stream.indirect_vreg.gather [hbm4b:s4+s2], $0x80, v4, vm0, $0xb8;
	[tilespmem:$0x10100] =	vst v63  }
0x21: {  	v3 =	vperm.xlane v3, v2  }
0x22: {  	[tilespmem:s22], [sflag:$0x1] =	stream.indirect_vreg.gather [hbm4b:s5+s2], $0x80, v4, vm0, $0xb8;
	[tilespmem:$0x10100] =	vst v63  }
0x23: {  	v3 =	vadd.s32 v1, v3  }
0x24: {  	[tilespmem:s23], [sflag:$0x1] =	stream.indirect_vreg.gather [hbm4b:s6+s2], $0x80, v4, vm0, $0xb8;
	[tilespmem:$0x10100] =	vst v63  }
0x25: {  	_ = 	snop  }
0x26: {  	[tilespmem:s24], [sflag:$0x1] =	stream.indirect_vreg.gather [hbm4b:s7+s2], $0x80, v4, vm0, $0xb8;
	[tilespmem:$0x10100] =	vst v63  }
0x27: {  	_ = 	snop  }
0x28: {  	[tilespmem:s25], [sflag:$0x1] =	stream.indirect_vreg.gather [hbm4b:s4+s2], $0x80, v3, vm0, $0xb8;
	[tilespmem:$0x10100] =	vst v63  }
0x29: {  	_ = 	snop  }
0x2a: {  	[tilespmem:s28], [sflag:$0x1] =	stream.indirect_vreg.gather [hbm4b:s5+s2], $0x80, v3, vm0, $0xb8;
	[tilespmem:$0x10100] =	vst v63  }
0x2b: {  	_ = 	snop  }
0x2c: {  	[tilespmem:s29], [sflag:$0x1] =	stream.indirect_vreg.gather [hbm4b:s6+s2], $0x80, v3, vm0, $0xb8;
	[tilespmem:$0x10100] =	vst v63  }
0x2d: {  	_ = 	snop  }
0x2e: {  	[tilespmem:s30], [sflag:$0x1] =	stream.indirect_vreg.gather [hbm4b:s7+s2], $0x80, v3, vm0, $0xb8;
	[tilespmem:$0x10100] =	vst v63  }
0x2f: {  	v3 =	vld [tilespmem:$0x10];
	_ =	sdelay $0x4  }
0x30: {  	v49 =	vshll.u32 v3, $0x3  }
0x31: {  	v3 =	vand.u32 $0x7, v3;
	v4 =	vand.u32 $0xFFFFFFC0, v49  }
0x32: {  	v3 =	vor.u32 v3, v4  }
0x33: {  	v4 =	vperm.xlane v3, v0;
	_ =	sdelay $0x1  }
0x34: {  	v4 =	vadd.s32 v1, v4;
	_ =	sdelay $0x4  }
0x35: {  	[tilespmem:s31], [sflag:$0x1] =	stream.indirect_vreg.gather [hbm4b:s4+s2], $0x80, v4, vm0, $0xb8;
	[tilespmem:$0x10100] =	vst v63  }
0x36: {  	v3 =	vperm.xlane v3, v2  }
0x37: {  	[tilespmem:s17], [sflag:$0x1] =	stream.indirect_vreg.gather [hbm4b:s5+s2], $0x80, v4, vm0, $0xb8;
	[tilespmem:$0x10100] =	vst v63  }
0x38: {  	v3 =	vadd.s32 v1, v3  }
0x39: {  	[tilespmem:s16], [sflag:$0x1] =	stream.indirect_vreg.gather [hbm4b:s6+s2], $0x80, v4, vm0, $0xb8;
	[tilespmem:$0x10100] =	vst v63  }
0x3a: {  	s3 =	simm.s32 $0x5900  }
0x3b: {  	[tilespmem:s3], [sflag:$0x1] =	stream.indirect_vreg.gather [hbm4b:s7+s2], $0x80, v4, vm0, $0xb8;
	[tilespmem:$0x10100] =	vst v63  }
0x3c: {  	_ = 	snop  }
0x3d: {  	[tilespmem:s11], [sflag:$0x1] =	stream.indirect_vreg.gather [hbm4b:s4+s2], $0x80, v3, vm0, $0xb8;
	[tilespmem:$0x10100] =	vst v63  }
0x3e: {  	_ = 	snop  }
0x3f: {  	[tilespmem:s12], [sflag:$0x1] =	stream.indirect_vreg.gather [hbm4b:s5+s2], $0x80, v3, vm0, $0xb8;
	[tilespmem:$0x10100] =	vst v63  }
0x40: {  	_ = 	snop  }
0x41: {  	[tilespmem:s13], [sflag:$0x1] =	stream.indirect_vreg.gather [hbm4b:s6+s2], $0x80, v3, vm0, $0xb8;
	[tilespmem:$0x10100] =	vst v63  }
0x42: {  	_ = 	snop  }
0x43: {  	[tilespmem:s14], [sflag:$0x1] =	stream.indirect_vreg.gather [hbm4b:s7+s2], $0x80, v3, vm0, $0xb8;
	[tilespmem:$0x10100] =	vst v63  }
0x44: {  	v3 =	vld [tilespmem:$0x20];
	_ =	sdelay $0x4  }
0x45: {  	v50 =	vshll.u32 v3, $0x3  }
0x46: {  	v3 =	vand.u32 $0x7, v3;
	v4 =	vand.u32 $0xFFFFFFC0, v50  }
0x47: {  	v3 =	vor.u32 v3, v4  }
0x48: {  	v4 =	vperm.xlane v3, v0;
	_ =	sdelay $0x1  }
0x49: {  	v4 =	vadd.s32 v1, v4;
	_ =	sdelay $0x4  }
0x4a: {  	[tilespmem:s26], [sflag:$0x2] =	stream.indirect_vreg.gather [hbm4b:s4+s2], $0x80, v4, vm0, $0xb8;
	[tilespmem:$0x10100] =	vst v63  }
0x4b: {  	s15 =	simm.s32 $0x8900;
	v3 =	vperm.xlane v3, v2  }
0x4c: {  	[tilespmem:s15], [sflag:$0x2] =	stream.indirect_vreg.gather [hbm4b:s5+s2], $0x80, v4, vm0, $0xb8;
	[tilespmem:$0x10100] =	vst v63  }
0x4d: {  	s18 =	simm.s32 $0x9100;
	v3 =	vadd.s32 v1, v3  }
0x4e: {  	[tilespmem:s18], [sflag:$0x2] =	stream.indirect_vreg.gather [hbm4b:s6+s2], $0x80, v4, vm0, $0xb8;
	[tilespmem:$0x10100] =	vst v63  }
0x4f: {  	s21 =	simm.s32 $0x9900  }
0x50: {  	[tilespmem:s21], [sflag:$0x2] =	stream.indirect_vreg.gather [hbm4b:s7+s2], $0x80, v4, vm0, $0xb8;
	[tilespmem:$0x10100] =	vst v63  }
0x51: {  	s1 =	simm.s32 $0xA100  }
0x52: {  	[tilespmem:s1], [sflag:$0x2] =	stream.indirect_vreg.gather [hbm4b:s4+s2], $0x80, v3, vm0, $0xb8;
	[tilespmem:$0x10100] =	vst v63  }
0x53: {  	s18 =	simm.s32 $0xA900  }
0x54: {  	[tilespmem:s18], [sflag:$0x2] =	stream.indirect_vreg.gather [hbm4b:s5+s2], $0x80, v3, vm0, $0xb8;
	[tilespmem:$0x10100] =	vst v63  }
0x55: {  	s1 =	simm.s32 $0xB100  }
0x56: {  	[tilespmem:s1], [sflag:$0x2] =	stream.indirect_vreg.gather [hbm4b:s6+s2], $0x80, v3, vm0, $0xb8;
	[tilespmem:$0x10100] =	vst v63  }
0x57: {  	s15 =	simm.s32 $0xB900  }
0x58: {  	[tilespmem:s15], [sflag:$0x2] =	stream.indirect_vreg.gather [hbm4b:s7+s2], $0x80, v3, vm0, $0xb8;
	[tilespmem:$0x10100] =	vst v63  }
0x59: {  	v3 =	vld [tilespmem:$0x30];
	_ =	sdelay $0x4  }
0x5a: {  	v51 =	vshll.u32 v3, $0x3  }
0x5b: {  	v3 =	vand.u32 $0x7, v3;
	v4 =	vand.u32 $0xFFFFFFC0, v51  }
0x5c: {  	v3 =	vor.u32 v3, v4  }
0x5d: {  	v4 =	vperm.xlane v3, v0;
	_ =	sdelay $0x1  }
0x5e: {  	v4 =	vadd.s32 v1, v4;
	_ =	sdelay $0x3  }
0x5f: {  	s18 =	simm.s32 $0xC100  }
0x60: {  	[tilespmem:s18], [sflag:$0x2] =	stream.indirect_vreg.gather [hbm4b:s4+s2], $0x80, v4, vm0, $0xb8;
	[tilespmem:$0x10100] =	vst v63  }
0x61: {  	s1 =	simm.s32 $0xC900;
	v3 =	vperm.xlane v3, v2  }
0x62: {  	[tilespmem:s1], [sflag:$0x2] =	stream.indirect_vreg.gather [hbm4b:s5+s2], $0x80, v4, vm0, $0xb8;
	[tilespmem:$0x10100] =	vst v63  }
0x63: {  	v3 =	vadd.s32 v1, v3;
	s1 =	simm.s32 $0xD100  }
0x64: {  	[tilespmem:s1], [sflag:$0x2] =	stream.indirect_vreg.gather [hbm4b:s6+s2], $0x80, v4, vm0, $0xb8;
	[tilespmem:$0x10100] =	vst v63  }
0x65: {  	s1 =	simm.s32 $0xD900  }
0x66: {  	[tilespmem:s1], [sflag:$0x2] =	stream.indirect_vreg.gather [hbm4b:s7+s2], $0x80, v4, vm0, $0xb8;
	[tilespmem:$0x10100] =	vst v63  }
0x67: {  	s1 =	simm.s32 $0xE100  }
0x68: {  	[tilespmem:s1], [sflag:$0x2] =	stream.indirect_vreg.gather [hbm4b:s4+s2], $0x80, v3, vm0, $0xb8;
	[tilespmem:$0x10100] =	vst v63  }
0x69: {  	s1 =	simm.s32 $0xE900  }
0x6a: {  	[tilespmem:s1], [sflag:$0x2] =	stream.indirect_vreg.gather [hbm4b:s5+s2], $0x80, v3, vm0, $0xb8;
	[tilespmem:$0x10100] =	vst v63  }
0x6b: {  	s1 =	simm.s32 $0xF100  }
0x6c: {  	[tilespmem:s1], [sflag:$0x2] =	stream.indirect_vreg.gather [hbm4b:s6+s2], $0x80, v3, vm0, $0xb8;
	[tilespmem:$0x10100] =	vst v63  }
0x6d: {  	s1 =	simm.s32 $0xF900  }
0x6e: {  	[tilespmem:s1], [sflag:$0x2] =	stream.indirect_vreg.gather [hbm4b:s7+s2], $0x80, v3, vm0, $0xb8;
	[tilespmem:$0x10100] =	vst v63  }
0x6f: {  	_ =	swait.ge [sflag:s19], $0x8000  }
0x70: {  	[sflag:s19] =	ssyncset.done $0x0  }
0x71: {  	s1 =	rddreg [dreg:$0xb];
	[sflag:s19] =	ssyncadd.s32 $0xFFFF8000  }
0x72: {  	[hbm4b:s1+s2] =	stream.linear.scatter [tilespmem:s10], [sflag:$0x3], $0x8000, $0x38;
	[tilespmem:$0x10100] =	vst v63  }
0x73: {  	_ =	swait.ge [sflag:s9], $0x8000  }
0x74: {  	[sflag:s9] =	ssyncset.done $0x0  }
0x75: {  	[sflag:s9] =	ssyncadd.s32 $0xFFFF8000  }
0x76: {  	v3 =	vld [tilespmem:$0x40];
	_ =	sdelay $0x4  }
0x77: {  	v52 =	vshll.u32 v3, $0x3  }
0x78: {  	v3 =	vand.u32 $0x7, v3;
	v4 =	vand.u32 $0xFFFFFFC0, v52  }
0x79: {  	v3 =	vor.u32 v3, v4  }
0x7a: {  	v4 =	vperm.xlane v3, v0;
	_ =	sdelay $0x1  }
0x7b: {  	v4 =	vadd.s32 v1, v4;
	_ =	sdelay $0x4  }
0x7c: {  	[tilespmem:s10], [sflag:$0x1] =	stream.indirect_vreg.gather [hbm4b:s4+s2], $0x80, v4, vm0, $0xb8;
	[tilespmem:$0x10100] =	vst v63  }
0x7d: {  	v3 =	vperm.xlane v3, v2  }
0x7e: {  	[tilespmem:s22], [sflag:$0x1] =	stream.indirect_vreg.gather [hbm4b:s5+s2], $0x80, v4, vm0, $0xb8;
	[tilespmem:$0x10100] =	vst v63  }
0x7f: {  	v3 =	vadd.s32 v1, v3  }
0x80: {  	[tilespmem:s23], [sflag:$0x1] =	stream.indirect_vreg.gather [hbm4b:s6+s2], $0x80, v4, vm0, $0xb8;
	[tilespmem:$0x10100] =	vst v63  }
0x81: {  	_ = 	snop  }
0x82: {  	[tilespmem:s24], [sflag:$0x1] =	stream.indirect_vreg.gather [hbm4b:s7+s2], $0x80, v4, vm0, $0xb8;
	[tilespmem:$0x10100] =	vst v63  }
0x83: {  	_ = 	snop  }
0x84: {  	[tilespmem:s25], [sflag:$0x1] =	stream.indirect_vreg.gather [hbm4b:s4+s2], $0x80, v3, vm0, $0xb8;
	[tilespmem:$0x10100] =	vst v63  }
0x85: {  	_ = 	snop  }
0x86: {  	[tilespmem:s28], [sflag:$0x1] =	stream.indirect_vreg.gather [hbm4b:s5+s2], $0x80, v3, vm0, $0xb8;
	[tilespmem:$0x10100] =	vst v63  }
0x87: {  	_ = 	snop  }
0x88: {  	[tilespmem:s29], [sflag:$0x1] =	stream.indirect_vreg.gather [hbm4b:s6+s2], $0x80, v3, vm0, $0xb8;
	[tilespmem:$0x10100] =	vst v63  }
0x89: {  	_ = 	snop  }
0x8a: {  	[tilespmem:s30], [sflag:$0x1] =	stream.indirect_vreg.gather [hbm4b:s7+s2], $0x80, v3, vm0, $0xb8;
	[tilespmem:$0x10100] =	vst v63  }
0x8b: {  	v3 =	vld [tilespmem:$0x50];
	_ =	sdelay $0x4  }
0x8c: {  	v53 =	vshll.u32 v3, $0x3  }
0x8d: {  	v3 =	vand.u32 $0x7, v3;
	v4 =	vand.u32 $0xFFFFFFC0, v53  }
0x8e: {  	v3 =	vor.u32 v3, v4  }
0x8f: {  	v4 =	vperm.xlane v3, v0;
	_ =	sdelay $0x1  }
0x90: {  	v4 =	vadd.s32 v1, v4;
	_ =	sdelay $0x4  }
0x91: {  	[tilespmem:s31], [sflag:$0x1] =	stream.indirect_vreg.gather [hbm4b:s4+s2], $0x80, v4, vm0, $0xb8;
	[tilespmem:$0x10100] =	vst v63  }
0x92: {  	v3 =	vperm.xlane v3, v2  }
0x93: {  	[tilespmem:s17], [sflag:$0x1] =	stream.indirect_vreg.gather [hbm4b:s5+s2], $0x80, v4, vm0, $0xb8;
	[tilespmem:$0x10100] =	vst v63  }
0x94: {  	v3 =	vadd.s32 v1, v3  }
0x95: {  	[tilespmem:s16], [sflag:$0x1] =	stream.indirect_vreg.gather [hbm4b:s6+s2], $0x80, v4, vm0, $0xb8;
	[tilespmem:$0x10100] =	vst v63  }
0x96: {  	_ = 	snop  }
0x97: {  	[tilespmem:s3], [sflag:$0x1] =	stream.indirect_vreg.gather [hbm4b:s7+s2], $0x80, v4, vm0, $0xb8;
	[tilespmem:$0x10100] =	vst v63  }
0x98: {  	_ = 	snop  }
0x99: {  	[tilespmem:s11], [sflag:$0x1] =	stream.indirect_vreg.gather [hbm4b:s4+s2], $0x80, v3, vm0, $0xb8;
	[tilespmem:$0x10100] =	vst v63  }
0x9a: {  	_ = 	snop  }
0x9b: {  	[tilespmem:s12], [sflag:$0x1] =	stream.indirect_vreg.gather [hbm4b:s5+s2], $0x80, v3, vm0, $0xb8;
	[tilespmem:$0x10100] =	vst v63  }
0x9c: {  	_ = 	snop  }
0x9d: {  	[tilespmem:s13], [sflag:$0x1] =	stream.indirect_vreg.gather [hbm4b:s6+s2], $0x80, v3, vm0, $0xb8;
	[tilespmem:$0x10100] =	vst v63  }
0x9e: {  	_ = 	snop  }
0x9f: {  	[tilespmem:s14], [sflag:$0x1] =	stream.indirect_vreg.gather [hbm4b:s7+s2], $0x80, v3, vm0, $0xb8;
	[tilespmem:$0x10100] =	vst v63  }
0xa0: {  	_ =	swait.ge [sflag:s20], $0x8000  }
0xa1: {  	[sflag:s20] =	ssyncset.done $0x0  }
0xa2: {  	s1 =	rddreg [dreg:$0x4];
	[sflag:s20] =	ssyncadd.s32 $0xFFFF8000  }
0xa3: {  	[hbm4b:s1+s2] =	stream.linear.scatter [tilespmem:s26], [sflag:$0x3], $0x8000, $0x38;
	[tilespmem:$0x10100] =	vst v63  }
0xa4: {  	_ =	swait.ge [sflag:s9], $0x8000  }
0xa5: {  	[sflag:s9] =	ssyncset.done $0x0  }
0xa6: {  	[sflag:s9] =	ssyncadd.s32 $0xFFFF8000  }
0xa7: {  	v3 =	vld [tilespmem:$0x60];
	_ =	sdelay $0x4  }
0xa8: {  	v54 =	vshll.u32 v3, $0x3  }
0xa9: {  	v3 =	vand.u32 $0x7, v3;
	v4 =	vand.u32 $0xFFFFFFC0, v54  }
0xaa: {  	v3 =	vor.u32 v3, v4  }
0xab: {  	v4 =	vperm.xlane v3, v0;
	_ =	sdelay $0x1  }
0xac: {  	v4 =	vadd.s32 v1, v4;
	_ =	sdelay $0x4  }
0xad: {  	[tilespmem:s26], [sflag:$0x2] =	stream.indirect_vreg.gather [hbm4b:s4+s2], $0x80, v4, vm0, $0xb8;
	[tilespmem:$0x10100] =	vst v63  }
0xae: {  	s0 =	simm.s32 $0x8900;
	v3 =	vperm.xlane v3, v2  }
0xaf: {  	[tilespmem:s0], [sflag:$0x2] =	stream.indirect_vreg.gather [hbm4b:s5+s2], $0x80, v4, vm0, $0xb8;
	[tilespmem:$0x10100] =	vst v63  }
0xb0: {  	v3 =	vadd.s32 v1, v3;
	s0 =	simm.s32 $0x9100  }
0xb1: {  	[tilespmem:s0], [sflag:$0x2] =	stream.indirect_vreg.gather [hbm4b:s6+s2], $0x80, v4, vm0, $0xb8;
	[tilespmem:$0x10100] =	vst v63  }
0xb2: {  	s1 =	simm.s32 $0x9900  }
0xb3: {  	[tilespmem:s1], [sflag:$0x2] =	stream.indirect_vreg.gather [hbm4b:s7+s2], $0x80, v4, vm0, $0xb8;
	[tilespmem:$0x10100] =	vst v63  }
0xb4: {  	s21 =	simm.s32 $0xA100  }
0xb5: {  	[tilespmem:s21], [sflag:$0x2] =	stream.indirect_vreg.gather [hbm4b:s4+s2], $0x80, v3, vm0, $0xb8;
	[tilespmem:$0x10100] =	vst v63  }
0xb6: {  	s21 =	simm.s32 $0xA900  }
0xb7: {  	[tilespmem:s21], [sflag:$0x2] =	stream.indirect_vreg.gather [hbm4b:s5+s2], $0x80, v3, vm0, $0xb8;
	[tilespmem:$0x10100] =	vst v63  }
0xb8: {  	s21 =	simm.s32 $0xB100  }
0xb9: {  	[tilespmem:s21], [sflag:$0x2] =	stream.indirect_vreg.gather [hbm4b:s6+s2], $0x80, v3, vm0, $0xb8;
	[tilespmem:$0x10100] =	vst v63  }
0xba: {  	s15 =	simm.s32 $0xB900  }
0xbb: {  	[tilespmem:s15], [sflag:$0x2] =	stream.indirect_vreg.gather [hbm4b:s7+s2], $0x80, v3, vm0, $0xb8;
	[tilespmem:$0x10100] =	vst v63  }
0xbc: {  	v3 =	vld [tilespmem:$0x70];
	_ =	sdelay $0x4  }
0xbd: {  	v55 =	vshll.u32 v3, $0x3  }
0xbe: {  	v3 =	vand.u32 $0x7, v3;
	v4 =	vand.u32 $0xFFFFFFC0, v55  }
0xbf: {  	v3 =	vor.u32 v3, v4  }
0xc0: {  	v4 =	vperm.xlane v3, v0;
	_ =	sdelay $0x1  }
0xc1: {  	v4 =	vadd.s32 v1, v4;
	_ =	sdelay $0x3  }
0xc2: {  	s18 =	simm.s32 $0xC100  }
0xc3: {  	[tilespmem:s18], [sflag:$0x2] =	stream.indirect_vreg.gather [hbm4b:s4+s2], $0x80, v4, vm0, $0xb8;
	[tilespmem:$0x10100] =	vst v63  }
0xc4: {  	s21 =	simm.s32 $0xC900;
	v3 =	vperm.xlane v3, v2  }
0xc5: {  	[tilespmem:s21], [sflag:$0x2] =	stream.indirect_vreg.gather [hbm4b:s5+s2], $0x80, v4, vm0, $0xb8;
	[tilespmem:$0x10100] =	vst v63  }
0xc6: {  	v3 =	vadd.s32 v1, v3;
	s18 =	simm.s32 $0xD100  }
0xc7: {  	[tilespmem:s18], [sflag:$0x2] =	stream.indirect_vreg.gather [hbm4b:s6+s2], $0x80, v4, vm0, $0xb8;
	[tilespmem:$0x10100] =	vst v63  }
0xc8: {  	s21 =	simm.s32 $0xD900  }
0xc9: {  	[tilespmem:s21], [sflag:$0x2] =	stream.indirect_vreg.gather [hbm4b:s7+s2], $0x80, v4, vm0, $0xb8;
	[tilespmem:$0x10100] =	vst v63  }
0xca: {  	s18 =	simm.s32 $0xE100  }
0xcb: {  	[tilespmem:s18], [sflag:$0x2] =	stream.indirect_vreg.gather [hbm4b:s4+s2], $0x80, v3, vm0, $0xb8;
	[tilespmem:$0x10100] =	vst v63  }
0xcc: {  	s21 =	simm.s32 $0xE900  }
0xcd: {  	[tilespmem:s21], [sflag:$0x2] =	stream.indirect_vreg.gather [hbm4b:s5+s2], $0x80, v3, vm0, $0xb8;
	[tilespmem:$0x10100] =	vst v63  }
0xce: {  	s18 =	simm.s32 $0xF100  }
0xcf: {  	[tilespmem:s18], [sflag:$0x2] =	stream.indirect_vreg.gather [hbm4b:s6+s2], $0x80, v3, vm0, $0xb8;
	[tilespmem:$0x10100] =	vst v63  }
0xd0: {  	s21 =	simm.s32 $0xF900  }
0xd1: {  	[tilespmem:s21], [sflag:$0x2] =	stream.indirect_vreg.gather [hbm4b:s7+s2], $0x80, v3, vm0, $0xb8;
	[tilespmem:$0x10100] =	vst v63  }
0xd2: {  	_ =	swait.ge [sflag:s19], $0x8000  }
0xd3: {  	[sflag:s19] =	ssyncset.done $0x0  }
0xd4: {  	s18 =	rddreg [dreg:$0x5];
	[sflag:s19] =	ssyncadd.s32 $0xFFFF8000  }
0xd5: {  	[hbm4b:s18+s2] =	stream.linear.scatter [tilespmem:s10], [sflag:$0x3], $0x8000, $0x38;
	[tilespmem:$0x10100] =	vst v63  }
0xd6: {  	_ =	swait.ge [sflag:s9], $0x8000  }
0xd7: {  	[sflag:s9] =	ssyncset.done $0x0  }
0xd8: {  	[sflag:s9] =	ssyncadd.s32 $0xFFFF8000  }
0xd9: {  	v3 =	vld [tilespmem:$0x80];
	_ =	sdelay $0x4  }
0xda: {  	v56 =	vshll.u32 v3, $0x3  }
0xdb: {  	v3 =	vand.u32 $0x7, v3;
	v4 =	vand.u32 $0xFFFFFFC0, v56  }
0xdc: {  	v3 =	vor.u32 v3, v4  }
0xdd: {  	v4 =	vperm.xlane v3, v0;
	_ =	sdelay $0x1  }
0xde: {  	v4 =	vadd.s32 v1, v4;
	_ =	sdelay $0x4  }
0xdf: {  	[tilespmem:s10], [sflag:$0x1] =	stream.indirect_vreg.gather [hbm4b:s4+s2], $0x80, v4, vm0, $0xb8;
	[tilespmem:$0x10100] =	vst v63  }
0xe0: {  	v3 =	vperm.xlane v3, v2  }
0xe1: {  	[tilespmem:s22], [sflag:$0x1] =	stream.indirect_vreg.gather [hbm4b:s5+s2], $0x80, v4, vm0, $0xb8;
	[tilespmem:$0x10100] =	vst v63  }
0xe2: {  	v3 =	vadd.s32 v1, v3  }
0xe3: {  	[tilespmem:s23], [sflag:$0x1] =	stream.indirect_vreg.gather [hbm4b:s6+s2], $0x80, v4, vm0, $0xb8;
	[tilespmem:$0x10100] =	vst v63  }
0xe4: {  	_ = 	snop  }
0xe5: {  	[tilespmem:s24], [sflag:$0x1] =	stream.indirect_vreg.gather [hbm4b:s7+s2], $0x80, v4, vm0, $0xb8;
	[tilespmem:$0x10100] =	vst v63  }
0xe6: {  	_ = 	snop  }
0xe7: {  	[tilespmem:s25], [sflag:$0x1] =	stream.indirect_vreg.gather [hbm4b:s4+s2], $0x80, v3, vm0, $0xb8;
	[tilespmem:$0x10100] =	vst v63  }
0xe8: {  	_ = 	snop  }
0xe9: {  	[tilespmem:s28], [sflag:$0x1] =	stream.indirect_vreg.gather [hbm4b:s5+s2], $0x80, v3, vm0, $0xb8;
	[tilespmem:$0x10100] =	vst v63  }
0xea: {  	_ = 	snop  }
0xeb: {  	[tilespmem:s29], [sflag:$0x1] =	stream.indirect_vreg.gather [hbm4b:s6+s2], $0x80, v3, vm0, $0xb8;
	[tilespmem:$0x10100] =	vst v63  }
0xec: {  	_ = 	snop  }
0xed: {  	[tilespmem:s30], [sflag:$0x1] =	stream.indirect_vreg.gather [hbm4b:s7+s2], $0x80, v3, vm0, $0xb8;
	[tilespmem:$0x10100] =	vst v63  }
0xee: {  	v3 =	vld [tilespmem:$0x90];
	_ =	sdelay $0x4  }
0xef: {  	v57 =	vshll.u32 v3, $0x3  }
0xf0: {  	v3 =	vand.u32 $0x7, v3;
	v4 =	vand.u32 $0xFFFFFFC0, v57  }
0xf1: {  	v3 =	vor.u32 v3, v4  }
0xf2: {  	v4 =	vperm.xlane v3, v0;
	_ =	sdelay $0x1  }
0xf3: {  	v4 =	vadd.s32 v1, v4;
	_ =	sdelay $0x4  }
0xf4: {  	[tilespmem:s31], [sflag:$0x1] =	stream.indirect_vreg.gather [hbm4b:s4+s2], $0x80, v4, vm0, $0xb8;
	[tilespmem:$0x10100] =	vst v63  }
0xf5: {  	v3 =	vperm.xlane v3, v2  }
0xf6: {  	[tilespmem:s17], [sflag:$0x1] =	stream.indirect_vreg.gather [hbm4b:s5+s2], $0x80, v4, vm0, $0xb8;
	[tilespmem:$0x10100] =	vst v63  }
0xf7: {  	v3 =	vadd.s32 v1, v3  }
0xf8: {  	[tilespmem:s16], [sflag:$0x1] =	stream.indirect_vreg.gather [hbm4b:s6+s2], $0x80, v4, vm0, $0xb8;
	[tilespmem:$0x10100] =	vst v63  }
0xf9: {  	_ = 	snop  }
0xfa: {  	[tilespmem:s3], [sflag:$0x1] =	stream.indirect_vreg.gather [hbm4b:s7+s2], $0x80, v4, vm0, $0xb8;
	[tilespmem:$0x10100] =	vst v63  }
0xfb: {  	_ = 	snop  }
0xfc: {  	[tilespmem:s11], [sflag:$0x1] =	stream.indirect_vreg.gather [hbm4b:s4+s2], $0x80, v3, vm0, $0xb8;
	[tilespmem:$0x10100] =	vst v63  }
0xfd: {  	_ = 	snop  }
0xfe: {  	[tilespmem:s12], [sflag:$0x1] =	stream.indirect_vreg.gather [hbm4b:s5+s2], $0x80, v3, vm0, $0xb8;
	[tilespmem:$0x10100] =	vst v63  }
0xff: {  	_ = 	snop  }
0x100: {  	[tilespmem:s13], [sflag:$0x1] =	stream.indirect_vreg.gather [hbm4b:s6+s2], $0x80, v3, vm0, $0xb8;
	[tilespmem:$0x10100] =	vst v63  }
0x101: {  	_ = 	snop  }
0x102: {  	[tilespmem:s14], [sflag:$0x1] =	stream.indirect_vreg.gather [hbm4b:s7+s2], $0x80, v3, vm0, $0xb8;
	[tilespmem:$0x10100] =	vst v63  }
0x103: {  	_ =	swait.ge [sflag:s20], $0x8000  }
0x104: {  	[sflag:s20] =	ssyncset.done $0x0  }
0x105: {  	s15 =	rddreg [dreg:$0x6];
	[sflag:s20] =	ssyncadd.s32 $0xFFFF8000  }
0x106: {  	[hbm4b:s15+s2] =	stream.linear.scatter [tilespmem:s26], [sflag:$0x3], $0x8000, $0x38;
	[tilespmem:$0x10100] =	vst v63  }
0x107: {  	_ =	swait.ge [sflag:s9], $0x8000  }
0x108: {  	[sflag:s9] =	ssyncset.done $0x0  }
0x109: {  	[sflag:s9] =	ssyncadd.s32 $0xFFFF8000  }
0x10a: {  	v3 =	vld [tilespmem:$0xA0];
	_ =	sdelay $0x4  }
0x10b: {  	v58 =	vshll.u32 v3, $0x3  }
0x10c: {  	v3 =	vand.u32 $0x7, v3;
	v4 =	vand.u32 $0xFFFFFFC0, v58  }
0x10d: {  	v3 =	vor.u32 v3, v4  }
0x10e: {  	v4 =	vperm.xlane v3, v0;
	_ =	sdelay $0x1  }
0x10f: {  	v4 =	vadd.s32 v1, v4;
	_ =	sdelay $0x4  }
0x110: {  	[tilespmem:s26], [sflag:$0x2] =	stream.indirect_vreg.gather [hbm4b:s4+s2], $0x80, v4, vm0, $0xb8;
	[tilespmem:$0x10100] =	vst v63  }
0x111: {  	s18 =	simm.s32 $0x8900;
	v3 =	vperm.xlane v3, v2  }
0x112: {  	[tilespmem:s18], [sflag:$0x2] =	stream.indirect_vreg.gather [hbm4b:s5+s2], $0x80, v4, vm0, $0xb8;
	[tilespmem:$0x10100] =	vst v63  }
0x113: {  	v3 =	vadd.s32 v1, v3  }
0x114: {  	[tilespmem:s0], [sflag:$0x2] =	stream.indirect_vreg.gather [hbm4b:s6+s2], $0x80, v4, vm0, $0xb8;
	[tilespmem:$0x10100] =	vst v63  }
0x115: {  	_ = 	snop  }
0x116: {  	[tilespmem:s1], [sflag:$0x2] =	stream.indirect_vreg.gather [hbm4b:s7+s2], $0x80, v4, vm0, $0xb8;
	[tilespmem:$0x10100] =	vst v63  }
0x117: {  	s21 =	simm.s32 $0xA100  }
0x118: {  	[tilespmem:s21], [sflag:$0x2] =	stream.indirect_vreg.gather [hbm4b:s4+s2], $0x80, v3, vm0, $0xb8;
	[tilespmem:$0x10100] =	vst v63  }
0x119: {  	s18 =	simm.s32 $0xA900  }
0x11a: {  	[tilespmem:s18], [sflag:$0x2] =	stream.indirect_vreg.gather [hbm4b:s5+s2], $0x80, v3, vm0, $0xb8;
	[tilespmem:$0x10100] =	vst v63  }
0x11b: {  	s21 =	simm.s32 $0xB100  }
0x11c: {  	[tilespmem:s21], [sflag:$0x2] =	stream.indirect_vreg.gather [hbm4b:s6+s2], $0x80, v3, vm0, $0xb8;
	[tilespmem:$0x10100] =	vst v63  }
0x11d: {  	s21 =	simm.s32 $0xB900  }
0x11e: {  	[tilespmem:s21], [sflag:$0x2] =	stream.indirect_vreg.gather [hbm4b:s7+s2], $0x80, v3, vm0, $0xb8;
	[tilespmem:$0x10100] =	vst v63  }
0x11f: {  	v3 =	vld [tilespmem:$0xB0];
	_ =	sdelay $0x4  }
0x120: {  	v59 =	vshll.u32 v3, $0x3  }
0x121: {  	v3 =	vand.u32 $0x7, v3;
	v4 =	vand.u32 $0xFFFFFFC0, v59  }
0x122: {  	v3 =	vor.u32 v3, v4  }
0x123: {  	v4 =	vperm.xlane v3, v0;
	_ =	sdelay $0x1  }
0x124: {  	v4 =	vadd.s32 v1, v4;
	_ =	sdelay $0x3  }
0x125: {  	s21 =	simm.s32 $0xC100  }
0x126: {  	[tilespmem:s21], [sflag:$0x2] =	stream.indirect_vreg.gather [hbm4b:s4+s2], $0x80, v4, vm0, $0xb8;
	[tilespmem:$0x10100] =	vst v63  }
0x127: {  	v3 =	vperm.xlane v3, v2;
	s21 =	simm.s32 $0xC900  }
0x128: {  	[tilespmem:s21], [sflag:$0x2] =	stream.indirect_vreg.gather [hbm4b:s5+s2], $0x80, v4, vm0, $0xb8;
	[tilespmem:$0x10100] =	vst v63  }
0x129: {  	v3 =	vadd.s32 v1, v3;
	s21 =	simm.s32 $0xD100  }
0x12a: {  	[tilespmem:s21], [sflag:$0x2] =	stream.indirect_vreg.gather [hbm4b:s6+s2], $0x80, v4, vm0, $0xb8;
	[tilespmem:$0x10100] =	vst v63  }
0x12b: {  	s21 =	simm.s32 $0xD900  }
0x12c: {  	[tilespmem:s21], [sflag:$0x2] =	stream.indirect_vreg.gather [hbm4b:s7+s2], $0x80, v4, vm0, $0xb8;
	[tilespmem:$0x10100] =	vst v63  }
0x12d: {  	s21 =	simm.s32 $0xE100  }
0x12e: {  	[tilespmem:s21], [sflag:$0x2] =	stream.indirect_vreg.gather [hbm4b:s4+s2], $0x80, v3, vm0, $0xb8;
	[tilespmem:$0x10100] =	vst v63  }
0x12f: {  	s21 =	simm.s32 $0xE900  }
0x130: {  	[tilespmem:s21], [sflag:$0x2] =	stream.indirect_vreg.gather [hbm4b:s5+s2], $0x80, v3, vm0, $0xb8;
	[tilespmem:$0x10100] =	vst v63  }
0x131: {  	s21 =	simm.s32 $0xF100  }
0x132: {  	[tilespmem:s21], [sflag:$0x2] =	stream.indirect_vreg.gather [hbm4b:s6+s2], $0x80, v3, vm0, $0xb8;
	[tilespmem:$0x10100] =	vst v63  }
0x133: {  	s21 =	simm.s32 $0xF900  }
0x134: {  	[tilespmem:s21], [sflag:$0x2] =	stream.indirect_vreg.gather [hbm4b:s7+s2], $0x80, v3, vm0, $0xb8;
	[tilespmem:$0x10100] =	vst v63  }
0x135: {  	_ =	swait.ge [sflag:s19], $0x8000  }
0x136: {  	[sflag:s19] =	ssyncset.done $0x0  }
0x137: {  	s21 =	rddreg [dreg:$0x7];
	[sflag:s19] =	ssyncadd.s32 $0xFFFF8000  }
0x138: {  	[hbm4b:s21+s2] =	stream.linear.scatter [tilespmem:s10], [sflag:$0x3], $0x8000, $0x38;
	[tilespmem:$0x10100] =	vst v63  }
0x139: {  	_ =	swait.ge [sflag:s9], $0x8000  }
0x13a: {  	[sflag:s9] =	ssyncset.done $0x0  }
0x13b: {  	[sflag:s9] =	ssyncadd.s32 $0xFFFF8000  }
0x13c: {  	v3 =	vld [tilespmem:$0xC0];
	_ =	sdelay $0x4  }
0x13d: {  	v60 =	vshll.u32 v3, $0x3  }
0x13e: {  	v3 =	vand.u32 $0x7, v3;
	v4 =	vand.u32 $0xFFFFFFC0, v60  }
0x13f: {  	v3 =	vor.u32 v3, v4  }
0x140: {  	v4 =	vperm.xlane v3, v0;
	_ =	sdelay $0x1  }
0x141: {  	v4 =	vadd.s32 v1, v4;
	_ =	sdelay $0x4  }
0x142: {  	[tilespmem:s10], [sflag:$0x1] =	stream.indirect_vreg.gather [hbm4b:s4+s2], $0x80, v4, vm0, $0xb8;
	[tilespmem:$0x10100] =	vst v63  }
0x143: {  	v3 =	vperm.xlane v3, v2  }
0x144: {  	[tilespmem:s22], [sflag:$0x1] =	stream.indirect_vreg.gather [hbm4b:s5+s2], $0x80, v4, vm0, $0xb8;
	[tilespmem:$0x10100] =	vst v63  }
0x145: {  	v3 =	vadd.s32 v1, v3  }
0x146: {  	[tilespmem:s23], [sflag:$0x1] =	stream.indirect_vreg.gather [hbm4b:s6+s2], $0x80, v4, vm0, $0xb8;
	[tilespmem:$0x10100] =	vst v63  }
0x147: {  	_ = 	snop  }
0x148: {  	[tilespmem:s24], [sflag:$0x1] =	stream.indirect_vreg.gather [hbm4b:s7+s2], $0x80, v4, vm0, $0xb8;
	[tilespmem:$0x10100] =	vst v63  }
0x149: {  	_ = 	snop  }
0x14a: {  	[tilespmem:s25], [sflag:$0x1] =	stream.indirect_vreg.gather [hbm4b:s4+s2], $0x80, v3, vm0, $0xb8;
	[tilespmem:$0x10100] =	vst v63  }
0x14b: {  	_ = 	snop  }
0x14c: {  	[tilespmem:s28], [sflag:$0x1] =	stream.indirect_vreg.gather [hbm4b:s5+s2], $0x80, v3, vm0, $0xb8;
	[tilespmem:$0x10100] =	vst v63  }
0x14d: {  	_ = 	snop  }
0x14e: {  	[tilespmem:s29], [sflag:$0x1] =	stream.indirect_vreg.gather [hbm4b:s6+s2], $0x80, v3, vm0, $0xb8;
	[tilespmem:$0x10100] =	vst v63  }
0x14f: {  	_ = 	snop  }
0x150: {  	[tilespmem:s30], [sflag:$0x1] =	stream.indirect_vreg.gather [hbm4b:s7+s2], $0x80, v3, vm0, $0xb8;
	[tilespmem:$0x10100] =	vst v63  }
0x151: {  	v3 =	vld [tilespmem:$0xD0];
	_ =	sdelay $0x4  }
0x152: {  	v61 =	vshll.u32 v3, $0x3  }
0x153: {  	v3 =	vand.u32 $0x7, v3;
	v4 =	vand.u32 $0xFFFFFFC0, v61  }
0x154: {  	v3 =	vor.u32 v3, v4  }
0x155: {  	v4 =	vperm.xlane v3, v0;
	_ =	sdelay $0x1  }
0x156: {  	v4 =	vadd.s32 v1, v4;
	_ =	sdelay $0x4  }
0x157: {  	[tilespmem:s31], [sflag:$0x1] =	stream.indirect_vreg.gather [hbm4b:s4+s2], $0x80, v4, vm0, $0xb8;
	[tilespmem:$0x10100] =	vst v63  }
0x158: {  	v3 =	vperm.xlane v3, v2  }
0x159: {  	[tilespmem:s17], [sflag:$0x1] =	stream.indirect_vreg.gather [hbm4b:s5+s2], $0x80, v4, vm0, $0xb8;
	[tilespmem:$0x10100] =	vst v63  }
0x15a: {  	v3 =	vadd.s32 v1, v3  }
0x15b: {  	[tilespmem:s16], [sflag:$0x1] =	stream.indirect_vreg.gather [hbm4b:s6+s2], $0x80, v4, vm0, $0xb8;
	[tilespmem:$0x10100] =	vst v63  }
0x15c: {  	_ = 	snop  }
0x15d: {  	[tilespmem:s3], [sflag:$0x1] =	stream.indirect_vreg.gather [hbm4b:s7+s2], $0x80, v4, vm0, $0xb8;
	[tilespmem:$0x10100] =	vst v63  }
0x15e: {  	_ = 	snop  }
0x15f: {  	[tilespmem:s11], [sflag:$0x1] =	stream.indirect_vreg.gather [hbm4b:s4+s2], $0x80, v3, vm0, $0xb8;
	[tilespmem:$0x10100] =	vst v63  }
0x160: {  	_ = 	snop  }
0x161: {  	[tilespmem:s12], [sflag:$0x1] =	stream.indirect_vreg.gather [hbm4b:s5+s2], $0x80, v3, vm0, $0xb8;
	[tilespmem:$0x10100] =	vst v63  }
0x162: {  	_ = 	snop  }
0x163: {  	[tilespmem:s13], [sflag:$0x1] =	stream.indirect_vreg.gather [hbm4b:s6+s2], $0x80, v3, vm0, $0xb8;
	[tilespmem:$0x10100] =	vst v63  }
0x164: {  	_ = 	snop  }
0x165: {  	[tilespmem:s14], [sflag:$0x1] =	stream.indirect_vreg.gather [hbm4b:s7+s2], $0x80, v3, vm0, $0xb8;
	[tilespmem:$0x10100] =	vst v63  }
0x166: {  	_ =	swait.ge [sflag:s20], $0x8000  }
0x167: {  	[sflag:s20] =	ssyncset.done $0x0  }
0x168: {  	s3 =	rddreg [dreg:$0x8];
	[sflag:s20] =	ssyncadd.s32 $0xFFFF8000  }
0x169: {  	[hbm4b:s3+s2] =	stream.linear.scatter [tilespmem:s26], [sflag:$0x3], $0x8000, $0x38;
	[tilespmem:$0x10100] =	vst v63  }
0x16a: {  	_ =	swait.ge [sflag:s9], $0x8000  }
0x16b: {  	[sflag:s9] =	ssyncset.done $0x0  }
0x16c: {  	[sflag:s9] =	ssyncadd.s32 $0xFFFF8000  }
0x16d: {  	v3 =	vld [tilespmem:$0xE0];
	_ =	sdelay $0x4  }
0x16e: {  	v62 =	vshll.u32 v3, $0x3  }
0x16f: {  	v3 =	vand.u32 $0x7, v3;
	v4 =	vand.u32 $0xFFFFFFC0, v62  }
0x170: {  	v3 =	vor.u32 v3, v4  }
0x171: {  	v4 =	vperm.xlane v3, v0;
	_ =	sdelay $0x1  }
0x172: {  	v4 =	vadd.s32 v1, v4;
	_ =	sdelay $0x4  }
0x173: {  	[tilespmem:s26], [sflag:$0x2] =	stream.indirect_vreg.gather [hbm4b:s4+s2], $0x80, v4, vm0, $0xb8;
	[tilespmem:$0x10100] =	vst v63  }
0x174: {  	s21 =	simm.s32 $0x8900;
	v3 =	vperm.xlane v3, v2  }
0x175: {  	[tilespmem:s21], [sflag:$0x2] =	stream.indirect_vreg.gather [hbm4b:s5+s2], $0x80, v4, vm0, $0xb8;
	[tilespmem:$0x10100] =	vst v63  }
0x176: {  	s0 =	simm.s32 $0x9100;
	v3 =	vadd.s32 v1, v3  }
0x177: {  	[tilespmem:s0], [sflag:$0x2] =	stream.indirect_vreg.gather [hbm4b:s6+s2], $0x80, v4, vm0, $0xb8;
	[tilespmem:$0x10100] =	vst v63  }
0x178: {  	s1 =	simm.s32 $0x9900  }
0x179: {  	[tilespmem:s1], [sflag:$0x2] =	stream.indirect_vreg.gather [hbm4b:s7+s2], $0x80, v4, vm0, $0xb8;
	[tilespmem:$0x10100] =	vst v63  }
0x17a: {  	s3 =	simm.s32 $0xA100  }
0x17b: {  	[tilespmem:s3], [sflag:$0x2] =	stream.indirect_vreg.gather [hbm4b:s4+s2], $0x80, v3, vm0, $0xb8;
	[tilespmem:$0x10100] =	vst v63  }
0x17c: {  	s15 =	simm.s32 $0xA900  }
0x17d: {  	[tilespmem:s15], [sflag:$0x2] =	stream.indirect_vreg.gather [hbm4b:s5+s2], $0x80, v3, vm0, $0xb8;
	[tilespmem:$0x10100] =	vst v63  }
0x17e: {  	s18 =	simm.s32 $0xB100  }
0x17f: {  	[tilespmem:s18], [sflag:$0x2] =	stream.indirect_vreg.gather [hbm4b:s6+s2], $0x80, v3, vm0, $0xb8;
	[tilespmem:$0x10100] =	vst v63  }
0x180: {  	s18 =	simm.s32 $0xB900  }
0x181: {  	[tilespmem:s18], [sflag:$0x2] =	stream.indirect_vreg.gather [hbm4b:s7+s2], $0x80, v3, vm0, $0xb8;
	[tilespmem:$0x10100] =	vst v63  }
0x182: {  	v3 =	vld [tilespmem:$0xF0];
	_ =	sdelay $0x4  }
0x183: {  	v63 =	vshll.u32 v3, $0x3  }
0x184: {  	v3 =	vand.u32 $0x7, v3;
	v4 =	vand.u32 $0xFFFFFFC0, v63  }
0x185: {  	v3 =	vor.u32 v3, v4  }
0x186: {  	v4 =	vperm.xlane v3, v0;
	_ =	sdelay $0x1  }
0x187: {  	v4 =	vadd.s32 v1, v4;
	_ =	sdelay $0x3  }
0x188: {  	s21 =	simm.s32 $0xC100  }
0x189: {  	[tilespmem:s21], [sflag:$0x2] =	stream.indirect_vreg.gather [hbm4b:s4+s2], $0x80, v4, vm0, $0xb8;
	[tilespmem:$0x10100] =	vst v63  }
0x18a: {  	s1 =	simm.s32 $0xC900;
	v3 =	vperm.xlane v3, v2  }
0x18b: {  	[tilespmem:s1], [sflag:$0x2] =	stream.indirect_vreg.gather [hbm4b:s5+s2], $0x80, v4, vm0, $0xb8;
	[tilespmem:$0x10100] =	vst v63  }
0x18c: {  	s3 =	simm.s32 $0xD100;
	v3 =	vadd.s32 v1, v3  }
0x18d: {  	[tilespmem:s3], [sflag:$0x2] =	stream.indirect_vreg.gather [hbm4b:s6+s2], $0x80, v4, vm0, $0xb8;
	[tilespmem:$0x10100] =	vst v63  }
0x18e: {  	s15 =	simm.s32 $0xD900  }
0x18f: {  	[tilespmem:s15], [sflag:$0x2] =	stream.indirect_vreg.gather [hbm4b:s7+s2], $0x80, v4, vm0, $0xb8;
	[tilespmem:$0x10100] =	vst v63  }
0x190: {  	s18 =	simm.s32 $0xE100  }
0x191: {  	[tilespmem:s18], [sflag:$0x2] =	stream.indirect_vreg.gather [hbm4b:s4+s2], $0x80, v3, vm0, $0xb8;
	[tilespmem:$0x10100] =	vst v63  }
0x192: {  	s21 =	simm.s32 $0xE900  }
0x193: {  	[tilespmem:s21], [sflag:$0x2] =	stream.indirect_vreg.gather [hbm4b:s5+s2], $0x80, v3, vm0, $0xb8;
	[tilespmem:$0x10100] =	vst v63  }
0x194: {  	s1 =	simm.s32 $0xF100  }
0x195: {  	[tilespmem:s1], [sflag:$0x2] =	stream.indirect_vreg.gather [hbm4b:s6+s2], $0x80, v3, vm0, $0xb8;
	[tilespmem:$0x10100] =	vst v63  }
0x196: {  	s3 =	simm.s32 $0xF900  }
0x197: {  	[tilespmem:s3], [sflag:$0x2] =	stream.indirect_vreg.gather [hbm4b:s7+s2], $0x80, v3, vm0, $0xb8;
	[tilespmem:$0x10100] =	vst v63  }
0x198: {  	_ =	swait.ge [sflag:s19], $0x8000  }
0x199: {  	[sflag:s19] =	ssyncset.done $0x0  }
0x19a: {  	s15 =	rddreg [dreg:$0x9];
	[sflag:s19] =	ssyncadd.s32 $0xFFFF8000  }
0x19b: {  	[hbm4b:s15+s2] =	stream.linear.scatter [tilespmem:s10], [sflag:$0x3], $0x8000, $0x38;
	[tilespmem:$0x10100] =	vst v63  }
0x19c: {  	_ =	swait.ge [sflag:s9], $0x8000  }
0x19d: {  	[sflag:s9] =	ssyncset.done $0x0  }
0x19e: {  	[sflag:s9] =	ssyncadd.s32 $0xFFFF8000  }
0x19f: {  	_ =	swait.ge [sflag:s20], $0x8000  }
0x1a0: {  	p0 =	sne.s32 s8, $0x1;
	[sflag:s20] =	ssyncset.done $0x0  }
.Ltmp0:
0x1a1: {  	s18 =	rddreg [dreg:$0xa];
	[sflag:s20] =	ssyncadd.s32 $0xFFFF8000;
	(pc) =	sbr.rel @p0 .LBB2_1-.Ltmp0, $4  }
0x1a2: {  	[hbm4b:s18+s2] =	stream.linear.scatter [tilespmem:s26], [sflag:$0x3], $0x8000, $0x38;
	[tilespmem:$0x10100] =	vst v63  }
0x1a3: {  	_ =	swait.ge [sflag:s9], $0x8000  }
0x1a4: {  	[sflag:s9] =	ssyncset.done $0x0  }
0x1a5: {  	s8 =	sadd.s32 $0xFFFFFFFF, s8;
	[sflag:s9] =	ssyncadd.s32 $0xFFFF8000  }
0x1a6: {  	_ =	sfence.sel $0x180000  }
0x1a7: {  	[bflag:$0x0] =	sbarrier.arrive $0xFFFF  }
0x1a8: {  	_ =	strace $0x90000050  }
0x1a9: {  	s0 =	stileid.u32;
	[bflag:$0x2] =	sbarrier.arrive $0xFFFF  }
0x1aa: {  	p0 =	sne.s32 s0, $0x0;
	s0 =	rddreg [dreg:$0x2]  }
0x1ab: {  	s0 =	sadd.s32 @!p0 $0x100000, s0  }
0x1ac: {  	[sflag:s0] =	ssyncadd.tile.s32 @!p0 $0x1;
	_ =	shalt  }
.Lfunc_end2:
_tile_overlayer_lowered:
.L_overlay_start_2:
0x1ad: {  	(tag) =	ssettag $0x2  }
0x1ae: {  	s0 =	rddreg [dreg:$0x0];
	s2 =	stileid.u32  }
0x1af: {  	s1 =	rddreg [dreg:$0x1];
	p0 =	sne.s32 s2, $0x0  }
0x1b0: {  	s3 =	rddreg [dreg:$0x2];
	[bflag:$0x3] =	sbarrier.arrive $0xFFFF;
	s2 =	simm.s32 @!p0 $0x1C03  }
0x1b1: {  	[timem:s3], [sflag:s2] =	dma.local @!p0 [hbm:s0], s1  }
0x1b2: {  	s0 =	simm.s32 @!p0 $0x3  }
0x1b3: {  	_ =	swait.ge @!p0 [sflag:s0], s1  }
0x1b4: {  	s1 =	ssub.s32 @!p0 $0x0, s1;
	[sflag:s0] =	ssyncset.done @!p0 $0x0  }
0x1b5: {  	[sflag:s0] =	ssyncadd.s32 @!p0 s1  }
0x1b6: {  	[bflag:$0x3] =	sbarrier.arrive $0xFFFF  }
0x1b7: {  	_ =	shalt  }

// kernel: kernel.14.cloned.1.call-start
scs
__scs_entry_jumppad:
0x0: {  	(pc) =	sbr.rel $0x88, $3  }
0x1: {  	(tag) =	ssettag $0x0;
	lr =	simm.s32 $0x1  }
0x2: {  	[smem:$0x3F99] =	sst lr;
	_ =	strace $0xD0000000  }
0x3: {  	_ = 	snop  }
0x4: {  	_ = 	snop  }
0x5: {  	_ = 	snop  }
0x6: {  	_ = 	snop  }
0x7: {  	_ = 	snop  }
__scs_overlays_trampoline_lowered:
0x8: {  	[smem:$0x3FA8] =	sst s0  }
0x9: {  	[smem:$0x3FA9] =	sst s1  }
0xa: {  	[smem:$0x3FAA] =	sst s2  }
0xb: {  	[smem:$0x3FAB] =	sst s3  }
0xc: {  	[smem:$0x3FAC] =	sst s4  }
0xd: {  	[smem:$0x3FAD] =	sst s5  }
0xe: {  	[smem:$0x3FAE] =	sst s6  }
0xf: {  	[smem:$0x3FAF] =	sst s7  }
0x10: {  	[smem:$0x3FB0] =	sst s8  }
0x11: {  	[smem:$0x3FB1] =	sst s9;
	s0 =	simm.s32 @!p0 $0x0  }
0x12: {  	s1 =	sld [smem:$0x3F97];
	s0 =	simm.s32 @p0 $0x1  }
0x13: {  	[smem:$0x3FB2] =	sst s0;
	s0 =	simm.s32 @!p1 $0x0  }
0x14: {  	s2 =	sld [smem:$0x3F96];
	s0 =	simm.s32 @p1 $0x1  }
0x15: {  	[smem:$0x3FB3] =	sst s0;
	s0 =	simm.s32 @!p2 $0x0  }
0x16: {  	s3 =	sld [smem:$0x3FDB];
	s0 =	simm.s32 @p2 $0x1  }
0x17: {  	s4 =	simm.s32 $0x1BF5;
	[smem:$0x3FB5] =	sst s0  }
0x18: {  	s0 =	sld [smem:$0x3F98];
	_ =	swait.ge [sflag:s4], $0x0  }
0x19: {  	s7 =	sld [smem:$0x3F99]  }
0x1a: {  	s8 =	sadd.s32 $0xFFFFE003, lr  }
0x1b: {  	s9 =	sadd.s32 $0xFFFFFEF7, lr;
	s5 =	simm.s32 $0xFFFFFFFF;
	p2 =	slt.u32 s8, $0xFFFFF086  }
0x1c: {  	p1 =	slt.u32 s9, $0xF7A;
	s5 =	simm.s32 @!p2 $0x0  }
0x1d: {  	s5 =	simm.s32 @p1 $0x1;
	p0 =	seq.s32 s7, s2  }
0x1e: {  	s7 =	smul.u32 @!p0 $0xF7A, s2;
	p2 =	seq.s32 @!p0 s5, $0x0  }
0x1f: {  	s9 =	smul.u32 $0xF7A, s1;
	s8 =	simm.s32 @!p0 $0x1BF5;
	p2 =	por !p2, p0  }
0x20: {  	[sflag:s8] =	ssyncset.s32 @!p0 $0xFFFFF086;
	s6 =	sadd.s32 @!p0 s3, s7;
	s7 =	simm.s32 @!p0 $0x108  }
0x21: {  	s3 =	sadd.s32 s3, s9;
	s6 =	sadd.s32 @!p0 $0x88, s6;
	s7 =	simm.s32 @p2 $0x1082  }
0x22: {  	[simem:s7], [sflag:s8] =	dma.local @!p0 [hbm:s6], $0xF7A  }
0x23: {  	s9 =	sor.u32 $0xD0000000, s2;
	s6 =	simm.s32 $0x108;
	_ =	swait.ge @!p0 [sflag:s8], $0x0  }
0x24: {  	s3 =	sadd.s32 $0x88, s3;
	s6 =	simm.s32 @!p1 $0x1082;
	[sflag:s4] =	ssyncset.s32 $0xFFFFF086  }
0x25: {  	[simem:s6], [sflag:s4] =	dma.local [hbm:s3], $0xF7A  }
0x26: {  	[smem:$0x3F99] =	sst s1;
	(tag) =	ssettag s2;
	_ =	strace s9  }
0x27: {  	s1 =	sld [smem:$0x3FA9]  }
0x28: {  	s2 =	sld [smem:$0x3FAA]  }
0x29: {  	s4 =	sld [smem:$0x3FAC]  }
0x2a: {  	p0 =	seq.s32 s5, $0x0;
	s5 =	sld [smem:$0x3FAD]  }
0x2b: {  	s6 =	sld [smem:$0x3FAE]  }
0x2c: {  	s7 =	sld [smem:$0x3FAF]  }
0x2d: {  	s3 =	simm.s32 $0x108;
	s8 =	sld [smem:$0x3FB0]  }
0x2e: {  	s3 =	simm.s32 @!p0 $0x1082;
	s9 =	sld [smem:$0x3FB1]  }
0x2f: {  	lr =	sadd.s32 s0, s3;
	s0 =	sld [smem:$0x3FA8]  }
0x30: {  	s3 =	sld [smem:$0x3FAB]  }
0x31: {  	[smem:$0x3FB4] =	sst s10  }
0x32: {  	s10 =	sld [smem:$0x3FB2];
	_ =	sdelay $0x3  }
0x33: {  	p0 =	seq.s32 s10, $0x1;
	s10 =	sld [smem:$0x3FB4];
	_ =	sdelay $0x3  }
0x34: {  	[smem:$0x3FB4] =	sst s10  }
0x35: {  	s10 =	sld [smem:$0x3FB3];
	_ =	sdelay $0x3  }
0x36: {  	p1 =	seq.s32 s10, $0x1;
	s10 =	sld [smem:$0x3FB4];
	_ =	sdelay $0x3  }
0x37: {  	[smem:$0x3FB4] =	sst s10  }
0x38: {  	s10 =	sld [smem:$0x3FB5]  }
0x39: {  	_ = 	snop;
	(pc) =	sbr.ind lr, $3  }
0x3a: {  	_ = 	snop  }
0x3b: {  	_ = 	snop  }
0x3c: {  	p2 =	seq.s32 s10, $0x1;
	s10 =	sld [smem:$0x3FB4]  }
0x3d: {  	_ =	shalt  }
0x3e: {  	_ =	shalt  }
0x3f: {  	_ =	shalt  }
0x40: {  	_ =	shalt  }
0x41: {  	_ =	shalt  }
0x42: {  	_ =	shalt  }
0x43: {  	_ =	shalt  }
0x44: {  	_ =	shalt  }
0x45: {  	_ =	shalt  }
0x46: {  	_ =	shalt  }
0x47: {  	_ =	shalt  }
0x48: {  	_ =	shalt  }
0x49: {  	_ =	shalt  }
0x4a: {  	_ =	shalt  }
0x4b: {  	_ =	shalt  }
0x4c: {  	_ =	shalt  }
0x4d: {  	_ =	shalt  }
0x4e: {  	_ =	shalt  }
0x4f: {  	_ =	shalt  }
0x50: {  	_ =	shalt  }
0x51: {  	_ =	shalt  }
0x52: {  	_ =	shalt  }
0x53: {  	_ =	shalt  }
0x54: {  	_ =	shalt  }
0x55: {  	_ =	shalt  }
0x56: {  	_ =	shalt  }
0x57: {  	_ =	shalt  }
0x58: {  	_ =	shalt  }
0x59: {  	_ =	shalt  }
0x5a: {  	_ =	shalt  }
0x5b: {  	_ =	shalt  }
0x5c: {  	_ =	shalt  }
0x5d: {  	_ =	shalt  }
0x5e: {  	_ =	shalt  }
0x5f: {  	_ =	shalt  }
0x60: {  	_ =	shalt  }
0x61: {  	_ =	shalt  }
0x62: {  	_ =	shalt  }
0x63: {  	_ =	shalt  }
0x64: {  	_ =	shalt  }
0x65: {  	_ =	shalt  }
0x66: {  	_ =	shalt  }
0x67: {  	_ =	shalt  }
0x68: {  	_ =	shalt  }
0x69: {  	_ =	shalt  }
0x6a: {  	_ =	shalt  }
0x6b: {  	_ =	shalt  }
0x6c: {  	_ =	shalt  }
0x6d: {  	_ =	shalt  }
0x6e: {  	_ =	shalt  }
0x6f: {  	_ =	shalt  }
0x70: {  	_ =	shalt  }
0x71: {  	_ =	shalt  }
0x72: {  	_ =	shalt  }
0x73: {  	_ =	shalt  }
0x74: {  	_ =	shalt  }
0x75: {  	_ =	shalt  }
0x76: {  	_ =	shalt  }
0x77: {  	_ =	shalt  }
0x78: {  	_ =	shalt  }
0x79: {  	_ =	shalt  }
0x7a: {  	_ =	shalt  }
0x7b: {  	_ =	shalt  }
0x7c: {  	_ =	shalt  }
0x7d: {  	_ =	shalt  }
0x7e: {  	_ =	shalt  }
0x7f: {  	_ =	shalt  }
0x80: {  	_ =	shalt  }
0x81: {  	_ =	shalt  }
0x82: {  	_ =	shalt  }
0x83: {  	_ =	shalt  }
0x84: {  	_ =	shalt  }
0x85: {  	_ =	shalt  }
0x86: {  	_ =	shalt  }
0x87: {  	_ =	shalt  }
.Lfunc_end0:
.L_simem_size_0:
called_computation.3_lowered:
.L_overlay_start_0:
0x88: {  	s2 =	sld [smem:$0x3FD9]  }
0x89: {  	s3 =	sld [smem:$0x3FFE];
	_ =	sdelay $0x1  }
0x8a: {  	s1 =	srdreg.scid  }
0x8b: {  	s0 =	sand.u32 $0x1, s1  }
0x8c: {  	s14 =	sshll.u32 s0, $0xA;
	s2 =	sadd.s32 s3, s2  }
0x8d: {  	s2 =	sadd.s32 s2, s14  }
0x8e: {  	[smem:$0x3FC0] =	sst s2  }
0x8f: {  	_ = 	snop  }
0x90: {  	s2 =	sld [smem:$0x3FD0];
	_ =	sdelay $0x2  }
0x91: {  	s15 =	simm.s32 $0xB;
	s4 =	simm.s32 $0x10  }
0x92: {  	[smem:s4], [sflag:s15] =	dma.local [hbm:s2], $0x1  }
0x93: {  	_ =	swait.eq [sflag:s15], $0x1  }
0x94: {  	[sflag:s15] =	ssyncset.done $0x0  }
0x95: {  	[sflag:s15] =	ssyncadd.s32 $0xFFFFFFFF  }
0x96: {  	s16 =	sld [smem:$0x11];
	(tm) =	ssettm $0x1  }
0x97: {  	s17 =	sld [smem:$0x3FFB];
	_ =	sdelay $0x3  }
0x98: {  	_ =	strace s17  }
0x99: {  	s3 =	sld [smem:$0x3FFC];
	_ =	sdelay $0x3  }
0x9a: {  	_ =	strace s3  }
0x9b: {  	s3 =	sld [smem:$0x3FFD];
	_ =	sdelay $0x3  }
0x9c: {  	_ =	strace s3  }
0x9d: {  	_ =	strace $0x8FFFFFFF  }
0x9e: {  	s18 =	sld [smem:$0x3FDB];
	_ =	sdelay $0x1  }
0x9f: {  	s19 =	simm.s32 $_scs_section_size  }
0xa0: {  	s5 =	simm.s32 $_size__tile_overlayer_lowered;
	s6 =	simm.s32 $_tile_overlayer_lowered  }
0xa1: {  	s22 =	simm.s32 $0x1BFF;
	s21 =	sshll.u32 s6, $0x1;
	s3 =	sadd.s32 s19, s18  }
0xa2: {  	s7 =	simm.s32 $0x0;
	s20 =	sshll.u32 s5, $0x1;
	s5 =	sadd.s32 s21, s3  }
0xa3: {  	[timem:s7], [sflag:s22] =	dma.local [hbm:s5], s20  }
0xa4: {  	_ =	swait.ge [sflag:s22], s20  }
0xa5: {  	s4 =	ssub.s32 $0x0, s20;
	[sflag:s22] =	ssyncset.done $0x0  }
0xa6: {  	[sflag:s22] =	ssyncadd.s32 s4;
	_ =	sdelay $0x1  }
0xa7: {  	s23 =	simm.s32 $0x1B8B  }
0xa8: {  	_ =	swait.ge [sflag:s23], $0x1  }
0xa9: {  	[sflag:s23] =	ssyncset.done $0x0  }
0xaa: {  	s25 =	simm.s32 $0x1B8E;
	s24 =	sld [smem:$0x3FFE];
	[sflag:s23] =	ssyncadd.s32 $0xFFFFFFFF  }
0xab: {  	s26 =	simm.s32 $execute0_lowered;
	[smem:$0x3FD2] =	sst s25  }
0xac: {  	s5 =	sshll.u32 s26, $0x1;
	_ =	strace $0x8000004C;
	[dreg:$0x1] =	wrdreg $0xFFFFFFFF  }
0xad: {  	s28 =	simm.s32 $_size_execute0_lowered;
	s3 =	sadd.s32 s3, s5;
	[dreg:$0x0] =	wrdreg $0x0  }
0xae: {  	s5 =	sshll.u32 s28, $0x1;
	[dreg:$0x2] =	wrdreg s3  }
0xaf: {  	[dreg:$0x3] =	wrdreg s5  }
0xb0: {  	[dreg:$0x4] =	wrdreg $0xC0  }
0xb1: {  	_ =	task [dreg:s7], $0x5FFFF  }
0xb2: {  	[dreg:$0x1] =	wrdreg $0xFFFFFFFF  }
0xb3: {  	[dreg:$0x0] =	wrdreg $0x60  }
0xb4: {  	[dreg:$0x2] =	wrdreg s24  }
0xb5: {  	[dreg:$0x3] =	wrdreg s16  }
0xb6: {  	[dreg:$0x4] =	wrdreg $0xA  }
0xb7: {  	_ =	task.clear_ibuf [dreg:s7], $0x5FFFF;
	_ =	strace $0x9000004C  }
0xb8: {  	s29 =	simm.s32 $0xA;
	_ =	strace $0x8000004E  }
0xb9: {  	_ =	swait.ge [sflag:s29], $0x1  }
0xba: {  	[sflag:s29] =	ssyncadd.s32 $0xFFFFFFFF  }
0xbb: {  	_ =	strace $0x9000004E  }
0xbc: {  	_ =	sfence  }
0xbd: {  	s30 =	sld [smem:$0x0];
	_ =	sdelay $0x2  }
0xbe: {  	s31 =	sshll.u32 s1, $0xD;
	s1 =	sshrl.u32 s1, $0x2  }
0xbf: {  	s3 =	sand.u32 $0x4000, s31;
	s1 =	sadd.s32 s1, s30  }
0xc0: {  	s0 =	sor.u32 s3, s0;
	s1 =	sshll.u32 s1, $0x11  }
0xc1: {  	s0 =	sor.u32 s1, s0  }
0xc2: {  	s0 =	sadd.s32 $0x8F2B, s0  }
0xc3: {  	[sflag:s0] =	ssyncadd.remote.s32 $0x1  }
0xc4: {  	_ =	sfence.sel $0xFFFF  }
0xc5: {  	[dreg:$0x0] =	wrdreg $0xFFFFFFFF;
	(pc) =	sbr.abs _section_cstart, $3  }
0xc6: {  	[dreg:$0x1] =	wrdreg $0xFFFFFFFF  }
0xc7: {  	_ =	task.clear_ibuf [dreg:s7], $0x2FFFF;
	_ =	strace $0x9FFFFFFF  }
0xc8: {  	(tm) =	ssettm $0x7FFFFFFF  }
0xc9: {  	_ =	shalt  }
tec
execute0_lowered:
.L_overlay_start_1:
0x0: {  	(tag) =	ssettag $0x1  }
0x1: {  	s0 =	srdreg.scid;
	s1 =	rddreg [dreg:$0x0]  }
0x2: {  	s2 =	stileid.u32;
	s4 =	rddreg [dreg:$0x1];
	s9 =	simm.s32 $0x3  }
0x3: {  	s10 =	simm.s32 $0x100;
	s19 =	simm.s32 $0x1;
	s28 =	simm.s32 $0x2900  }
0x4: {  	s29 =	simm.s32 $0x3100;
	s30 =	simm.s32 $0x3900;
	s31 =	simm.s32 $0x4100  }
0x5: {  	s17 =	simm.s32 $0x4900;
	s16 =	simm.s32 $0x5100;
	s11 =	simm.s32 $0x6100  }
0x6: {  	s12 =	simm.s32 $0x6900;
	s13 =	simm.s32 $0x7100;
	s0 =	sand.u32 $0x1, s0  }
0x7: {  	s14 =	simm.s32 $0x7900;
	s2 =	sshll.u32 s2, $0x9;
	s3 =	sshll.u32 s0, $0x8  }
0x8: {  	s7 =	sadd.s32 $0x1B00, s1;
	s0 =	ssub.s32 $0x2, s0;
	s3 =	sor.u32 s3, s2  }
0x9: {  	s2 =	simm.s32 $0x0;
	s5 =	sshrl.u32 s3, $0x3;
	s3 =	sshll.u32 s3, $0x7  }
0xa: {  	[smem:$0x7FF] =	sst s2;
	s5 =	sadd.s32 s5, s1;
	s6 =	sadd.s32 s4, s3  }
0xb: {  	_ =	strace $0x8000004D;
	s5 =	sadd.s32 $0x1400, s5;
	[dreg:$0xb] =	wrdreg s6  }
0xc: {  	s23 =	sshrl.u32 s0, $0x1;
	s3 =	sadd.s32 $0x1000, s6;
	[dreg:$0x3] =	wrdreg s5  }
0xd: {  	s0 =	ssub.s32 s0, s23;
	s20 =	sadd.s32 $0x2000, s6;
	[dreg:$0x4] =	wrdreg s3  }
0xe: {  	s23 =	simm.s32 $0x1100;
	s21 =	sadd.s32 $0x3000, s6;
	[dreg:$0x5] =	wrdreg s20  }
0xf: {  	s4 =	sadd.s32 $0x1800, s1;
	s22 =	sadd.s32 $0x4000, s6;
	[dreg:$0x6] =	wrdreg s21  }
0x10: {  	s8 =	smax.u32 s0, $0x1;
	s24 =	sadd.s32 $0x5000, s6;
	[dreg:$0x7] =	wrdreg s22  }
0x11: {  	s25 =	sadd.s32 $0x6000, s6;
	s26 =	sadd.s32 $0x7000, s6;
	[dreg:$0x8] =	wrdreg s24  }
0x12: {  	v2 =	vlaneseq.u32;
	s6 =	sadd.s32 $0x1A00, s1;
	s5 =	sadd.s32 $0x1900, s1;
	[dreg:$0x9] =	wrdreg s25  }
0x13: {  	vm0 =	vmmov $0xffff;
	v1 =	vshrl.u32 v2, $0x3;
	[dreg:$0xa] =	wrdreg s26;
	s26 =	simm.s32 $0x8100;
	s20 =	simm.s32 $0x2  }
0x14: {  	v0 =	vand.u32 $0x7, v2;
	v2 =	vor.u32 $0x8, v2;
	v1 =	vmul.u32 $0x8, v1;
	s22 =	simm.s32 $0x900;
	s24 =	simm.s32 $0x1900;
	s25 =	simm.s32 $0x2100  }
.LBB2_1:
0x15: {  	s21 =	rddreg [dreg:$0x3]  }
0x16: {  	[tilespmem:s2], [sflag:$0x3] =	stream.linear.gather [hbm4b:s21+s2], $0x100, $0x38;
	[tilespmem:$0x10100] =	vst v63  }
0x17: {  	_ =	swait.ge [sflag:s9], $0x100  }
0x18: {  	[sflag:s9] =	ssyncset.done $0x0  }
0x19: {  	[sflag:s9] =	ssyncadd.s32 $0xFFFFFF00  }
0x1a: {  	v3 =	vld [tilespmem:$0x0];
	_ =	sdelay $0x4  }
0x1b: {  	v4 =	vshll.u32 v3, $0x3  }
0x1c: {  	v3 =	vand.u32 $0x7, v3;
	v4 =	vand.u32 $0xFFFFFFC0, v4  }
0x1d: {  	v3 =	vor.u32 v3, v4  }
0x1e: {  	v4 =	vperm.xlane v3, v0;
	_ =	sdelay $0x1  }
0x1f: {  	v4 =	vadd.s32 v1, v4;
	_ =	sdelay $0x4  }
0x20: {  	[tilespmem:s10], [sflag:$0x1] =	stream.indirect_vreg.gather [hbm4b:s4+s2], $0x80, v4, vm0, $0xb8;
	[tilespmem:$0x10100] =	vst v63  }
0x21: {  	v3 =	vperm.xlane v3, v2  }
0x22: {  	[tilespmem:s22], [sflag:$0x1] =	stream.indirect_vreg.gather [hbm4b:s5+s2], $0x80, v4, vm0, $0xb8;
	[tilespmem:$0x10100] =	vst v63  }
0x23: {  	v3 =	vadd.s32 v1, v3  }
0x24: {  	[tilespmem:s23], [sflag:$0x1] =	stream.indirect_vreg.gather [hbm4b:s6+s2], $0x80, v4, vm0, $0xb8;
	[tilespmem:$0x10100] =	vst v63  }
0x25: {  	_ = 	snop  }
0x26: {  	[tilespmem:s24], [sflag:$0x1] =	stream.indirect_vreg.gather [hbm4b:s7+s2], $0x80, v4, vm0, $0xb8;
	[tilespmem:$0x10100] =	vst v63  }
0x27: {  	_ = 	snop  }
0x28: {  	[tilespmem:s25], [sflag:$0x1] =	stream.indirect_vreg.gather [hbm4b:s4+s2], $0x80, v3, vm0, $0xb8;
	[tilespmem:$0x10100] =	vst v63  }
0x29: {  	_ = 	snop  }
0x2a: {  	[tilespmem:s28], [sflag:$0x1] =	stream.indirect_vreg.gather [hbm4b:s5+s2], $0x80, v3, vm0, $0xb8;
	[tilespmem:$0x10100] =	vst v63  }
0x2b: {  	_ = 	snop  }
0x2c: {  	[tilespmem:s29], [sflag:$0x1] =	stream.indirect_vreg.gather [hbm4b:s6+s2], $0x80, v3, vm0, $0xb8;
	[tilespmem:$0x10100] =	vst v63  }
0x2d: {  	_ = 	snop  }
0x2e: {  	[tilespmem:s30], [sflag:$0x1] =	stream.indirect_vreg.gather [hbm4b:s7+s2], $0x80, v3, vm0, $0xb8;
	[tilespmem:$0x10100] =	vst v63  }
0x2f: {  	v3 =	vld [tilespmem:$0x10];
	_ =	sdelay $0x4  }
0x30: {  	v49 =	vshll.u32 v3, $0x3  }
0x31: {  	v3 =	vand.u32 $0x7, v3;
	v4 =	vand.u32 $0xFFFFFFC0, v49  }
0x32: {  	v3 =	vor.u32 v3, v4  }
0x33: {  	v4 =	vperm.xlane v3, v0;
	_ =	sdelay $0x1  }
0x34: {  	v4 =	vadd.s32 v1, v4;
	_ =	sdelay $0x4  }
0x35: {  	[tilespmem:s31], [sflag:$0x1] =	stream.indirect_vreg.gather [hbm4b:s4+s2], $0x80, v4, vm0, $0xb8;
	[tilespmem:$0x10100] =	vst v63  }
0x36: {  	v3 =	vperm.xlane v3, v2  }
0x37: {  	[tilespmem:s17], [sflag:$0x1] =	stream.indirect_vreg.gather [hbm4b:s5+s2], $0x80, v4, vm0, $0xb8;
	[tilespmem:$0x10100] =	vst v63  }
0x38: {  	v3 =	vadd.s32 v1, v3  }
0x39: {  	[tilespmem:s16], [sflag:$0x1] =	stream.indirect_vreg.gather [hbm4b:s6+s2], $0x80, v4, vm0, $0xb8;
	[tilespmem:$0x10100] =	vst v63  }
0x3a: {  	s3 =	simm.s32 $0x5900  }
0x3b: {  	[tilespmem:s3], [sflag:$0x1] =	stream.indirect_vreg.gather [hbm4b:s7+s2], $0x80, v4, vm0, $0xb8;
	[tilespmem:$0x10100] =	vst v63  }
0x3c: {  	_ = 	snop  }
0x3d: {  	[tilespmem:s11], [sflag:$0x1] =	stream.indirect_vreg.gather [hbm4b:s4+s2], $0x80, v3, vm0, $0xb8;
	[tilespmem:$0x10100] =	vst v63  }
0x3e: {  	_ = 	snop  }
0x3f: {  	[tilespmem:s12], [sflag:$0x1] =	stream.indirect_vreg.gather [hbm4b:s5+s2], $0x80, v3, vm0, $0xb8;
	[tilespmem:$0x10100] =	vst v63  }
0x40: {  	_ = 	snop  }
0x41: {  	[tilespmem:s13], [sflag:$0x1] =	stream.indirect_vreg.gather [hbm4b:s6+s2], $0x80, v3, vm0, $0xb8;
	[tilespmem:$0x10100] =	vst v63  }
0x42: {  	_ = 	snop  }
0x43: {  	[tilespmem:s14], [sflag:$0x1] =	stream.indirect_vreg.gather [hbm4b:s7+s2], $0x80, v3, vm0, $0xb8;
	[tilespmem:$0x10100] =	vst v63  }
0x44: {  	v3 =	vld [tilespmem:$0x20];
	_ =	sdelay $0x4  }
0x45: {  	v50 =	vshll.u32 v3, $0x3  }
0x46: {  	v3 =	vand.u32 $0x7, v3;
	v4 =	vand.u32 $0xFFFFFFC0, v50  }
0x47: {  	v3 =	vor.u32 v3, v4  }
0x48: {  	v4 =	vperm.xlane v3, v0;
	_ =	sdelay $0x1  }
0x49: {  	v4 =	vadd.s32 v1, v4;
	_ =	sdelay $0x4  }
0x4a: {  	[tilespmem:s26], [sflag:$0x2] =	stream.indirect_vreg.gather [hbm4b:s4+s2], $0x80, v4, vm0, $0xb8;
	[tilespmem:$0x10100] =	vst v63  }
0x4b: {  	s15 =	simm.s32 $0x8900;
	v3 =	vperm.xlane v3, v2  }
0x4c: {  	[tilespmem:s15], [sflag:$0x2] =	stream.indirect_vreg.gather [hbm4b:s5+s2], $0x80, v4, vm0, $0xb8;
	[tilespmem:$0x10100] =	vst v63  }
0x4d: {  	s18 =	simm.s32 $0x9100;
	v3 =	vadd.s32 v1, v3  }
0x4e: {  	[tilespmem:s18], [sflag:$0x2] =	stream.indirect_vreg.gather [hbm4b:s6+s2], $0x80, v4, vm0, $0xb8;
	[tilespmem:$0x10100] =	vst v63  }
0x4f: {  	s21 =	simm.s32 $0x9900  }
0x50: {  	[tilespmem:s21], [sflag:$0x2] =	stream.indirect_vreg.gather [hbm4b:s7+s2], $0x80, v4, vm0, $0xb8;
	[tilespmem:$0x10100] =	vst v63  }
0x51: {  	s1 =	simm.s32 $0xA100  }
0x52: {  	[tilespmem:s1], [sflag:$0x2] =	stream.indirect_vreg.gather [hbm4b:s4+s2], $0x80, v3, vm0, $0xb8;
	[tilespmem:$0x10100] =	vst v63  }
0x53: {  	s18 =	simm.s32 $0xA900  }
0x54: {  	[tilespmem:s18], [sflag:$0x2] =	stream.indirect_vreg.gather [hbm4b:s5+s2], $0x80, v3, vm0, $0xb8;
	[tilespmem:$0x10100] =	vst v63  }
0x55: {  	s1 =	simm.s32 $0xB100  }
0x56: {  	[tilespmem:s1], [sflag:$0x2] =	stream.indirect_vreg.gather [hbm4b:s6+s2], $0x80, v3, vm0, $0xb8;
	[tilespmem:$0x10100] =	vst v63  }
0x57: {  	s15 =	simm.s32 $0xB900  }
0x58: {  	[tilespmem:s15], [sflag:$0x2] =	stream.indirect_vreg.gather [hbm4b:s7+s2], $0x80, v3, vm0, $0xb8;
	[tilespmem:$0x10100] =	vst v63  }
0x59: {  	v3 =	vld [tilespmem:$0x30];
	_ =	sdelay $0x4  }
0x5a: {  	v51 =	vshll.u32 v3, $0x3  }
0x5b: {  	v3 =	vand.u32 $0x7, v3;
	v4 =	vand.u32 $0xFFFFFFC0, v51  }
0x5c: {  	v3 =	vor.u32 v3, v4  }
0x5d: {  	v4 =	vperm.xlane v3, v0;
	_ =	sdelay $0x1  }
0x5e: {  	v4 =	vadd.s32 v1, v4;
	_ =	sdelay $0x3  }
0x5f: {  	s18 =	simm.s32 $0xC100  }
0x60: {  	[tilespmem:s18], [sflag:$0x2] =	stream.indirect_vreg.gather [hbm4b:s4+s2], $0x80, v4, vm0, $0xb8;
	[tilespmem:$0x10100] =	vst v63  }
0x61: {  	s1 =	simm.s32 $0xC900;
	v3 =	vperm.xlane v3, v2  }
0x62: {  	[tilespmem:s1], [sflag:$0x2] =	stream.indirect_vreg.gather [hbm4b:s5+s2], $0x80, v4, vm0, $0xb8;
	[tilespmem:$0x10100] =	vst v63  }
0x63: {  	v3 =	vadd.s32 v1, v3;
	s1 =	simm.s32 $0xD100  }
0x64: {  	[tilespmem:s1], [sflag:$0x2] =	stream.indirect_vreg.gather [hbm4b:s6+s2], $0x80, v4, vm0, $0xb8;
	[tilespmem:$0x10100] =	vst v63  }
0x65: {  	s1 =	simm.s32 $0xD900  }
0x66: {  	[tilespmem:s1], [sflag:$0x2] =	stream.indirect_vreg.gather [hbm4b:s7+s2], $0x80, v4, vm0, $0xb8;
	[tilespmem:$0x10100] =	vst v63  }
0x67: {  	s1 =	simm.s32 $0xE100  }
0x68: {  	[tilespmem:s1], [sflag:$0x2] =	stream.indirect_vreg.gather [hbm4b:s4+s2], $0x80, v3, vm0, $0xb8;
	[tilespmem:$0x10100] =	vst v63  }
0x69: {  	s1 =	simm.s32 $0xE900  }
0x6a: {  	[tilespmem:s1], [sflag:$0x2] =	stream.indirect_vreg.gather [hbm4b:s5+s2], $0x80, v3, vm0, $0xb8;
	[tilespmem:$0x10100] =	vst v63  }
0x6b: {  	s1 =	simm.s32 $0xF100  }
0x6c: {  	[tilespmem:s1], [sflag:$0x2] =	stream.indirect_vreg.gather [hbm4b:s6+s2], $0x80, v3, vm0, $0xb8;
	[tilespmem:$0x10100] =	vst v63  }
0x6d: {  	s1 =	simm.s32 $0xF900  }
0x6e: {  	[tilespmem:s1], [sflag:$0x2] =	stream.indirect_vreg.gather [hbm4b:s7+s2], $0x80, v3, vm0, $0xb8;
	[tilespmem:$0x10100] =	vst v63  }
0x6f: {  	_ =	swait.ge [sflag:s19], $0x8000  }
0x70: {  	[sflag:s19] =	ssyncset.done $0x0  }
0x71: {  	s1 =	rddreg [dreg:$0xb];
	[sflag:s19] =	ssyncadd.s32 $0xFFFF8000  }
0x72: {  	[hbm4b:s1+s2] =	stream.linear.scatter [tilespmem:s10], [sflag:$0x3], $0x8000, $0x38;
	[tilespmem:$0x10100] =	vst v63  }
0x73: {  	_ =	swait.ge [sflag:s9], $0x8000  }
0x74: {  	[sflag:s9] =	ssyncset.done $0x0  }
0x75: {  	[sflag:s9] =	ssyncadd.s32 $0xFFFF8000  }
0x76: {  	v3 =	vld [tilespmem:$0x40];
	_ =	sdelay $0x4  }
0x77: {  	v52 =	vshll.u32 v3, $0x3  }
0x78: {  	v3 =	vand.u32 $0x7, v3;
	v4 =	vand.u32 $0xFFFFFFC0, v52  }
0x79: {  	v3 =	vor.u32 v3, v4  }
0x7a: {  	v4 =	vperm.xlane v3, v0;
	_ =	sdelay $0x1  }
0x7b: {  	v4 =	vadd.s32 v1, v4;
	_ =	sdelay $0x4  }
0x7c: {  	[tilespmem:s10], [sflag:$0x1] =	stream.indirect_vreg.gather [hbm4b:s4+s2], $0x80, v4, vm0, $0xb8;
	[tilespmem:$0x10100] =	vst v63  }
0x7d: {  	v3 =	vperm.xlane v3, v2  }
0x7e: {  	[tilespmem:s22], [sflag:$0x1] =	stream.indirect_vreg.gather [hbm4b:s5+s2], $0x80, v4, vm0, $0xb8;
	[tilespmem:$0x10100] =	vst v63  }
0x7f: {  	v3 =	vadd.s32 v1, v3  }
0x80: {  	[tilespmem:s23], [sflag:$0x1] =	stream.indirect_vreg.gather [hbm4b:s6+s2], $0x80, v4, vm0, $0xb8;
	[tilespmem:$0x10100] =	vst v63  }
0x81: {  	_ = 	snop  }
0x82: {  	[tilespmem:s24], [sflag:$0x1] =	stream.indirect_vreg.gather [hbm4b:s7+s2], $0x80, v4, vm0, $0xb8;
	[tilespmem:$0x10100] =	vst v63  }
0x83: {  	_ = 	snop  }
0x84: {  	[tilespmem:s25], [sflag:$0x1] =	stream.indirect_vreg.gather [hbm4b:s4+s2], $0x80, v3, vm0, $0xb8;
	[tilespmem:$0x10100] =	vst v63  }
0x85: {  	_ = 	snop  }
0x86: {  	[tilespmem:s28], [sflag:$0x1] =	stream.indirect_vreg.gather [hbm4b:s5+s2], $0x80, v3, vm0, $0xb8;
	[tilespmem:$0x10100] =	vst v63  }
0x87: {  	_ = 	snop  }
0x88: {  	[tilespmem:s29], [sflag:$0x1] =	stream.indirect_vreg.gather [hbm4b:s6+s2], $0x80, v3, vm0, $0xb8;
	[tilespmem:$0x10100] =	vst v63  }
0x89: {  	_ = 	snop  }
0x8a: {  	[tilespmem:s30], [sflag:$0x1] =	stream.indirect_vreg.gather [hbm4b:s7+s2], $0x80, v3, vm0, $0xb8;
	[tilespmem:$0x10100] =	vst v63  }
0x8b: {  	v3 =	vld [tilespmem:$0x50];
	_ =	sdelay $0x4  }
0x8c: {  	v53 =	vshll.u32 v3, $0x3  }
0x8d: {  	v3 =	vand.u32 $0x7, v3;
	v4 =	vand.u32 $0xFFFFFFC0, v53  }
0x8e: {  	v3 =	vor.u32 v3, v4  }
0x8f: {  	v4 =	vperm.xlane v3, v0;
	_ =	sdelay $0x1  }
0x90: {  	v4 =	vadd.s32 v1, v4;
	_ =	sdelay $0x4  }
0x91: {  	[tilespmem:s31], [sflag:$0x1] =	stream.indirect_vreg.gather [hbm4b:s4+s2], $0x80, v4, vm0, $0xb8;
	[tilespmem:$0x10100] =	vst v63  }
0x92: {  	v3 =	vperm.xlane v3, v2  }
0x93: {  	[tilespmem:s17], [sflag:$0x1] =	stream.indirect_vreg.gather [hbm4b:s5+s2], $0x80, v4, vm0, $0xb8;
	[tilespmem:$0x10100] =	vst v63  }
0x94: {  	v3 =	vadd.s32 v1, v3  }
0x95: {  	[tilespmem:s16], [sflag:$0x1] =	stream.indirect_vreg.gather [hbm4b:s6+s2], $0x80, v4, vm0, $0xb8;
	[tilespmem:$0x10100] =	vst v63  }
0x96: {  	_ = 	snop  }
0x97: {  	[tilespmem:s3], [sflag:$0x1] =	stream.indirect_vreg.gather [hbm4b:s7+s2], $0x80, v4, vm0, $0xb8;
	[tilespmem:$0x10100] =	vst v63  }
0x98: {  	_ = 	snop  }
0x99: {  	[tilespmem:s11], [sflag:$0x1] =	stream.indirect_vreg.gather [hbm4b:s4+s2], $0x80, v3, vm0, $0xb8;
	[tilespmem:$0x10100] =	vst v63  }
0x9a: {  	_ = 	snop  }
0x9b: {  	[tilespmem:s12], [sflag:$0x1] =	stream.indirect_vreg.gather [hbm4b:s5+s2], $0x80, v3, vm0, $0xb8;
	[tilespmem:$0x10100] =	vst v63  }
0x9c: {  	_ = 	snop  }
0x9d: {  	[tilespmem:s13], [sflag:$0x1] =	stream.indirect_vreg.gather [hbm4b:s6+s2], $0x80, v3, vm0, $0xb8;
	[tilespmem:$0x10100] =	vst v63  }
0x9e: {  	_ = 	snop  }
0x9f: {  	[tilespmem:s14], [sflag:$0x1] =	stream.indirect_vreg.gather [hbm4b:s7+s2], $0x80, v3, vm0, $0xb8;
	[tilespmem:$0x10100] =	vst v63  }
0xa0: {  	_ =	swait.ge [sflag:s20], $0x8000  }
0xa1: {  	[sflag:s20] =	ssyncset.done $0x0  }
0xa2: {  	s1 =	rddreg [dreg:$0x4];
	[sflag:s20] =	ssyncadd.s32 $0xFFFF8000  }
0xa3: {  	[hbm4b:s1+s2] =	stream.linear.scatter [tilespmem:s26], [sflag:$0x3], $0x8000, $0x38;
	[tilespmem:$0x10100] =	vst v63  }
0xa4: {  	_ =	swait.ge [sflag:s9], $0x8000  }
0xa5: {  	[sflag:s9] =	ssyncset.done $0x0  }
0xa6: {  	[sflag:s9] =	ssyncadd.s32 $0xFFFF8000  }
0xa7: {  	v3 =	vld [tilespmem:$0x60];
	_ =	sdelay $0x4  }
0xa8: {  	v54 =	vshll.u32 v3, $0x3  }
0xa9: {  	v3 =	vand.u32 $0x7, v3;
	v4 =	vand.u32 $0xFFFFFFC0, v54  }
0xaa: {  	v3 =	vor.u32 v3, v4  }
0xab: {  	v4 =	vperm.xlane v3, v0;
	_ =	sdelay $0x1  }
0xac: {  	v4 =	vadd.s32 v1, v4;
	_ =	sdelay $0x4  }
0xad: {  	[tilespmem:s26], [sflag:$0x2] =	stream.indirect_vreg.gather [hbm4b:s4+s2], $0x80, v4, vm0, $0xb8;
	[tilespmem:$0x10100] =	vst v63  }
0xae: {  	s0 =	simm.s32 $0x8900;
	v3 =	vperm.xlane v3, v2  }
0xaf: {  	[tilespmem:s0], [sflag:$0x2] =	stream.indirect_vreg.gather [hbm4b:s5+s2], $0x80, v4, vm0, $0xb8;
	[tilespmem:$0x10100] =	vst v63  }
0xb0: {  	v3 =	vadd.s32 v1, v3;
	s0 =	simm.s32 $0x9100  }
0xb1: {  	[tilespmem:s0], [sflag:$0x2] =	stream.indirect_vreg.gather [hbm4b:s6+s2], $0x80, v4, vm0, $0xb8;
	[tilespmem:$0x10100] =	vst v63  }
0xb2: {  	s1 =	simm.s32 $0x9900  }
0xb3: {  	[tilespmem:s1], [sflag:$0x2] =	stream.indirect_vreg.gather [hbm4b:s7+s2], $0x80, v4, vm0, $0xb8;
	[tilespmem:$0x10100] =	vst v63  }
0xb4: {  	s21 =	simm.s32 $0xA100  }
0xb5: {  	[tilespmem:s21], [sflag:$0x2] =	stream.indirect_vreg.gather [hbm4b:s4+s2], $0x80, v3, vm0, $0xb8;
	[tilespmem:$0x10100] =	vst v63  }
0xb6: {  	s21 =	simm.s32 $0xA900  }
0xb7: {  	[tilespmem:s21], [sflag:$0x2] =	stream.indirect_vreg.gather [hbm4b:s5+s2], $0x80, v3, vm0, $0xb8;
	[tilespmem:$0x10100] =	vst v63  }
0xb8: {  	s21 =	simm.s32 $0xB100  }
0xb9: {  	[tilespmem:s21], [sflag:$0x2] =	stream.indirect_vreg.gather [hbm4b:s6+s2], $0x80, v3, vm0, $0xb8;
	[tilespmem:$0x10100] =	vst v63  }
0xba: {  	s15 =	simm.s32 $0xB900  }
0xbb: {  	[tilespmem:s15], [sflag:$0x2] =	stream.indirect_vreg.gather [hbm4b:s7+s2], $0x80, v3, vm0, $0xb8;
	[tilespmem:$0x10100] =	vst v63  }
0xbc: {  	v3 =	vld [tilespmem:$0x70];
	_ =	sdelay $0x4  }
0xbd: {  	v55 =	vshll.u32 v3, $0x3  }
0xbe: {  	v3 =	vand.u32 $0x7, v3;
	v4 =	vand.u32 $0xFFFFFFC0, v55  }
0xbf: {  	v3 =	vor.u32 v3, v4  }
0xc0: {  	v4 =	vperm.xlane v3, v0;
	_ =	sdelay $0x1  }
0xc1: {  	v4 =	vadd.s32 v1, v4;
	_ =	sdelay $0x3  }
0xc2: {  	s18 =	simm.s32 $0xC100  }
0xc3: {  	[tilespmem:s18], [sflag:$0x2] =	stream.indirect_vreg.gather [hbm4b:s4+s2], $0x80, v4, vm0, $0xb8;
	[tilespmem:$0x10100] =	vst v63  }
0xc4: {  	s21 =	simm.s32 $0xC900;
	v3 =	vperm.xlane v3, v2  }
0xc5: {  	[tilespmem:s21], [sflag:$0x2] =	stream.indirect_vreg.gather [hbm4b:s5+s2], $0x80, v4, vm0, $0xb8;
	[tilespmem:$0x10100] =	vst v63  }
0xc6: {  	v3 =	vadd.s32 v1, v3;
	s18 =	simm.s32 $0xD100  }
0xc7: {  	[tilespmem:s18], [sflag:$0x2] =	stream.indirect_vreg.gather [hbm4b:s6+s2], $0x80, v4, vm0, $0xb8;
	[tilespmem:$0x10100] =	vst v63  }
0xc8: {  	s21 =	simm.s32 $0xD900  }
0xc9: {  	[tilespmem:s21], [sflag:$0x2] =	stream.indirect_vreg.gather [hbm4b:s7+s2], $0x80, v4, vm0, $0xb8;
	[tilespmem:$0x10100] =	vst v63  }
0xca: {  	s18 =	simm.s32 $0xE100  }
0xcb: {  	[tilespmem:s18], [sflag:$0x2] =	stream.indirect_vreg.gather [hbm4b:s4+s2], $0x80, v3, vm0, $0xb8;
	[tilespmem:$0x10100] =	vst v63  }
0xcc: {  	s21 =	simm.s32 $0xE900  }
0xcd: {  	[tilespmem:s21], [sflag:$0x2] =	stream.indirect_vreg.gather [hbm4b:s5+s2], $0x80, v3, vm0, $0xb8;
	[tilespmem:$0x10100] =	vst v63  }
0xce: {  	s18 =	simm.s32 $0xF100  }
0xcf: {  	[tilespmem:s18], [sflag:$0x2] =	stream.indirect_vreg.gather [hbm4b:s6+s2], $0x80, v3, vm0, $0xb8;
	[tilespmem:$0x10100] =	vst v63  }
0xd0: {  	s21 =	simm.s32 $0xF900  }
0xd1: {  	[tilespmem:s21], [sflag:$0x2] =	stream.indirect_vreg.gather [hbm4b:s7+s2], $0x80, v3, vm0, $0xb8;
	[tilespmem:$0x10100] =	vst v63  }
0xd2: {  	_ =	swait.ge [sflag:s19], $0x8000  }
0xd3: {  	[sflag:s19] =	ssyncset.done $0x0  }
0xd4: {  	s18 =	rddreg [dreg:$0x5];
	[sflag:s19] =	ssyncadd.s32 $0xFFFF8000  }
0xd5: {  	[hbm4b:s18+s2] =	stream.linear.scatter [tilespmem:s10], [sflag:$0x3], $0x8000, $0x38;
	[tilespmem:$0x10100] =	vst v63  }
0xd6: {  	_ =	swait.ge [sflag:s9], $0x8000  }
0xd7: {  	[sflag:s9] =	ssyncset.done $0x0  }
0xd8: {  	[sflag:s9] =	ssyncadd.s32 $0xFFFF8000  }
0xd9: {  	v3 =	vld [tilespmem:$0x80];
	_ =	sdelay $0x4  }
0xda: {  	v56 =	vshll.u32 v3, $0x3  }
0xdb: {  	v3 =	vand.u32 $0x7, v3;
	v4 =	vand.u32 $0xFFFFFFC0, v56  }
0xdc: {  	v3 =	vor.u32 v3, v4  }
0xdd: {  	v4 =	vperm.xlane v3, v0;
	_ =	sdelay $0x1  }
0xde: {  	v4 =	vadd.s32 v1, v4;
	_ =	sdelay $0x4  }
0xdf: {  	[tilespmem:s10], [sflag:$0x1] =	stream.indirect_vreg.gather [hbm4b:s4+s2], $0x80, v4, vm0, $0xb8;
	[tilespmem:$0x10100] =	vst v63  }
0xe0: {  	v3 =	vperm.xlane v3, v2  }
0xe1: {  	[tilespmem:s22], [sflag:$0x1] =	stream.indirect_vreg.gather [hbm4b:s5+s2], $0x80, v4, vm0, $0xb8;
	[tilespmem:$0x10100] =	vst v63  }
0xe2: {  	v3 =	vadd.s32 v1, v3  }
0xe3: {  	[tilespmem:s23], [sflag:$0x1] =	stream.indirect_vreg.gather [hbm4b:s6+s2], $0x80, v4, vm0, $0xb8;
	[tilespmem:$0x10100] =	vst v63  }
0xe4: {  	_ = 	snop  }
0xe5: {  	[tilespmem:s24], [sflag:$0x1] =	stream.indirect_vreg.gather [hbm4b:s7+s2], $0x80, v4, vm0, $0xb8;
	[tilespmem:$0x10100] =	vst v63  }
0xe6: {  	_ = 	snop  }
0xe7: {  	[tilespmem:s25], [sflag:$0x1] =	stream.indirect_vreg.gather [hbm4b:s4+s2], $0x80, v3, vm0, $0xb8;
	[tilespmem:$0x10100] =	vst v63  }
0xe8: {  	_ = 	snop  }
0xe9: {  	[tilespmem:s28], [sflag:$0x1] =	stream.indirect_vreg.gather [hbm4b:s5+s2], $0x80, v3, vm0, $0xb8;
	[tilespmem:$0x10100] =	vst v63  }
0xea: {  	_ = 	snop  }
0xeb: {  	[tilespmem:s29], [sflag:$0x1] =	stream.indirect_vreg.gather [hbm4b:s6+s2], $0x80, v3, vm0, $0xb8;
	[tilespmem:$0x10100] =	vst v63  }
0xec: {  	_ = 	snop  }
0xed: {  	[tilespmem:s30], [sflag:$0x1] =	stream.indirect_vreg.gather [hbm4b:s7+s2], $0x80, v3, vm0, $0xb8;
	[tilespmem:$0x10100] =	vst v63  }
0xee: {  	v3 =	vld [tilespmem:$0x90];
	_ =	sdelay $0x4  }
0xef: {  	v57 =	vshll.u32 v3, $0x3  }
0xf0: {  	v3 =	vand.u32 $0x7, v3;
	v4 =	vand.u32 $0xFFFFFFC0, v57  }
0xf1: {  	v3 =	vor.u32 v3, v4  }
0xf2: {  	v4 =	vperm.xlane v3, v0;
	_ =	sdelay $0x1  }
0xf3: {  	v4 =	vadd.s32 v1, v4;
	_ =	sdelay $0x4  }
0xf4: {  	[tilespmem:s31], [sflag:$0x1] =	stream.indirect_vreg.gather [hbm4b:s4+s2], $0x80, v4, vm0, $0xb8;
	[tilespmem:$0x10100] =	vst v63  }
0xf5: {  	v3 =	vperm.xlane v3, v2  }
0xf6: {  	[tilespmem:s17], [sflag:$0x1] =	stream.indirect_vreg.gather [hbm4b:s5+s2], $0x80, v4, vm0, $0xb8;
	[tilespmem:$0x10100] =	vst v63  }
0xf7: {  	v3 =	vadd.s32 v1, v3  }
0xf8: {  	[tilespmem:s16], [sflag:$0x1] =	stream.indirect_vreg.gather [hbm4b:s6+s2], $0x80, v4, vm0, $0xb8;
	[tilespmem:$0x10100] =	vst v63  }
0xf9: {  	_ = 	snop  }
0xfa: {  	[tilespmem:s3], [sflag:$0x1] =	stream.indirect_vreg.gather [hbm4b:s7+s2], $0x80, v4, vm0, $0xb8;
	[tilespmem:$0x10100] =	vst v63  }
0xfb: {  	_ = 	snop  }
0xfc: {  	[tilespmem:s11], [sflag:$0x1] =	stream.indirect_vreg.gather [hbm4b:s4+s2], $0x80, v3, vm0, $0xb8;
	[tilespmem:$0x10100] =	vst v63  }
0xfd: {  	_ = 	snop  }
0xfe: {  	[tilespmem:s12], [sflag:$0x1] =	stream.indirect_vreg.gather [hbm4b:s5+s2], $0x80, v3, vm0, $0xb8;
	[tilespmem:$0x10100] =	vst v63  }
0xff: {  	_ = 	snop  }
0x100: {  	[tilespmem:s13], [sflag:$0x1] =	stream.indirect_vreg.gather [hbm4b:s6+s2], $0x80, v3, vm0, $0xb8;
	[tilespmem:$0x10100] =	vst v63  }
0x101: {  	_ = 	snop  }
0x102: {  	[tilespmem:s14], [sflag:$0x1] =	stream.indirect_vreg.gather [hbm4b:s7+s2], $0x80, v3, vm0, $0xb8;
	[tilespmem:$0x10100] =	vst v63  }
0x103: {  	_ =	swait.ge [sflag:s20], $0x8000  }
0x104: {  	[sflag:s20] =	ssyncset.done $0x0  }
0x105: {  	s15 =	rddreg [dreg:$0x6];
	[sflag:s20] =	ssyncadd.s32 $0xFFFF8000  }
0x106: {  	[hbm4b:s15+s2] =	stream.linear.scatter [tilespmem:s26], [sflag:$0x3], $0x8000, $0x38;
	[tilespmem:$0x10100] =	vst v63  }
0x107: {  	_ =	swait.ge [sflag:s9], $0x8000  }
0x108: {  	[sflag:s9] =	ssyncset.done $0x0  }
0x109: {  	[sflag:s9] =	ssyncadd.s32 $0xFFFF8000  }
0x10a: {  	v3 =	vld [tilespmem:$0xA0];
	_ =	sdelay $0x4  }
0x10b: {  	v58 =	vshll.u32 v3, $0x3  }
0x10c: {  	v3 =	vand.u32 $0x7, v3;
	v4 =	vand.u32 $0xFFFFFFC0, v58  }
0x10d: {  	v3 =	vor.u32 v3, v4  }
0x10e: {  	v4 =	vperm.xlane v3, v0;
	_ =	sdelay $0x1  }
0x10f: {  	v4 =	vadd.s32 v1, v4;
	_ =	sdelay $0x4  }
0x110: {  	[tilespmem:s26], [sflag:$0x2] =	stream.indirect_vreg.gather [hbm4b:s4+s2], $0x80, v4, vm0, $0xb8;
	[tilespmem:$0x10100] =	vst v63  }
0x111: {  	s18 =	simm.s32 $0x8900;
	v3 =	vperm.xlane v3, v2  }
0x112: {  	[tilespmem:s18], [sflag:$0x2] =	stream.indirect_vreg.gather [hbm4b:s5+s2], $0x80, v4, vm0, $0xb8;
	[tilespmem:$0x10100] =	vst v63  }
0x113: {  	v3 =	vadd.s32 v1, v3  }
0x114: {  	[tilespmem:s0], [sflag:$0x2] =	stream.indirect_vreg.gather [hbm4b:s6+s2], $0x80, v4, vm0, $0xb8;
	[tilespmem:$0x10100] =	vst v63  }
0x115: {  	_ = 	snop  }
0x116: {  	[tilespmem:s1], [sflag:$0x2] =	stream.indirect_vreg.gather [hbm4b:s7+s2], $0x80, v4, vm0, $0xb8;
	[tilespmem:$0x10100] =	vst v63  }
0x117: {  	s21 =	simm.s32 $0xA100  }
0x118: {  	[tilespmem:s21], [sflag:$0x2] =	stream.indirect_vreg.gather [hbm4b:s4+s2], $0x80, v3, vm0, $0xb8;
	[tilespmem:$0x10100] =	vst v63  }
0x119: {  	s18 =	simm.s32 $0xA900  }
0x11a: {  	[tilespmem:s18], [sflag:$0x2] =	stream.indirect_vreg.gather [hbm4b:s5+s2], $0x80, v3, vm0, $0xb8;
	[tilespmem:$0x10100] =	vst v63  }
0x11b: {  	s21 =	simm.s32 $0xB100  }
0x11c: {  	[tilespmem:s21], [sflag:$0x2] =	stream.indirect_vreg.gather [hbm4b:s6+s2], $0x80, v3, vm0, $0xb8;
	[tilespmem:$0x10100] =	vst v63  }
0x11d: {  	s21 =	simm.s32 $0xB900  }
0x11e: {  	[tilespmem:s21], [sflag:$0x2] =	stream.indirect_vreg.gather [hbm4b:s7+s2], $0x80, v3, vm0, $0xb8;
	[tilespmem:$0x10100] =	vst v63  }
0x11f: {  	v3 =	vld [tilespmem:$0xB0];
	_ =	sdelay $0x4  }
0x120: {  	v59 =	vshll.u32 v3, $0x3  }
0x121: {  	v3 =	vand.u32 $0x7, v3;
	v4 =	vand.u32 $0xFFFFFFC0, v59  }
0x122: {  	v3 =	vor.u32 v3, v4  }
0x123: {  	v4 =	vperm.xlane v3, v0;
	_ =	sdelay $0x1  }
0x124: {  	v4 =	vadd.s32 v1, v4;
	_ =	sdelay $0x3  }
0x125: {  	s21 =	simm.s32 $0xC100  }
0x126: {  	[tilespmem:s21], [sflag:$0x2] =	stream.indirect_vreg.gather [hbm4b:s4+s2], $0x80, v4, vm0, $0xb8;
	[tilespmem:$0x10100] =	vst v63  }
0x127: {  	v3 =	vperm.xlane v3, v2;
	s21 =	simm.s32 $0xC900  }
0x128: {  	[tilespmem:s21], [sflag:$0x2] =	stream.indirect_vreg.gather [hbm4b:s5+s2], $0x80, v4, vm0, $0xb8;
	[tilespmem:$0x10100] =	vst v63  }
0x129: {  	v3 =	vadd.s32 v1, v3;
	s21 =	simm.s32 $0xD100  }
0x12a: {  	[tilespmem:s21], [sflag:$0x2] =	stream.indirect_vreg.gather [hbm4b:s6+s2], $0x80, v4, vm0, $0xb8;
	[tilespmem:$0x10100] =	vst v63  }
0x12b: {  	s21 =	simm.s32 $0xD900  }
0x12c: {  	[tilespmem:s21], [sflag:$0x2] =	stream.indirect_vreg.gather [hbm4b:s7+s2], $0x80, v4, vm0, $0xb8;
	[tilespmem:$0x10100] =	vst v63  }
0x12d: {  	s21 =	simm.s32 $0xE100  }
0x12e: {  	[tilespmem:s21], [sflag:$0x2] =	stream.indirect_vreg.gather [hbm4b:s4+s2], $0x80, v3, vm0, $0xb8;
	[tilespmem:$0x10100] =	vst v63  }
0x12f: {  	s21 =	simm.s32 $0xE900  }
0x130: {  	[tilespmem:s21], [sflag:$0x2] =	stream.indirect_vreg.gather [hbm4b:s5+s2], $0x80, v3, vm0, $0xb8;
	[tilespmem:$0x10100] =	vst v63  }
0x131: {  	s21 =	simm.s32 $0xF100  }
0x132: {  	[tilespmem:s21], [sflag:$0x2] =	stream.indirect_vreg.gather [hbm4b:s6+s2], $0x80, v3, vm0, $0xb8;
	[tilespmem:$0x10100] =	vst v63  }
0x133: {  	s21 =	simm.s32 $0xF900  }
0x134: {  	[tilespmem:s21], [sflag:$0x2] =	stream.indirect_vreg.gather [hbm4b:s7+s2], $0x80, v3, vm0, $0xb8;
	[tilespmem:$0x10100] =	vst v63  }
0x135: {  	_ =	swait.ge [sflag:s19], $0x8000  }
0x136: {  	[sflag:s19] =	ssyncset.done $0x0  }
0x137: {  	s21 =	rddreg [dreg:$0x7];
	[sflag:s19] =	ssyncadd.s32 $0xFFFF8000  }
0x138: {  	[hbm4b:s21+s2] =	stream.linear.scatter [tilespmem:s10], [sflag:$0x3], $0x8000, $0x38;
	[tilespmem:$0x10100] =	vst v63  }
0x139: {  	_ =	swait.ge [sflag:s9], $0x8000  }
0x13a: {  	[sflag:s9] =	ssyncset.done $0x0  }
0x13b: {  	[sflag:s9] =	ssyncadd.s32 $0xFFFF8000  }
0x13c: {  	v3 =	vld [tilespmem:$0xC0];
	_ =	sdelay $0x4  }
0x13d: {  	v60 =	vshll.u32 v3, $0x3  }
0x13e: {  	v3 =	vand.u32 $0x7, v3;
	v4 =	vand.u32 $0xFFFFFFC0, v60  }
0x13f: {  	v3 =	vor.u32 v3, v4  }
0x140: {  	v4 =	vperm.xlane v3, v0;
	_ =	sdelay $0x1  }
0x141: {  	v4 =	vadd.s32 v1, v4;
	_ =	sdelay $0x4  }
0x142: {  	[tilespmem:s10], [sflag:$0x1] =	stream.indirect_vreg.gather [hbm4b:s4+s2], $0x80, v4, vm0, $0xb8;
	[tilespmem:$0x10100] =	vst v63  }
0x143: {  	v3 =	vperm.xlane v3, v2  }
0x144: {  	[tilespmem:s22], [sflag:$0x1] =	stream.indirect_vreg.gather [hbm4b:s5+s2], $0x80, v4, vm0, $0xb8;
	[tilespmem:$0x10100] =	vst v63  }
0x145: {  	v3 =	vadd.s32 v1, v3  }
0x146: {  	[tilespmem:s23], [sflag:$0x1] =	stream.indirect_vreg.gather [hbm4b:s6+s2], $0x80, v4, vm0, $0xb8;
	[tilespmem:$0x10100] =	vst v63  }
0x147: {  	_ = 	snop  }
0x148: {  	[tilespmem:s24], [sflag:$0x1] =	stream.indirect_vreg.gather [hbm4b:s7+s2], $0x80, v4, vm0, $0xb8;
	[tilespmem:$0x10100] =	vst v63  }
0x149: {  	_ = 	snop  }
0x14a: {  	[tilespmem:s25], [sflag:$0x1] =	stream.indirect_vreg.gather [hbm4b:s4+s2], $0x80, v3, vm0, $0xb8;
	[tilespmem:$0x10100] =	vst v63  }
0x14b: {  	_ = 	snop  }
0x14c: {  	[tilespmem:s28], [sflag:$0x1] =	stream.indirect_vreg.gather [hbm4b:s5+s2], $0x80, v3, vm0, $0xb8;
	[tilespmem:$0x10100] =	vst v63  }
0x14d: {  	_ = 	snop  }
0x14e: {  	[tilespmem:s29], [sflag:$0x1] =	stream.indirect_vreg.gather [hbm4b:s6+s2], $0x80, v3, vm0, $0xb8;
	[tilespmem:$0x10100] =	vst v63  }
0x14f: {  	_ = 	snop  }
0x150: {  	[tilespmem:s30], [sflag:$0x1] =	stream.indirect_vreg.gather [hbm4b:s7+s2], $0x80, v3, vm0, $0xb8;
	[tilespmem:$0x10100] =	vst v63  }
0x151: {  	v3 =	vld [tilespmem:$0xD0];
	_ =	sdelay $0x4  }
0x152: {  	v61 =	vshll.u32 v3, $0x3  }
0x153: {  	v3 =	vand.u32 $0x7, v3;
	v4 =	vand.u32 $0xFFFFFFC0, v61  }
0x154: {  	v3 =	vor.u32 v3, v4  }
0x155: {  	v4 =	vperm.xlane v3, v0;
	_ =	sdelay $0x1  }
0x156: {  	v4 =	vadd.s32 v1, v4;
	_ =	sdelay $0x4  }
0x157: {  	[tilespmem:s31], [sflag:$0x1] =	stream.indirect_vreg.gather [hbm4b:s4+s2], $0x80, v4, vm0, $0xb8;
	[tilespmem:$0x10100] =	vst v63  }
0x158: {  	v3 =	vperm.xlane v3, v2  }
0x159: {  	[tilespmem:s17], [sflag:$0x1] =	stream.indirect_vreg.gather [hbm4b:s5+s2], $0x80, v4, vm0, $0xb8;
	[tilespmem:$0x10100] =	vst v63  }
0x15a: {  	v3 =	vadd.s32 v1, v3  }
0x15b: {  	[tilespmem:s16], [sflag:$0x1] =	stream.indirect_vreg.gather [hbm4b:s6+s2], $0x80, v4, vm0, $0xb8;
	[tilespmem:$0x10100] =	vst v63  }
0x15c: {  	_ = 	snop  }
0x15d: {  	[tilespmem:s3], [sflag:$0x1] =	stream.indirect_vreg.gather [hbm4b:s7+s2], $0x80, v4, vm0, $0xb8;
	[tilespmem:$0x10100] =	vst v63  }
0x15e: {  	_ = 	snop  }
0x15f: {  	[tilespmem:s11], [sflag:$0x1] =	stream.indirect_vreg.gather [hbm4b:s4+s2], $0x80, v3, vm0, $0xb8;
	[tilespmem:$0x10100] =	vst v63  }
0x160: {  	_ = 	snop  }
0x161: {  	[tilespmem:s12], [sflag:$0x1] =	stream.indirect_vreg.gather [hbm4b:s5+s2], $0x80, v3, vm0, $0xb8;
	[tilespmem:$0x10100] =	vst v63  }
0x162: {  	_ = 	snop  }
0x163: {  	[tilespmem:s13], [sflag:$0x1] =	stream.indirect_vreg.gather [hbm4b:s6+s2], $0x80, v3, vm0, $0xb8;
	[tilespmem:$0x10100] =	vst v63  }
0x164: {  	_ = 	snop  }
0x165: {  	[tilespmem:s14], [sflag:$0x1] =	stream.indirect_vreg.gather [hbm4b:s7+s2], $0x80, v3, vm0, $0xb8;
	[tilespmem:$0x10100] =	vst v63  }
0x166: {  	_ =	swait.ge [sflag:s20], $0x8000  }
0x167: {  	[sflag:s20] =	ssyncset.done $0x0  }
0x168: {  	s3 =	rddreg [dreg:$0x8];
	[sflag:s20] =	ssyncadd.s32 $0xFFFF8000  }
0x169: {  	[hbm4b:s3+s2] =	stream.linear.scatter [tilespmem:s26], [sflag:$0x3], $0x8000, $0x38;
	[tilespmem:$0x10100] =	vst v63  }
0x16a: {  	_ =	swait.ge [sflag:s9], $0x8000  }
0x16b: {  	[sflag:s9] =	ssyncset.done $0x0  }
0x16c: {  	[sflag:s9] =	ssyncadd.s32 $0xFFFF8000  }
0x16d: {  	v3 =	vld [tilespmem:$0xE0];
	_ =	sdelay $0x4  }
0x16e: {  	v62 =	vshll.u32 v3, $0x3  }
0x16f: {  	v3 =	vand.u32 $0x7, v3;
	v4 =	vand.u32 $0xFFFFFFC0, v62  }
0x170: {  	v3 =	vor.u32 v3, v4  }
0x171: {  	v4 =	vperm.xlane v3, v0;
	_ =	sdelay $0x1  }
0x172: {  	v4 =	vadd.s32 v1, v4;
	_ =	sdelay $0x4  }
0x173: {  	[tilespmem:s26], [sflag:$0x2] =	stream.indirect_vreg.gather [hbm4b:s4+s2], $0x80, v4, vm0, $0xb8;
	[tilespmem:$0x10100] =	vst v63  }
0x174: {  	s21 =	simm.s32 $0x8900;
	v3 =	vperm.xlane v3, v2  }
0x175: {  	[tilespmem:s21], [sflag:$0x2] =	stream.indirect_vreg.gather [hbm4b:s5+s2], $0x80, v4, vm0, $0xb8;
	[tilespmem:$0x10100] =	vst v63  }
0x176: {  	s0 =	simm.s32 $0x9100;
	v3 =	vadd.s32 v1, v3  }
0x177: {  	[tilespmem:s0], [sflag:$0x2] =	stream.indirect_vreg.gather [hbm4b:s6+s2], $0x80, v4, vm0, $0xb8;
	[tilespmem:$0x10100] =	vst v63  }
0x178: {  	s1 =	simm.s32 $0x9900  }
0x179: {  	[tilespmem:s1], [sflag:$0x2] =	stream.indirect_vreg.gather [hbm4b:s7+s2], $0x80, v4, vm0, $0xb8;
	[tilespmem:$0x10100] =	vst v63  }
0x17a: {  	s3 =	simm.s32 $0xA100  }
0x17b: {  	[tilespmem:s3], [sflag:$0x2] =	stream.indirect_vreg.gather [hbm4b:s4+s2], $0x80, v3, vm0, $0xb8;
	[tilespmem:$0x10100] =	vst v63  }
0x17c: {  	s15 =	simm.s32 $0xA900  }
0x17d: {  	[tilespmem:s15], [sflag:$0x2] =	stream.indirect_vreg.gather [hbm4b:s5+s2], $0x80, v3, vm0, $0xb8;
	[tilespmem:$0x10100] =	vst v63  }
0x17e: {  	s18 =	simm.s32 $0xB100  }
0x17f: {  	[tilespmem:s18], [sflag:$0x2] =	stream.indirect_vreg.gather [hbm4b:s6+s2], $0x80, v3, vm0, $0xb8;
	[tilespmem:$0x10100] =	vst v63  }
0x180: {  	s18 =	simm.s32 $0xB900  }
0x181: {  	[tilespmem:s18], [sflag:$0x2] =	stream.indirect_vreg.gather [hbm4b:s7+s2], $0x80, v3, vm0, $0xb8;
	[tilespmem:$0x10100] =	vst v63  }
0x182: {  	v3 =	vld [tilespmem:$0xF0];
	_ =	sdelay $0x4  }
0x183: {  	v63 =	vshll.u32 v3, $0x3  }
0x184: {  	v3 =	vand.u32 $0x7, v3;
	v4 =	vand.u32 $0xFFFFFFC0, v63  }
0x185: {  	v3 =	vor.u32 v3, v4  }
0x186: {  	v4 =	vperm.xlane v3, v0;
	_ =	sdelay $0x1  }
0x187: {  	v4 =	vadd.s32 v1, v4;
	_ =	sdelay $0x3  }
0x188: {  	s21 =	simm.s32 $0xC100  }
0x189: {  	[tilespmem:s21], [sflag:$0x2] =	stream.indirect_vreg.gather [hbm4b:s4+s2], $0x80, v4, vm0, $0xb8;
	[tilespmem:$0x10100] =	vst v63  }
0x18a: {  	s1 =	simm.s32 $0xC900;
	v3 =	vperm.xlane v3, v2  }
0x18b: {  	[tilespmem:s1], [sflag:$0x2] =	stream.indirect_vreg.gather [hbm4b:s5+s2], $0x80, v4, vm0, $0xb8;
	[tilespmem:$0x10100] =	vst v63  }
0x18c: {  	s3 =	simm.s32 $0xD100;
	v3 =	vadd.s32 v1, v3  }
0x18d: {  	[tilespmem:s3], [sflag:$0x2] =	stream.indirect_vreg.gather [hbm4b:s6+s2], $0x80, v4, vm0, $0xb8;
	[tilespmem:$0x10100] =	vst v63  }
0x18e: {  	s15 =	simm.s32 $0xD900  }
0x18f: {  	[tilespmem:s15], [sflag:$0x2] =	stream.indirect_vreg.gather [hbm4b:s7+s2], $0x80, v4, vm0, $0xb8;
	[tilespmem:$0x10100] =	vst v63  }
0x190: {  	s18 =	simm.s32 $0xE100  }
0x191: {  	[tilespmem:s18], [sflag:$0x2] =	stream.indirect_vreg.gather [hbm4b:s4+s2], $0x80, v3, vm0, $0xb8;
	[tilespmem:$0x10100] =	vst v63  }
0x192: {  	s21 =	simm.s32 $0xE900  }
0x193: {  	[tilespmem:s21], [sflag:$0x2] =	stream.indirect_vreg.gather [hbm4b:s5+s2], $0x80, v3, vm0, $0xb8;
	[tilespmem:$0x10100] =	vst v63  }
0x194: {  	s1 =	simm.s32 $0xF100  }
0x195: {  	[tilespmem:s1], [sflag:$0x2] =	stream.indirect_vreg.gather [hbm4b:s6+s2], $0x80, v3, vm0, $0xb8;
	[tilespmem:$0x10100] =	vst v63  }
0x196: {  	s3 =	simm.s32 $0xF900  }
0x197: {  	[tilespmem:s3], [sflag:$0x2] =	stream.indirect_vreg.gather [hbm4b:s7+s2], $0x80, v3, vm0, $0xb8;
	[tilespmem:$0x10100] =	vst v63  }
0x198: {  	_ =	swait.ge [sflag:s19], $0x8000  }
0x199: {  	[sflag:s19] =	ssyncset.done $0x0  }
0x19a: {  	s15 =	rddreg [dreg:$0x9];
	[sflag:s19] =	ssyncadd.s32 $0xFFFF8000  }
0x19b: {  	[hbm4b:s15+s2] =	stream.linear.scatter [tilespmem:s10], [sflag:$0x3], $0x8000, $0x38;
	[tilespmem:$0x10100] =	vst v63  }
0x19c: {  	_ =	swait.ge [sflag:s9], $0x8000  }
0x19d: {  	[sflag:s9] =	ssyncset.done $0x0  }
0x19e: {  	[sflag:s9] =	ssyncadd.s32 $0xFFFF8000  }
0x19f: {  	_ =	swait.ge [sflag:s20], $0x8000  }
0x1a0: {  	p0 =	sne.s32 s8, $0x1;
	[sflag:s20] =	ssyncset.done $0x0  }
.Ltmp0:
0x1a1: {  	s18 =	rddreg [dreg:$0xa];
	[sflag:s20] =	ssyncadd.s32 $0xFFFF8000;
	(pc) =	sbr.rel @p0 .LBB2_1-.Ltmp0, $4  }
0x1a2: {  	[hbm4b:s18+s2] =	stream.linear.scatter [tilespmem:s26], [sflag:$0x3], $0x8000, $0x38;
	[tilespmem:$0x10100] =	vst v63  }
0x1a3: {  	_ =	swait.ge [sflag:s9], $0x8000  }
0x1a4: {  	[sflag:s9] =	ssyncset.done $0x0  }
0x1a5: {  	s8 =	sadd.s32 $0xFFFFFFFF, s8;
	[sflag:s9] =	ssyncadd.s32 $0xFFFF8000  }
0x1a6: {  	_ =	sfence.sel $0x180000  }
0x1a7: {  	[bflag:$0x0] =	sbarrier.arrive $0xFFFF  }
0x1a8: {  	_ =	strace $0x9000004D  }
0x1a9: {  	s0 =	stileid.u32;
	[bflag:$0x2] =	sbarrier.arrive $0xFFFF  }
0x1aa: {  	p0 =	sne.s32 s0, $0x0;
	s0 =	rddreg [dreg:$0x2]  }
0x1ab: {  	s0 =	sadd.s32 @!p0 $0x100000, s0  }
0x1ac: {  	[sflag:s0] =	ssyncadd.tile.s32 @!p0 $0x1;
	_ =	shalt  }
.Lfunc_end2:
_tile_overlayer_lowered:
.L_overlay_start_2:
0x1ad: {  	(tag) =	ssettag $0x2  }
0x1ae: {  	s0 =	rddreg [dreg:$0x0];
	s2 =	stileid.u32  }
0x1af: {  	s1 =	rddreg [dreg:$0x1];
	p0 =	sne.s32 s2, $0x0  }
0x1b0: {  	s3 =	rddreg [dreg:$0x2];
	[bflag:$0x3] =	sbarrier.arrive $0xFFFF;
	s2 =	simm.s32 @!p0 $0x1C03  }
0x1b1: {  	[timem:s3], [sflag:s2] =	dma.local @!p0 [hbm:s0], s1  }
0x1b2: {  	s0 =	simm.s32 @!p0 $0x3  }
0x1b3: {  	_ =	swait.ge @!p0 [sflag:s0], s1  }
0x1b4: {  	s1 =	ssub.s32 @!p0 $0x0, s1;
	[sflag:s0] =	ssyncset.done @!p0 $0x0  }
0x1b5: {  	[sflag:s0] =	ssyncadd.s32 @!p0 s1  }
0x1b6: {  	[bflag:$0x3] =	sbarrier.arrive $0xFFFF  }
0x1b7: {  	_ =	shalt  }

// kernel: kernel.8.cloned.1.call-start
scs
__scs_entry_jumppad:
0x0: {  	(pc) =	sbr.rel $0x88, $3  }
0x1: {  	(tag) =	ssettag $0x0;
	lr =	simm.s32 $0x1  }
0x2: {  	[smem:$0x3F99] =	sst lr;
	_ =	strace $0xD0000000  }
0x3: {  	_ = 	snop  }
0x4: {  	_ = 	snop  }
0x5: {  	_ = 	snop  }
0x6: {  	_ = 	snop  }
0x7: {  	_ = 	snop  }
__scs_overlays_trampoline_lowered:
0x8: {  	[smem:$0x3FA8] =	sst s0  }
0x9: {  	[smem:$0x3FA9] =	sst s1  }
0xa: {  	[smem:$0x3FAA] =	sst s2  }
0xb: {  	[smem:$0x3FAB] =	sst s3  }
0xc: {  	[smem:$0x3FAC] =	sst s4  }
0xd: {  	[smem:$0x3FAD] =	sst s5  }
0xe: {  	[smem:$0x3FAE] =	sst s6  }
0xf: {  	[smem:$0x3FAF] =	sst s7  }
0x10: {  	[smem:$0x3FB0] =	sst s8  }
0x11: {  	[smem:$0x3FB1] =	sst s9;
	s0 =	simm.s32 @!p0 $0x0  }
0x12: {  	s1 =	sld [smem:$0x3F97];
	s0 =	simm.s32 @p0 $0x1  }
0x13: {  	[smem:$0x3FB2] =	sst s0;
	s0 =	simm.s32 @!p1 $0x0  }
0x14: {  	s2 =	sld [smem:$0x3F96];
	s0 =	simm.s32 @p1 $0x1  }
0x15: {  	[smem:$0x3FB3] =	sst s0;
	s0 =	simm.s32 @!p2 $0x0  }
0x16: {  	s3 =	sld [smem:$0x3FDB];
	s0 =	simm.s32 @p2 $0x1  }
0x17: {  	s4 =	simm.s32 $0x1BF5;
	[smem:$0x3FB5] =	sst s0  }
0x18: {  	s0 =	sld [smem:$0x3F98];
	_ =	swait.ge [sflag:s4], $0x0  }
0x19: {  	s7 =	sld [smem:$0x3F99]  }
0x1a: {  	s8 =	sadd.s32 $0xFFFFE003, lr  }
0x1b: {  	s9 =	sadd.s32 $0xFFFFFEF7, lr;
	s5 =	simm.s32 $0xFFFFFFFF;
	p2 =	slt.u32 s8, $0xFFFFF086  }
0x1c: {  	p1 =	slt.u32 s9, $0xF7A;
	s5 =	simm.s32 @!p2 $0x0  }
0x1d: {  	s5 =	simm.s32 @p1 $0x1;
	p0 =	seq.s32 s7, s2  }
0x1e: {  	s7 =	smul.u32 @!p0 $0xF7A, s2;
	p2 =	seq.s32 @!p0 s5, $0x0  }
0x1f: {  	s9 =	smul.u32 $0xF7A, s1;
	s8 =	simm.s32 @!p0 $0x1BF5;
	p2 =	por !p2, p0  }
0x20: {  	[sflag:s8] =	ssyncset.s32 @!p0 $0xFFFFF086;
	s6 =	sadd.s32 @!p0 s3, s7;
	s7 =	simm.s32 @!p0 $0x108  }
0x21: {  	s3 =	sadd.s32 s3, s9;
	s6 =	sadd.s32 @!p0 $0x88, s6;
	s7 =	simm.s32 @p2 $0x1082  }
0x22: {  	[simem:s7], [sflag:s8] =	dma.local @!p0 [hbm:s6], $0xF7A  }
0x23: {  	s9 =	sor.u32 $0xD0000000, s2;
	s6 =	simm.s32 $0x108;
	_ =	swait.ge @!p0 [sflag:s8], $0x0  }
0x24: {  	s3 =	sadd.s32 $0x88, s3;
	s6 =	simm.s32 @!p1 $0x1082;
	[sflag:s4] =	ssyncset.s32 $0xFFFFF086  }
0x25: {  	[simem:s6], [sflag:s4] =	dma.local [hbm:s3], $0xF7A  }
0x26: {  	[smem:$0x3F99] =	sst s1;
	(tag) =	ssettag s2;
	_ =	strace s9  }
0x27: {  	s1 =	sld [smem:$0x3FA9]  }
0x28: {  	s2 =	sld [smem:$0x3FAA]  }
0x29: {  	s4 =	sld [smem:$0x3FAC]  }
0x2a: {  	p0 =	seq.s32 s5, $0x0;
	s5 =	sld [smem:$0x3FAD]  }
0x2b: {  	s6 =	sld [smem:$0x3FAE]  }
0x2c: {  	s7 =	sld [smem:$0x3FAF]  }
0x2d: {  	s3 =	simm.s32 $0x108;
	s8 =	sld [smem:$0x3FB0]  }
0x2e: {  	s3 =	simm.s32 @!p0 $0x1082;
	s9 =	sld [smem:$0x3FB1]  }
0x2f: {  	lr =	sadd.s32 s0, s3;
	s0 =	sld [smem:$0x3FA8]  }
0x30: {  	s3 =	sld [smem:$0x3FAB]  }
0x31: {  	[smem:$0x3FB4] =	sst s10  }
0x32: {  	s10 =	sld [smem:$0x3FB2];
	_ =	sdelay $0x3  }
0x33: {  	p0 =	seq.s32 s10, $0x1;
	s10 =	sld [smem:$0x3FB4];
	_ =	sdelay $0x3  }
0x34: {  	[smem:$0x3FB4] =	sst s10  }
0x35: {  	s10 =	sld [smem:$0x3FB3];
	_ =	sdelay $0x3  }
0x36: {  	p1 =	seq.s32 s10, $0x1;
	s10 =	sld [smem:$0x3FB4];
	_ =	sdelay $0x3  }
0x37: {  	[smem:$0x3FB4] =	sst s10  }
0x38: {  	s10 =	sld [smem:$0x3FB5]  }
0x39: {  	_ = 	snop;
	(pc) =	sbr.ind lr, $3  }
0x3a: {  	_ = 	snop  }
0x3b: {  	_ = 	snop  }
0x3c: {  	p2 =	seq.s32 s10, $0x1;
	s10 =	sld [smem:$0x3FB4]  }
0x3d: {  	_ =	shalt  }
0x3e: {  	_ =	shalt  }
0x3f: {  	_ =	shalt  }
0x40: {  	_ =	shalt  }
0x41: {  	_ =	shalt  }
0x42: {  	_ =	shalt  }
0x43: {  	_ =	shalt  }
0x44: {  	_ =	shalt  }
0x45: {  	_ =	shalt  }
0x46: {  	_ =	shalt  }
0x47: {  	_ =	shalt  }
0x48: {  	_ =	shalt  }
0x49: {  	_ =	shalt  }
0x4a: {  	_ =	shalt  }
0x4b: {  	_ =	shalt  }
0x4c: {  	_ =	shalt  }
0x4d: {  	_ =	shalt  }
0x4e: {  	_ =	shalt  }
0x4f: {  	_ =	shalt  }
0x50: {  	_ =	shalt  }
0x51: {  	_ =	shalt  }
0x52: {  	_ =	shalt  }
0x53: {  	_ =	shalt  }
0x54: {  	_ =	shalt  }
0x55: {  	_ =	shalt  }
0x56: {  	_ =	shalt  }
0x57: {  	_ =	shalt  }
0x58: {  	_ =	shalt  }
0x59: {  	_ =	shalt  }
0x5a: {  	_ =	shalt  }
0x5b: {  	_ =	shalt  }
0x5c: {  	_ =	shalt  }
0x5d: {  	_ =	shalt  }
0x5e: {  	_ =	shalt  }
0x5f: {  	_ =	shalt  }
0x60: {  	_ =	shalt  }
0x61: {  	_ =	shalt  }
0x62: {  	_ =	shalt  }
0x63: {  	_ =	shalt  }
0x64: {  	_ =	shalt  }
0x65: {  	_ =	shalt  }
0x66: {  	_ =	shalt  }
0x67: {  	_ =	shalt  }
0x68: {  	_ =	shalt  }
0x69: {  	_ =	shalt  }
0x6a: {  	_ =	shalt  }
0x6b: {  	_ =	shalt  }
0x6c: {  	_ =	shalt  }
0x6d: {  	_ =	shalt  }
0x6e: {  	_ =	shalt  }
0x6f: {  	_ =	shalt  }
0x70: {  	_ =	shalt  }
0x71: {  	_ =	shalt  }
0x72: {  	_ =	shalt  }
0x73: {  	_ =	shalt  }
0x74: {  	_ =	shalt  }
0x75: {  	_ =	shalt  }
0x76: {  	_ =	shalt  }
0x77: {  	_ =	shalt  }
0x78: {  	_ =	shalt  }
0x79: {  	_ =	shalt  }
0x7a: {  	_ =	shalt  }
0x7b: {  	_ =	shalt  }
0x7c: {  	_ =	shalt  }
0x7d: {  	_ =	shalt  }
0x7e: {  	_ =	shalt  }
0x7f: {  	_ =	shalt  }
0x80: {  	_ =	shalt  }
0x81: {  	_ =	shalt  }
0x82: {  	_ =	shalt  }
0x83: {  	_ =	shalt  }
0x84: {  	_ =	shalt  }
0x85: {  	_ =	shalt  }
0x86: {  	_ =	shalt  }
0x87: {  	_ =	shalt  }
.Lfunc_end0:
.L_simem_size_0:
called_computation.1_lowered:
.L_overlay_start_0:
0x88: {  	s2 =	sld [smem:$0x3FD9]  }
0x89: {  	s3 =	sld [smem:$0x3FFE];
	_ =	sdelay $0x1  }
0x8a: {  	s1 =	srdreg.scid  }
0x8b: {  	s0 =	sand.u32 $0x1, s1  }
0x8c: {  	s14 =	sshll.u32 s0, $0xA;
	s2 =	sadd.s32 s3, s2  }
0x8d: {  	s2 =	sadd.s32 s2, s14  }
0x8e: {  	[smem:$0x3FC0] =	sst s2  }
0x8f: {  	_ = 	snop  }
0x90: {  	s2 =	sld [smem:$0x3FD0];
	_ =	sdelay $0x2  }
0x91: {  	s4 =	simm.s32 $0xB;
	s5 =	simm.s32 $0x10;
	s15 =	sld [smem:$0x3FC9]  }
0x92: {  	[smem:s5], [sflag:s4] =	dma.local [hbm:s2], $0x1  }
0x93: {  	_ =	swait.eq [sflag:s4], $0x1  }
0x94: {  	[sflag:s4] =	ssyncset.done $0x0  }
0x95: {  	[sflag:s4] =	ssyncadd.s32 $0xFFFFFFFF  }
0x96: {  	s16 =	sld [smem:$0x11];
	(tm) =	ssettm $0x1  }
0x97: {  	s17 =	sld [smem:$0x3FFB];
	_ =	sdelay $0x3  }
0x98: {  	_ =	strace s17  }
0x99: {  	s4 =	sld [smem:$0x3FFC];
	_ =	sdelay $0x3  }
0x9a: {  	_ =	strace s4  }
0x9b: {  	s4 =	sld [smem:$0x3FFD];
	_ =	sdelay $0x3  }
0x9c: {  	_ =	strace s4  }
0x9d: {  	_ =	strace $0x8FFFFFFF  }
0x9e: {  	s18 =	sld [smem:$0x3FDB];
	_ =	sdelay $0x1  }
0x9f: {  	s19 =	simm.s32 $_scs_section_size  }
0xa0: {  	s6 =	simm.s32 $_size__tile_overlayer_lowered;
	s7 =	simm.s32 $_tile_overlayer_lowered  }
0xa1: {  	s22 =	simm.s32 $0x1BFF;
	s21 =	sshll.u32 s7, $0x1;
	s4 =	sadd.s32 s19, s18  }
0xa2: {  	s8 =	simm.s32 $0x0;
	s20 =	sshll.u32 s6, $0x1;
	s6 =	sadd.s32 s21, s4  }
0xa3: {  	[timem:s8], [sflag:s22] =	dma.local [hbm:s6], s20  }
0xa4: {  	_ =	swait.ge [sflag:s22], s20  }
0xa5: {  	s5 =	ssub.s32 $0x0, s20;
	[sflag:s22] =	ssyncset.done $0x0  }
0xa6: {  	[sflag:s22] =	ssyncadd.s32 s5;
	_ =	sdelay $0x1  }
0xa7: {  	s23 =	simm.s32 $0x1B8B  }
0xa8: {  	_ =	swait.ge [sflag:s23], $0x1  }
0xa9: {  	[sflag:s23] =	ssyncset.done $0x0  }
0xaa: {  	s25 =	simm.s32 $0x1B8E;
	s24 =	sld [smem:$0x3FFE];
	[sflag:s23] =	ssyncadd.s32 $0xFFFFFFFF  }
0xab: {  	s26 =	simm.s32 $execute0_lowered;
	[smem:$0x3FD2] =	sst s25  }
0xac: {  	s6 =	sshll.u32 s26, $0x1;
	_ =	strace $0x80000049;
	[dreg:$0x1] =	wrdreg $0xFFFFFFFF  }
0xad: {  	s28 =	simm.s32 $_size_execute0_lowered;
	s4 =	sadd.s32 s4, s6;
	[dreg:$0x0] =	wrdreg $0x0  }
0xae: {  	s6 =	sshll.u32 s28, $0x1;
	[dreg:$0x2] =	wrdreg s4  }
0xaf: {  	[dreg:$0x3] =	wrdreg s6  }
0xb0: {  	[dreg:$0x4] =	wrdreg $0xC0  }
0xb1: {  	_ =	task [dreg:s8], $0x5FFFF  }
0xb2: {  	[dreg:$0x1] =	wrdreg $0xFFFFFFFF  }
0xb3: {  	[dreg:$0x0] =	wrdreg $0x60  }
0xb4: {  	[dreg:$0x2] =	wrdreg s15  }
0xb5: {  	[dreg:$0x3] =	wrdreg s16  }
0xb6: {  	[dreg:$0x4] =	wrdreg s24  }
0xb7: {  	[dreg:$0x5] =	wrdreg $0x9  }
0xb8: {  	_ =	task.clear_ibuf [dreg:s8], $0x6FFFF;
	_ =	strace $0x90000049  }
0xb9: {  	s29 =	simm.s32 $0x9;
	_ =	strace $0x8000004B  }
0xba: {  	_ =	swait.ge [sflag:s29], $0x1  }
0xbb: {  	[sflag:s29] =	ssyncadd.s32 $0xFFFFFFFF  }
0xbc: {  	_ =	strace $0x9000004B  }
0xbd: {  	_ =	sfence  }
0xbe: {  	s30 =	sld [smem:$0x0];
	_ =	sdelay $0x2  }
0xbf: {  	s31 =	sshll.u32 s1, $0xD;
	s1 =	sshrl.u32 s1, $0x2  }
0xc0: {  	s3 =	sand.u32 $0x4000, s31;
	s1 =	sadd.s32 s1, s30  }
0xc1: {  	s0 =	sor.u32 s3, s0;
	s1 =	sshll.u32 s1, $0x11  }
0xc2: {  	s0 =	sor.u32 s1, s0  }
0xc3: {  	s0 =	sadd.s32 $0x8F2B, s0  }
0xc4: {  	[sflag:s0] =	ssyncadd.remote.s32 $0x1  }
0xc5: {  	_ =	sfence.sel $0xFFFF  }
0xc6: {  	[dreg:$0x0] =	wrdreg $0xFFFFFFFF;
	(pc) =	sbr.abs _section_cstart, $3  }
0xc7: {  	[dreg:$0x1] =	wrdreg $0xFFFFFFFF  }
0xc8: {  	_ =	task.clear_ibuf [dreg:s8], $0x2FFFF;
	_ =	strace $0x9FFFFFFF  }
0xc9: {  	(tm) =	ssettm $0x7FFFFFFF  }
tec
execute0_lowered:
.L_overlay_start_1:
0x0: {  	(tag) =	ssettag $0x1  }
0x1: {  	s0 =	srdreg.scid;
	s2 =	stileid.u32  }
0x2: {  	s1 =	rddreg [dreg:$0x0];
	s0 =	sand.u32 $0x1, s0;
	s2 =	sshll.u32 s2, $0x1  }
0x3: {  	s4 =	rddreg [dreg:$0x1];
	s2 =	sor.u32 s0, s2  }
0x4: {  	s5 =	rddreg [dreg:$0x2];
	s6 =	smul.u32 $0x28, s2  }
0x5: {  	s3 =	simm.s32 $0x0;
	s9 =	simm.s32 $0x3;
	s7 =	smul.u32 $0xA000, s2  }
0x6: {  	s28 =	simm.s32 $0x180;
	[smem:$0x7FF] =	sst s3;
	s2 =	smul.u32 $0x50000, s2  }
0x7: {  	s5 =	sadd.s32 $0x1800, s5;
	_ =	strace $0x8000004A;
	s4 =	sadd.s32 s4, s6  }
0x8: {  	s20 =	sadd.s32 s5, s7;
	s2 =	sshrl.u32 s2, $0x3;
	[dreg:$0x4] =	wrdreg s4  }
0x9: {  	[dreg:$0xe] =	wrdreg s20;
	s21 =	sadd.s32 $0x1000, s20;
	s2 =	sadd.s32 s5, s2  }
0xa: {  	s19 =	simm.s32 $0x1;
	[dreg:$0x5] =	wrdreg s21;
	s22 =	sadd.s32 $0x2000, s2  }
0xb: {  	s0 =	ssub.s32 $0x2, s0;
	s23 =	sadd.s32 $0x3000, s2;
	[dreg:$0x6] =	wrdreg s22  }
0xc: {  	s29 =	sshrl.u32 s0, $0x1;
	s24 =	sadd.s32 $0x4000, s2;
	[dreg:$0x7] =	wrdreg s23  }
0xd: {  	s0 =	ssub.s32 s0, s29;
	s25 =	sadd.s32 $0x5000, s2;
	[dreg:$0x8] =	wrdreg s24  }
0xe: {  	s6 =	sadd.s32 $0x200, s1;
	s26 =	sadd.s32 $0x6000, s2;
	[dreg:$0x9] =	wrdreg s25  }
0xf: {  	s7 =	sadd.s32 $0x300, s1;
	s30 =	sadd.s32 $0x7000, s2;
	[dreg:$0xa] =	wrdreg s26  }
0x10: {  	v2 =	vlaneseq.u32;
	s8 =	smax.u32 s0, $0x1;
	s31 =	sadd.s32 $0x8000, s2;
	[dreg:$0xb] =	wrdreg s30  }
0x11: {  	vm0 =	vmmov $0xffff;
	v1 =	vshrl.u32 v2, $0x3;
	s5 =	sadd.s32 $0x100, s1;
	s2 =	sadd.s32 $0x9000, s2;
	[dreg:$0xc] =	wrdreg s31  }
0x12: {  	v0 =	vand.u32 $0x7, v2;
	v2 =	vor.u32 $0x8, v2;
	v1 =	vmul.u32 $0x8, v1;
	s20 =	simm.s32 $0x2;
	[dreg:$0xd] =	wrdreg s2;
	s26 =	simm.s32 $0x8180  }
.LBB2_1:
0x13: {  	s21 =	rddreg [dreg:$0x4]  }
0x14: {  	[tilespmem:s3], [sflag:$0x3] =	stream.linear.gather [hbm4b:s21+s3], $0x140, $0x38;
	[tilespmem:$0x10180] =	vst v63  }
0x15: {  	_ =	swait.ge [sflag:s9], $0x140  }
0x16: {  	[sflag:s9] =	ssyncset.done $0x0  }
0x17: {  	[sflag:s9] =	ssyncadd.s32 $0xFFFFFEC0  }
0x18: {  	v3 =	vld [tilespmem:$0x0];
	_ =	sdelay $0x4  }
0x19: {  	v4 =	vshll.u32 v3, $0x3  }
0x1a: {  	v3 =	vand.u32 $0x7, v3;
	v4 =	vand.u32 $0xFFFFFFC0, v4  }
0x1b: {  	v3 =	vor.u32 v3, v4  }
0x1c: {  	v4 =	vperm.xlane v3, v0;
	_ =	sdelay $0x1  }
0x1d: {  	v4 =	vadd.s32 v1, v4;
	_ =	sdelay $0x4  }
0x1e: {  	[tilespmem:s28], [sflag:$0x1] =	stream.indirect_vreg.gather [hbm4b:s1+s3], $0x80, v4, vm0, $0xb8;
	[tilespmem:$0x10180] =	vst v63  }
0x1f: {  	s0 =	simm.s32 $0x980;
	v3 =	vperm.xlane v3, v2  }
0x20: {  	[tilespmem:s0], [sflag:$0x1] =	stream.indirect_vreg.gather [hbm4b:s5+s3], $0x80, v4, vm0, $0xb8;
	[tilespmem:$0x10180] =	vst v63  }
0x21: {  	s11 =	simm.s32 $0x1180;
	v3 =	vadd.s32 v1, v3  }
0x22: {  	[tilespmem:s11], [sflag:$0x1] =	stream.indirect_vreg.gather [hbm4b:s6+s3], $0x80, v4, vm0, $0xb8;
	[tilespmem:$0x10180] =	vst v63  }
0x23: {  	s12 =	simm.s32 $0x1980  }
0x24: {  	[tilespmem:s12], [sflag:$0x1] =	stream.indirect_vreg.gather [hbm4b:s7+s3], $0x80, v4, vm0, $0xb8;
	[tilespmem:$0x10180] =	vst v63  }
0x25: {  	s13 =	simm.s32 $0x2180  }
0x26: {  	[tilespmem:s13], [sflag:$0x1] =	stream.indirect_vreg.gather [hbm4b:s1+s3], $0x80, v3, vm0, $0xb8;
	[tilespmem:$0x10180] =	vst v63  }
0x27: {  	s14 =	simm.s32 $0x2980  }
0x28: {  	[tilespmem:s14], [sflag:$0x1] =	stream.indirect_vreg.gather [hbm4b:s5+s3], $0x80, v3, vm0, $0xb8;
	[tilespmem:$0x10180] =	vst v63  }
0x29: {  	s15 =	simm.s32 $0x3180  }
0x2a: {  	[tilespmem:s15], [sflag:$0x1] =	stream.indirect_vreg.gather [hbm4b:s6+s3], $0x80, v3, vm0, $0xb8;
	[tilespmem:$0x10180] =	vst v63  }
0x2b: {  	s16 =	simm.s32 $0x3980  }
0x2c: {  	[tilespmem:s16], [sflag:$0x1] =	stream.indirect_vreg.gather [hbm4b:s7+s3], $0x80, v3, vm0, $0xb8;
	[tilespmem:$0x10180] =	vst v63  }
0x2d: {  	v3 =	vld [tilespmem:$0x10];
	_ =	sdelay $0x4  }
0x2e: {  	v45 =	vshll.u32 v3, $0x3  }
0x2f: {  	v3 =	vand.u32 $0x7, v3;
	v4 =	vand.u32 $0xFFFFFFC0, v45  }
0x30: {  	v3 =	vor.u32 v3, v4  }
0x31: {  	v4 =	vperm.xlane v3, v0;
	_ =	sdelay $0x1  }
0x32: {  	v4 =	vadd.s32 v1, v4;
	_ =	sdelay $0x3  }
0x33: {  	s17 =	simm.s32 $0x4180  }
0x34: {  	[tilespmem:s17], [sflag:$0x1] =	stream.indirect_vreg.gather [hbm4b:s1+s3], $0x80, v4, vm0, $0xb8;
	[tilespmem:$0x10180] =	vst v63  }
0x35: {  	s18 =	simm.s32 $0x4980;
	v3 =	vperm.xlane v3, v2  }
0x36: {  	[tilespmem:s18], [sflag:$0x1] =	stream.indirect_vreg.gather [hbm4b:s5+s3], $0x80, v4, vm0, $0xb8;
	[tilespmem:$0x10180] =	vst v63  }
0x37: {  	s21 =	simm.s32 $0x5180;
	v3 =	vadd.s32 v1, v3  }
0x38: {  	[tilespmem:s21], [sflag:$0x1] =	stream.indirect_vreg.gather [hbm4b:s6+s3], $0x80, v4, vm0, $0xb8;
	[tilespmem:$0x10180] =	vst v63  }
0x39: {  	s22 =	simm.s32 $0x5980  }
0x3a: {  	[tilespmem:s22], [sflag:$0x1] =	stream.indirect_vreg.gather [hbm4b:s7+s3], $0x80, v4, vm0, $0xb8;
	[tilespmem:$0x10180] =	vst v63  }
0x3b: {  	s23 =	simm.s32 $0x6180  }
0x3c: {  	[tilespmem:s23], [sflag:$0x1] =	stream.indirect_vreg.gather [hbm4b:s1+s3], $0x80, v3, vm0, $0xb8;
	[tilespmem:$0x10180] =	vst v63  }
0x3d: {  	s24 =	simm.s32 $0x6980  }
0x3e: {  	[tilespmem:s24], [sflag:$0x1] =	stream.indirect_vreg.gather [hbm4b:s5+s3], $0x80, v3, vm0, $0xb8;
	[tilespmem:$0x10180] =	vst v63  }
0x3f: {  	s25 =	simm.s32 $0x7180  }
0x40: {  	[tilespmem:s25], [sflag:$0x1] =	stream.indirect_vreg.gather [hbm4b:s6+s3], $0x80, v3, vm0, $0xb8;
	[tilespmem:$0x10180] =	vst v63  }
0x41: {  	s29 =	simm.s32 $0x7980  }
0x42: {  	[tilespmem:s29], [sflag:$0x1] =	stream.indirect_vreg.gather [hbm4b:s7+s3], $0x80, v3, vm0, $0xb8;
	[tilespmem:$0x10180] =	vst v63  }
0x43: {  	v3 =	vld [tilespmem:$0x20];
	_ =	sdelay $0x4  }
0x44: {  	v46 =	vshll.u32 v3, $0x3  }
0x45: {  	v3 =	vand.u32 $0x7, v3;
	v4 =	vand.u32 $0xFFFFFFC0, v46  }
0x46: {  	v3 =	vor.u32 v3, v4  }
0x47: {  	v4 =	vperm.xlane v3, v0;
	_ =	sdelay $0x1  }
0x48: {  	v4 =	vadd.s32 v1, v4;
	_ =	sdelay $0x4  }
0x49: {  	[tilespmem:s26], [sflag:$0x2] =	stream.indirect_vreg.gather [hbm4b:s1+s3], $0x80, v4, vm0, $0xb8;
	[tilespmem:$0x10180] =	vst v63  }
0x4a: {  	s30 =	simm.s32 $0x8980;
	v3 =	vperm.xlane v3, v2  }
0x4b: {  	[tilespmem:s30], [sflag:$0x2] =	stream.indirect_vreg.gather [hbm4b:s5+s3], $0x80, v4, vm0, $0xb8;
	[tilespmem:$0x10180] =	vst v63  }
0x4c: {  	s31 =	simm.s32 $0x9180;
	v3 =	vadd.s32 v1, v3  }
0x4d: {  	[tilespmem:s31], [sflag:$0x2] =	stream.indirect_vreg.gather [hbm4b:s6+s3], $0x80, v4, vm0, $0xb8;
	[tilespmem:$0x10180] =	vst v63  }
0x4e: {  	s10 =	simm.s32 $0x9980  }
0x4f: {  	[tilespmem:s10], [sflag:$0x2] =	stream.indirect_vreg.gather [hbm4b:s7+s3], $0x80, v4, vm0, $0xb8;
	[tilespmem:$0x10180] =	vst v63  }
0x50: {  	s17 =	simm.s32 $0xA180  }
0x51: {  	[tilespmem:s17], [sflag:$0x2] =	stream.indirect_vreg.gather [hbm4b:s1+s3], $0x80, v3, vm0, $0xb8;
	[tilespmem:$0x10180] =	vst v63  }
0x52: {  	s18 =	simm.s32 $0xA980  }
0x53: {  	[tilespmem:s18], [sflag:$0x2] =	stream.indirect_vreg.gather [hbm4b:s5+s3], $0x80, v3, vm0, $0xb8;
	[tilespmem:$0x10180] =	vst v63  }
0x54: {  	s22 =	simm.s32 $0xB180  }
0x55: {  	[tilespmem:s22], [sflag:$0x2] =	stream.indirect_vreg.gather [hbm4b:s6+s3], $0x80, v3, vm0, $0xb8;
	[tilespmem:$0x10180] =	vst v63  }
0x56: {  	s23 =	simm.s32 $0xB980  }
0x57: {  	[tilespmem:s23], [sflag:$0x2] =	stream.indirect_vreg.gather [hbm4b:s7+s3], $0x80, v3, vm0, $0xb8;
	[tilespmem:$0x10180] =	vst v63  }
0x58: {  	v3 =	vld [tilespmem:$0x30];
	_ =	sdelay $0x4  }
0x59: {  	v47 =	vshll.u32 v3, $0x3  }
0x5a: {  	v3 =	vand.u32 $0x7, v3;
	v4 =	vand.u32 $0xFFFFFFC0, v47  }
0x5b: {  	v3 =	vor.u32 v3, v4  }
0x5c: {  	v4 =	vperm.xlane v3, v0;
	_ =	sdelay $0x1  }
0x5d: {  	v4 =	vadd.s32 v1, v4;
	_ =	sdelay $0x3  }
0x5e: {  	s24 =	simm.s32 $0xC180  }
0x5f: {  	[tilespmem:s24], [sflag:$0x2] =	stream.indirect_vreg.gather [hbm4b:s1+s3], $0x80, v4, vm0, $0xb8;
	[tilespmem:$0x10180] =	vst v63  }
0x60: {  	s25 =	simm.s32 $0xC980;
	v3 =	vperm.xlane v3, v2  }
0x61: {  	[tilespmem:s25], [sflag:$0x2] =	stream.indirect_vreg.gather [hbm4b:s5+s3], $0x80, v4, vm0, $0xb8;
	[tilespmem:$0x10180] =	vst v63  }
0x62: {  	s0 =	simm.s32 $0xD180;
	v3 =	vadd.s32 v1, v3  }
0x63: {  	[tilespmem:s0], [sflag:$0x2] =	stream.indirect_vreg.gather [hbm4b:s6+s3], $0x80, v4, vm0, $0xb8;
	[tilespmem:$0x10180] =	vst v63  }
0x64: {  	s10 =	simm.s32 $0xD980  }
0x65: {  	[tilespmem:s10], [sflag:$0x2] =	stream.indirect_vreg.gather [hbm4b:s7+s3], $0x80, v4, vm0, $0xb8;
	[tilespmem:$0x10180] =	vst v63  }
0x66: {  	s17 =	simm.s32 $0xE180  }
0x67: {  	[tilespmem:s17], [sflag:$0x2] =	stream.indirect_vreg.gather [hbm4b:s1+s3], $0x80, v3, vm0, $0xb8;
	[tilespmem:$0x10180] =	vst v63  }
0x68: {  	s24 =	simm.s32 $0xE980  }
0x69: {  	[tilespmem:s24], [sflag:$0x2] =	stream.indirect_vreg.gather [hbm4b:s5+s3], $0x80, v3, vm0, $0xb8;
	[tilespmem:$0x10180] =	vst v63  }
0x6a: {  	s25 =	simm.s32 $0xF180  }
0x6b: {  	[tilespmem:s25], [sflag:$0x2] =	stream.indirect_vreg.gather [hbm4b:s6+s3], $0x80, v3, vm0, $0xb8;
	[tilespmem:$0x10180] =	vst v63  }
0x6c: {  	s0 =	simm.s32 $0xF980  }
0x6d: {  	[tilespmem:s0], [sflag:$0x2] =	stream.indirect_vreg.gather [hbm4b:s7+s3], $0x80, v3, vm0, $0xb8;
	[tilespmem:$0x10180] =	vst v63  }
0x6e: {  	_ =	swait.ge [sflag:s19], $0x8000  }
0x6f: {  	[sflag:s19] =	ssyncset.done $0x0  }
0x70: {  	s10 =	rddreg [dreg:$0xe];
	[sflag:s19] =	ssyncadd.s32 $0xFFFF8000  }
0x71: {  	[hbm4b:s10+s3] =	stream.linear.scatter [tilespmem:s28], [sflag:$0x3], $0x8000, $0x38;
	[tilespmem:$0x10180] =	vst v63  }
0x72: {  	_ =	swait.ge [sflag:s9], $0x8000  }
0x73: {  	[sflag:s9] =	ssyncset.done $0x0  }
0x74: {  	[sflag:s9] =	ssyncadd.s32 $0xFFFF8000  }
0x75: {  	v3 =	vld [tilespmem:$0x40];
	_ =	sdelay $0x4  }
0x76: {  	v48 =	vshll.u32 v3, $0x3  }
0x77: {  	v3 =	vand.u32 $0x7, v3;
	v4 =	vand.u32 $0xFFFFFFC0, v48  }
0x78: {  	v3 =	vor.u32 v3, v4  }
0x79: {  	v4 =	vperm.xlane v3, v0;
	_ =	sdelay $0x1  }
0x7a: {  	v4 =	vadd.s32 v1, v4;
	_ =	sdelay $0x4  }
0x7b: {  	[tilespmem:s28], [sflag:$0x1] =	stream.indirect_vreg.gather [hbm4b:s1+s3], $0x80, v4, vm0, $0xb8;
	[tilespmem:$0x10180] =	vst v63  }
0x7c: {  	s4 =	simm.s32 $0x980;
	v3 =	vperm.xlane v3, v2  }
0x7d: {  	[tilespmem:s4], [sflag:$0x1] =	stream.indirect_vreg.gather [hbm4b:s5+s3], $0x80, v4, vm0, $0xb8;
	[tilespmem:$0x10180] =	vst v63  }
0x7e: {  	v3 =	vadd.s32 v1, v3;
	s4 =	simm.s32 $0x1180  }
0x7f: {  	[tilespmem:s4], [sflag:$0x1] =	stream.indirect_vreg.gather [hbm4b:s6+s3], $0x80, v4, vm0, $0xb8;
	[tilespmem:$0x10180] =	vst v63  }
0x80: {  	s10 =	simm.s32 $0x1980  }
0x81: {  	[tilespmem:s10], [sflag:$0x1] =	stream.indirect_vreg.gather [hbm4b:s7+s3], $0x80, v4, vm0, $0xb8;
	[tilespmem:$0x10180] =	vst v63  }
0x82: {  	s11 =	simm.s32 $0x2180  }
0x83: {  	[tilespmem:s11], [sflag:$0x1] =	stream.indirect_vreg.gather [hbm4b:s1+s3], $0x80, v3, vm0, $0xb8;
	[tilespmem:$0x10180] =	vst v63  }
0x84: {  	s12 =	simm.s32 $0x2980  }
0x85: {  	[tilespmem:s12], [sflag:$0x1] =	stream.indirect_vreg.gather [hbm4b:s5+s3], $0x80, v3, vm0, $0xb8;
	[tilespmem:$0x10180] =	vst v63  }
0x86: {  	s13 =	simm.s32 $0x3180  }
0x87: {  	[tilespmem:s13], [sflag:$0x1] =	stream.indirect_vreg.gather [hbm4b:s6+s3], $0x80, v3, vm0, $0xb8;
	[tilespmem:$0x10180] =	vst v63  }
0x88: {  	s15 =	simm.s32 $0x3980  }
0x89: {  	[tilespmem:s15], [sflag:$0x1] =	stream.indirect_vreg.gather [hbm4b:s7+s3], $0x80, v3, vm0, $0xb8;
	[tilespmem:$0x10180] =	vst v63  }
0x8a: {  	v3 =	vld [tilespmem:$0x50];
	_ =	sdelay $0x4  }
0x8b: {  	v49 =	vshll.u32 v3, $0x3  }
0x8c: {  	v3 =	vand.u32 $0x7, v3;
	v4 =	vand.u32 $0xFFFFFFC0, v49  }
0x8d: {  	v3 =	vor.u32 v3, v4  }
0x8e: {  	v4 =	vperm.xlane v3, v0;
	_ =	sdelay $0x1  }
0x8f: {  	v4 =	vadd.s32 v1, v4;
	_ =	sdelay $0x3  }
0x90: {  	s16 =	simm.s32 $0x4180  }
0x91: {  	[tilespmem:s16], [sflag:$0x1] =	stream.indirect_vreg.gather [hbm4b:s1+s3], $0x80, v4, vm0, $0xb8;
	[tilespmem:$0x10180] =	vst v63  }
0x92: {  	s14 =	simm.s32 $0x4980;
	v3 =	vperm.xlane v3, v2  }
0x93: {  	[tilespmem:s14], [sflag:$0x1] =	stream.indirect_vreg.gather [hbm4b:s5+s3], $0x80, v4, vm0, $0xb8;
	[tilespmem:$0x10180] =	vst v63  }
0x94: {  	s11 =	simm.s32 $0x5180;
	v3 =	vadd.s32 v1, v3  }
0x95: {  	[tilespmem:s11], [sflag:$0x1] =	stream.indirect_vreg.gather [hbm4b:s6+s3], $0x80, v4, vm0, $0xb8;
	[tilespmem:$0x10180] =	vst v63  }
0x96: {  	s12 =	simm.s32 $0x5980  }
0x97: {  	[tilespmem:s12], [sflag:$0x1] =	stream.indirect_vreg.gather [hbm4b:s7+s3], $0x80, v4, vm0, $0xb8;
	[tilespmem:$0x10180] =	vst v63  }
0x98: {  	s13 =	simm.s32 $0x6180  }
0x99: {  	[tilespmem:s13], [sflag:$0x1] =	stream.indirect_vreg.gather [hbm4b:s1+s3], $0x80, v3, vm0, $0xb8;
	[tilespmem:$0x10180] =	vst v63  }
0x9a: {  	s14 =	simm.s32 $0x6980  }
0x9b: {  	[tilespmem:s14], [sflag:$0x1] =	stream.indirect_vreg.gather [hbm4b:s5+s3], $0x80, v3, vm0, $0xb8;
	[tilespmem:$0x10180] =	vst v63  }
0x9c: {  	s15 =	simm.s32 $0x7180  }
0x9d: {  	[tilespmem:s15], [sflag:$0x1] =	stream.indirect_vreg.gather [hbm4b:s6+s3], $0x80, v3, vm0, $0xb8;
	[tilespmem:$0x10180] =	vst v63  }
0x9e: {  	s16 =	simm.s32 $0x7980  }
0x9f: {  	[tilespmem:s16], [sflag:$0x1] =	stream.indirect_vreg.gather [hbm4b:s7+s3], $0x80, v3, vm0, $0xb8;
	[tilespmem:$0x10180] =	vst v63  }
0xa0: {  	_ =	swait.ge [sflag:s20], $0x8000  }
0xa1: {  	[sflag:s20] =	ssyncset.done $0x0  }
0xa2: {  	s0 =	rddreg [dreg:$0x5];
	[sflag:s20] =	ssyncadd.s32 $0xFFFF8000  }
0xa3: {  	[hbm4b:s0+s3] =	stream.linear.scatter [tilespmem:s26], [sflag:$0x3], $0x8000, $0x38;
	[tilespmem:$0x10180] =	vst v63  }
0xa4: {  	_ =	swait.ge [sflag:s9], $0x8000  }
0xa5: {  	[sflag:s9] =	ssyncset.done $0x0  }
0xa6: {  	[sflag:s9] =	ssyncadd.s32 $0xFFFF8000  }
0xa7: {  	v3 =	vld [tilespmem:$0x60];
	_ =	sdelay $0x4  }
0xa8: {  	v50 =	vshll.u32 v3, $0x3  }
0xa9: {  	v3 =	vand.u32 $0x7, v3;
	v4 =	vand.u32 $0xFFFFFFC0, v50  }
0xaa: {  	v3 =	vor.u32 v3, v4  }
0xab: {  	v4 =	vperm.xlane v3, v0;
	_ =	sdelay $0x1  }
0xac: {  	v4 =	vadd.s32 v1, v4;
	_ =	sdelay $0x4  }
0xad: {  	[tilespmem:s26], [sflag:$0x2] =	stream.indirect_vreg.gather [hbm4b:s1+s3], $0x80, v4, vm0, $0xb8;
	[tilespmem:$0x10180] =	vst v63  }
0xae: {  	s2 =	simm.s32 $0x8980;
	v3 =	vperm.xlane v3, v2  }
0xaf: {  	[tilespmem:s2], [sflag:$0x2] =	stream.indirect_vreg.gather [hbm4b:s5+s3], $0x80, v4, vm0, $0xb8;
	[tilespmem:$0x10180] =	vst v63  }
0xb0: {  	s0 =	simm.s32 $0x9180;
	v3 =	vadd.s32 v1, v3  }
0xb1: {  	[tilespmem:s0], [sflag:$0x2] =	stream.indirect_vreg.gather [hbm4b:s6+s3], $0x80, v4, vm0, $0xb8;
	[tilespmem:$0x10180] =	vst v63  }
0xb2: {  	s2 =	simm.s32 $0x9980  }
0xb3: {  	[tilespmem:s2], [sflag:$0x2] =	stream.indirect_vreg.gather [hbm4b:s7+s3], $0x80, v4, vm0, $0xb8;
	[tilespmem:$0x10180] =	vst v63  }
0xb4: {  	s31 =	simm.s32 $0xA180  }
0xb5: {  	[tilespmem:s31], [sflag:$0x2] =	stream.indirect_vreg.gather [hbm4b:s1+s3], $0x80, v3, vm0, $0xb8;
	[tilespmem:$0x10180] =	vst v63  }
0xb6: {  	s29 =	simm.s32 $0xA980  }
0xb7: {  	[tilespmem:s29], [sflag:$0x2] =	stream.indirect_vreg.gather [hbm4b:s5+s3], $0x80, v3, vm0, $0xb8;
	[tilespmem:$0x10180] =	vst v63  }
0xb8: {  	s30 =	simm.s32 $0xB180  }
0xb9: {  	[tilespmem:s30], [sflag:$0x2] =	stream.indirect_vreg.gather [hbm4b:s6+s3], $0x80, v3, vm0, $0xb8;
	[tilespmem:$0x10180] =	vst v63  }
0xba: {  	s18 =	simm.s32 $0xB980  }
0xbb: {  	[tilespmem:s18], [sflag:$0x2] =	stream.indirect_vreg.gather [hbm4b:s7+s3], $0x80, v3, vm0, $0xb8;
	[tilespmem:$0x10180] =	vst v63  }
0xbc: {  	v3 =	vld [tilespmem:$0x70];
	_ =	sdelay $0x4  }
0xbd: {  	v51 =	vshll.u32 v3, $0x3  }
0xbe: {  	v3 =	vand.u32 $0x7, v3;
	v4 =	vand.u32 $0xFFFFFFC0, v51  }
0xbf: {  	v3 =	vor.u32 v3, v4  }
0xc0: {  	v4 =	vperm.xlane v3, v0;
	_ =	sdelay $0x1  }
0xc1: {  	v4 =	vadd.s32 v1, v4;
	_ =	sdelay $0x3  }
0xc2: {  	s22 =	simm.s32 $0xC180  }
0xc3: {  	[tilespmem:s22], [sflag:$0x2] =	stream.indirect_vreg.gather [hbm4b:s1+s3], $0x80, v4, vm0, $0xb8;
	[tilespmem:$0x10180] =	vst v63  }
0xc4: {  	s23 =	simm.s32 $0xC980;
	v3 =	vperm.xlane v3, v2  }
0xc5: {  	[tilespmem:s23], [sflag:$0x2] =	stream.indirect_vreg.gather [hbm4b:s5+s3], $0x80, v4, vm0, $0xb8;
	[tilespmem:$0x10180] =	vst v63  }
0xc6: {  	v3 =	vadd.s32 v1, v3;
	s23 =	simm.s32 $0xD180  }
0xc7: {  	[tilespmem:s23], [sflag:$0x2] =	stream.indirect_vreg.gather [hbm4b:s6+s3], $0x80, v4, vm0, $0xb8;
	[tilespmem:$0x10180] =	vst v63  }
0xc8: {  	s21 =	simm.s32 $0xD980  }
0xc9: {  	[tilespmem:s21], [sflag:$0x2] =	stream.indirect_vreg.gather [hbm4b:s7+s3], $0x80, v4, vm0, $0xb8;
	[tilespmem:$0x10180] =	vst v63  }
0xca: {  	s23 =	simm.s32 $0xE180  }
0xcb: {  	[tilespmem:s23], [sflag:$0x2] =	stream.indirect_vreg.gather [hbm4b:s1+s3], $0x80, v3, vm0, $0xb8;
	[tilespmem:$0x10180] =	vst v63  }
0xcc: {  	s24 =	simm.s32 $0xE980  }
0xcd: {  	[tilespmem:s24], [sflag:$0x2] =	stream.indirect_vreg.gather [hbm4b:s5+s3], $0x80, v3, vm0, $0xb8;
	[tilespmem:$0x10180] =	vst v63  }
0xce: {  	s25 =	simm.s32 $0xF180  }
0xcf: {  	[tilespmem:s25], [sflag:$0x2] =	stream.indirect_vreg.gather [hbm4b:s6+s3], $0x80, v3, vm0, $0xb8;
	[tilespmem:$0x10180] =	vst v63  }
0xd0: {  	s17 =	simm.s32 $0xF980  }
0xd1: {  	[tilespmem:s17], [sflag:$0x2] =	stream.indirect_vreg.gather [hbm4b:s7+s3], $0x80, v3, vm0, $0xb8;
	[tilespmem:$0x10180] =	vst v63  }
0xd2: {  	_ =	swait.ge [sflag:s19], $0x8000  }
0xd3: {  	[sflag:s19] =	ssyncset.done $0x0  }
0xd4: {  	s25 =	rddreg [dreg:$0x6];
	[sflag:s19] =	ssyncadd.s32 $0xFFFF8000  }
0xd5: {  	[hbm4b:s25+s3] =	stream.linear.scatter [tilespmem:s28], [sflag:$0x3], $0x8000, $0x38;
	[tilespmem:$0x10180] =	vst v63  }
0xd6: {  	_ =	swait.ge [sflag:s9], $0x8000  }
0xd7: {  	[sflag:s9] =	ssyncset.done $0x0  }
0xd8: {  	[sflag:s9] =	ssyncadd.s32 $0xFFFF8000  }
0xd9: {  	v3 =	vld [tilespmem:$0x80];
	_ =	sdelay $0x4  }
0xda: {  	v52 =	vshll.u32 v3, $0x3  }
0xdb: {  	v3 =	vand.u32 $0x7, v3;
	v4 =	vand.u32 $0xFFFFFFC0, v52  }
0xdc: {  	v3 =	vor.u32 v3, v4  }
0xdd: {  	v4 =	vperm.xlane v3, v0;
	_ =	sdelay $0x1  }
0xde: {  	v4 =	vadd.s32 v1, v4;
	_ =	sdelay $0x4  }
0xdf: {  	[tilespmem:s28], [sflag:$0x1] =	stream.indirect_vreg.gather [hbm4b:s1+s3], $0x80, v4, vm0, $0xb8;
	[tilespmem:$0x10180] =	vst v63  }
0xe0: {  	s25 =	simm.s32 $0x980;
	v3 =	vperm.xlane v3, v2  }
0xe1: {  	[tilespmem:s25], [sflag:$0x1] =	stream.indirect_vreg.gather [hbm4b:s5+s3], $0x80, v4, vm0, $0xb8;
	[tilespmem:$0x10180] =	vst v63  }
0xe2: {  	v3 =	vadd.s32 v1, v3  }
0xe3: {  	[tilespmem:s4], [sflag:$0x1] =	stream.indirect_vreg.gather [hbm4b:s6+s3], $0x80, v4, vm0, $0xb8;
	[tilespmem:$0x10180] =	vst v63  }
0xe4: {  	_ = 	snop  }
0xe5: {  	[tilespmem:s10], [sflag:$0x1] =	stream.indirect_vreg.gather [hbm4b:s7+s3], $0x80, v4, vm0, $0xb8;
	[tilespmem:$0x10180] =	vst v63  }
0xe6: {  	s21 =	simm.s32 $0x2180  }
0xe7: {  	[tilespmem:s21], [sflag:$0x1] =	stream.indirect_vreg.gather [hbm4b:s1+s3], $0x80, v3, vm0, $0xb8;
	[tilespmem:$0x10180] =	vst v63  }
0xe8: {  	s25 =	simm.s32 $0x2980  }
0xe9: {  	[tilespmem:s25], [sflag:$0x1] =	stream.indirect_vreg.gather [hbm4b:s5+s3], $0x80, v3, vm0, $0xb8;
	[tilespmem:$0x10180] =	vst v63  }
0xea: {  	s21 =	simm.s32 $0x3180  }
0xeb: {  	[tilespmem:s21], [sflag:$0x1] =	stream.indirect_vreg.gather [hbm4b:s6+s3], $0x80, v3, vm0, $0xb8;
	[tilespmem:$0x10180] =	vst v63  }
0xec: {  	s25 =	simm.s32 $0x3980  }
0xed: {  	[tilespmem:s25], [sflag:$0x1] =	stream.indirect_vreg.gather [hbm4b:s7+s3], $0x80, v3, vm0, $0xb8;
	[tilespmem:$0x10180] =	vst v63  }
0xee: {  	v3 =	vld [tilespmem:$0x90];
	_ =	sdelay $0x4  }
0xef: {  	v53 =	vshll.u32 v3, $0x3  }
0xf0: {  	v3 =	vand.u32 $0x7, v3;
	v4 =	vand.u32 $0xFFFFFFC0, v53  }
0xf1: {  	v3 =	vor.u32 v3, v4  }
0xf2: {  	v4 =	vperm.xlane v3, v0;
	_ =	sdelay $0x1  }
0xf3: {  	v4 =	vadd.s32 v1, v4;
	_ =	sdelay $0x3  }
0xf4: {  	s21 =	simm.s32 $0x4180  }
0xf5: {  	[tilespmem:s21], [sflag:$0x1] =	stream.indirect_vreg.gather [hbm4b:s1+s3], $0x80, v4, vm0, $0xb8;
	[tilespmem:$0x10180] =	vst v63  }
0xf6: {  	s25 =	simm.s32 $0x4980;
	v3 =	vperm.xlane v3, v2  }
0xf7: {  	[tilespmem:s25], [sflag:$0x1] =	stream.indirect_vreg.gather [hbm4b:s5+s3], $0x80, v4, vm0, $0xb8;
	[tilespmem:$0x10180] =	vst v63  }
0xf8: {  	v3 =	vadd.s32 v1, v3  }
0xf9: {  	[tilespmem:s11], [sflag:$0x1] =	stream.indirect_vreg.gather [hbm4b:s6+s3], $0x80, v4, vm0, $0xb8;
	[tilespmem:$0x10180] =	vst v63  }
0xfa: {  	_ = 	snop  }
0xfb: {  	[tilespmem:s12], [sflag:$0x1] =	stream.indirect_vreg.gather [hbm4b:s7+s3], $0x80, v4, vm0, $0xb8;
	[tilespmem:$0x10180] =	vst v63  }
0xfc: {  	_ = 	snop  }
0xfd: {  	[tilespmem:s13], [sflag:$0x1] =	stream.indirect_vreg.gather [hbm4b:s1+s3], $0x80, v3, vm0, $0xb8;
	[tilespmem:$0x10180] =	vst v63  }
0xfe: {  	_ = 	snop  }
0xff: {  	[tilespmem:s14], [sflag:$0x1] =	stream.indirect_vreg.gather [hbm4b:s5+s3], $0x80, v3, vm0, $0xb8;
	[tilespmem:$0x10180] =	vst v63  }
0x100: {  	_ = 	snop  }
0x101: {  	[tilespmem:s15], [sflag:$0x1] =	stream.indirect_vreg.gather [hbm4b:s6+s3], $0x80, v3, vm0, $0xb8;
	[tilespmem:$0x10180] =	vst v63  }
0x102: {  	_ = 	snop  }
0x103: {  	[tilespmem:s16], [sflag:$0x1] =	stream.indirect_vreg.gather [hbm4b:s7+s3], $0x80, v3, vm0, $0xb8;
	[tilespmem:$0x10180] =	vst v63  }
0x104: {  	_ =	swait.ge [sflag:s20], $0x8000  }
0x105: {  	[sflag:s20] =	ssyncset.done $0x0  }
0x106: {  	s15 =	rddreg [dreg:$0x7];
	[sflag:s20] =	ssyncadd.s32 $0xFFFF8000  }
0x107: {  	[hbm4b:s15+s3] =	stream.linear.scatter [tilespmem:s26], [sflag:$0x3], $0x8000, $0x38;
	[tilespmem:$0x10180] =	vst v63  }
0x108: {  	_ =	swait.ge [sflag:s9], $0x8000  }
0x109: {  	[sflag:s9] =	ssyncset.done $0x0  }
0x10a: {  	[sflag:s9] =	ssyncadd.s32 $0xFFFF8000  }
0x10b: {  	v3 =	vld [tilespmem:$0xA0];
	_ =	sdelay $0x4  }
0x10c: {  	v54 =	vshll.u32 v3, $0x3  }
0x10d: {  	v3 =	vand.u32 $0x7, v3;
	v4 =	vand.u32 $0xFFFFFFC0, v54  }
0x10e: {  	v3 =	vor.u32 v3, v4  }
0x10f: {  	v4 =	vperm.xlane v3, v0;
	_ =	sdelay $0x1  }
0x110: {  	v4 =	vadd.s32 v1, v4;
	_ =	sdelay $0x4  }
0x111: {  	[tilespmem:s26], [sflag:$0x2] =	stream.indirect_vreg.gather [hbm4b:s1+s3], $0x80, v4, vm0, $0xb8;
	[tilespmem:$0x10180] =	vst v63  }
0x112: {  	s25 =	simm.s32 $0x8980;
	v3 =	vperm.xlane v3, v2  }
0x113: {  	[tilespmem:s25], [sflag:$0x2] =	stream.indirect_vreg.gather [hbm4b:s5+s3], $0x80, v4, vm0, $0xb8;
	[tilespmem:$0x10180] =	vst v63  }
0x114: {  	v3 =	vadd.s32 v1, v3  }
0x115: {  	[tilespmem:s0], [sflag:$0x2] =	stream.indirect_vreg.gather [hbm4b:s6+s3], $0x80, v4, vm0, $0xb8;
	[tilespmem:$0x10180] =	vst v63  }
0x116: {  	_ = 	snop  }
0x117: {  	[tilespmem:s2], [sflag:$0x2] =	stream.indirect_vreg.gather [hbm4b:s7+s3], $0x80, v4, vm0, $0xb8;
	[tilespmem:$0x10180] =	vst v63  }
0x118: {  	s31 =	simm.s32 $0xA180  }
0x119: {  	[tilespmem:s31], [sflag:$0x2] =	stream.indirect_vreg.gather [hbm4b:s1+s3], $0x80, v3, vm0, $0xb8;
	[tilespmem:$0x10180] =	vst v63  }
0x11a: {  	s29 =	simm.s32 $0xA980  }
0x11b: {  	[tilespmem:s29], [sflag:$0x2] =	stream.indirect_vreg.gather [hbm4b:s5+s3], $0x80, v3, vm0, $0xb8;
	[tilespmem:$0x10180] =	vst v63  }
0x11c: {  	s30 =	simm.s32 $0xB180  }
0x11d: {  	[tilespmem:s30], [sflag:$0x2] =	stream.indirect_vreg.gather [hbm4b:s6+s3], $0x80, v3, vm0, $0xb8;
	[tilespmem:$0x10180] =	vst v63  }
0x11e: {  	s29 =	simm.s32 $0xB980  }
0x11f: {  	[tilespmem:s29], [sflag:$0x2] =	stream.indirect_vreg.gather [hbm4b:s7+s3], $0x80, v3, vm0, $0xb8;
	[tilespmem:$0x10180] =	vst v63  }
0x120: {  	v3 =	vld [tilespmem:$0xB0];
	_ =	sdelay $0x4  }
0x121: {  	v55 =	vshll.u32 v3, $0x3  }
0x122: {  	v3 =	vand.u32 $0x7, v3;
	v4 =	vand.u32 $0xFFFFFFC0, v55  }
0x123: {  	v3 =	vor.u32 v3, v4  }
0x124: {  	v4 =	vperm.xlane v3, v0;
	_ =	sdelay $0x1  }
0x125: {  	v4 =	vadd.s32 v1, v4;
	_ =	sdelay $0x3  }
0x126: {  	s30 =	simm.s32 $0xC180  }
0x127: {  	[tilespmem:s30], [sflag:$0x2] =	stream.indirect_vreg.gather [hbm4b:s1+s3], $0x80, v4, vm0, $0xb8;
	[tilespmem:$0x10180] =	vst v63  }
0x128: {  	s31 =	simm.s32 $0xC980;
	v3 =	vperm.xlane v3, v2  }
0x129: {  	[tilespmem:s31], [sflag:$0x2] =	stream.indirect_vreg.gather [hbm4b:s5+s3], $0x80, v4, vm0, $0xb8;
	[tilespmem:$0x10180] =	vst v63  }
0x12a: {  	s22 =	simm.s32 $0xD180;
	v3 =	vadd.s32 v1, v3  }
0x12b: {  	[tilespmem:s22], [sflag:$0x2] =	stream.indirect_vreg.gather [hbm4b:s6+s3], $0x80, v4, vm0, $0xb8;
	[tilespmem:$0x10180] =	vst v63  }
0x12c: {  	s18 =	simm.s32 $0xD980  }
0x12d: {  	[tilespmem:s18], [sflag:$0x2] =	stream.indirect_vreg.gather [hbm4b:s7+s3], $0x80, v4, vm0, $0xb8;
	[tilespmem:$0x10180] =	vst v63  }
0x12e: {  	s29 =	simm.s32 $0xE180  }
0x12f: {  	[tilespmem:s29], [sflag:$0x2] =	stream.indirect_vreg.gather [hbm4b:s1+s3], $0x80, v3, vm0, $0xb8;
	[tilespmem:$0x10180] =	vst v63  }
0x130: {  	s24 =	simm.s32 $0xE980  }
0x131: {  	[tilespmem:s24], [sflag:$0x2] =	stream.indirect_vreg.gather [hbm4b:s5+s3], $0x80, v3, vm0, $0xb8;
	[tilespmem:$0x10180] =	vst v63  }
0x132: {  	s23 =	simm.s32 $0xF180  }
0x133: {  	[tilespmem:s23], [sflag:$0x2] =	stream.indirect_vreg.gather [hbm4b:s6+s3], $0x80, v3, vm0, $0xb8;
	[tilespmem:$0x10180] =	vst v63  }
0x134: {  	s17 =	simm.s32 $0xF980  }
0x135: {  	[tilespmem:s17], [sflag:$0x2] =	stream.indirect_vreg.gather [hbm4b:s7+s3], $0x80, v3, vm0, $0xb8;
	[tilespmem:$0x10180] =	vst v63  }
0x136: {  	_ =	swait.ge [sflag:s19], $0x8000  }
0x137: {  	[sflag:s19] =	ssyncset.done $0x0  }
0x138: {  	s18 =	rddreg [dreg:$0x8];
	[sflag:s19] =	ssyncadd.s32 $0xFFFF8000  }
0x139: {  	[hbm4b:s18+s3] =	stream.linear.scatter [tilespmem:s28], [sflag:$0x3], $0x8000, $0x38;
	[tilespmem:$0x10180] =	vst v63  }
0x13a: {  	_ =	swait.ge [sflag:s9], $0x8000  }
0x13b: {  	[sflag:s9] =	ssyncset.done $0x0  }
0x13c: {  	[sflag:s9] =	ssyncadd.s32 $0xFFFF8000  }
0x13d: {  	v3 =	vld [tilespmem:$0xC0];
	_ =	sdelay $0x4  }
0x13e: {  	v56 =	vshll.u32 v3, $0x3  }
0x13f: {  	v3 =	vand.u32 $0x7, v3;
	v4 =	vand.u32 $0xFFFFFFC0, v56  }
0x140: {  	v3 =	vor.u32 v3, v4  }
0x141: {  	v4 =	vperm.xlane v3, v0;
	_ =	sdelay $0x1  }
0x142: {  	v4 =	vadd.s32 v1, v4;
	_ =	sdelay $0x4  }
0x143: {  	[tilespmem:s28], [sflag:$0x1] =	stream.indirect_vreg.gather [hbm4b:s1+s3], $0x80, v4, vm0, $0xb8;
	[tilespmem:$0x10180] =	vst v63  }
0x144: {  	s23 =	simm.s32 $0x980;
	v3 =	vperm.xlane v3, v2  }
0x145: {  	[tilespmem:s23], [sflag:$0x1] =	stream.indirect_vreg.gather [hbm4b:s5+s3], $0x80, v4, vm0, $0xb8;
	[tilespmem:$0x10180] =	vst v63  }
0x146: {  	s24 =	simm.s32 $0x1180;
	v3 =	vadd.s32 v1, v3  }
0x147: {  	[tilespmem:s24], [sflag:$0x1] =	stream.indirect_vreg.gather [hbm4b:s6+s3], $0x80, v4, vm0, $0xb8;
	[tilespmem:$0x10180] =	vst v63  }
0x148: {  	s10 =	simm.s32 $0x1980  }
0x149: {  	[tilespmem:s10], [sflag:$0x1] =	stream.indirect_vreg.gather [hbm4b:s7+s3], $0x80, v4, vm0, $0xb8;
	[tilespmem:$0x10180] =	vst v63  }
0x14a: {  	s17 =	simm.s32 $0x2180  }
0x14b: {  	[tilespmem:s17], [sflag:$0x1] =	stream.indirect_vreg.gather [hbm4b:s1+s3], $0x80, v3, vm0, $0xb8;
	[tilespmem:$0x10180] =	vst v63  }
0x14c: {  	s21 =	simm.s32 $0x2980  }
0x14d: {  	[tilespmem:s21], [sflag:$0x1] =	stream.indirect_vreg.gather [hbm4b:s5+s3], $0x80, v3, vm0, $0xb8;
	[tilespmem:$0x10180] =	vst v63  }
0x14e: {  	s23 =	simm.s32 $0x3180  }
0x14f: {  	[tilespmem:s23], [sflag:$0x1] =	stream.indirect_vreg.gather [hbm4b:s6+s3], $0x80, v3, vm0, $0xb8;
	[tilespmem:$0x10180] =	vst v63  }
0x150: {  	s17 =	simm.s32 $0x3980  }
0x151: {  	[tilespmem:s17], [sflag:$0x1] =	stream.indirect_vreg.gather [hbm4b:s7+s3], $0x80, v3, vm0, $0xb8;
	[tilespmem:$0x10180] =	vst v63  }
0x152: {  	v3 =	vld [tilespmem:$0xD0];
	_ =	sdelay $0x4  }
0x153: {  	v57 =	vshll.u32 v3, $0x3  }
0x154: {  	v3 =	vand.u32 $0x7, v3;
	v4 =	vand.u32 $0xFFFFFFC0, v57  }
0x155: {  	v3 =	vor.u32 v3, v4  }
0x156: {  	v4 =	vperm.xlane v3, v0;
	_ =	sdelay $0x1  }
0x157: {  	v4 =	vadd.s32 v1, v4;
	_ =	sdelay $0x3  }
0x158: {  	s21 =	simm.s32 $0x4180  }
0x159: {  	[tilespmem:s21], [sflag:$0x1] =	stream.indirect_vreg.gather [hbm4b:s1+s3], $0x80, v4, vm0, $0xb8;
	[tilespmem:$0x10180] =	vst v63  }
0x15a: {  	s23 =	simm.s32 $0x4980;
	v3 =	vperm.xlane v3, v2  }
0x15b: {  	[tilespmem:s23], [sflag:$0x1] =	stream.indirect_vreg.gather [hbm4b:s5+s3], $0x80, v4, vm0, $0xb8;
	[tilespmem:$0x10180] =	vst v63  }
0x15c: {  	s11 =	simm.s32 $0x5180;
	v3 =	vadd.s32 v1, v3  }
0x15d: {  	[tilespmem:s11], [sflag:$0x1] =	stream.indirect_vreg.gather [hbm4b:s6+s3], $0x80, v4, vm0, $0xb8;
	[tilespmem:$0x10180] =	vst v63  }
0x15e: {  	s12 =	simm.s32 $0x5980  }
0x15f: {  	[tilespmem:s12], [sflag:$0x1] =	stream.indirect_vreg.gather [hbm4b:s7+s3], $0x80, v4, vm0, $0xb8;
	[tilespmem:$0x10180] =	vst v63  }
0x160: {  	s13 =	simm.s32 $0x6180  }
0x161: {  	[tilespmem:s13], [sflag:$0x1] =	stream.indirect_vreg.gather [hbm4b:s1+s3], $0x80, v3, vm0, $0xb8;
	[tilespmem:$0x10180] =	vst v63  }
0x162: {  	s14 =	simm.s32 $0x6980  }
0x163: {  	[tilespmem:s14], [sflag:$0x1] =	stream.indirect_vreg.gather [hbm4b:s5+s3], $0x80, v3, vm0, $0xb8;
	[tilespmem:$0x10180] =	vst v63  }
0x164: {  	s4 =	simm.s32 $0x7180  }
0x165: {  	[tilespmem:s4], [sflag:$0x1] =	stream.indirect_vreg.gather [hbm4b:s6+s3], $0x80, v3, vm0, $0xb8;
	[tilespmem:$0x10180] =	vst v63  }
0x166: {  	s16 =	simm.s32 $0x7980  }
0x167: {  	[tilespmem:s16], [sflag:$0x1] =	stream.indirect_vreg.gather [hbm4b:s7+s3], $0x80, v3, vm0, $0xb8;
	[tilespmem:$0x10180] =	vst v63  }
0x168: {  	_ =	swait.ge [sflag:s20], $0x8000  }
0x169: {  	[sflag:s20] =	ssyncset.done $0x0  }
0x16a: {  	s16 =	rddreg [dreg:$0x9];
	[sflag:s20] =	ssyncadd.s32 $0xFFFF8000  }
0x16b: {  	[hbm4b:s16+s3] =	stream.linear.scatter [tilespmem:s26], [sflag:$0x3], $0x8000, $0x38;
	[tilespmem:$0x10180] =	vst v63  }
0x16c: {  	_ =	swait.ge [sflag:s9], $0x8000  }
0x16d: {  	[sflag:s9] =	ssyncset.done $0x0  }
0x16e: {  	[sflag:s9] =	ssyncadd.s32 $0xFFFF8000  }
0x16f: {  	v3 =	vld [tilespmem:$0xE0];
	_ =	sdelay $0x4  }
0x170: {  	v58 =	vshll.u32 v3, $0x3  }
0x171: {  	v3 =	vand.u32 $0x7, v3;
	v4 =	vand.u32 $0xFFFFFFC0, v58  }
0x172: {  	v3 =	vor.u32 v3, v4  }
0x173: {  	v4 =	vperm.xlane v3, v0;
	_ =	sdelay $0x1  }
0x174: {  	v4 =	vadd.s32 v1, v4;
	_ =	sdelay $0x4  }
0x175: {  	[tilespmem:s26], [sflag:$0x2] =	stream.indirect_vreg.gather [hbm4b:s1+s3], $0x80, v4, vm0, $0xb8;
	[tilespmem:$0x10180] =	vst v63  }
0x176: {  	s23 =	simm.s32 $0x8980;
	v3 =	vperm.xlane v3, v2  }
0x177: {  	[tilespmem:s23], [sflag:$0x2] =	stream.indirect_vreg.gather [hbm4b:s5+s3], $0x80, v4, vm0, $0xb8;
	[tilespmem:$0x10180] =	vst v63  }
0x178: {  	s0 =	simm.s32 $0x9180;
	v3 =	vadd.s32 v1, v3  }
0x179: {  	[tilespmem:s0], [sflag:$0x2] =	stream.indirect_vreg.gather [hbm4b:s6+s3], $0x80, v4, vm0, $0xb8;
	[tilespmem:$0x10180] =	vst v63  }
0x17a: {  	s2 =	simm.s32 $0x9980  }
0x17b: {  	[tilespmem:s2], [sflag:$0x2] =	stream.indirect_vreg.gather [hbm4b:s7+s3], $0x80, v4, vm0, $0xb8;
	[tilespmem:$0x10180] =	vst v63  }
0x17c: {  	s16 =	simm.s32 $0xA180  }
0x17d: {  	[tilespmem:s16], [sflag:$0x2] =	stream.indirect_vreg.gather [hbm4b:s1+s3], $0x80, v3, vm0, $0xb8;
	[tilespmem:$0x10180] =	vst v63  }
0x17e: {  	s15 =	simm.s32 $0xA980  }
0x17f: {  	[tilespmem:s15], [sflag:$0x2] =	stream.indirect_vreg.gather [hbm4b:s5+s3], $0x80, v3, vm0, $0xb8;
	[tilespmem:$0x10180] =	vst v63  }
0x180: {  	s25 =	simm.s32 $0xB180  }
0x181: {  	[tilespmem:s25], [sflag:$0x2] =	stream.indirect_vreg.gather [hbm4b:s6+s3], $0x80, v3, vm0, $0xb8;
	[tilespmem:$0x10180] =	vst v63  }
0x182: {  	s21 =	simm.s32 $0xB980  }
0x183: {  	[tilespmem:s21], [sflag:$0x2] =	stream.indirect_vreg.gather [hbm4b:s7+s3], $0x80, v3, vm0, $0xb8;
	[tilespmem:$0x10180] =	vst v63  }
0x184: {  	v3 =	vld [tilespmem:$0xF0];
	_ =	sdelay $0x4  }
0x185: {  	v59 =	vshll.u32 v3, $0x3  }
0x186: {  	v3 =	vand.u32 $0x7, v3;
	v4 =	vand.u32 $0xFFFFFFC0, v59  }
0x187: {  	v3 =	vor.u32 v3, v4  }
0x188: {  	v4 =	vperm.xlane v3, v0;
	_ =	sdelay $0x1  }
0x189: {  	v4 =	vadd.s32 v1, v4;
	_ =	sdelay $0x3  }
0x18a: {  	s23 =	simm.s32 $0xC180  }
0x18b: {  	[tilespmem:s23], [sflag:$0x2] =	stream.indirect_vreg.gather [hbm4b:s1+s3], $0x80, v4, vm0, $0xb8;
	[tilespmem:$0x10180] =	vst v63  }
0x18c: {  	s25 =	simm.s32 $0xC980;
	v3 =	vperm.xlane v3, v2  }
0x18d: {  	[tilespmem:s25], [sflag:$0x2] =	stream.indirect_vreg.gather [hbm4b:s5+s3], $0x80, v4, vm0, $0xb8;
	[tilespmem:$0x10180] =	vst v63  }
0x18e: {  	s31 =	simm.s32 $0xD180;
	v3 =	vadd.s32 v1, v3  }
0x18f: {  	[tilespmem:s31], [sflag:$0x2] =	stream.indirect_vreg.gather [hbm4b:s6+s3], $0x80, v4, vm0, $0xb8;
	[tilespmem:$0x10180] =	vst v63  }
0x190: {  	s30 =	simm.s32 $0xD980  }
0x191: {  	[tilespmem:s30], [sflag:$0x2] =	stream.indirect_vreg.gather [hbm4b:s7+s3], $0x80, v4, vm0, $0xb8;
	[tilespmem:$0x10180] =	vst v63  }
0x192: {  	s29 =	simm.s32 $0xE180  }
0x193: {  	[tilespmem:s29], [sflag:$0x2] =	stream.indirect_vreg.gather [hbm4b:s1+s3], $0x80, v3, vm0, $0xb8;
	[tilespmem:$0x10180] =	vst v63  }
0x194: {  	s21 =	simm.s32 $0xE980  }
0x195: {  	[tilespmem:s21], [sflag:$0x2] =	stream.indirect_vreg.gather [hbm4b:s5+s3], $0x80, v3, vm0, $0xb8;
	[tilespmem:$0x10180] =	vst v63  }
0x196: {  	s22 =	simm.s32 $0xF180  }
0x197: {  	[tilespmem:s22], [sflag:$0x2] =	stream.indirect_vreg.gather [hbm4b:s6+s3], $0x80, v3, vm0, $0xb8;
	[tilespmem:$0x10180] =	vst v63  }
0x198: {  	s22 =	simm.s32 $0xF980  }
0x199: {  	[tilespmem:s22], [sflag:$0x2] =	stream.indirect_vreg.gather [hbm4b:s7+s3], $0x80, v3, vm0, $0xb8;
	[tilespmem:$0x10180] =	vst v63  }
0x19a: {  	_ =	swait.ge [sflag:s19], $0x8000  }
0x19b: {  	[sflag:s19] =	ssyncset.done $0x0  }
0x19c: {  	s30 =	rddreg [dreg:$0xa];
	[sflag:s19] =	ssyncadd.s32 $0xFFFF8000  }
0x19d: {  	[hbm4b:s30+s3] =	stream.linear.scatter [tilespmem:s28], [sflag:$0x3], $0x8000, $0x38;
	[tilespmem:$0x10180] =	vst v63  }
0x19e: {  	_ =	swait.ge [sflag:s9], $0x8000  }
0x19f: {  	[sflag:s9] =	ssyncset.done $0x0  }
0x1a0: {  	[sflag:s9] =	ssyncadd.s32 $0xFFFF8000  }
0x1a1: {  	v3 =	vld [tilespmem:$0x100];
	_ =	sdelay $0x4  }
0x1a2: {  	v60 =	vshll.u32 v3, $0x3  }
0x1a3: {  	v3 =	vand.u32 $0x7, v3;
	v4 =	vand.u32 $0xFFFFFFC0, v60  }
0x1a4: {  	v3 =	vor.u32 v3, v4  }
0x1a5: {  	v4 =	vperm.xlane v3, v0;
	_ =	sdelay $0x1  }
0x1a6: {  	v4 =	vadd.s32 v1, v4;
	_ =	sdelay $0x4  }
0x1a7: {  	[tilespmem:s28], [sflag:$0x1] =	stream.indirect_vreg.gather [hbm4b:s1+s3], $0x80, v4, vm0, $0xb8;
	[tilespmem:$0x10180] =	vst v63  }
0x1a8: {  	s30 =	simm.s32 $0x980;
	v3 =	vperm.xlane v3, v2  }
0x1a9: {  	[tilespmem:s30], [sflag:$0x1] =	stream.indirect_vreg.gather [hbm4b:s5+s3], $0x80, v4, vm0, $0xb8;
	[tilespmem:$0x10180] =	vst v63  }
0x1aa: {  	s18 =	simm.s32 $0x1180;
	v3 =	vadd.s32 v1, v3  }
0x1ab: {  	[tilespmem:s18], [sflag:$0x1] =	stream.indirect_vreg.gather [hbm4b:s6+s3], $0x80, v4, vm0, $0xb8;
	[tilespmem:$0x10180] =	vst v63  }
0x1ac: {  	s24 =	simm.s32 $0x1980  }
0x1ad: {  	[tilespmem:s24], [sflag:$0x1] =	stream.indirect_vreg.gather [hbm4b:s7+s3], $0x80, v4, vm0, $0xb8;
	[tilespmem:$0x10180] =	vst v63  }
0x1ae: {  	s21 =	simm.s32 $0x2180  }
0x1af: {  	[tilespmem:s21], [sflag:$0x1] =	stream.indirect_vreg.gather [hbm4b:s1+s3], $0x80, v3, vm0, $0xb8;
	[tilespmem:$0x10180] =	vst v63  }
0x1b0: {  	s24 =	simm.s32 $0x2980  }
0x1b1: {  	[tilespmem:s24], [sflag:$0x1] =	stream.indirect_vreg.gather [hbm4b:s5+s3], $0x80, v3, vm0, $0xb8;
	[tilespmem:$0x10180] =	vst v63  }
0x1b2: {  	s30 =	simm.s32 $0x3180  }
0x1b3: {  	[tilespmem:s30], [sflag:$0x1] =	stream.indirect_vreg.gather [hbm4b:s6+s3], $0x80, v3, vm0, $0xb8;
	[tilespmem:$0x10180] =	vst v63  }
0x1b4: {  	s21 =	simm.s32 $0x3980  }
0x1b5: {  	[tilespmem:s21], [sflag:$0x1] =	stream.indirect_vreg.gather [hbm4b:s7+s3], $0x80, v3, vm0, $0xb8;
	[tilespmem:$0x10180] =	vst v63  }
0x1b6: {  	v3 =	vld [tilespmem:$0x110];
	_ =	sdelay $0x4  }
0x1b7: {  	v61 =	vshll.u32 v3, $0x3  }
0x1b8: {  	v3 =	vand.u32 $0x7, v3;
	v4 =	vand.u32 $0xFFFFFFC0, v61  }
0x1b9: {  	v3 =	vor.u32 v3, v4  }
0x1ba: {  	v4 =	vperm.xlane v3, v0;
	_ =	sdelay $0x1  }
0x1bb: {  	v4 =	vadd.s32 v1, v4;
	_ =	sdelay $0x3  }
0x1bc: {  	s24 =	simm.s32 $0x4180  }
0x1bd: {  	[tilespmem:s24], [sflag:$0x1] =	stream.indirect_vreg.gather [hbm4b:s1+s3], $0x80, v4, vm0, $0xb8;
	[tilespmem:$0x10180] =	vst v63  }
0x1be: {  	s30 =	simm.s32 $0x4980;
	v3 =	vperm.xlane v3, v2  }
0x1bf: {  	[tilespmem:s30], [sflag:$0x1] =	stream.indirect_vreg.gather [hbm4b:s5+s3], $0x80, v4, vm0, $0xb8;
	[tilespmem:$0x10180] =	vst v63  }
0x1c0: {  	s10 =	simm.s32 $0x5180;
	v3 =	vadd.s32 v1, v3  }
0x1c1: {  	[tilespmem:s10], [sflag:$0x1] =	stream.indirect_vreg.gather [hbm4b:s6+s3], $0x80, v4, vm0, $0xb8;
	[tilespmem:$0x10180] =	vst v63  }
0x1c2: {  	s11 =	simm.s32 $0x5980  }
0x1c3: {  	[tilespmem:s11], [sflag:$0x1] =	stream.indirect_vreg.gather [hbm4b:s7+s3], $0x80, v4, vm0, $0xb8;
	[tilespmem:$0x10180] =	vst v63  }
0x1c4: {  	s12 =	simm.s32 $0x6180  }
0x1c5: {  	[tilespmem:s12], [sflag:$0x1] =	stream.indirect_vreg.gather [hbm4b:s1+s3], $0x80, v3, vm0, $0xb8;
	[tilespmem:$0x10180] =	vst v63  }
0x1c6: {  	s13 =	simm.s32 $0x6980  }
0x1c7: {  	[tilespmem:s13], [sflag:$0x1] =	stream.indirect_vreg.gather [hbm4b:s5+s3], $0x80, v3, vm0, $0xb8;
	[tilespmem:$0x10180] =	vst v63  }
0x1c8: {  	s17 =	simm.s32 $0x7180  }
0x1c9: {  	[tilespmem:s17], [sflag:$0x1] =	stream.indirect_vreg.gather [hbm4b:s6+s3], $0x80, v3, vm0, $0xb8;
	[tilespmem:$0x10180] =	vst v63  }
0x1ca: {  	s14 =	simm.s32 $0x7980  }
0x1cb: {  	[tilespmem:s14], [sflag:$0x1] =	stream.indirect_vreg.gather [hbm4b:s7+s3], $0x80, v3, vm0, $0xb8;
	[tilespmem:$0x10180] =	vst v63  }
0x1cc: {  	_ =	swait.ge [sflag:s20], $0x8000  }
0x1cd: {  	[sflag:s20] =	ssyncset.done $0x0  }
0x1ce: {  	s13 =	rddreg [dreg:$0xb];
	[sflag:s20] =	ssyncadd.s32 $0xFFFF8000  }
0x1cf: {  	[hbm4b:s13+s3] =	stream.linear.scatter [tilespmem:s26], [sflag:$0x3], $0x8000, $0x38;
	[tilespmem:$0x10180] =	vst v63  }
0x1d0: {  	_ =	swait.ge [sflag:s9], $0x8000  }
0x1d1: {  	[sflag:s9] =	ssyncset.done $0x0  }
0x1d2: {  	[sflag:s9] =	ssyncadd.s32 $0xFFFF8000  }
0x1d3: {  	v3 =	vld [tilespmem:$0x120];
	_ =	sdelay $0x4  }
0x1d4: {  	v62 =	vshll.u32 v3, $0x3  }
0x1d5: {  	v3 =	vand.u32 $0x7, v3;
	v4 =	vand.u32 $0xFFFFFFC0, v62  }
0x1d6: {  	v3 =	vor.u32 v3, v4  }
0x1d7: {  	v4 =	vperm.xlane v3, v0;
	_ =	sdelay $0x1  }
0x1d8: {  	v4 =	vadd.s32 v1, v4;
	_ =	sdelay $0x4  }
0x1d9: {  	[tilespmem:s26], [sflag:$0x2] =	stream.indirect_vreg.gather [hbm4b:s1+s3], $0x80, v4, vm0, $0xb8;
	[tilespmem:$0x10180] =	vst v63  }
0x1da: {  	s14 =	simm.s32 $0x8980;
	v3 =	vperm.xlane v3, v2  }
0x1db: {  	[tilespmem:s14], [sflag:$0x2] =	stream.indirect_vreg.gather [hbm4b:s5+s3], $0x80, v4, vm0, $0xb8;
	[tilespmem:$0x10180] =	vst v63  }
0x1dc: {  	s4 =	simm.s32 $0x9180;
	v3 =	vadd.s32 v1, v3  }
0x1dd: {  	[tilespmem:s4], [sflag:$0x2] =	stream.indirect_vreg.gather [hbm4b:s6+s3], $0x80, v4, vm0, $0xb8;
	[tilespmem:$0x10180] =	vst v63  }
0x1de: {  	s0 =	simm.s32 $0x9980  }
0x1df: {  	[tilespmem:s0], [sflag:$0x2] =	stream.indirect_vreg.gather [hbm4b:s7+s3], $0x80, v4, vm0, $0xb8;
	[tilespmem:$0x10180] =	vst v63  }
0x1e0: {  	s17 =	simm.s32 $0xA180  }
0x1e1: {  	[tilespmem:s17], [sflag:$0x2] =	stream.indirect_vreg.gather [hbm4b:s1+s3], $0x80, v3, vm0, $0xb8;
	[tilespmem:$0x10180] =	vst v63  }
0x1e2: {  	s2 =	simm.s32 $0xA980  }
0x1e3: {  	[tilespmem:s2], [sflag:$0x2] =	stream.indirect_vreg.gather [hbm4b:s5+s3], $0x80, v3, vm0, $0xb8;
	[tilespmem:$0x10180] =	vst v63  }
0x1e4: {  	s15 =	simm.s32 $0xB180  }
0x1e5: {  	[tilespmem:s15], [sflag:$0x2] =	stream.indirect_vreg.gather [hbm4b:s6+s3], $0x80, v3, vm0, $0xb8;
	[tilespmem:$0x10180] =	vst v63  }
0x1e6: {  	s18 =	simm.s32 $0xB980  }
0x1e7: {  	[tilespmem:s18], [sflag:$0x2] =	stream.indirect_vreg.gather [hbm4b:s7+s3], $0x80, v3, vm0, $0xb8;
	[tilespmem:$0x10180] =	vst v63  }
0x1e8: {  	v3 =	vld [tilespmem:$0x130];
	_ =	sdelay $0x4  }
0x1e9: {  	v63 =	vshll.u32 v3, $0x3  }
0x1ea: {  	v3 =	vand.u32 $0x7, v3;
	v4 =	vand.u32 $0xFFFFFFC0, v63  }
0x1eb: {  	v3 =	vor.u32 v3, v4  }
0x1ec: {  	v4 =	vperm.xlane v3, v0;
	_ =	sdelay $0x1  }
0x1ed: {  	v4 =	vadd.s32 v1, v4;
	_ =	sdelay $0x3  }
0x1ee: {  	s21 =	simm.s32 $0xC180  }
0x1ef: {  	[tilespmem:s21], [sflag:$0x2] =	stream.indirect_vreg.gather [hbm4b:s1+s3], $0x80, v4, vm0, $0xb8;
	[tilespmem:$0x10180] =	vst v63  }
0x1f0: {  	s24 =	simm.s32 $0xC980;
	v3 =	vperm.xlane v3, v2  }
0x1f1: {  	[tilespmem:s24], [sflag:$0x2] =	stream.indirect_vreg.gather [hbm4b:s5+s3], $0x80, v4, vm0, $0xb8;
	[tilespmem:$0x10180] =	vst v63  }
0x1f2: {  	s31 =	simm.s32 $0xD180;
	v3 =	vadd.s32 v1, v3  }
0x1f3: {  	[tilespmem:s31], [sflag:$0x2] =	stream.indirect_vreg.gather [hbm4b:s6+s3], $0x80, v4, vm0, $0xb8;
	[tilespmem:$0x10180] =	vst v63  }
0x1f4: {  	s23 =	simm.s32 $0xD980  }
0x1f5: {  	[tilespmem:s23], [sflag:$0x2] =	stream.indirect_vreg.gather [hbm4b:s7+s3], $0x80, v4, vm0, $0xb8;
	[tilespmem:$0x10180] =	vst v63  }
0x1f6: {  	s25 =	simm.s32 $0xE180  }
0x1f7: {  	[tilespmem:s25], [sflag:$0x2] =	stream.indirect_vreg.gather [hbm4b:s1+s3], $0x80, v3, vm0, $0xb8;
	[tilespmem:$0x10180] =	vst v63  }
0x1f8: {  	s29 =	simm.s32 $0xE980  }
0x1f9: {  	[tilespmem:s29], [sflag:$0x2] =	stream.indirect_vreg.gather [hbm4b:s5+s3], $0x80, v3, vm0, $0xb8;
	[tilespmem:$0x10180] =	vst v63  }
0x1fa: {  	s16 =	simm.s32 $0xF180  }
0x1fb: {  	[tilespmem:s16], [sflag:$0x2] =	stream.indirect_vreg.gather [hbm4b:s6+s3], $0x80, v3, vm0, $0xb8;
	[tilespmem:$0x10180] =	vst v63  }
0x1fc: {  	s22 =	simm.s32 $0xF980  }
0x1fd: {  	[tilespmem:s22], [sflag:$0x2] =	stream.indirect_vreg.gather [hbm4b:s7+s3], $0x80, v3, vm0, $0xb8;
	[tilespmem:$0x10180] =	vst v63  }
0x1fe: {  	_ =	swait.ge [sflag:s19], $0x8000  }
0x1ff: {  	[sflag:s19] =	ssyncset.done $0x0  }
0x200: {  	s30 =	rddreg [dreg:$0xc];
	[sflag:s19] =	ssyncadd.s32 $0xFFFF8000  }
0x201: {  	[hbm4b:s30+s3] =	stream.linear.scatter [tilespmem:s28], [sflag:$0x3], $0x8000, $0x38;
	[tilespmem:$0x10180] =	vst v63  }
0x202: {  	_ =	swait.ge [sflag:s9], $0x8000  }
0x203: {  	[sflag:s9] =	ssyncset.done $0x0  }
0x204: {  	[sflag:s9] =	ssyncadd.s32 $0xFFFF8000  }
0x205: {  	_ =	swait.ge [sflag:s20], $0x8000  }
0x206: {  	p0 =	sne.s32 s8, $0x1;
	[sflag:s20] =	ssyncset.done $0x0  }
.Ltmp0:
0x207: {  	s31 =	rddreg [dreg:$0xd];
	[sflag:s20] =	ssyncadd.s32 $0xFFFF8000;
	(pc) =	sbr.rel @p0 .LBB2_1-.Ltmp0, $4  }
0x208: {  	[hbm4b:s31+s3] =	stream.linear.scatter [tilespmem:s26], [sflag:$0x3], $0x8000, $0x38;
	[tilespmem:$0x10180] =	vst v63  }
0x209: {  	_ =	swait.ge [sflag:s9], $0x8000  }
0x20a: {  	[sflag:s9] =	ssyncset.done $0x0  }
0x20b: {  	s8 =	sadd.s32 $0xFFFFFFFF, s8;
	[sflag:s9] =	ssyncadd.s32 $0xFFFF8000  }
0x20c: {  	_ =	sfence.sel $0x180000  }
0x20d: {  	[bflag:$0x0] =	sbarrier.arrive $0xFFFF  }
0x20e: {  	_ =	strace $0x9000004A  }
0x20f: {  	s0 =	stileid.u32;
	[bflag:$0x2] =	sbarrier.arrive $0xFFFF  }
0x210: {  	p0 =	sne.s32 s0, $0x0;
	s0 =	rddreg [dreg:$0x3]  }
0x211: {  	s0 =	sadd.s32 @!p0 $0x100000, s0  }
0x212: {  	[sflag:s0] =	ssyncadd.tile.s32 @!p0 $0x1;
	_ =	shalt  }
.Lfunc_end2:
_tile_overlayer_lowered:
.L_overlay_start_2:
0x213: {  	(tag) =	ssettag $0x2  }
0x214: {  	s0 =	rddreg [dreg:$0x0];
	s2 =	stileid.u32  }
0x215: {  	s1 =	rddreg [dreg:$0x1];
	p0 =	sne.s32 s2, $0x0  }
0x216: {  	s3 =	rddreg [dreg:$0x2];
	[bflag:$0x3] =	sbarrier.arrive $0xFFFF;
	s2 =	simm.s32 @!p0 $0x1C03  }
0x217: {  	[timem:s3], [sflag:s2] =	dma.local @!p0 [hbm:s0], s1  }
0x218: {  	s0 =	simm.s32 @!p0 $0x3  }
0x219: {  	_ =	swait.ge @!p0 [sflag:s0], s1  }
0x21a: {  	s1 =	ssub.s32 @!p0 $0x0, s1;
	[sflag:s0] =	ssyncset.done @!p0 $0x0  }
0x21b: {  	[sflag:s0] =	ssyncadd.s32 @!p0 s1  }
0x21c: {  	[bflag:$0x3] =	sbarrier.arrive $0xFFFF  }
0x21d: {  	_ =	shalt  }

</sc_bundles>
